<compile_context>
chip_gen: v7x
topology: tpu7x:2x2x1
jax: 0.10.2.dev20260603
libtpu: 0.0.44.dev20260713+nightly
codegen_flags: <defaults>
</compile_context>

<pallas_src>
import jax
import jax.numpy as jnp
from jax import lax
from jax.experimental import pallas as pl
from jax.experimental.pallas import tpu as pltpu
from jax.experimental.pallas import tpu_sc as plsc

N = 16384
D = 1024
S_OUT = 32768
NC = 2
NS = 16
L = 16
NW = NC * NS
ROWS_PER_W = S_OUT // NW
SRC_PER_S = N // NS
CHUNK = 16
ZROWS = 8


def _body(feeds_hbm, rt_hbm, out_hbm, shared_csum, rt_v, csl_v, csum_v,
          src_v, offs_v, buf, zbuf, sem_g, sem_s, semz):
    c = lax.axis_index("c")
    s = lax.axis_index("s")
    wid = c * NS + s
    base = wid * ROWS_PER_W

    pltpu.sync_copy(rt_hbm.at[pl.ds(s * SRC_PER_S, SRC_PER_S)], rt_v)

    def cs_body(i, carry):
        v = rt_v[pl.ds(i * L, L)]
        cs = plsc.cumsum(v) + carry
        csl_v[pl.ds(i * L, L)] = cs
        return cs[L - 1]

    lax.fori_loop(0, SRC_PER_S // L, cs_body, jnp.int32(0))

    pltpu.sync_copy(csl_v, shared_csum.at[pl.ds(s * SRC_PER_S, SRC_PER_S)])
    plsc.subcore_barrier()
    pltpu.sync_copy(shared_csum, csum_v)

    lanes = lax.iota(jnp.int32, L)
    tots = plsc.load_gather(csum_v, [(lanes + 1) * SRC_PER_S - 1])
    ctots = plsc.cumsum(tots)
    offs_v[pl.ds(0, L)] = ctots - tots
    total = ctots[L - 1]

    CSHIFT = SRC_PER_S.bit_length() - 1

    def do_search(ci):
        j = base + ci * L + lanes

        def step(t, ans):
            sh = (N // 2) >> t
            cand = ans + (sh - 1)
            g = plsc.load_gather(csum_v, [cand])
            g = g + plsc.load_gather(
                offs_v, [lax.shift_right_logical(cand, CSHIFT)])
            return jnp.where(g <= j, ans + sh, ans)

        ans = lax.fori_loop(0, 14, step, jnp.zeros((L,), jnp.int32))
        src_v[pl.ds(ci * L, L)] = jnp.minimum(ans, N - 1)

    n_valid = jnp.clip(total - base, 0, ROWS_PER_W)
    n_gather = (n_valid + CHUNK - 1) // CHUNK

    zero16 = jnp.zeros((L,), jnp.float32)

    def zero_zbuf():
        def z_body(r, _):
            def zi_body(i, _):
                for u in range(8):
                    zbuf[r, pl.ds((i * 8 + u) * L, L)] = zero16
                return 0
            lax.fori_loop(0, D // L // 8, zi_body, 0)
            return 0

        lax.fori_loop(0, CHUNK, z_body, 0)

    NCH = ROWS_PER_W // CHUNK
    NSLOT = 5

    def gath_desc(ci):
        return pltpu.make_async_copy(
            feeds_hbm.at[src_v.at[pl.ds(ci * CHUNK, CHUNK)]],
            buf.at[ci % NSLOT], sem_g.at[ci % NSLOT],
        )

    def scat_desc(ci):
        return pltpu.make_async_copy(
            buf.at[ci % NSLOT], out_hbm.at[pl.ds(base + ci * CHUNK, CHUNK)],
            sem_s.at[ci % NSLOT],
        )

    def gath_desc_d(ci, slot):
        return pltpu.make_async_copy(
            feeds_hbm.at[src_v.at[pl.ds(ci * CHUNK, CHUNK)]],
            buf.at[slot], sem_g.at[slot],
        )

    def scat_desc_d(ci, slot):
        return pltpu.make_async_copy(
            buf.at[slot], out_hbm.at[pl.ds(base + ci * CHUNK, CHUNK)],
            sem_s.at[slot],
        )

    for ci in range(2):
        @pl.when(ci < n_gather)
        def _(ci=ci):
            do_search(ci)
            gath_desc(ci).start()

    zero_zbuf()

    def loop_body(ci, _):
        slot = lax.rem(ci, NSLOT)
        n_here = n_valid - ci * CHUNK
        is_g = ci < n_gather

        @pl.when(ci + 2 < n_gather)
        def _():
            do_search(ci + 2)
            slot2 = lax.rem(ci + 2, NSLOT)

            @pl.when(ci >= 3)
            def _():
                scat_desc_d(ci - 3, slot2).wait()

            gath_desc_d(ci + 2, slot2).start()

        @pl.when(is_g)
        def _():
            gath_desc_d(ci, slot).wait()

            @pl.when(n_here < CHUNK)
            def _():
                def row_body(r, _):
                    @pl.when(r >= n_here)
                    def _():
                        def zi_body(i, _):
                            buf[slot, r, pl.ds(i * L, L)] = zero16
                            return 0
                        lax.fori_loop(0, D // L, zi_body, 0)
                    return 0
                lax.fori_loop(0, CHUNK, row_body, 0)

            scat_desc_d(ci, slot).start()

        @pl.when(jnp.logical_not(is_g))
        def _():
            pltpu.async_copy(
                zbuf, out_hbm.at[pl.ds(base + ci * CHUNK, CHUNK)], semz
            )

        return 0

    lax.fori_loop(0, NCH, loop_body, 0)

    for ci in range(NCH):
        @pl.when((ci < n_gather) & (ci + 5 >= n_gather))
        def _(ci=ci):
            scat_desc(ci).wait()

        @pl.when(ci >= n_gather)
        def _(ci=ci):
            pltpu.make_async_copy(
                zbuf, out_hbm.at[pl.ds(base + ci * CHUNK, CHUNK)], semz
            ).wait()


def kernel(feeds, feeds_repeat_times):
    mesh = plsc.VectorSubcoreMesh(core_axis_name="c", subcore_axis_name="s")
    k = pl.kernel(
        _body,
        out_type=jax.ShapeDtypeStruct((S_OUT, D), jnp.float32),
        mesh=mesh,
        scratch_types=[
            pltpu.VMEM_SHARED((N,), jnp.int32),
            pltpu.VMEM((SRC_PER_S,), jnp.int32),
            pltpu.VMEM((SRC_PER_S,), jnp.int32),
            pltpu.VMEM((N,), jnp.int32),
            pltpu.VMEM((ROWS_PER_W,), jnp.int32),
            pltpu.VMEM((L,), jnp.int32),
            pltpu.VMEM((5, CHUNK, D), jnp.float32),
            pltpu.VMEM((CHUNK, D), jnp.float32),
            pltpu.SemaphoreType.DMA((5,)),
            pltpu.SemaphoreType.DMA((5,)),
            pltpu.SemaphoreType.DMA,
        ],
        compiler_params=pltpu.CompilerParams(
            needs_layout_passes=False,
            disable_bounds_checks=True,
            disable_semaphore_checks=True,
        ),
    )
    return k(feeds, feeds_repeat_times)

# --- scband reference (transcript-rebuilt; emitter-appended) ---
"""Pipeline reference for scband-model-22265110462504 (READ-ONLY COPY).

The authoritative reference and input builder live on the scoring server;
editing this copy changes nothing except your own understanding.
"""

import jax, jax.numpy as jnp
import numpy as np

OUTPUT_FEEDS_SIZE = 32768
N_FEEDS = 16384
D_FEAT = 1024


def setup_inputs(seed: int = 0) -> dict:
    key = jax.random.key(seed)
    k1, k2 = jax.random.split(key)
    feeds = jax.random.normal(k1, (N_FEEDS, D_FEAT), dtype=jnp.float32)
    feeds_repeat_times = jax.random.randint(k2, (N_FEEDS,), 0, 4, dtype=jnp.int32)
    return {"feeds": feeds, "feeds_repeat_times": feeds_repeat_times}


def reference(feeds, feeds_repeat_times):
    # torch.repeat_interleave(feeds, feeds_repeat_times, dim=0), then pad with
    # zeros to OUTPUT_FEEDS_SIZE (or truncate if the repeated total exceeds it).
    # Implemented with a fixed output size for jit-compatibility:
    # output row j comes from source row r where r is the first index with
    # cumsum(repeats)[r] > j; rows with j >= total are zero padding.
    S = OUTPUT_FEEDS_SIZE
    csum = jnp.cumsum(feeds_repeat_times)
    total = csum[-1]
    pos = jnp.arange(S, dtype=csum.dtype)
    src = jnp.searchsorted(csum, pos, side='right')
    src_c = jnp.clip(src, 0, feeds.shape[0] - 1)
    gathered = jnp.take(feeds, src_c, axis=0)
    valid = (pos < total)[:, None]
    out = jnp.where(valid, gathered, jnp.zeros((), dtype=feeds.dtype))
    return out

if __name__ == "__main__":
    import jax
    _d = setup_inputs()
    print(jax.jit(kernel)(*tuple(_d.values())))

</pallas_src>

<mosaic_0001>
#map = affine_map<(d0, d1) -> (0, 0)>
#map1 = affine_map<(d0, d1) -> (0)>
module attributes {stable_mosaic.version = 14 : i64} {
  func.func @_body(%arg0: i32, %arg1: i32, %arg2: memref<16384x1024xf32, #tpu.memory_space<hbm>>, %arg3: memref<16384xi32, #tpu.memory_space<hbm>>, %arg4: memref<32768x1024xf32, #tpu.memory_space<hbm>>, %arg5: memref<16384xi32, #tpu.memory_space<vmem_shared>>, %arg6: memref<1024xi32, #tpu.memory_space<vmem>>, %arg7: memref<1024xi32, #tpu.memory_space<vmem>>, %arg8: memref<16384xi32, #tpu.memory_space<vmem>>, %arg9: memref<1024xi32, #tpu.memory_space<vmem>>, %arg10: memref<16xi32, #tpu.memory_space<vmem>>, %arg11: memref<5x16x1024xf32, #tpu.memory_space<vmem>>, %arg12: memref<16x1024xf32, #tpu.memory_space<vmem>>, %arg13: memref<5x!tpu.dma_semaphore, #tpu.memory_space<semaphore_mem>>, %arg14: memref<5x!tpu.dma_semaphore, #tpu.memory_space<semaphore_mem>>, %arg15: memref<!tpu.dma_semaphore, #tpu.memory_space<semaphore_mem>>) attributes {dimension_semantics = [#tpu.dimension_semantics<core_parallel>, #tpu.dimension_semantics<subcore_parallel>], iteration_bounds = array<i64: 2, 16>, scalar_prefetch = 0 : i64, scratch_operands = 11 : i64, tpu.core_type = #tpu.core_type<sc_vector_subcore>, window_params = [{transform_indices = #map}, {transform_indices = #map1}, {transform_indices = #map}]} {
    %mul3A = arith.constant 16 : i32
    %mul3A_0 = arith.muli %arg0, %mul3A : i32
    %add3A = arith.addi %mul3A_0, %arg1 : i32
    %mul3A_1 = arith.constant 1024 : i32
    %mul3A_2 = arith.muli %add3A, %mul3A_1 : i32
    %mul3A_3 = arith.constant 1024 : i32
    %mul3A_4 = arith.muli %arg1, %mul3A_3 : i32
    "tpu.region"() ({
      %run_scoped3A = tpu.sem_alloc : memref<!tpu.dma_semaphore, #tpu.memory_space<semaphore_mem>>
      %dma_start3A = tpu.memref_slice %arg3[%mul3A_4] : memref<16384xi32, #tpu.memory_space<hbm>> -> memref<1024xi32, #tpu.memory_space<hbm>>
      %dma_start3A_902 = tpu.memref_slice %arg3[%mul3A_4] : memref<16384xi32, #tpu.memory_space<hbm>> -> memref<1024xi32, #tpu.memory_space<hbm>>
      tpu.enqueue_dma source(%dma_start3A_902 : memref<1024xi32, #tpu.memory_space<hbm>>) target(%arg6 : memref<1024xi32, #tpu.memory_space<vmem>>) target_semaphore(%run_scoped3A : memref<!tpu.dma_semaphore, #tpu.memory_space<semaphore_mem>>)
      %dma_wait3A = tpu.memref_slice %arg3[%mul3A_4] : memref<16384xi32, #tpu.memory_space<hbm>> -> memref<1024xi32, #tpu.memory_space<hbm>>
      %dma_wait3A_903 = tpu.memref_slice %arg3[%mul3A_4] : memref<16384xi32, #tpu.memory_space<hbm>> -> memref<1024xi32, #tpu.memory_space<hbm>>
      tpu.wait_dma2 semaphore(%run_scoped3A : memref<!tpu.dma_semaphore, #tpu.memory_space<semaphore_mem>>) src(%dma_wait3A_903 : memref<1024xi32, #tpu.memory_space<hbm>>) dst(%arg6 : memref<1024xi32, #tpu.memory_space<vmem>>)
      tpu.yield
    }) : () -> ()
    %scan3A = arith.constant 0 : i32
    %scan3A_5 = arith.constant 0 : i32
    %scan3A_6 = arith.constant 64 : i32
    %scan3A_7 = arith.addi %scan3A_5, %scan3A_6 : i32
    %scan3A_8 = arith.constant 1 : i32
    %scan3A_9 = scf.for %scan3A_902 = %scan3A_5 to %scan3A_7 step %scan3A_8 iter_args(%scan3A_903 = %scan3A) -> (i32)  : i32 {
      %mul3A_904 = arith.constant 16 : i32
      %mul3A_905 = arith.muli %scan3A_902, %mul3A_904 : i32
      %get3A = arith.index_cast %mul3A_905 : i32 to index
      %get3A_906 = tpu.vector_load %arg6[%get3A] {strides = array<i32>} : memref<1024xi32, #tpu.memory_space<vmem>>, vector<16xi32>,
      %broadcast_in_dim3A_907 = arith.constant true
      %broadcast_in_dim3A_908 = vector.broadcast %broadcast_in_dim3A_907 : i1 to vector<16xi1>
      %masked_cumsum3A_909 = tpu.scan <sum>, %get3A_906 masked %broadcast_in_dim3A_908 : vector<16xi32>, vector<16xi1> -> vector<16xi32>
      %add3A_910 = vector.broadcast %scan3A_903 : i32 to vector<16xi32>
      %add3A_911 = arith.addi %masked_cumsum3A_909, %add3A_910 : vector<16xi32>
      %mul3A_912 = arith.constant 16 : i32
      %mul3A_913 = arith.muli %scan3A_902, %mul3A_912 : i32
      %swap3A_914 = arith.index_cast %mul3A_913 : i32 to index
      %swap3A_915 = tpu.vector_load %arg7[%swap3A_914] {strides = array<i32>} : memref<1024xi32, #tpu.memory_space<vmem>>, vector<16xi32>,
      tpu.vector_store %arg7[%swap3A_914], %add3A_911 {strides = array<i32>} : memref<1024xi32, #tpu.memory_space<vmem>>, vector<16xi32>,
      %slice3A_916 = vector.extract_strided_slice %add3A_911 {offsets = [15], sizes = [1], strides = [1]} : vector<16xi32> to vector<1xi32>
      %squeeze3A_917 = vector.extract %slice3A_916[0] : i32 from vector<1xi32>
      scf.yield %squeeze3A_917 : i32
    }
    %scan3A_10 = arith.constant 64 : i32
    %mul3A_11 = arith.constant 1024 : i32
    %mul3A_12 = arith.muli %arg1, %mul3A_11 : i32
    "tpu.region"() ({
      %run_scoped3A = tpu.sem_alloc : memref<!tpu.dma_semaphore, #tpu.memory_space<semaphore_mem>>
      %dma_start3A = tpu.memref_slice %arg5[%mul3A_12] : memref<16384xi32, #tpu.memory_space<vmem_shared>> -> memref<1024xi32, #tpu.memory_space<vmem_shared>>
      %dma_start3A_902 = tpu.memref_slice %arg5[%mul3A_12] : memref<16384xi32, #tpu.memory_space<vmem_shared>> -> memref<1024xi32, #tpu.memory_space<vmem_shared>>
      tpu.enqueue_dma source(%arg7 : memref<1024xi32, #tpu.memory_space<vmem>>) target(%dma_start3A_902 : memref<1024xi32, #tpu.memory_space<vmem_shared>>) target_semaphore(%run_scoped3A : memref<!tpu.dma_semaphore, #tpu.memory_space<semaphore_mem>>)
      %dma_wait3A = tpu.memref_slice %arg5[%mul3A_12] : memref<16384xi32, #tpu.memory_space<vmem_shared>> -> memref<1024xi32, #tpu.memory_space<vmem_shared>>
      %dma_wait3A_903 = tpu.memref_slice %arg5[%mul3A_12] : memref<16384xi32, #tpu.memory_space<vmem_shared>> -> memref<1024xi32, #tpu.memory_space<vmem_shared>>
      tpu.wait_dma2 semaphore(%run_scoped3A : memref<!tpu.dma_semaphore, #tpu.memory_space<semaphore_mem>>) src(%arg7 : memref<1024xi32, #tpu.memory_space<vmem>>) dst(%dma_wait3A_903 : memref<1024xi32, #tpu.memory_space<vmem_shared>>)
      tpu.yield
    }) : () -> ()
    %barrier3A = arith.constant 0 : index
    tpu.barrier barrier_id(%barrier3A)
    "tpu.region"() ({
      %run_scoped3A = tpu.sem_alloc : memref<!tpu.dma_semaphore, #tpu.memory_space<semaphore_mem>>
      tpu.enqueue_dma source(%arg5 : memref<16384xi32, #tpu.memory_space<vmem_shared>>) target(%arg8 : memref<16384xi32, #tpu.memory_space<vmem>>) target_semaphore(%run_scoped3A : memref<!tpu.dma_semaphore, #tpu.memory_space<semaphore_mem>>)
      tpu.wait_dma2 semaphore(%run_scoped3A : memref<!tpu.dma_semaphore, #tpu.memory_space<semaphore_mem>>) src(%arg5 : memref<16384xi32, #tpu.memory_space<vmem_shared>>) dst(%arg8 : memref<16384xi32, #tpu.memory_space<vmem>>)
      tpu.yield
    }) : () -> ()
    %iota3A = tpu.iota {dimensions = array<i32: 0>} : vector<16xi32>
    %add3A_13 = arith.constant 1 : i32
    %add3A_14 = vector.broadcast %add3A_13 : i32 to vector<16xi32>
    %add3A_15 = arith.addi %iota3A, %add3A_14 : vector<16xi32>
    %mul3A_16 = arith.constant 1024 : i32
    %mul3A_17 = vector.broadcast %mul3A_16 : i32 to vector<16xi32>
    %mul3A_18 = arith.muli %add3A_15, %mul3A_17 : vector<16xi32>
    %sub3A = arith.constant 1 : i32
    %sub3A_19 = vector.broadcast %sub3A : i32 to vector<16xi32>
    %sub3A_20 = arith.subi %mul3A_18, %sub3A_19 : vector<16xi32>
    %gather3A = tpu.vector_load_idx %arg8[%sub3A_20] : memref<16384xi32, #tpu.memory_space<vmem>>[vector<16xi32>], vector<16xi32>,
    %broadcast_in_dim3A = arith.constant true
    %broadcast_in_dim3A_21 = vector.broadcast %broadcast_in_dim3A : i1 to vector<16xi1>
    %masked_cumsum3A = tpu.scan <sum>, %gather3A masked %broadcast_in_dim3A_21 : vector<16xi32>, vector<16xi1> -> vector<16xi32>
    %sub3A_22 = arith.subi %masked_cumsum3A, %gather3A : vector<16xi32>
    %swap3A = arith.constant 0 : index
    %swap3A_23 = tpu.vector_load %arg10[%swap3A] {strides = array<i32>} : memref<16xi32, #tpu.memory_space<vmem>>, vector<16xi32>,
    tpu.vector_store %arg10[%swap3A], %sub3A_22 {strides = array<i32>} : memref<16xi32, #tpu.memory_space<vmem>>, vector<16xi32>,
    %slice3A = vector.extract_strided_slice %masked_cumsum3A {offsets = [15], sizes = [1], strides = [1]} : vector<16xi32> to vector<1xi32>
    %squeeze3A = vector.extract %slice3A[0] : i32 from vector<1xi32>
    %sub3A_24 = arith.subi %squeeze3A, %mul3A_2 : i32
    %jit3A = arith.constant 0 : i32
    %jit3A_25 = arith.constant 1024 : i32
    %max3A = arith.maxsi %jit3A, %sub3A_24 : i32
    %min3A = arith.minsi %jit3A_25, %max3A : i32
    %add3A_26 = arith.constant 16 : i32
    %add3A_27 = arith.addi %min3A, %add3A_26 : i32
    %sub3A_28 = arith.constant 1 : i32
    %sub3A_29 = arith.subi %add3A_27, %sub3A_28 : i32
    %jit3A_30 = arith.constant 16 : i32
    %div3A = arith.divsi %sub3A_29, %jit3A_30 : i32
    %sign3A = arith.constant 0 : i32
    %sign3A_31 = arith.cmpi sgt, %sub3A_29, %sign3A : i32
    %sign3A_32 = arith.extui %sign3A_31 : i1 to i32
    %sign3A_33 = arith.constant 0 : i32
    %sign3A_34 = arith.cmpi slt, %sub3A_29, %sign3A_33 : i32
    %sign3A_35 = arith.extui %sign3A_34 : i1 to i32
    %sign3A_36 = arith.subi %sign3A_32, %sign3A_35 : i32
    %sign3A_37 = arith.constant 0 : i32
    %sign3A_38 = arith.cmpi sgt, %jit3A_30, %sign3A_37 : i32
    %sign3A_39 = arith.extui %sign3A_38 : i1 to i32
    %sign3A_40 = arith.constant 0 : i32
    %sign3A_41 = arith.cmpi slt, %jit3A_30, %sign3A_40 : i32
    %sign3A_42 = arith.extui %sign3A_41 : i1 to i32
    %sign3A_43 = arith.subi %sign3A_39, %sign3A_42 : i32
    %ne3A = arith.cmpi ne, %sign3A_36, %sign3A_43 : i32
    %rem3A = arith.remsi %sub3A_29, %jit3A_30 : i32
    %ne3A_44 = arith.constant 0 : i32
    %ne3A_45 = arith.cmpi ne, %rem3A, %ne3A_44 : i32
    %and3A = arith.andi %ne3A, %ne3A_45 : i1
    %sub3A_46 = arith.constant 1 : i32
    %sub3A_47 = arith.subi %div3A, %sub3A_46 : i32
    %select_n3A = arith.select %and3A, %sub3A_47, %div3A : i32
    %broadcast_in_dim3A_48 = arith.constant 0.000000e+00 : f32
    %broadcast_in_dim3A_49 = vector.broadcast %broadcast_in_dim3A_48 : f32 to vector<16xf32>
    %gt3A = arith.constant 0 : i32
    %gt3A_50 = arith.cmpi sgt, %select_n3A, %gt3A : i32
    %convert_element_type3A = arith.extui %gt3A_50 : i1 to i32
    %cond3A = arith.constant 0 : i32
    %cond3A_51 = arith.cmpi ne, %convert_element_type3A, %cond3A : i32
    scf.if %cond3A_51 {
      %add3A_902 = arith.constant 0 : i32
      %add3A_903 = arith.addi %mul3A_2, %add3A_902 : i32
      %add3A_904 = vector.broadcast %add3A_903 : i32 to vector<16xi32>
      %add3A_905 = arith.addi %add3A_904, %iota3A : vector<16xi32>
      %broadcast_in_dim3A_906 = arith.constant 0 : i32
      %broadcast_in_dim3A_907 = vector.broadcast %broadcast_in_dim3A_906 : i32 to vector<16xi32>
      %scan3A_908 = arith.constant 0 : i32
      %scan3A_909 = arith.constant 14 : i32
      %scan3A_910 = arith.addi %scan3A_908, %scan3A_909 : i32
      %scan3A_911 = arith.constant 1 : i32
      %scan3A_912 = scf.for %scan3A_931 = %scan3A_908 to %scan3A_910 step %scan3A_911 iter_args(%scan3A_932 = %broadcast_in_dim3A_907) -> (vector<16xi32>)  : i32 {
        %shift_right_arithmetic3A = arith.constant 8192 : i32
        %shift_right_arithmetic3A_933 = arith.shrsi %shift_right_arithmetic3A, %scan3A_931 : i32
        %sub3A_934 = arith.constant 1 : i32
        %sub3A_935 = arith.subi %shift_right_arithmetic3A_933, %sub3A_934 : i32
        %add3A_936 = vector.broadcast %sub3A_935 : i32 to vector<16xi32>
        %add3A_937 = arith.addi %scan3A_932, %add3A_936 : vector<16xi32>
        %gather3A_938 = tpu.vector_load_idx %arg8[%add3A_937] : memref<16384xi32, #tpu.memory_space<vmem>>[vector<16xi32>], vector<16xi32>,
        %shift_right_logical3A = arith.constant 10 : i32
        %shift_right_logical3A_939 = vector.broadcast %shift_right_logical3A : i32 to vector<16xi32>
        %shift_right_logical3A_940 = arith.shrui %add3A_937, %shift_right_logical3A_939 : vector<16xi32>
        %gather3A_941 = tpu.vector_load_idx %arg10[%shift_right_logical3A_940] : memref<16xi32, #tpu.memory_space<vmem>>[vector<16xi32>], vector<16xi32>,
        %add3A_942 = arith.addi %gather3A_938, %gather3A_941 : vector<16xi32>
        %le3A_943 = arith.cmpi sle, %add3A_942, %add3A_905 : vector<16xi32>
        %add3A_944 = vector.broadcast %shift_right_arithmetic3A_933 : i32 to vector<16xi32>
        %add3A_945 = arith.addi %scan3A_932, %add3A_944 : vector<16xi32>
        %select_n3A_946 = arith.select %le3A_943, %add3A_945, %scan3A_932 : vector<16xi1>, vector<16xi32>
        scf.yield %select_n3A_946 : vector<16xi32>
      }
      %scan3A_913 = arith.constant 14 : i32
      %min3A_914 = arith.constant 16383 : i32
      %min3A_915 = vector.broadcast %min3A_914 : i32 to vector<16xi32>
      %min3A_916 = arith.minsi %scan3A_912, %min3A_915 : vector<16xi32>
      %swap3A_917 = arith.constant 0 : index
      %swap3A_918 = tpu.vector_load %arg9[%swap3A_917] {strides = array<i32>} : memref<1024xi32, #tpu.memory_space<vmem>>, vector<16xi32>,
      tpu.vector_store %arg9[%swap3A_917], %min3A_916 {strides = array<i32>} : memref<1024xi32, #tpu.memory_space<vmem>>, vector<16xi32>,
      %dma_start3A = arith.constant 0 : i32
      %dma_start3A_919 = arith.constant 0 : i32
      %dma_start3A_920 = arith.constant 0 : i32
      %dma_start3A_921 = arith.constant 0 : i32
      %dma_start3A_922 = tpu.memref_slice %arg11[%dma_start3A, %dma_start3A_920, %dma_start3A_921] : memref<5x16x1024xf32, #tpu.memory_space<vmem>> -> memref<1x16x1024xf32, #tpu.memory_space<vmem>>
      %dma_start3A_923 = tpu.memref_squeeze %dma_start3A_922 : memref<1x16x1024xf32, #tpu.memory_space<vmem>> -> memref<16x1024xf32, #tpu.memory_space<vmem>>
      %dma_start3A_924 = arith.constant 0 : i32
      %dma_start3A_925 = tpu.memref_slice %arg9[%dma_start3A_924] : memref<1024xi32, #tpu.memory_space<vmem>> -> memref<16xi32, #tpu.memory_space<vmem>>
      %dma_start3A_926 = arith.constant 0 : i32
      %dma_start3A_927 = arith.constant 0 : i32
      %dma_start3A_928 = tpu.memref_slice %arg2[%dma_start3A_926, %dma_start3A_927] : memref<16384x1024xf32, #tpu.memory_space<hbm>> -> memref<16384x1024xf32, #tpu.memory_space<hbm>>
      %dma_start3A_929 = tpu.memref_slice %arg13[%dma_start3A_919] : memref<5x!tpu.dma_semaphore, #tpu.memory_space<semaphore_mem>> -> memref<1x!tpu.dma_semaphore, #tpu.memory_space<semaphore_mem>>
      %dma_start3A_930 = tpu.memref_squeeze %dma_start3A_929 : memref<1x!tpu.dma_semaphore, #tpu.memory_space<semaphore_mem>> -> memref<!tpu.dma_semaphore, #tpu.memory_space<semaphore_mem>>
      tpu.enqueue_indirect_dma source(%dma_start3A_928 : memref<16384x1024xf32, #tpu.memory_space<hbm>>) target(%dma_start3A_923 : memref<16x1024xf32, #tpu.memory_space<vmem>>) offsets(%dma_start3A_925 : memref<16xi32, #tpu.memory_space<vmem>>) semaphore(%dma_start3A_930 : memref<!tpu.dma_semaphore, #tpu.memory_space<semaphore_mem>>)
    } else {
    }
    %gt3A_52 = arith.constant 1 : i32
    %gt3A_53 = arith.cmpi sgt, %select_n3A, %gt3A_52 : i32
    %convert_element_type3A_54 = arith.extui %gt3A_53 : i1 to i32
    %cond3A_55 = arith.constant 0 : i32
    %cond3A_56 = arith.cmpi ne, %convert_element_type3A_54, %cond3A_55 : i32
    scf.if %cond3A_56 {
      %add3A_902 = arith.constant 16 : i32
      %add3A_903 = arith.addi %mul3A_2, %add3A_902 : i32
      %add3A_904 = vector.broadcast %add3A_903 : i32 to vector<16xi32>
      %add3A_905 = arith.addi %add3A_904, %iota3A : vector<16xi32>
      %broadcast_in_dim3A_906 = arith.constant 0 : i32
      %broadcast_in_dim3A_907 = vector.broadcast %broadcast_in_dim3A_906 : i32 to vector<16xi32>
      %scan3A_908 = arith.constant 0 : i32
      %scan3A_909 = arith.constant 14 : i32
      %scan3A_910 = arith.addi %scan3A_908, %scan3A_909 : i32
      %scan3A_911 = arith.constant 1 : i32
      %scan3A_912 = scf.for %scan3A_931 = %scan3A_908 to %scan3A_910 step %scan3A_911 iter_args(%scan3A_932 = %broadcast_in_dim3A_907) -> (vector<16xi32>)  : i32 {
        %shift_right_arithmetic3A = arith.constant 8192 : i32
        %shift_right_arithmetic3A_933 = arith.shrsi %shift_right_arithmetic3A, %scan3A_931 : i32
        %sub3A_934 = arith.constant 1 : i32
        %sub3A_935 = arith.subi %shift_right_arithmetic3A_933, %sub3A_934 : i32
        %add3A_936 = vector.broadcast %sub3A_935 : i32 to vector<16xi32>
        %add3A_937 = arith.addi %scan3A_932, %add3A_936 : vector<16xi32>
        %gather3A_938 = tpu.vector_load_idx %arg8[%add3A_937] : memref<16384xi32, #tpu.memory_space<vmem>>[vector<16xi32>], vector<16xi32>,
        %shift_right_logical3A = arith.constant 10 : i32
        %shift_right_logical3A_939 = vector.broadcast %shift_right_logical3A : i32 to vector<16xi32>
        %shift_right_logical3A_940 = arith.shrui %add3A_937, %shift_right_logical3A_939 : vector<16xi32>
        %gather3A_941 = tpu.vector_load_idx %arg10[%shift_right_logical3A_940] : memref<16xi32, #tpu.memory_space<vmem>>[vector<16xi32>], vector<16xi32>,
        %add3A_942 = arith.addi %gather3A_938, %gather3A_941 : vector<16xi32>
        %le3A_943 = arith.cmpi sle, %add3A_942, %add3A_905 : vector<16xi32>
        %add3A_944 = vector.broadcast %shift_right_arithmetic3A_933 : i32 to vector<16xi32>
        %add3A_945 = arith.addi %scan3A_932, %add3A_944 : vector<16xi32>
        %select_n3A_946 = arith.select %le3A_943, %add3A_945, %scan3A_932 : vector<16xi1>, vector<16xi32>
        scf.yield %select_n3A_946 : vector<16xi32>
      }
      %scan3A_913 = arith.constant 14 : i32
      %min3A_914 = arith.constant 16383 : i32
      %min3A_915 = vector.broadcast %min3A_914 : i32 to vector<16xi32>
      %min3A_916 = arith.minsi %scan3A_912, %min3A_915 : vector<16xi32>
      %swap3A_917 = arith.constant 16 : index
      %swap3A_918 = tpu.vector_load %arg9[%swap3A_917] {strides = array<i32>} : memref<1024xi32, #tpu.memory_space<vmem>>, vector<16xi32>,
      tpu.vector_store %arg9[%swap3A_917], %min3A_916 {strides = array<i32>} : memref<1024xi32, #tpu.memory_space<vmem>>, vector<16xi32>,
      %dma_start3A = arith.constant 1 : i32
      %dma_start3A_919 = arith.constant 1 : i32
      %dma_start3A_920 = arith.constant 0 : i32
      %dma_start3A_921 = arith.constant 0 : i32
      %dma_start3A_922 = tpu.memref_slice %arg11[%dma_start3A, %dma_start3A_920, %dma_start3A_921] : memref<5x16x1024xf32, #tpu.memory_space<vmem>> -> memref<1x16x1024xf32, #tpu.memory_space<vmem>>
      %dma_start3A_923 = tpu.memref_squeeze %dma_start3A_922 : memref<1x16x1024xf32, #tpu.memory_space<vmem>> -> memref<16x1024xf32, #tpu.memory_space<vmem>>
      %dma_start3A_924 = arith.constant 16 : i32
      %dma_start3A_925 = tpu.memref_slice %arg9[%dma_start3A_924] : memref<1024xi32, #tpu.memory_space<vmem>> -> memref<16xi32, #tpu.memory_space<vmem>>
      %dma_start3A_926 = arith.constant 0 : i32
      %dma_start3A_927 = arith.constant 0 : i32
      %dma_start3A_928 = tpu.memref_slice %arg2[%dma_start3A_926, %dma_start3A_927] : memref<16384x1024xf32, #tpu.memory_space<hbm>> -> memref<16384x1024xf32, #tpu.memory_space<hbm>>
      %dma_start3A_929 = tpu.memref_slice %arg13[%dma_start3A_919] : memref<5x!tpu.dma_semaphore, #tpu.memory_space<semaphore_mem>> -> memref<1x!tpu.dma_semaphore, #tpu.memory_space<semaphore_mem>>
      %dma_start3A_930 = tpu.memref_squeeze %dma_start3A_929 : memref<1x!tpu.dma_semaphore, #tpu.memory_space<semaphore_mem>> -> memref<!tpu.dma_semaphore, #tpu.memory_space<semaphore_mem>>
      tpu.enqueue_indirect_dma source(%dma_start3A_928 : memref<16384x1024xf32, #tpu.memory_space<hbm>>) target(%dma_start3A_923 : memref<16x1024xf32, #tpu.memory_space<vmem>>) offsets(%dma_start3A_925 : memref<16xi32, #tpu.memory_space<vmem>>) semaphore(%dma_start3A_930 : memref<!tpu.dma_semaphore, #tpu.memory_space<semaphore_mem>>)
    } else {
    }
    %scan3A_57 = arith.constant 0 : i32
    %scan3A_58 = arith.constant 0 : i32
    %scan3A_59 = arith.constant 16 : i32
    %scan3A_60 = arith.addi %scan3A_58, %scan3A_59 : i32
    %scan3A_61 = arith.constant 1 : i32
    %scan3A_62 = scf.for %scan3A_902 = %scan3A_58 to %scan3A_60 step %scan3A_61 iter_args(%scan3A_903 = %scan3A_57) -> (i32)  : i32 {
      %scan3A_904 = arith.constant 0 : i32
      %scan3A_905 = arith.constant 0 : i32
      %scan3A_906 = arith.constant 8 : i32
      %scan3A_907 = arith.addi %scan3A_905, %scan3A_906 : i32
      %scan3A_908 = arith.constant 1 : i32
      %scan3A_909 = scf.for %scan3A_912 = %scan3A_905 to %scan3A_907 step %scan3A_908 iter_args(%scan3A_913 = %scan3A_904) -> (i32)  : i32 {
        %mul3A_914 = arith.constant 8 : i32
        %mul3A_915 = arith.muli %scan3A_912, %mul3A_914 : i32
        %add3A_916 = arith.constant 0 : i32
        %add3A_917 = arith.addi %mul3A_915, %add3A_916 : i32
        %mul3A_918 = arith.constant 16 : i32
        %mul3A_919 = arith.muli %add3A_917, %mul3A_918 : i32
        %swap3A_920 = arith.index_cast %scan3A_902 : i32 to index
        %swap3A_921 = arith.index_cast %mul3A_919 : i32 to index
        %swap3A_922 = tpu.vector_load %arg12[%swap3A_920, %swap3A_921] {strides = array<i32>} : memref<16x1024xf32, #tpu.memory_space<vmem>>, vector<16xf32>,
        tpu.vector_store %arg12[%swap3A_920, %swap3A_921], %broadcast_in_dim3A_49 {strides = array<i32>} : memref<16x1024xf32, #tpu.memory_space<vmem>>, vector<16xf32>,
        %mul3A_923 = arith.constant 8 : i32
        %mul3A_924 = arith.muli %scan3A_912, %mul3A_923 : i32
        %add3A_925 = arith.constant 1 : i32
        %add3A_926 = arith.addi %mul3A_924, %add3A_925 : i32
        %mul3A_927 = arith.constant 16 : i32
        %mul3A_928 = arith.muli %add3A_926, %mul3A_927 : i32
        %swap3A_929 = arith.index_cast %scan3A_902 : i32 to index
        %swap3A_930 = arith.index_cast %mul3A_928 : i32 to index
        %swap3A_931 = tpu.vector_load %arg12[%swap3A_929, %swap3A_930] {strides = array<i32>} : memref<16x1024xf32, #tpu.memory_space<vmem>>, vector<16xf32>,
        tpu.vector_store %arg12[%swap3A_929, %swap3A_930], %broadcast_in_dim3A_49 {strides = array<i32>} : memref<16x1024xf32, #tpu.memory_space<vmem>>, vector<16xf32>,
        %mul3A_932 = arith.constant 8 : i32
        %mul3A_933 = arith.muli %scan3A_912, %mul3A_932 : i32
        %add3A_934 = arith.constant 2 : i32
        %add3A_935 = arith.addi %mul3A_933, %add3A_934 : i32
        %mul3A_936 = arith.constant 16 : i32
        %mul3A_937 = arith.muli %add3A_935, %mul3A_936 : i32
        %swap3A_938 = arith.index_cast %scan3A_902 : i32 to index
        %swap3A_939 = arith.index_cast %mul3A_937 : i32 to index
        %swap3A_940 = tpu.vector_load %arg12[%swap3A_938, %swap3A_939] {strides = array<i32>} : memref<16x1024xf32, #tpu.memory_space<vmem>>, vector<16xf32>,
        tpu.vector_store %arg12[%swap3A_938, %swap3A_939], %broadcast_in_dim3A_49 {strides = array<i32>} : memref<16x1024xf32, #tpu.memory_space<vmem>>, vector<16xf32>,
        %mul3A_941 = arith.constant 8 : i32
        %mul3A_942 = arith.muli %scan3A_912, %mul3A_941 : i32
        %add3A_943 = arith.constant 3 : i32
        %add3A_944 = arith.addi %mul3A_942, %add3A_943 : i32
        %mul3A_945 = arith.constant 16 : i32
        %mul3A_946 = arith.muli %add3A_944, %mul3A_945 : i32
        %swap3A_947 = arith.index_cast %scan3A_902 : i32 to index
        %swap3A_948 = arith.index_cast %mul3A_946 : i32 to index
        %swap3A_949 = tpu.vector_load %arg12[%swap3A_947, %swap3A_948] {strides = array<i32>} : memref<16x1024xf32, #tpu.memory_space<vmem>>, vector<16xf32>,
        tpu.vector_store %arg12[%swap3A_947, %swap3A_948], %broadcast_in_dim3A_49 {strides = array<i32>} : memref<16x1024xf32, #tpu.memory_space<vmem>>, vector<16xf32>,
        %mul3A_950 = arith.constant 8 : i32
        %mul3A_951 = arith.muli %scan3A_912, %mul3A_950 : i32
        %add3A_952 = arith.constant 4 : i32
        %add3A_953 = arith.addi %mul3A_951, %add3A_952 : i32
        %mul3A_954 = arith.constant 16 : i32
        %mul3A_955 = arith.muli %add3A_953, %mul3A_954 : i32
        %swap3A_956 = arith.index_cast %scan3A_902 : i32 to index
        %swap3A_957 = arith.index_cast %mul3A_955 : i32 to index
        %swap3A_958 = tpu.vector_load %arg12[%swap3A_956, %swap3A_957] {strides = array<i32>} : memref<16x1024xf32, #tpu.memory_space<vmem>>, vector<16xf32>,
        tpu.vector_store %arg12[%swap3A_956, %swap3A_957], %broadcast_in_dim3A_49 {strides = array<i32>} : memref<16x1024xf32, #tpu.memory_space<vmem>>, vector<16xf32>,
        %mul3A_959 = arith.constant 8 : i32
        %mul3A_960 = arith.muli %scan3A_912, %mul3A_959 : i32
        %add3A_961 = arith.constant 5 : i32
        %add3A_962 = arith.addi %mul3A_960, %add3A_961 : i32
        %mul3A_963 = arith.constant 16 : i32
        %mul3A_964 = arith.muli %add3A_962, %mul3A_963 : i32
        %swap3A_965 = arith.index_cast %scan3A_902 : i32 to index
        %swap3A_966 = arith.index_cast %mul3A_964 : i32 to index
        %swap3A_967 = tpu.vector_load %arg12[%swap3A_965, %swap3A_966] {strides = array<i32>} : memref<16x1024xf32, #tpu.memory_space<vmem>>, vector<16xf32>,
        tpu.vector_store %arg12[%swap3A_965, %swap3A_966], %broadcast_in_dim3A_49 {strides = array<i32>} : memref<16x1024xf32, #tpu.memory_space<vmem>>, vector<16xf32>,
        %mul3A_968 = arith.constant 8 : i32
        %mul3A_969 = arith.muli %scan3A_912, %mul3A_968 : i32
        %add3A_970 = arith.constant 6 : i32
        %add3A_971 = arith.addi %mul3A_969, %add3A_970 : i32
        %mul3A_972 = arith.constant 16 : i32
        %mul3A_973 = arith.muli %add3A_971, %mul3A_972 : i32
        %swap3A_974 = arith.index_cast %scan3A_902 : i32 to index
        %swap3A_975 = arith.index_cast %mul3A_973 : i32 to index
        %swap3A_976 = tpu.vector_load %arg12[%swap3A_974, %swap3A_975] {strides = array<i32>} : memref<16x1024xf32, #tpu.memory_space<vmem>>, vector<16xf32>,
        tpu.vector_store %arg12[%swap3A_974, %swap3A_975], %broadcast_in_dim3A_49 {strides = array<i32>} : memref<16x1024xf32, #tpu.memory_space<vmem>>, vector<16xf32>,
        %mul3A_977 = arith.constant 8 : i32
        %mul3A_978 = arith.muli %scan3A_912, %mul3A_977 : i32
        %add3A_979 = arith.constant 7 : i32
        %add3A_980 = arith.addi %mul3A_978, %add3A_979 : i32
        %mul3A_981 = arith.constant 16 : i32
        %mul3A_982 = arith.muli %add3A_980, %mul3A_981 : i32
        %swap3A_983 = arith.index_cast %scan3A_902 : i32 to index
        %swap3A_984 = arith.index_cast %mul3A_982 : i32 to index
        %swap3A_985 = tpu.vector_load %arg12[%swap3A_983, %swap3A_984] {strides = array<i32>} : memref<16x1024xf32, #tpu.memory_space<vmem>>, vector<16xf32>,
        tpu.vector_store %arg12[%swap3A_983, %swap3A_984], %broadcast_in_dim3A_49 {strides = array<i32>} : memref<16x1024xf32, #tpu.memory_space<vmem>>, vector<16xf32>,
        %scan3A_986 = arith.constant 0 : i32
        scf.yield %scan3A_986 : i32
      }
      %scan3A_910 = arith.constant 8 : i32
      %scan3A_911 = arith.constant 0 : i32
      scf.yield %scan3A_911 : i32
    }
    %scan3A_63 = arith.constant 16 : i32
    %scan3A_64 = arith.constant 0 : i32
    %scan3A_65 = arith.constant 0 : i32
    %scan3A_66 = arith.constant 64 : i32
    %scan3A_67 = arith.addi %scan3A_65, %scan3A_66 : i32
    %scan3A_68 = arith.constant 1 : i32
    %scan3A_69 = scf.for %scan3A_902 = %scan3A_65 to %scan3A_67 step %scan3A_68 iter_args(%scan3A_903 = %scan3A_64) -> (i32)  : i32 {
      %rem3A_904 = arith.constant 5 : i32
      %rem3A_905 = arith.remsi %scan3A_902, %rem3A_904 : i32
      %mul3A_906 = arith.constant 16 : i32
      %mul3A_907 = arith.muli %scan3A_902, %mul3A_906 : i32
      %sub3A_908 = arith.subi %min3A, %mul3A_907 : i32
      %lt3A = arith.cmpi slt, %scan3A_902, %select_n3A : i32
      %add3A_909 = arith.constant 2 : i32
      %add3A_910 = arith.addi %scan3A_902, %add3A_909 : i32
      %lt3A_911 = arith.cmpi slt, %add3A_910, %select_n3A : i32
      %convert_element_type3A_912 = arith.extui %lt3A_911 : i1 to i32
      %cond3A_913 = arith.constant 0 : i32
      %cond3A_914 = arith.cmpi ne, %convert_element_type3A_912, %cond3A_913 : i32
      scf.if %cond3A_914 {
        %add3A_923 = arith.constant 2 : i32
        %add3A_924 = arith.addi %scan3A_902, %add3A_923 : i32
        %mul3A_925 = arith.constant 16 : i32
        %mul3A_926 = arith.muli %add3A_924, %mul3A_925 : i32
        %add3A_927 = arith.addi %mul3A_2, %mul3A_926 : i32
        %add3A_928 = vector.broadcast %add3A_927 : i32 to vector<16xi32>
        %add3A_929 = arith.addi %add3A_928, %iota3A : vector<16xi32>
        %broadcast_in_dim3A_930 = arith.constant 0 : i32
        %broadcast_in_dim3A_931 = vector.broadcast %broadcast_in_dim3A_930 : i32 to vector<16xi32>
        %scan3A_932 = arith.constant 0 : i32
        %scan3A_933 = arith.constant 14 : i32
        %scan3A_934 = arith.addi %scan3A_932, %scan3A_933 : i32
        %scan3A_935 = arith.constant 1 : i32
        %scan3A_936 = scf.for %scan3A_966 = %scan3A_932 to %scan3A_934 step %scan3A_935 iter_args(%scan3A_967 = %broadcast_in_dim3A_931) -> (vector<16xi32>)  : i32 {
          %shift_right_arithmetic3A = arith.constant 8192 : i32
          %shift_right_arithmetic3A_968 = arith.shrsi %shift_right_arithmetic3A, %scan3A_966 : i32
          %sub3A_969 = arith.constant 1 : i32
          %sub3A_970 = arith.subi %shift_right_arithmetic3A_968, %sub3A_969 : i32
          %add3A_971 = vector.broadcast %sub3A_970 : i32 to vector<16xi32>
          %add3A_972 = arith.addi %scan3A_967, %add3A_971 : vector<16xi32>
          %gather3A_973 = tpu.vector_load_idx %arg8[%add3A_972] : memref<16384xi32, #tpu.memory_space<vmem>>[vector<16xi32>], vector<16xi32>,
          %shift_right_logical3A = arith.constant 10 : i32
          %shift_right_logical3A_974 = vector.broadcast %shift_right_logical3A : i32 to vector<16xi32>
          %shift_right_logical3A_975 = arith.shrui %add3A_972, %shift_right_logical3A_974 : vector<16xi32>
          %gather3A_976 = tpu.vector_load_idx %arg10[%shift_right_logical3A_975] : memref<16xi32, #tpu.memory_space<vmem>>[vector<16xi32>], vector<16xi32>,
          %add3A_977 = arith.addi %gather3A_973, %gather3A_976 : vector<16xi32>
          %le3A_978 = arith.cmpi sle, %add3A_977, %add3A_929 : vector<16xi32>
          %add3A_979 = vector.broadcast %shift_right_arithmetic3A_968 : i32 to vector<16xi32>
          %add3A_980 = arith.addi %scan3A_967, %add3A_979 : vector<16xi32>
          %select_n3A_981 = arith.select %le3A_978, %add3A_980, %scan3A_967 : vector<16xi1>, vector<16xi32>
          scf.yield %select_n3A_981 : vector<16xi32>
        }
        %scan3A_937 = arith.constant 14 : i32
        %min3A_938 = arith.constant 16383 : i32
        %min3A_939 = vector.broadcast %min3A_938 : i32 to vector<16xi32>
        %min3A_940 = arith.minsi %scan3A_936, %min3A_939 : vector<16xi32>
        %mul3A_941 = arith.constant 16 : i32
        %mul3A_942 = arith.muli %add3A_924, %mul3A_941 : i32
        %swap3A_943 = arith.index_cast %mul3A_942 : i32 to index
        %swap3A_944 = tpu.vector_load %arg9[%swap3A_943] {strides = array<i32>} : memref<1024xi32, #tpu.memory_space<vmem>>, vector<16xi32>,
        tpu.vector_store %arg9[%swap3A_943], %min3A_940 {strides = array<i32>} : memref<1024xi32, #tpu.memory_space<vmem>>, vector<16xi32>,
        %add3A_945 = arith.constant 2 : i32
        %add3A_946 = arith.addi %scan3A_902, %add3A_945 : i32
        %rem3A_947 = arith.constant 5 : i32
        %rem3A_948 = arith.remsi %add3A_946, %rem3A_947 : i32
        %ge3A = arith.constant 3 : i32
        %ge3A_949 = arith.cmpi sge, %scan3A_902, %ge3A : i32
        %convert_element_type3A_950 = arith.extui %ge3A_949 : i1 to i32
        %cond3A_951 = arith.constant 0 : i32
        %cond3A_952 = arith.cmpi ne, %convert_element_type3A_950, %cond3A_951 : i32
        scf.if %cond3A_952 {
          %sub3A_966 = arith.constant 3 : i32
          %sub3A_967 = arith.subi %scan3A_902, %sub3A_966 : i32
          %mul3A_968 = arith.constant 16 : i32
          %mul3A_969 = arith.muli %sub3A_967, %mul3A_968 : i32
          %add3A_970 = arith.addi %mul3A_2, %mul3A_969 : i32
          %dma_wait3A = arith.constant 0 : i32
          %dma_wait3A_971 = arith.constant 0 : i32
          %dma_wait3A_972 = tpu.memref_slice %arg11[%rem3A_948, %dma_wait3A, %dma_wait3A_971] : memref<5x16x1024xf32, #tpu.memory_space<vmem>> -> memref<1x16x1024xf32, #tpu.memory_space<vmem>>
          %dma_wait3A_973 = tpu.memref_squeeze %dma_wait3A_972 : memref<1x16x1024xf32, #tpu.memory_space<vmem>> -> memref<16x1024xf32, #tpu.memory_space<vmem>>
          %dma_wait3A_974 = arith.constant 0 : i32
          %dma_wait3A_975 = tpu.memref_slice %arg4[%add3A_970, %dma_wait3A_974] : memref<32768x1024xf32, #tpu.memory_space<hbm>> -> memref<16x1024xf32, #tpu.memory_space<hbm>>
          %dma_wait3A_976 = tpu.memref_slice %arg14[%rem3A_948] : memref<5x!tpu.dma_semaphore, #tpu.memory_space<semaphore_mem>> -> memref<1x!tpu.dma_semaphore, #tpu.memory_space<semaphore_mem>>
          %dma_wait3A_977 = tpu.memref_squeeze %dma_wait3A_976 : memref<1x!tpu.dma_semaphore, #tpu.memory_space<semaphore_mem>> -> memref<!tpu.dma_semaphore, #tpu.memory_space<semaphore_mem>>
          %dma_wait3A_978 = arith.constant 0 : i32
          %dma_wait3A_979 = tpu.memref_slice %arg4[%add3A_970, %dma_wait3A_978] : memref<32768x1024xf32, #tpu.memory_space<hbm>> -> memref<16x1024xf32, #tpu.memory_space<hbm>>
          %dma_wait3A_980 = arith.constant 0 : i32
          %dma_wait3A_981 = arith.constant 0 : i32
          %dma_wait3A_982 = tpu.memref_slice %arg11[%rem3A_948, %dma_wait3A_980, %dma_wait3A_981] : memref<5x16x1024xf32, #tpu.memory_space<vmem>> -> memref<1x16x1024xf32, #tpu.memory_space<vmem>>
          %dma_wait3A_983 = tpu.memref_squeeze %dma_wait3A_982 : memref<1x16x1024xf32, #tpu.memory_space<vmem>> -> memref<16x1024xf32, #tpu.memory_space<vmem>>
          tpu.wait_dma2 semaphore(%dma_wait3A_977 : memref<!tpu.dma_semaphore, #tpu.memory_space<semaphore_mem>>) src(%dma_wait3A_983 : memref<16x1024xf32, #tpu.memory_space<vmem>>) dst(%dma_wait3A_979 : memref<16x1024xf32, #tpu.memory_space<hbm>>)
        } else {
        }
        %add3A_953 = arith.constant 2 : i32
        %add3A_954 = arith.addi %scan3A_902, %add3A_953 : i32
        %mul3A_955 = arith.constant 16 : i32
        %mul3A_956 = arith.muli %add3A_954, %mul3A_955 : i32
        %dma_start3A = arith.constant 0 : i32
        %dma_start3A_957 = arith.constant 0 : i32
        %dma_start3A_958 = tpu.memref_slice %arg11[%rem3A_948, %dma_start3A, %dma_start3A_957] : memref<5x16x1024xf32, #tpu.memory_space<vmem>> -> memref<1x16x1024xf32, #tpu.memory_space<vmem>>
        %dma_start3A_959 = tpu.memref_squeeze %dma_start3A_958 : memref<1x16x1024xf32, #tpu.memory_space<vmem>> -> memref<16x1024xf32, #tpu.memory_space<vmem>>
        %dma_start3A_960 = tpu.memref_slice %arg9[%mul3A_956] : memref<1024xi32, #tpu.memory_space<vmem>> -> memref<16xi32, #tpu.memory_space<vmem>>
        %dma_start3A_961 = arith.constant 0 : i32
        %dma_start3A_962 = arith.constant 0 : i32
        %dma_start3A_963 = tpu.memref_slice %arg2[%dma_start3A_961, %dma_start3A_962] : memref<16384x1024xf32, #tpu.memory_space<hbm>> -> memref<16384x1024xf32, #tpu.memory_space<hbm>>
        %dma_start3A_964 = tpu.memref_slice %arg13[%rem3A_948] : memref<5x!tpu.dma_semaphore, #tpu.memory_space<semaphore_mem>> -> memref<1x!tpu.dma_semaphore, #tpu.memory_space<semaphore_mem>>
        %dma_start3A_965 = tpu.memref_squeeze %dma_start3A_964 : memref<1x!tpu.dma_semaphore, #tpu.memory_space<semaphore_mem>> -> memref<!tpu.dma_semaphore, #tpu.memory_space<semaphore_mem>>
        tpu.enqueue_indirect_dma source(%dma_start3A_963 : memref<16384x1024xf32, #tpu.memory_space<hbm>>) target(%dma_start3A_959 : memref<16x1024xf32, #tpu.memory_space<vmem>>) offsets(%dma_start3A_960 : memref<16xi32, #tpu.memory_space<vmem>>) semaphore(%dma_start3A_965 : memref<!tpu.dma_semaphore, #tpu.memory_space<semaphore_mem>>)
      } else {
      }
      %convert_element_type3A_915 = arith.extui %lt3A : i1 to i32
      %cond3A_916 = arith.constant 0 : i32
      %cond3A_917 = arith.cmpi ne, %convert_element_type3A_915, %cond3A_916 : i32
      scf.if %cond3A_917 {
        %mul3A_923 = arith.constant 16 : i32
        %mul3A_924 = arith.muli %scan3A_902, %mul3A_923 : i32
        %dma_wait3A = arith.constant 0 : i32
        %dma_wait3A_925 = arith.constant 0 : i32
        %dma_wait3A_926 = tpu.memref_slice %arg11[%rem3A_905, %dma_wait3A, %dma_wait3A_925] : memref<5x16x1024xf32, #tpu.memory_space<vmem>> -> memref<1x16x1024xf32, #tpu.memory_space<vmem>>
        %dma_wait3A_927 = tpu.memref_squeeze %dma_wait3A_926 : memref<1x16x1024xf32, #tpu.memory_space<vmem>> -> memref<16x1024xf32, #tpu.memory_space<vmem>>
        %dma_wait3A_928 = tpu.memref_slice %arg9[%mul3A_924] : memref<1024xi32, #tpu.memory_space<vmem>> -> memref<16xi32, #tpu.memory_space<vmem>>
        %dma_wait3A_929 = arith.constant 0 : i32
        %dma_wait3A_930 = arith.constant 0 : i32
        %dma_wait3A_931 = tpu.memref_slice %arg2[%dma_wait3A_929, %dma_wait3A_930] : memref<16384x1024xf32, #tpu.memory_space<hbm>> -> memref<16384x1024xf32, #tpu.memory_space<hbm>>
        %dma_wait3A_932 = tpu.memref_slice %arg13[%rem3A_905] : memref<5x!tpu.dma_semaphore, #tpu.memory_space<semaphore_mem>> -> memref<1x!tpu.dma_semaphore, #tpu.memory_space<semaphore_mem>>
        %dma_wait3A_933 = tpu.memref_squeeze %dma_wait3A_932 : memref<1x!tpu.dma_semaphore, #tpu.memory_space<semaphore_mem>> -> memref<!tpu.dma_semaphore, #tpu.memory_space<semaphore_mem>>
        tpu.wait_indirect_dma semaphore(%dma_wait3A_933 : memref<!tpu.dma_semaphore, #tpu.memory_space<semaphore_mem>>) src(%dma_wait3A_931 : memref<16384x1024xf32, #tpu.memory_space<hbm>>) dst(%dma_wait3A_927 : memref<16x1024xf32, #tpu.memory_space<vmem>>)
        %lt3A_934 = arith.constant 16 : i32
        %lt3A_935 = arith.cmpi slt, %sub3A_908, %lt3A_934 : i32
        %convert_element_type3A_936 = arith.extui %lt3A_935 : i1 to i32
        %cond3A_937 = arith.constant 0 : i32
        %cond3A_938 = arith.cmpi ne, %convert_element_type3A_936, %cond3A_937 : i32
        scf.if %cond3A_938 {
          %scan3A_955 = arith.constant 0 : i32
          %scan3A_956 = arith.constant 0 : i32
          %scan3A_957 = arith.constant 16 : i32
          %scan3A_958 = arith.addi %scan3A_956, %scan3A_957 : i32
          %scan3A_959 = arith.constant 1 : i32
          %scan3A_960 = scf.for %scan3A_962 = %scan3A_956 to %scan3A_958 step %scan3A_959 iter_args(%scan3A_963 = %scan3A_955) -> (i32)  : i32 {
            %ge3A = arith.cmpi sge, %scan3A_962, %sub3A_908 : i32
            %convert_element_type3A_964 = arith.extui %ge3A : i1 to i32
            %cond3A_965 = arith.constant 0 : i32
            %cond3A_966 = arith.cmpi ne, %convert_element_type3A_964, %cond3A_965 : i32
            scf.if %cond3A_966 {
              %scan3A_968 = arith.constant 0 : i32
              %scan3A_969 = arith.constant 0 : i32
              %scan3A_970 = arith.constant 64 : i32
              %scan3A_971 = arith.addi %scan3A_969, %scan3A_970 : i32
              %scan3A_972 = arith.constant 1 : i32
              %scan3A_973 = scf.for %scan3A_975 = %scan3A_969 to %scan3A_971 step %scan3A_972 iter_args(%scan3A_976 = %scan3A_968) -> (i32)  : i32 {
                %mul3A_977 = arith.constant 16 : i32
                %mul3A_978 = arith.muli %scan3A_975, %mul3A_977 : i32
                %swap3A_979 = arith.index_cast %rem3A_905 : i32 to index
                %swap3A_980 = arith.index_cast %scan3A_962 : i32 to index
                %swap3A_981 = arith.index_cast %mul3A_978 : i32 to index
                %swap3A_982 = tpu.vector_load %arg11[%swap3A_979, %swap3A_980, %swap3A_981] {strides = array<i32>} : memref<5x16x1024xf32, #tpu.memory_space<vmem>>, vector<16xf32>,
                tpu.vector_store %arg11[%swap3A_979, %swap3A_980, %swap3A_981], %broadcast_in_dim3A_49 {strides = array<i32>} : memref<5x16x1024xf32, #tpu.memory_space<vmem>>, vector<16xf32>,
                %scan3A_983 = arith.constant 0 : i32
                scf.yield %scan3A_983 : i32
              }
              %scan3A_974 = arith.constant 64 : i32
            } else {
            }
            %scan3A_967 = arith.constant 0 : i32
            scf.yield %scan3A_967 : i32
          }
          %scan3A_961 = arith.constant 16 : i32
        } else {
        }
        %mul3A_939 = arith.constant 16 : i32
        %mul3A_940 = arith.muli %scan3A_902, %mul3A_939 : i32
        %add3A_941 = arith.addi %mul3A_2, %mul3A_940 : i32
        %dma_start3A = arith.constant 0 : i32
        %dma_start3A_942 = arith.constant 0 : i32
        %dma_start3A_943 = tpu.memref_slice %arg11[%rem3A_905, %dma_start3A, %dma_start3A_942] : memref<5x16x1024xf32, #tpu.memory_space<vmem>> -> memref<1x16x1024xf32, #tpu.memory_space<vmem>>
        %dma_start3A_944 = tpu.memref_squeeze %dma_start3A_943 : memref<1x16x1024xf32, #tpu.memory_space<vmem>> -> memref<16x1024xf32, #tpu.memory_space<vmem>>
        %dma_start3A_945 = arith.constant 0 : i32
        %dma_start3A_946 = tpu.memref_slice %arg4[%add3A_941, %dma_start3A_945] : memref<32768x1024xf32, #tpu.memory_space<hbm>> -> memref<16x1024xf32, #tpu.memory_space<hbm>>
        %dma_start3A_947 = tpu.memref_slice %arg14[%rem3A_905] : memref<5x!tpu.dma_semaphore, #tpu.memory_space<semaphore_mem>> -> memref<1x!tpu.dma_semaphore, #tpu.memory_space<semaphore_mem>>
        %dma_start3A_948 = tpu.memref_squeeze %dma_start3A_947 : memref<1x!tpu.dma_semaphore, #tpu.memory_space<semaphore_mem>> -> memref<!tpu.dma_semaphore, #tpu.memory_space<semaphore_mem>>
        %dma_start3A_949 = arith.constant 0 : i32
        %dma_start3A_950 = tpu.memref_slice %arg4[%add3A_941, %dma_start3A_949] : memref<32768x1024xf32, #tpu.memory_space<hbm>> -> memref<16x1024xf32, #tpu.memory_space<hbm>>
        %dma_start3A_951 = arith.constant 0 : i32
        %dma_start3A_952 = arith.constant 0 : i32
        %dma_start3A_953 = tpu.memref_slice %arg11[%rem3A_905, %dma_start3A_951, %dma_start3A_952] : memref<5x16x1024xf32, #tpu.memory_space<vmem>> -> memref<1x16x1024xf32, #tpu.memory_space<vmem>>
        %dma_start3A_954 = tpu.memref_squeeze %dma_start3A_953 : memref<1x16x1024xf32, #tpu.memory_space<vmem>> -> memref<16x1024xf32, #tpu.memory_space<vmem>>
        tpu.enqueue_dma source(%dma_start3A_954 : memref<16x1024xf32, #tpu.memory_space<vmem>>) target(%dma_start3A_950 : memref<16x1024xf32, #tpu.memory_space<hbm>>) target_semaphore(%dma_start3A_948 : memref<!tpu.dma_semaphore, #tpu.memory_space<semaphore_mem>>)
      } else {
      }
      %not3A = arith.constant true
      %not3A_918 = arith.xori %lt3A, %not3A : i1
      %convert_element_type3A_919 = arith.extui %not3A_918 : i1 to i32
      %cond3A_920 = arith.constant 0 : i32
      %cond3A_921 = arith.cmpi ne, %convert_element_type3A_919, %cond3A_920 : i32
      scf.if %cond3A_921 {
        %mul3A_923 = arith.constant 16 : i32
        %mul3A_924 = arith.muli %scan3A_902, %mul3A_923 : i32
        %add3A_925 = arith.addi %mul3A_2, %mul3A_924 : i32
        %dma_start3A = arith.constant 0 : i32
        %dma_start3A_926 = tpu.memref_slice %arg4[%add3A_925, %dma_start3A] : memref<32768x1024xf32, #tpu.memory_space<hbm>> -> memref<16x1024xf32, #tpu.memory_space<hbm>>
        %dma_start3A_927 = arith.constant 0 : i32
        %dma_start3A_928 = tpu.memref_slice %arg4[%add3A_925, %dma_start3A_927] : memref<32768x1024xf32, #tpu.memory_space<hbm>> -> memref<16x1024xf32, #tpu.memory_space<hbm>>
        tpu.enqueue_dma source(%arg12 : memref<16x1024xf32, #tpu.memory_space<vmem>>) target(%dma_start3A_928 : memref<16x1024xf32, #tpu.memory_space<hbm>>) target_semaphore(%arg15 : memref<!tpu.dma_semaphore, #tpu.memory_space<semaphore_mem>>)
      } else {
      }
      %scan3A_922 = arith.constant 0 : i32
      scf.yield %scan3A_922 : i32
    }
    %scan3A_70 = arith.constant 64 : i32
    %gt3A_71 = arith.constant 0 : i32
    %gt3A_72 = arith.cmpi sgt, %select_n3A, %gt3A_71 : i32
    %le3A = arith.constant 5 : i32
    %le3A_73 = arith.cmpi sle, %select_n3A, %le3A : i32
    %and3A_74 = arith.andi %gt3A_72, %le3A_73 : i1
    %convert_element_type3A_75 = arith.extui %and3A_74 : i1 to i32
    %cond3A_76 = arith.constant 0 : i32
    %cond3A_77 = arith.cmpi ne, %convert_element_type3A_75, %cond3A_76 : i32
    scf.if %cond3A_77 {
      %add3A_902 = arith.constant 0 : i32
      %add3A_903 = arith.addi %mul3A_2, %add3A_902 : i32
      %dma_wait3A = arith.constant 0 : i32
      %dma_wait3A_904 = arith.constant 0 : i32
      %dma_wait3A_905 = arith.constant 0 : i32
      %dma_wait3A_906 = arith.constant 0 : i32
      %dma_wait3A_907 = tpu.memref_slice %arg11[%dma_wait3A, %dma_wait3A_905, %dma_wait3A_906] : memref<5x16x1024xf32, #tpu.memory_space<vmem>> -> memref<1x16x1024xf32, #tpu.memory_space<vmem>>
      %dma_wait3A_908 = tpu.memref_squeeze %dma_wait3A_907 : memref<1x16x1024xf32, #tpu.memory_space<vmem>> -> memref<16x1024xf32, #tpu.memory_space<vmem>>
      %dma_wait3A_909 = arith.constant 0 : i32
      %dma_wait3A_910 = tpu.memref_slice %arg4[%add3A_903, %dma_wait3A_909] : memref<32768x1024xf32, #tpu.memory_space<hbm>> -> memref<16x1024xf32, #tpu.memory_space<hbm>>
      %dma_wait3A_911 = tpu.memref_slice %arg14[%dma_wait3A_904] : memref<5x!tpu.dma_semaphore, #tpu.memory_space<semaphore_mem>> -> memref<1x!tpu.dma_semaphore, #tpu.memory_space<semaphore_mem>>
      %dma_wait3A_912 = tpu.memref_squeeze %dma_wait3A_911 : memref<1x!tpu.dma_semaphore, #tpu.memory_space<semaphore_mem>> -> memref<!tpu.dma_semaphore, #tpu.memory_space<semaphore_mem>>
      %dma_wait3A_913 = arith.constant 0 : i32
      %dma_wait3A_914 = tpu.memref_slice %arg4[%add3A_903, %dma_wait3A_913] : memref<32768x1024xf32, #tpu.memory_space<hbm>> -> memref<16x1024xf32, #tpu.memory_space<hbm>>
      %dma_wait3A_915 = arith.constant 0 : i32
      %dma_wait3A_916 = arith.constant 0 : i32
      %dma_wait3A_917 = tpu.memref_slice %arg11[%dma_wait3A, %dma_wait3A_915, %dma_wait3A_916] : memref<5x16x1024xf32, #tpu.memory_space<vmem>> -> memref<1x16x1024xf32, #tpu.memory_space<vmem>>
      %dma_wait3A_918 = tpu.memref_squeeze %dma_wait3A_917 : memref<1x16x1024xf32, #tpu.memory_space<vmem>> -> memref<16x1024xf32, #tpu.memory_space<vmem>>
      tpu.wait_dma2 semaphore(%dma_wait3A_912 : memref<!tpu.dma_semaphore, #tpu.memory_space<semaphore_mem>>) src(%dma_wait3A_918 : memref<16x1024xf32, #tpu.memory_space<vmem>>) dst(%dma_wait3A_914 : memref<16x1024xf32, #tpu.memory_space<hbm>>)
    } else {
    }
    %le3A_78 = arith.constant 0 : i32
    %le3A_79 = arith.cmpi sle, %select_n3A, %le3A_78 : i32
    %convert_element_type3A_80 = arith.extui %le3A_79 : i1 to i32
    %cond3A_81 = arith.constant 0 : i32
    %cond3A_82 = arith.cmpi ne, %convert_element_type3A_80, %cond3A_81 : i32
    scf.if %cond3A_82 {
      %add3A_902 = arith.constant 0 : i32
      %add3A_903 = arith.addi %mul3A_2, %add3A_902 : i32
      %dma_wait3A = arith.constant 0 : i32
      %dma_wait3A_904 = tpu.memref_slice %arg4[%add3A_903, %dma_wait3A] : memref<32768x1024xf32, #tpu.memory_space<hbm>> -> memref<16x1024xf32, #tpu.memory_space<hbm>>
      %dma_wait3A_905 = arith.constant 0 : i32
      %dma_wait3A_906 = tpu.memref_slice %arg4[%add3A_903, %dma_wait3A_905] : memref<32768x1024xf32, #tpu.memory_space<hbm>> -> memref<16x1024xf32, #tpu.memory_space<hbm>>
      tpu.wait_dma2 semaphore(%arg15 : memref<!tpu.dma_semaphore, #tpu.memory_space<semaphore_mem>>) src(%arg12 : memref<16x1024xf32, #tpu.memory_space<vmem>>) dst(%dma_wait3A_906 : memref<16x1024xf32, #tpu.memory_space<hbm>>)
    } else {
    }
    %gt3A_83 = arith.constant 1 : i32
    %gt3A_84 = arith.cmpi sgt, %select_n3A, %gt3A_83 : i32
    %le3A_85 = arith.constant 6 : i32
    %le3A_86 = arith.cmpi sle, %select_n3A, %le3A_85 : i32
    %and3A_87 = arith.andi %gt3A_84, %le3A_86 : i1
    %convert_element_type3A_88 = arith.extui %and3A_87 : i1 to i32
    %cond3A_89 = arith.constant 0 : i32
    %cond3A_90 = arith.cmpi ne, %convert_element_type3A_88, %cond3A_89 : i32
    scf.if %cond3A_90 {
      %add3A_902 = arith.constant 16 : i32
      %add3A_903 = arith.addi %mul3A_2, %add3A_902 : i32
      %dma_wait3A = arith.constant 1 : i32
      %dma_wait3A_904 = arith.constant 1 : i32
      %dma_wait3A_905 = arith.constant 0 : i32
      %dma_wait3A_906 = arith.constant 0 : i32
      %dma_wait3A_907 = tpu.memref_slice %arg11[%dma_wait3A, %dma_wait3A_905, %dma_wait3A_906] : memref<5x16x1024xf32, #tpu.memory_space<vmem>> -> memref<1x16x1024xf32, #tpu.memory_space<vmem>>
      %dma_wait3A_908 = tpu.memref_squeeze %dma_wait3A_907 : memref<1x16x1024xf32, #tpu.memory_space<vmem>> -> memref<16x1024xf32, #tpu.memory_space<vmem>>
      %dma_wait3A_909 = arith.constant 0 : i32
      %dma_wait3A_910 = tpu.memref_slice %arg4[%add3A_903, %dma_wait3A_909] : memref<32768x1024xf32, #tpu.memory_space<hbm>> -> memref<16x1024xf32, #tpu.memory_space<hbm>>
      %dma_wait3A_911 = tpu.memref_slice %arg14[%dma_wait3A_904] : memref<5x!tpu.dma_semaphore, #tpu.memory_space<semaphore_mem>> -> memref<1x!tpu.dma_semaphore, #tpu.memory_space<semaphore_mem>>
      %dma_wait3A_912 = tpu.memref_squeeze %dma_wait3A_911 : memref<1x!tpu.dma_semaphore, #tpu.memory_space<semaphore_mem>> -> memref<!tpu.dma_semaphore, #tpu.memory_space<semaphore_mem>>
      %dma_wait3A_913 = arith.constant 0 : i32
      %dma_wait3A_914 = tpu.memref_slice %arg4[%add3A_903, %dma_wait3A_913] : memref<32768x1024xf32, #tpu.memory_space<hbm>> -> memref<16x1024xf32, #tpu.memory_space<hbm>>
      %dma_wait3A_915 = arith.constant 0 : i32
      %dma_wait3A_916 = arith.constant 0 : i32
      %dma_wait3A_917 = tpu.memref_slice %arg11[%dma_wait3A, %dma_wait3A_915, %dma_wait3A_916] : memref<5x16x1024xf32, #tpu.memory_space<vmem>> -> memref<1x16x1024xf32, #tpu.memory_space<vmem>>
      %dma_wait3A_918 = tpu.memref_squeeze %dma_wait3A_917 : memref<1x16x1024xf32, #tpu.memory_space<vmem>> -> memref<16x1024xf32, #tpu.memory_space<vmem>>
      tpu.wait_dma2 semaphore(%dma_wait3A_912 : memref<!tpu.dma_semaphore, #tpu.memory_space<semaphore_mem>>) src(%dma_wait3A_918 : memref<16x1024xf32, #tpu.memory_space<vmem>>) dst(%dma_wait3A_914 : memref<16x1024xf32, #tpu.memory_space<hbm>>)
    } else {
    }
    %le3A_91 = arith.constant 1 : i32
    %le3A_92 = arith.cmpi sle, %select_n3A, %le3A_91 : i32
    %convert_element_type3A_93 = arith.extui %le3A_92 : i1 to i32
    %cond3A_94 = arith.constant 0 : i32
    %cond3A_95 = arith.cmpi ne, %convert_element_type3A_93, %cond3A_94 : i32
    scf.if %cond3A_95 {
      %add3A_902 = arith.constant 16 : i32
      %add3A_903 = arith.addi %mul3A_2, %add3A_902 : i32
      %dma_wait3A = arith.constant 0 : i32
      %dma_wait3A_904 = tpu.memref_slice %arg4[%add3A_903, %dma_wait3A] : memref<32768x1024xf32, #tpu.memory_space<hbm>> -> memref<16x1024xf32, #tpu.memory_space<hbm>>
      %dma_wait3A_905 = arith.constant 0 : i32
      %dma_wait3A_906 = tpu.memref_slice %arg4[%add3A_903, %dma_wait3A_905] : memref<32768x1024xf32, #tpu.memory_space<hbm>> -> memref<16x1024xf32, #tpu.memory_space<hbm>>
      tpu.wait_dma2 semaphore(%arg15 : memref<!tpu.dma_semaphore, #tpu.memory_space<semaphore_mem>>) src(%arg12 : memref<16x1024xf32, #tpu.memory_space<vmem>>) dst(%dma_wait3A_906 : memref<16x1024xf32, #tpu.memory_space<hbm>>)
    } else {
    }
    %gt3A_96 = arith.constant 2 : i32
    %gt3A_97 = arith.cmpi sgt, %select_n3A, %gt3A_96 : i32
    %le3A_98 = arith.constant 7 : i32
    %le3A_99 = arith.cmpi sle, %select_n3A, %le3A_98 : i32
    %and3A_100 = arith.andi %gt3A_97, %le3A_99 : i1
    %convert_element_type3A_101 = arith.extui %and3A_100 : i1 to i32
    %cond3A_102 = arith.constant 0 : i32
    %cond3A_103 = arith.cmpi ne, %convert_element_type3A_101, %cond3A_102 : i32
    scf.if %cond3A_103 {
      %add3A_902 = arith.constant 32 : i32
      %add3A_903 = arith.addi %mul3A_2, %add3A_902 : i32
      %dma_wait3A = arith.constant 2 : i32
      %dma_wait3A_904 = arith.constant 2 : i32
      %dma_wait3A_905 = arith.constant 0 : i32
      %dma_wait3A_906 = arith.constant 0 : i32
      %dma_wait3A_907 = tpu.memref_slice %arg11[%dma_wait3A, %dma_wait3A_905, %dma_wait3A_906] : memref<5x16x1024xf32, #tpu.memory_space<vmem>> -> memref<1x16x1024xf32, #tpu.memory_space<vmem>>
      %dma_wait3A_908 = tpu.memref_squeeze %dma_wait3A_907 : memref<1x16x1024xf32, #tpu.memory_space<vmem>> -> memref<16x1024xf32, #tpu.memory_space<vmem>>
      %dma_wait3A_909 = arith.constant 0 : i32
      %dma_wait3A_910 = tpu.memref_slice %arg4[%add3A_903, %dma_wait3A_909] : memref<32768x1024xf32, #tpu.memory_space<hbm>> -> memref<16x1024xf32, #tpu.memory_space<hbm>>
      %dma_wait3A_911 = tpu.memref_slice %arg14[%dma_wait3A_904] : memref<5x!tpu.dma_semaphore, #tpu.memory_space<semaphore_mem>> -> memref<1x!tpu.dma_semaphore, #tpu.memory_space<semaphore_mem>>
      %dma_wait3A_912 = tpu.memref_squeeze %dma_wait3A_911 : memref<1x!tpu.dma_semaphore, #tpu.memory_space<semaphore_mem>> -> memref<!tpu.dma_semaphore, #tpu.memory_space<semaphore_mem>>
      %dma_wait3A_913 = arith.constant 0 : i32
      %dma_wait3A_914 = tpu.memref_slice %arg4[%add3A_903, %dma_wait3A_913] : memref<32768x1024xf32, #tpu.memory_space<hbm>> -> memref<16x1024xf32, #tpu.memory_space<hbm>>
      %dma_wait3A_915 = arith.constant 0 : i32
      %dma_wait3A_916 = arith.constant 0 : i32
      %dma_wait3A_917 = tpu.memref_slice %arg11[%dma_wait3A, %dma_wait3A_915, %dma_wait3A_916] : memref<5x16x1024xf32, #tpu.memory_space<vmem>> -> memref<1x16x1024xf32, #tpu.memory_space<vmem>>
      %dma_wait3A_918 = tpu.memref_squeeze %dma_wait3A_917 : memref<1x16x1024xf32, #tpu.memory_space<vmem>> -> memref<16x1024xf32, #tpu.memory_space<vmem>>
      tpu.wait_dma2 semaphore(%dma_wait3A_912 : memref<!tpu.dma_semaphore, #tpu.memory_space<semaphore_mem>>) src(%dma_wait3A_918 : memref<16x1024xf32, #tpu.memory_space<vmem>>) dst(%dma_wait3A_914 : memref<16x1024xf32, #tpu.memory_space<hbm>>)
    } else {
    }
    %le3A_104 = arith.constant 2 : i32
    %le3A_105 = arith.cmpi sle, %select_n3A, %le3A_104 : i32
    %convert_element_type3A_106 = arith.extui %le3A_105 : i1 to i32
    %cond3A_107 = arith.constant 0 : i32
    %cond3A_108 = arith.cmpi ne, %convert_element_type3A_106, %cond3A_107 : i32
    scf.if %cond3A_108 {
      %add3A_902 = arith.constant 32 : i32
      %add3A_903 = arith.addi %mul3A_2, %add3A_902 : i32
      %dma_wait3A = arith.constant 0 : i32
      %dma_wait3A_904 = tpu.memref_slice %arg4[%add3A_903, %dma_wait3A] : memref<32768x1024xf32, #tpu.memory_space<hbm>> -> memref<16x1024xf32, #tpu.memory_space<hbm>>
      %dma_wait3A_905 = arith.constant 0 : i32
      %dma_wait3A_906 = tpu.memref_slice %arg4[%add3A_903, %dma_wait3A_905] : memref<32768x1024xf32, #tpu.memory_space<hbm>> -> memref<16x1024xf32, #tpu.memory_space<hbm>>
      tpu.wait_dma2 semaphore(%arg15 : memref<!tpu.dma_semaphore, #tpu.memory_space<semaphore_mem>>) src(%arg12 : memref<16x1024xf32, #tpu.memory_space<vmem>>) dst(%dma_wait3A_906 : memref<16x1024xf32, #tpu.memory_space<hbm>>)
    } else {
    }
    %gt3A_109 = arith.constant 3 : i32
    %gt3A_110 = arith.cmpi sgt, %select_n3A, %gt3A_109 : i32
    %le3A_111 = arith.constant 8 : i32
    %le3A_112 = arith.cmpi sle, %select_n3A, %le3A_111 : i32
    %and3A_113 = arith.andi %gt3A_110, %le3A_112 : i1
    %convert_element_type3A_114 = arith.extui %and3A_113 : i1 to i32
    %cond3A_115 = arith.constant 0 : i32
    %cond3A_116 = arith.cmpi ne, %convert_element_type3A_114, %cond3A_115 : i32
    scf.if %cond3A_116 {
      %add3A_902 = arith.constant 48 : i32
      %add3A_903 = arith.addi %mul3A_2, %add3A_902 : i32
      %dma_wait3A = arith.constant 3 : i32
      %dma_wait3A_904 = arith.constant 3 : i32
      %dma_wait3A_905 = arith.constant 0 : i32
      %dma_wait3A_906 = arith.constant 0 : i32
      %dma_wait3A_907 = tpu.memref_slice %arg11[%dma_wait3A, %dma_wait3A_905, %dma_wait3A_906] : memref<5x16x1024xf32, #tpu.memory_space<vmem>> -> memref<1x16x1024xf32, #tpu.memory_space<vmem>>
      %dma_wait3A_908 = tpu.memref_squeeze %dma_wait3A_907 : memref<1x16x1024xf32, #tpu.memory_space<vmem>> -> memref<16x1024xf32, #tpu.memory_space<vmem>>
      %dma_wait3A_909 = arith.constant 0 : i32
      %dma_wait3A_910 = tpu.memref_slice %arg4[%add3A_903, %dma_wait3A_909] : memref<32768x1024xf32, #tpu.memory_space<hbm>> -> memref<16x1024xf32, #tpu.memory_space<hbm>>
      %dma_wait3A_911 = tpu.memref_slice %arg14[%dma_wait3A_904] : memref<5x!tpu.dma_semaphore, #tpu.memory_space<semaphore_mem>> -> memref<1x!tpu.dma_semaphore, #tpu.memory_space<semaphore_mem>>
      %dma_wait3A_912 = tpu.memref_squeeze %dma_wait3A_911 : memref<1x!tpu.dma_semaphore, #tpu.memory_space<semaphore_mem>> -> memref<!tpu.dma_semaphore, #tpu.memory_space<semaphore_mem>>
      %dma_wait3A_913 = arith.constant 0 : i32
      %dma_wait3A_914 = tpu.memref_slice %arg4[%add3A_903, %dma_wait3A_913] : memref<32768x1024xf32, #tpu.memory_space<hbm>> -> memref<16x1024xf32, #tpu.memory_space<hbm>>
      %dma_wait3A_915 = arith.constant 0 : i32
      %dma_wait3A_916 = arith.constant 0 : i32
      %dma_wait3A_917 = tpu.memref_slice %arg11[%dma_wait3A, %dma_wait3A_915, %dma_wait3A_916] : memref<5x16x1024xf32, #tpu.memory_space<vmem>> -> memref<1x16x1024xf32, #tpu.memory_space<vmem>>
      %dma_wait3A_918 = tpu.memref_squeeze %dma_wait3A_917 : memref<1x16x1024xf32, #tpu.memory_space<vmem>> -> memref<16x1024xf32, #tpu.memory_space<vmem>>
      tpu.wait_dma2 semaphore(%dma_wait3A_912 : memref<!tpu.dma_semaphore, #tpu.memory_space<semaphore_mem>>) src(%dma_wait3A_918 : memref<16x1024xf32, #tpu.memory_space<vmem>>) dst(%dma_wait3A_914 : memref<16x1024xf32, #tpu.memory_space<hbm>>)
    } else {
    }
    %le3A_117 = arith.constant 3 : i32
    %le3A_118 = arith.cmpi sle, %select_n3A, %le3A_117 : i32
    %convert_element_type3A_119 = arith.extui %le3A_118 : i1 to i32
    %cond3A_120 = arith.constant 0 : i32
    %cond3A_121 = arith.cmpi ne, %convert_element_type3A_119, %cond3A_120 : i32
    scf.if %cond3A_121 {
      %add3A_902 = arith.constant 48 : i32
      %add3A_903 = arith.addi %mul3A_2, %add3A_902 : i32
      %dma_wait3A = arith.constant 0 : i32
      %dma_wait3A_904 = tpu.memref_slice %arg4[%add3A_903, %dma_wait3A] : memref<32768x1024xf32, #tpu.memory_space<hbm>> -> memref<16x1024xf32, #tpu.memory_space<hbm>>
      %dma_wait3A_905 = arith.constant 0 : i32
      %dma_wait3A_906 = tpu.memref_slice %arg4[%add3A_903, %dma_wait3A_905] : memref<32768x1024xf32, #tpu.memory_space<hbm>> -> memref<16x1024xf32, #tpu.memory_space<hbm>>
      tpu.wait_dma2 semaphore(%arg15 : memref<!tpu.dma_semaphore, #tpu.memory_space<semaphore_mem>>) src(%arg12 : memref<16x1024xf32, #tpu.memory_space<vmem>>) dst(%dma_wait3A_906 : memref<16x1024xf32, #tpu.memory_space<hbm>>)
    } else {
    }
    %gt3A_122 = arith.constant 4 : i32
    %gt3A_123 = arith.cmpi sgt, %select_n3A, %gt3A_122 : i32
    %le3A_124 = arith.constant 9 : i32
    %le3A_125 = arith.cmpi sle, %select_n3A, %le3A_124 : i32
    %and3A_126 = arith.andi %gt3A_123, %le3A_125 : i1
    %convert_element_type3A_127 = arith.extui %and3A_126 : i1 to i32
    %cond3A_128 = arith.constant 0 : i32
    %cond3A_129 = arith.cmpi ne, %convert_element_type3A_127, %cond3A_128 : i32
    scf.if %cond3A_129 {
      %add3A_902 = arith.constant 64 : i32
      %add3A_903 = arith.addi %mul3A_2, %add3A_902 : i32
      %dma_wait3A = arith.constant 4 : i32
      %dma_wait3A_904 = arith.constant 4 : i32
      %dma_wait3A_905 = arith.constant 0 : i32
      %dma_wait3A_906 = arith.constant 0 : i32
      %dma_wait3A_907 = tpu.memref_slice %arg11[%dma_wait3A, %dma_wait3A_905, %dma_wait3A_906] : memref<5x16x1024xf32, #tpu.memory_space<vmem>> -> memref<1x16x1024xf32, #tpu.memory_space<vmem>>
      %dma_wait3A_908 = tpu.memref_squeeze %dma_wait3A_907 : memref<1x16x1024xf32, #tpu.memory_space<vmem>> -> memref<16x1024xf32, #tpu.memory_space<vmem>>
      %dma_wait3A_909 = arith.constant 0 : i32
      %dma_wait3A_910 = tpu.memref_slice %arg4[%add3A_903, %dma_wait3A_909] : memref<32768x1024xf32, #tpu.memory_space<hbm>> -> memref<16x1024xf32, #tpu.memory_space<hbm>>
      %dma_wait3A_911 = tpu.memref_slice %arg14[%dma_wait3A_904] : memref<5x!tpu.dma_semaphore, #tpu.memory_space<semaphore_mem>> -> memref<1x!tpu.dma_semaphore, #tpu.memory_space<semaphore_mem>>
      %dma_wait3A_912 = tpu.memref_squeeze %dma_wait3A_911 : memref<1x!tpu.dma_semaphore, #tpu.memory_space<semaphore_mem>> -> memref<!tpu.dma_semaphore, #tpu.memory_space<semaphore_mem>>
      %dma_wait3A_913 = arith.constant 0 : i32
      %dma_wait3A_914 = tpu.memref_slice %arg4[%add3A_903, %dma_wait3A_913] : memref<32768x1024xf32, #tpu.memory_space<hbm>> -> memref<16x1024xf32, #tpu.memory_space<hbm>>
      %dma_wait3A_915 = arith.constant 0 : i32
      %dma_wait3A_916 = arith.constant 0 : i32
      %dma_wait3A_917 = tpu.memref_slice %arg11[%dma_wait3A, %dma_wait3A_915, %dma_wait3A_916] : memref<5x16x1024xf32, #tpu.memory_space<vmem>> -> memref<1x16x1024xf32, #tpu.memory_space<vmem>>
      %dma_wait3A_918 = tpu.memref_squeeze %dma_wait3A_917 : memref<1x16x1024xf32, #tpu.memory_space<vmem>> -> memref<16x1024xf32, #tpu.memory_space<vmem>>
      tpu.wait_dma2 semaphore(%dma_wait3A_912 : memref<!tpu.dma_semaphore, #tpu.memory_space<semaphore_mem>>) src(%dma_wait3A_918 : memref<16x1024xf32, #tpu.memory_space<vmem>>) dst(%dma_wait3A_914 : memref<16x1024xf32, #tpu.memory_space<hbm>>)
    } else {
    }
    %le3A_130 = arith.constant 4 : i32
    %le3A_131 = arith.cmpi sle, %select_n3A, %le3A_130 : i32
    %convert_element_type3A_132 = arith.extui %le3A_131 : i1 to i32
    %cond3A_133 = arith.constant 0 : i32
    %cond3A_134 = arith.cmpi ne, %convert_element_type3A_132, %cond3A_133 : i32
    scf.if %cond3A_134 {
      %add3A_902 = arith.constant 64 : i32
      %add3A_903 = arith.addi %mul3A_2, %add3A_902 : i32
      %dma_wait3A = arith.constant 0 : i32
      %dma_wait3A_904 = tpu.memref_slice %arg4[%add3A_903, %dma_wait3A] : memref<32768x1024xf32, #tpu.memory_space<hbm>> -> memref<16x1024xf32, #tpu.memory_space<hbm>>
      %dma_wait3A_905 = arith.constant 0 : i32
      %dma_wait3A_906 = tpu.memref_slice %arg4[%add3A_903, %dma_wait3A_905] : memref<32768x1024xf32, #tpu.memory_space<hbm>> -> memref<16x1024xf32, #tpu.memory_space<hbm>>
      tpu.wait_dma2 semaphore(%arg15 : memref<!tpu.dma_semaphore, #tpu.memory_space<semaphore_mem>>) src(%arg12 : memref<16x1024xf32, #tpu.memory_space<vmem>>) dst(%dma_wait3A_906 : memref<16x1024xf32, #tpu.memory_space<hbm>>)
    } else {
    }
    %gt3A_135 = arith.constant 5 : i32
    %gt3A_136 = arith.cmpi sgt, %select_n3A, %gt3A_135 : i32
    %le3A_137 = arith.constant 10 : i32
    %le3A_138 = arith.cmpi sle, %select_n3A, %le3A_137 : i32
    %and3A_139 = arith.andi %gt3A_136, %le3A_138 : i1
    %convert_element_type3A_140 = arith.extui %and3A_139 : i1 to i32
    %cond3A_141 = arith.constant 0 : i32
    %cond3A_142 = arith.cmpi ne, %convert_element_type3A_140, %cond3A_141 : i32
    scf.if %cond3A_142 {
      %add3A_902 = arith.constant 80 : i32
      %add3A_903 = arith.addi %mul3A_2, %add3A_902 : i32
      %dma_wait3A = arith.constant 0 : i32
      %dma_wait3A_904 = arith.constant 0 : i32
      %dma_wait3A_905 = arith.constant 0 : i32
      %dma_wait3A_906 = arith.constant 0 : i32
      %dma_wait3A_907 = tpu.memref_slice %arg11[%dma_wait3A, %dma_wait3A_905, %dma_wait3A_906] : memref<5x16x1024xf32, #tpu.memory_space<vmem>> -> memref<1x16x1024xf32, #tpu.memory_space<vmem>>
      %dma_wait3A_908 = tpu.memref_squeeze %dma_wait3A_907 : memref<1x16x1024xf32, #tpu.memory_space<vmem>> -> memref<16x1024xf32, #tpu.memory_space<vmem>>
      %dma_wait3A_909 = arith.constant 0 : i32
      %dma_wait3A_910 = tpu.memref_slice %arg4[%add3A_903, %dma_wait3A_909] : memref<32768x1024xf32, #tpu.memory_space<hbm>> -> memref<16x1024xf32, #tpu.memory_space<hbm>>
      %dma_wait3A_911 = tpu.memref_slice %arg14[%dma_wait3A_904] : memref<5x!tpu.dma_semaphore, #tpu.memory_space<semaphore_mem>> -> memref<1x!tpu.dma_semaphore, #tpu.memory_space<semaphore_mem>>
      %dma_wait3A_912 = tpu.memref_squeeze %dma_wait3A_911 : memref<1x!tpu.dma_semaphore, #tpu.memory_space<semaphore_mem>> -> memref<!tpu.dma_semaphore, #tpu.memory_space<semaphore_mem>>
      %dma_wait3A_913 = arith.constant 0 : i32
      %dma_wait3A_914 = tpu.memref_slice %arg4[%add3A_903, %dma_wait3A_913] : memref<32768x1024xf32, #tpu.memory_space<hbm>> -> memref<16x1024xf32, #tpu.memory_space<hbm>>
      %dma_wait3A_915 = arith.constant 0 : i32
      %dma_wait3A_916 = arith.constant 0 : i32
      %dma_wait3A_917 = tpu.memref_slice %arg11[%dma_wait3A, %dma_wait3A_915, %dma_wait3A_916] : memref<5x16x1024xf32, #tpu.memory_space<vmem>> -> memref<1x16x1024xf32, #tpu.memory_space<vmem>>
      %dma_wait3A_918 = tpu.memref_squeeze %dma_wait3A_917 : memref<1x16x1024xf32, #tpu.memory_space<vmem>> -> memref<16x1024xf32, #tpu.memory_space<vmem>>
      tpu.wait_dma2 semaphore(%dma_wait3A_912 : memref<!tpu.dma_semaphore, #tpu.memory_space<semaphore_mem>>) src(%dma_wait3A_918 : memref<16x1024xf32, #tpu.memory_space<vmem>>) dst(%dma_wait3A_914 : memref<16x1024xf32, #tpu.memory_space<hbm>>)
    } else {
    }
    %le3A_143 = arith.constant 5 : i32
    %le3A_144 = arith.cmpi sle, %select_n3A, %le3A_143 : i32
    %convert_element_type3A_145 = arith.extui %le3A_144 : i1 to i32
    %cond3A_146 = arith.constant 0 : i32
    %cond3A_147 = arith.cmpi ne, %convert_element_type3A_145, %cond3A_146 : i32
    scf.if %cond3A_147 {
      %add3A_902 = arith.constant 80 : i32
      %add3A_903 = arith.addi %mul3A_2, %add3A_902 : i32
      %dma_wait3A = arith.constant 0 : i32
      %dma_wait3A_904 = tpu.memref_slice %arg4[%add3A_903, %dma_wait3A] : memref<32768x1024xf32, #tpu.memory_space<hbm>> -> memref<16x1024xf32, #tpu.memory_space<hbm>>
      %dma_wait3A_905 = arith.constant 0 : i32
      %dma_wait3A_906 = tpu.memref_slice %arg4[%add3A_903, %dma_wait3A_905] : memref<32768x1024xf32, #tpu.memory_space<hbm>> -> memref<16x1024xf32, #tpu.memory_space<hbm>>
      tpu.wait_dma2 semaphore(%arg15 : memref<!tpu.dma_semaphore, #tpu.memory_space<semaphore_mem>>) src(%arg12 : memref<16x1024xf32, #tpu.memory_space<vmem>>) dst(%dma_wait3A_906 : memref<16x1024xf32, #tpu.memory_space<hbm>>)
    } else {
    }
    %gt3A_148 = arith.constant 6 : i32
    %gt3A_149 = arith.cmpi sgt, %select_n3A, %gt3A_148 : i32
    %le3A_150 = arith.constant 11 : i32
    %le3A_151 = arith.cmpi sle, %select_n3A, %le3A_150 : i32
    %and3A_152 = arith.andi %gt3A_149, %le3A_151 : i1
    %convert_element_type3A_153 = arith.extui %and3A_152 : i1 to i32
    %cond3A_154 = arith.constant 0 : i32
    %cond3A_155 = arith.cmpi ne, %convert_element_type3A_153, %cond3A_154 : i32
    scf.if %cond3A_155 {
      %add3A_902 = arith.constant 96 : i32
      %add3A_903 = arith.addi %mul3A_2, %add3A_902 : i32
      %dma_wait3A = arith.constant 1 : i32
      %dma_wait3A_904 = arith.constant 1 : i32
      %dma_wait3A_905 = arith.constant 0 : i32
      %dma_wait3A_906 = arith.constant 0 : i32
      %dma_wait3A_907 = tpu.memref_slice %arg11[%dma_wait3A, %dma_wait3A_905, %dma_wait3A_906] : memref<5x16x1024xf32, #tpu.memory_space<vmem>> -> memref<1x16x1024xf32, #tpu.memory_space<vmem>>
      %dma_wait3A_908 = tpu.memref_squeeze %dma_wait3A_907 : memref<1x16x1024xf32, #tpu.memory_space<vmem>> -> memref<16x1024xf32, #tpu.memory_space<vmem>>
      %dma_wait3A_909 = arith.constant 0 : i32
      %dma_wait3A_910 = tpu.memref_slice %arg4[%add3A_903, %dma_wait3A_909] : memref<32768x1024xf32, #tpu.memory_space<hbm>> -> memref<16x1024xf32, #tpu.memory_space<hbm>>
      %dma_wait3A_911 = tpu.memref_slice %arg14[%dma_wait3A_904] : memref<5x!tpu.dma_semaphore, #tpu.memory_space<semaphore_mem>> -> memref<1x!tpu.dma_semaphore, #tpu.memory_space<semaphore_mem>>
      %dma_wait3A_912 = tpu.memref_squeeze %dma_wait3A_911 : memref<1x!tpu.dma_semaphore, #tpu.memory_space<semaphore_mem>> -> memref<!tpu.dma_semaphore, #tpu.memory_space<semaphore_mem>>
      %dma_wait3A_913 = arith.constant 0 : i32
      %dma_wait3A_914 = tpu.memref_slice %arg4[%add3A_903, %dma_wait3A_913] : memref<32768x1024xf32, #tpu.memory_space<hbm>> -> memref<16x1024xf32, #tpu.memory_space<hbm>>
      %dma_wait3A_915 = arith.constant 0 : i32
      %dma_wait3A_916 = arith.constant 0 : i32
      %dma_wait3A_917 = tpu.memref_slice %arg11[%dma_wait3A, %dma_wait3A_915, %dma_wait3A_916] : memref<5x16x1024xf32, #tpu.memory_space<vmem>> -> memref<1x16x1024xf32, #tpu.memory_space<vmem>>
      %dma_wait3A_918 = tpu.memref_squeeze %dma_wait3A_917 : memref<1x16x1024xf32, #tpu.memory_space<vmem>> -> memref<16x1024xf32, #tpu.memory_space<vmem>>
      tpu.wait_dma2 semaphore(%dma_wait3A_912 : memref<!tpu.dma_semaphore, #tpu.memory_space<semaphore_mem>>) src(%dma_wait3A_918 : memref<16x1024xf32, #tpu.memory_space<vmem>>) dst(%dma_wait3A_914 : memref<16x1024xf32, #tpu.memory_space<hbm>>)
    } else {
    }
    %le3A_156 = arith.constant 6 : i32
    %le3A_157 = arith.cmpi sle, %select_n3A, %le3A_156 : i32
    %convert_element_type3A_158 = arith.extui %le3A_157 : i1 to i32
    %cond3A_159 = arith.constant 0 : i32
    %cond3A_160 = arith.cmpi ne, %convert_element_type3A_158, %cond3A_159 : i32
    scf.if %cond3A_160 {
      %add3A_902 = arith.constant 96 : i32
      %add3A_903 = arith.addi %mul3A_2, %add3A_902 : i32
      %dma_wait3A = arith.constant 0 : i32
      %dma_wait3A_904 = tpu.memref_slice %arg4[%add3A_903, %dma_wait3A] : memref<32768x1024xf32, #tpu.memory_space<hbm>> -> memref<16x1024xf32, #tpu.memory_space<hbm>>
      %dma_wait3A_905 = arith.constant 0 : i32
      %dma_wait3A_906 = tpu.memref_slice %arg4[%add3A_903, %dma_wait3A_905] : memref<32768x1024xf32, #tpu.memory_space<hbm>> -> memref<16x1024xf32, #tpu.memory_space<hbm>>
      tpu.wait_dma2 semaphore(%arg15 : memref<!tpu.dma_semaphore, #tpu.memory_space<semaphore_mem>>) src(%arg12 : memref<16x1024xf32, #tpu.memory_space<vmem>>) dst(%dma_wait3A_906 : memref<16x1024xf32, #tpu.memory_space<hbm>>)
    } else {
    }
    %gt3A_161 = arith.constant 7 : i32
    %gt3A_162 = arith.cmpi sgt, %select_n3A, %gt3A_161 : i32
    %le3A_163 = arith.constant 12 : i32
    %le3A_164 = arith.cmpi sle, %select_n3A, %le3A_163 : i32
    %and3A_165 = arith.andi %gt3A_162, %le3A_164 : i1
    %convert_element_type3A_166 = arith.extui %and3A_165 : i1 to i32
    %cond3A_167 = arith.constant 0 : i32
    %cond3A_168 = arith.cmpi ne, %convert_element_type3A_166, %cond3A_167 : i32
    scf.if %cond3A_168 {
      %add3A_902 = arith.constant 112 : i32
      %add3A_903 = arith.addi %mul3A_2, %add3A_902 : i32
      %dma_wait3A = arith.constant 2 : i32
      %dma_wait3A_904 = arith.constant 2 : i32
      %dma_wait3A_905 = arith.constant 0 : i32
      %dma_wait3A_906 = arith.constant 0 : i32
      %dma_wait3A_907 = tpu.memref_slice %arg11[%dma_wait3A, %dma_wait3A_905, %dma_wait3A_906] : memref<5x16x1024xf32, #tpu.memory_space<vmem>> -> memref<1x16x1024xf32, #tpu.memory_space<vmem>>
      %dma_wait3A_908 = tpu.memref_squeeze %dma_wait3A_907 : memref<1x16x1024xf32, #tpu.memory_space<vmem>> -> memref<16x1024xf32, #tpu.memory_space<vmem>>
      %dma_wait3A_909 = arith.constant 0 : i32
      %dma_wait3A_910 = tpu.memref_slice %arg4[%add3A_903, %dma_wait3A_909] : memref<32768x1024xf32, #tpu.memory_space<hbm>> -> memref<16x1024xf32, #tpu.memory_space<hbm>>
      %dma_wait3A_911 = tpu.memref_slice %arg14[%dma_wait3A_904] : memref<5x!tpu.dma_semaphore, #tpu.memory_space<semaphore_mem>> -> memref<1x!tpu.dma_semaphore, #tpu.memory_space<semaphore_mem>>
      %dma_wait3A_912 = tpu.memref_squeeze %dma_wait3A_911 : memref<1x!tpu.dma_semaphore, #tpu.memory_space<semaphore_mem>> -> memref<!tpu.dma_semaphore, #tpu.memory_space<semaphore_mem>>
      %dma_wait3A_913 = arith.constant 0 : i32
      %dma_wait3A_914 = tpu.memref_slice %arg4[%add3A_903, %dma_wait3A_913] : memref<32768x1024xf32, #tpu.memory_space<hbm>> -> memref<16x1024xf32, #tpu.memory_space<hbm>>
      %dma_wait3A_915 = arith.constant 0 : i32
      %dma_wait3A_916 = arith.constant 0 : i32
      %dma_wait3A_917 = tpu.memref_slice %arg11[%dma_wait3A, %dma_wait3A_915, %dma_wait3A_916] : memref<5x16x1024xf32, #tpu.memory_space<vmem>> -> memref<1x16x1024xf32, #tpu.memory_space<vmem>>
      %dma_wait3A_918 = tpu.memref_squeeze %dma_wait3A_917 : memref<1x16x1024xf32, #tpu.memory_space<vmem>> -> memref<16x1024xf32, #tpu.memory_space<vmem>>
      tpu.wait_dma2 semaphore(%dma_wait3A_912 : memref<!tpu.dma_semaphore, #tpu.memory_space<semaphore_mem>>) src(%dma_wait3A_918 : memref<16x1024xf32, #tpu.memory_space<vmem>>) dst(%dma_wait3A_914 : memref<16x1024xf32, #tpu.memory_space<hbm>>)
    } else {
    }
    %le3A_169 = arith.constant 7 : i32
    %le3A_170 = arith.cmpi sle, %select_n3A, %le3A_169 : i32
    %convert_element_type3A_171 = arith.extui %le3A_170 : i1 to i32
    %cond3A_172 = arith.constant 0 : i32
    %cond3A_173 = arith.cmpi ne, %convert_element_type3A_171, %cond3A_172 : i32
    scf.if %cond3A_173 {
      %add3A_902 = arith.constant 112 : i32
      %add3A_903 = arith.addi %mul3A_2, %add3A_902 : i32
      %dma_wait3A = arith.constant 0 : i32
      %dma_wait3A_904 = tpu.memref_slice %arg4[%add3A_903, %dma_wait3A] : memref<32768x1024xf32, #tpu.memory_space<hbm>> -> memref<16x1024xf32, #tpu.memory_space<hbm>>
      %dma_wait3A_905 = arith.constant 0 : i32
      %dma_wait3A_906 = tpu.memref_slice %arg4[%add3A_903, %dma_wait3A_905] : memref<32768x1024xf32, #tpu.memory_space<hbm>> -> memref<16x1024xf32, #tpu.memory_space<hbm>>
      tpu.wait_dma2 semaphore(%arg15 : memref<!tpu.dma_semaphore, #tpu.memory_space<semaphore_mem>>) src(%arg12 : memref<16x1024xf32, #tpu.memory_space<vmem>>) dst(%dma_wait3A_906 : memref<16x1024xf32, #tpu.memory_space<hbm>>)
    } else {
    }
    %gt3A_174 = arith.constant 8 : i32
    %gt3A_175 = arith.cmpi sgt, %select_n3A, %gt3A_174 : i32
    %le3A_176 = arith.constant 13 : i32
    %le3A_177 = arith.cmpi sle, %select_n3A, %le3A_176 : i32
    %and3A_178 = arith.andi %gt3A_175, %le3A_177 : i1
    %convert_element_type3A_179 = arith.extui %and3A_178 : i1 to i32
    %cond3A_180 = arith.constant 0 : i32
    %cond3A_181 = arith.cmpi ne, %convert_element_type3A_179, %cond3A_180 : i32
    scf.if %cond3A_181 {
      %add3A_902 = arith.constant 128 : i32
      %add3A_903 = arith.addi %mul3A_2, %add3A_902 : i32
      %dma_wait3A = arith.constant 3 : i32
      %dma_wait3A_904 = arith.constant 3 : i32
      %dma_wait3A_905 = arith.constant 0 : i32
      %dma_wait3A_906 = arith.constant 0 : i32
      %dma_wait3A_907 = tpu.memref_slice %arg11[%dma_wait3A, %dma_wait3A_905, %dma_wait3A_906] : memref<5x16x1024xf32, #tpu.memory_space<vmem>> -> memref<1x16x1024xf32, #tpu.memory_space<vmem>>
      %dma_wait3A_908 = tpu.memref_squeeze %dma_wait3A_907 : memref<1x16x1024xf32, #tpu.memory_space<vmem>> -> memref<16x1024xf32, #tpu.memory_space<vmem>>
      %dma_wait3A_909 = arith.constant 0 : i32
      %dma_wait3A_910 = tpu.memref_slice %arg4[%add3A_903, %dma_wait3A_909] : memref<32768x1024xf32, #tpu.memory_space<hbm>> -> memref<16x1024xf32, #tpu.memory_space<hbm>>
      %dma_wait3A_911 = tpu.memref_slice %arg14[%dma_wait3A_904] : memref<5x!tpu.dma_semaphore, #tpu.memory_space<semaphore_mem>> -> memref<1x!tpu.dma_semaphore, #tpu.memory_space<semaphore_mem>>
      %dma_wait3A_912 = tpu.memref_squeeze %dma_wait3A_911 : memref<1x!tpu.dma_semaphore, #tpu.memory_space<semaphore_mem>> -> memref<!tpu.dma_semaphore, #tpu.memory_space<semaphore_mem>>
      %dma_wait3A_913 = arith.constant 0 : i32
      %dma_wait3A_914 = tpu.memref_slice %arg4[%add3A_903, %dma_wait3A_913] : memref<32768x1024xf32, #tpu.memory_space<hbm>> -> memref<16x1024xf32, #tpu.memory_space<hbm>>
      %dma_wait3A_915 = arith.constant 0 : i32
      %dma_wait3A_916 = arith.constant 0 : i32
      %dma_wait3A_917 = tpu.memref_slice %arg11[%dma_wait3A, %dma_wait3A_915, %dma_wait3A_916] : memref<5x16x1024xf32, #tpu.memory_space<vmem>> -> memref<1x16x1024xf32, #tpu.memory_space<vmem>>
      %dma_wait3A_918 = tpu.memref_squeeze %dma_wait3A_917 : memref<1x16x1024xf32, #tpu.memory_space<vmem>> -> memref<16x1024xf32, #tpu.memory_space<vmem>>
      tpu.wait_dma2 semaphore(%dma_wait3A_912 : memref<!tpu.dma_semaphore, #tpu.memory_space<semaphore_mem>>) src(%dma_wait3A_918 : memref<16x1024xf32, #tpu.memory_space<vmem>>) dst(%dma_wait3A_914 : memref<16x1024xf32, #tpu.memory_space<hbm>>)
    } else {
    }
    %le3A_182 = arith.constant 8 : i32
    %le3A_183 = arith.cmpi sle, %select_n3A, %le3A_182 : i32
    %convert_element_type3A_184 = arith.extui %le3A_183 : i1 to i32
    %cond3A_185 = arith.constant 0 : i32
    %cond3A_186 = arith.cmpi ne, %convert_element_type3A_184, %cond3A_185 : i32
    scf.if %cond3A_186 {
      %add3A_902 = arith.constant 128 : i32
      %add3A_903 = arith.addi %mul3A_2, %add3A_902 : i32
      %dma_wait3A = arith.constant 0 : i32
      %dma_wait3A_904 = tpu.memref_slice %arg4[%add3A_903, %dma_wait3A] : memref<32768x1024xf32, #tpu.memory_space<hbm>> -> memref<16x1024xf32, #tpu.memory_space<hbm>>
      %dma_wait3A_905 = arith.constant 0 : i32
      %dma_wait3A_906 = tpu.memref_slice %arg4[%add3A_903, %dma_wait3A_905] : memref<32768x1024xf32, #tpu.memory_space<hbm>> -> memref<16x1024xf32, #tpu.memory_space<hbm>>
      tpu.wait_dma2 semaphore(%arg15 : memref<!tpu.dma_semaphore, #tpu.memory_space<semaphore_mem>>) src(%arg12 : memref<16x1024xf32, #tpu.memory_space<vmem>>) dst(%dma_wait3A_906 : memref<16x1024xf32, #tpu.memory_space<hbm>>)
    } else {
    }
    %gt3A_187 = arith.constant 9 : i32
    %gt3A_188 = arith.cmpi sgt, %select_n3A, %gt3A_187 : i32
    %le3A_189 = arith.constant 14 : i32
    %le3A_190 = arith.cmpi sle, %select_n3A, %le3A_189 : i32
    %and3A_191 = arith.andi %gt3A_188, %le3A_190 : i1
    %convert_element_type3A_192 = arith.extui %and3A_191 : i1 to i32
    %cond3A_193 = arith.constant 0 : i32
    %cond3A_194 = arith.cmpi ne, %convert_element_type3A_192, %cond3A_193 : i32
    scf.if %cond3A_194 {
      %add3A_902 = arith.constant 144 : i32
      %add3A_903 = arith.addi %mul3A_2, %add3A_902 : i32
      %dma_wait3A = arith.constant 4 : i32
      %dma_wait3A_904 = arith.constant 4 : i32
      %dma_wait3A_905 = arith.constant 0 : i32
      %dma_wait3A_906 = arith.constant 0 : i32
      %dma_wait3A_907 = tpu.memref_slice %arg11[%dma_wait3A, %dma_wait3A_905, %dma_wait3A_906] : memref<5x16x1024xf32, #tpu.memory_space<vmem>> -> memref<1x16x1024xf32, #tpu.memory_space<vmem>>
      %dma_wait3A_908 = tpu.memref_squeeze %dma_wait3A_907 : memref<1x16x1024xf32, #tpu.memory_space<vmem>> -> memref<16x1024xf32, #tpu.memory_space<vmem>>
      %dma_wait3A_909 = arith.constant 0 : i32
      %dma_wait3A_910 = tpu.memref_slice %arg4[%add3A_903, %dma_wait3A_909] : memref<32768x1024xf32, #tpu.memory_space<hbm>> -> memref<16x1024xf32, #tpu.memory_space<hbm>>
      %dma_wait3A_911 = tpu.memref_slice %arg14[%dma_wait3A_904] : memref<5x!tpu.dma_semaphore, #tpu.memory_space<semaphore_mem>> -> memref<1x!tpu.dma_semaphore, #tpu.memory_space<semaphore_mem>>
      %dma_wait3A_912 = tpu.memref_squeeze %dma_wait3A_911 : memref<1x!tpu.dma_semaphore, #tpu.memory_space<semaphore_mem>> -> memref<!tpu.dma_semaphore, #tpu.memory_space<semaphore_mem>>
      %dma_wait3A_913 = arith.constant 0 : i32
      %dma_wait3A_914 = tpu.memref_slice %arg4[%add3A_903, %dma_wait3A_913] : memref<32768x1024xf32, #tpu.memory_space<hbm>> -> memref<16x1024xf32, #tpu.memory_space<hbm>>
      %dma_wait3A_915 = arith.constant 0 : i32
      %dma_wait3A_916 = arith.constant 0 : i32
      %dma_wait3A_917 = tpu.memref_slice %arg11[%dma_wait3A, %dma_wait3A_915, %dma_wait3A_916] : memref<5x16x1024xf32, #tpu.memory_space<vmem>> -> memref<1x16x1024xf32, #tpu.memory_space<vmem>>
      %dma_wait3A_918 = tpu.memref_squeeze %dma_wait3A_917 : memref<1x16x1024xf32, #tpu.memory_space<vmem>> -> memref<16x1024xf32, #tpu.memory_space<vmem>>
      tpu.wait_dma2 semaphore(%dma_wait3A_912 : memref<!tpu.dma_semaphore, #tpu.memory_space<semaphore_mem>>) src(%dma_wait3A_918 : memref<16x1024xf32, #tpu.memory_space<vmem>>) dst(%dma_wait3A_914 : memref<16x1024xf32, #tpu.memory_space<hbm>>)
    } else {
    }
    %le3A_195 = arith.constant 9 : i32
    %le3A_196 = arith.cmpi sle, %select_n3A, %le3A_195 : i32
    %convert_element_type3A_197 = arith.extui %le3A_196 : i1 to i32
    %cond3A_198 = arith.constant 0 : i32
    %cond3A_199 = arith.cmpi ne, %convert_element_type3A_197, %cond3A_198 : i32
    scf.if %cond3A_199 {
      %add3A_902 = arith.constant 144 : i32
      %add3A_903 = arith.addi %mul3A_2, %add3A_902 : i32
      %dma_wait3A = arith.constant 0 : i32
      %dma_wait3A_904 = tpu.memref_slice %arg4[%add3A_903, %dma_wait3A] : memref<32768x1024xf32, #tpu.memory_space<hbm>> -> memref<16x1024xf32, #tpu.memory_space<hbm>>
      %dma_wait3A_905 = arith.constant 0 : i32
      %dma_wait3A_906 = tpu.memref_slice %arg4[%add3A_903, %dma_wait3A_905] : memref<32768x1024xf32, #tpu.memory_space<hbm>> -> memref<16x1024xf32, #tpu.memory_space<hbm>>
      tpu.wait_dma2 semaphore(%arg15 : memref<!tpu.dma_semaphore, #tpu.memory_space<semaphore_mem>>) src(%arg12 : memref<16x1024xf32, #tpu.memory_space<vmem>>) dst(%dma_wait3A_906 : memref<16x1024xf32, #tpu.memory_space<hbm>>)
    } else {
    }
    %gt3A_200 = arith.constant 10 : i32
    %gt3A_201 = arith.cmpi sgt, %select_n3A, %gt3A_200 : i32
    %le3A_202 = arith.constant 15 : i32
    %le3A_203 = arith.cmpi sle, %select_n3A, %le3A_202 : i32
    %and3A_204 = arith.andi %gt3A_201, %le3A_203 : i1
    %convert_element_type3A_205 = arith.extui %and3A_204 : i1 to i32
    %cond3A_206 = arith.constant 0 : i32
    %cond3A_207 = arith.cmpi ne, %convert_element_type3A_205, %cond3A_206 : i32
    scf.if %cond3A_207 {
      %add3A_902 = arith.constant 160 : i32
      %add3A_903 = arith.addi %mul3A_2, %add3A_902 : i32
      %dma_wait3A = arith.constant 0 : i32
      %dma_wait3A_904 = arith.constant 0 : i32
      %dma_wait3A_905 = arith.constant 0 : i32
      %dma_wait3A_906 = arith.constant 0 : i32
      %dma_wait3A_907 = tpu.memref_slice %arg11[%dma_wait3A, %dma_wait3A_905, %dma_wait3A_906] : memref<5x16x1024xf32, #tpu.memory_space<vmem>> -> memref<1x16x1024xf32, #tpu.memory_space<vmem>>
      %dma_wait3A_908 = tpu.memref_squeeze %dma_wait3A_907 : memref<1x16x1024xf32, #tpu.memory_space<vmem>> -> memref<16x1024xf32, #tpu.memory_space<vmem>>
      %dma_wait3A_909 = arith.constant 0 : i32
      %dma_wait3A_910 = tpu.memref_slice %arg4[%add3A_903, %dma_wait3A_909] : memref<32768x1024xf32, #tpu.memory_space<hbm>> -> memref<16x1024xf32, #tpu.memory_space<hbm>>
      %dma_wait3A_911 = tpu.memref_slice %arg14[%dma_wait3A_904] : memref<5x!tpu.dma_semaphore, #tpu.memory_space<semaphore_mem>> -> memref<1x!tpu.dma_semaphore, #tpu.memory_space<semaphore_mem>>
      %dma_wait3A_912 = tpu.memref_squeeze %dma_wait3A_911 : memref<1x!tpu.dma_semaphore, #tpu.memory_space<semaphore_mem>> -> memref<!tpu.dma_semaphore, #tpu.memory_space<semaphore_mem>>
      %dma_wait3A_913 = arith.constant 0 : i32
      %dma_wait3A_914 = tpu.memref_slice %arg4[%add3A_903, %dma_wait3A_913] : memref<32768x1024xf32, #tpu.memory_space<hbm>> -> memref<16x1024xf32, #tpu.memory_space<hbm>>
      %dma_wait3A_915 = arith.constant 0 : i32
      %dma_wait3A_916 = arith.constant 0 : i32
      %dma_wait3A_917 = tpu.memref_slice %arg11[%dma_wait3A, %dma_wait3A_915, %dma_wait3A_916] : memref<5x16x1024xf32, #tpu.memory_space<vmem>> -> memref<1x16x1024xf32, #tpu.memory_space<vmem>>
      %dma_wait3A_918 = tpu.memref_squeeze %dma_wait3A_917 : memref<1x16x1024xf32, #tpu.memory_space<vmem>> -> memref<16x1024xf32, #tpu.memory_space<vmem>>
      tpu.wait_dma2 semaphore(%dma_wait3A_912 : memref<!tpu.dma_semaphore, #tpu.memory_space<semaphore_mem>>) src(%dma_wait3A_918 : memref<16x1024xf32, #tpu.memory_space<vmem>>) dst(%dma_wait3A_914 : memref<16x1024xf32, #tpu.memory_space<hbm>>)
    } else {
    }
    %le3A_208 = arith.constant 10 : i32
    %le3A_209 = arith.cmpi sle, %select_n3A, %le3A_208 : i32
    %convert_element_type3A_210 = arith.extui %le3A_209 : i1 to i32
    %cond3A_211 = arith.constant 0 : i32
    %cond3A_212 = arith.cmpi ne, %convert_element_type3A_210, %cond3A_211 : i32
    scf.if %cond3A_212 {
      %add3A_902 = arith.constant 160 : i32
      %add3A_903 = arith.addi %mul3A_2, %add3A_902 : i32
      %dma_wait3A = arith.constant 0 : i32
      %dma_wait3A_904 = tpu.memref_slice %arg4[%add3A_903, %dma_wait3A] : memref<32768x1024xf32, #tpu.memory_space<hbm>> -> memref<16x1024xf32, #tpu.memory_space<hbm>>
      %dma_wait3A_905 = arith.constant 0 : i32
      %dma_wait3A_906 = tpu.memref_slice %arg4[%add3A_903, %dma_wait3A_905] : memref<32768x1024xf32, #tpu.memory_space<hbm>> -> memref<16x1024xf32, #tpu.memory_space<hbm>>
      tpu.wait_dma2 semaphore(%arg15 : memref<!tpu.dma_semaphore, #tpu.memory_space<semaphore_mem>>) src(%arg12 : memref<16x1024xf32, #tpu.memory_space<vmem>>) dst(%dma_wait3A_906 : memref<16x1024xf32, #tpu.memory_space<hbm>>)
    } else {
    }
    %gt3A_213 = arith.constant 11 : i32
    %gt3A_214 = arith.cmpi sgt, %select_n3A, %gt3A_213 : i32
    %le3A_215 = arith.constant 16 : i32
    %le3A_216 = arith.cmpi sle, %select_n3A, %le3A_215 : i32
    %and3A_217 = arith.andi %gt3A_214, %le3A_216 : i1
    %convert_element_type3A_218 = arith.extui %and3A_217 : i1 to i32
    %cond3A_219 = arith.constant 0 : i32
    %cond3A_220 = arith.cmpi ne, %convert_element_type3A_218, %cond3A_219 : i32
    scf.if %cond3A_220 {
      %add3A_902 = arith.constant 176 : i32
      %add3A_903 = arith.addi %mul3A_2, %add3A_902 : i32
      %dma_wait3A = arith.constant 1 : i32
      %dma_wait3A_904 = arith.constant 1 : i32
      %dma_wait3A_905 = arith.constant 0 : i32
      %dma_wait3A_906 = arith.constant 0 : i32
      %dma_wait3A_907 = tpu.memref_slice %arg11[%dma_wait3A, %dma_wait3A_905, %dma_wait3A_906] : memref<5x16x1024xf32, #tpu.memory_space<vmem>> -> memref<1x16x1024xf32, #tpu.memory_space<vmem>>
      %dma_wait3A_908 = tpu.memref_squeeze %dma_wait3A_907 : memref<1x16x1024xf32, #tpu.memory_space<vmem>> -> memref<16x1024xf32, #tpu.memory_space<vmem>>
      %dma_wait3A_909 = arith.constant 0 : i32
      %dma_wait3A_910 = tpu.memref_slice %arg4[%add3A_903, %dma_wait3A_909] : memref<32768x1024xf32, #tpu.memory_space<hbm>> -> memref<16x1024xf32, #tpu.memory_space<hbm>>
      %dma_wait3A_911 = tpu.memref_slice %arg14[%dma_wait3A_904] : memref<5x!tpu.dma_semaphore, #tpu.memory_space<semaphore_mem>> -> memref<1x!tpu.dma_semaphore, #tpu.memory_space<semaphore_mem>>
      %dma_wait3A_912 = tpu.memref_squeeze %dma_wait3A_911 : memref<1x!tpu.dma_semaphore, #tpu.memory_space<semaphore_mem>> -> memref<!tpu.dma_semaphore, #tpu.memory_space<semaphore_mem>>
      %dma_wait3A_913 = arith.constant 0 : i32
      %dma_wait3A_914 = tpu.memref_slice %arg4[%add3A_903, %dma_wait3A_913] : memref<32768x1024xf32, #tpu.memory_space<hbm>> -> memref<16x1024xf32, #tpu.memory_space<hbm>>
      %dma_wait3A_915 = arith.constant 0 : i32
      %dma_wait3A_916 = arith.constant 0 : i32
      %dma_wait3A_917 = tpu.memref_slice %arg11[%dma_wait3A, %dma_wait3A_915, %dma_wait3A_916] : memref<5x16x1024xf32, #tpu.memory_space<vmem>> -> memref<1x16x1024xf32, #tpu.memory_space<vmem>>
      %dma_wait3A_918 = tpu.memref_squeeze %dma_wait3A_917 : memref<1x16x1024xf32, #tpu.memory_space<vmem>> -> memref<16x1024xf32, #tpu.memory_space<vmem>>
      tpu.wait_dma2 semaphore(%dma_wait3A_912 : memref<!tpu.dma_semaphore, #tpu.memory_space<semaphore_mem>>) src(%dma_wait3A_918 : memref<16x1024xf32, #tpu.memory_space<vmem>>) dst(%dma_wait3A_914 : memref<16x1024xf32, #tpu.memory_space<hbm>>)
    } else {
    }
    %le3A_221 = arith.constant 11 : i32
    %le3A_222 = arith.cmpi sle, %select_n3A, %le3A_221 : i32
    %convert_element_type3A_223 = arith.extui %le3A_222 : i1 to i32
    %cond3A_224 = arith.constant 0 : i32
    %cond3A_225 = arith.cmpi ne, %convert_element_type3A_223, %cond3A_224 : i32
    scf.if %cond3A_225 {
      %add3A_902 = arith.constant 176 : i32
      %add3A_903 = arith.addi %mul3A_2, %add3A_902 : i32
      %dma_wait3A = arith.constant 0 : i32
      %dma_wait3A_904 = tpu.memref_slice %arg4[%add3A_903, %dma_wait3A] : memref<32768x1024xf32, #tpu.memory_space<hbm>> -> memref<16x1024xf32, #tpu.memory_space<hbm>>
      %dma_wait3A_905 = arith.constant 0 : i32
      %dma_wait3A_906 = tpu.memref_slice %arg4[%add3A_903, %dma_wait3A_905] : memref<32768x1024xf32, #tpu.memory_space<hbm>> -> memref<16x1024xf32, #tpu.memory_space<hbm>>
      tpu.wait_dma2 semaphore(%arg15 : memref<!tpu.dma_semaphore, #tpu.memory_space<semaphore_mem>>) src(%arg12 : memref<16x1024xf32, #tpu.memory_space<vmem>>) dst(%dma_wait3A_906 : memref<16x1024xf32, #tpu.memory_space<hbm>>)
    } else {
    }
    %gt3A_226 = arith.constant 12 : i32
    %gt3A_227 = arith.cmpi sgt, %select_n3A, %gt3A_226 : i32
    %le3A_228 = arith.constant 17 : i32
    %le3A_229 = arith.cmpi sle, %select_n3A, %le3A_228 : i32
    %and3A_230 = arith.andi %gt3A_227, %le3A_229 : i1
    %convert_element_type3A_231 = arith.extui %and3A_230 : i1 to i32
    %cond3A_232 = arith.constant 0 : i32
    %cond3A_233 = arith.cmpi ne, %convert_element_type3A_231, %cond3A_232 : i32
    scf.if %cond3A_233 {
      %add3A_902 = arith.constant 192 : i32
      %add3A_903 = arith.addi %mul3A_2, %add3A_902 : i32
      %dma_wait3A = arith.constant 2 : i32
      %dma_wait3A_904 = arith.constant 2 : i32
      %dma_wait3A_905 = arith.constant 0 : i32
      %dma_wait3A_906 = arith.constant 0 : i32
      %dma_wait3A_907 = tpu.memref_slice %arg11[%dma_wait3A, %dma_wait3A_905, %dma_wait3A_906] : memref<5x16x1024xf32, #tpu.memory_space<vmem>> -> memref<1x16x1024xf32, #tpu.memory_space<vmem>>
      %dma_wait3A_908 = tpu.memref_squeeze %dma_wait3A_907 : memref<1x16x1024xf32, #tpu.memory_space<vmem>> -> memref<16x1024xf32, #tpu.memory_space<vmem>>
      %dma_wait3A_909 = arith.constant 0 : i32
      %dma_wait3A_910 = tpu.memref_slice %arg4[%add3A_903, %dma_wait3A_909] : memref<32768x1024xf32, #tpu.memory_space<hbm>> -> memref<16x1024xf32, #tpu.memory_space<hbm>>
      %dma_wait3A_911 = tpu.memref_slice %arg14[%dma_wait3A_904] : memref<5x!tpu.dma_semaphore, #tpu.memory_space<semaphore_mem>> -> memref<1x!tpu.dma_semaphore, #tpu.memory_space<semaphore_mem>>
      %dma_wait3A_912 = tpu.memref_squeeze %dma_wait3A_911 : memref<1x!tpu.dma_semaphore, #tpu.memory_space<semaphore_mem>> -> memref<!tpu.dma_semaphore, #tpu.memory_space<semaphore_mem>>
      %dma_wait3A_913 = arith.constant 0 : i32
      %dma_wait3A_914 = tpu.memref_slice %arg4[%add3A_903, %dma_wait3A_913] : memref<32768x1024xf32, #tpu.memory_space<hbm>> -> memref<16x1024xf32, #tpu.memory_space<hbm>>
      %dma_wait3A_915 = arith.constant 0 : i32
      %dma_wait3A_916 = arith.constant 0 : i32
      %dma_wait3A_917 = tpu.memref_slice %arg11[%dma_wait3A, %dma_wait3A_915, %dma_wait3A_916] : memref<5x16x1024xf32, #tpu.memory_space<vmem>> -> memref<1x16x1024xf32, #tpu.memory_space<vmem>>
      %dma_wait3A_918 = tpu.memref_squeeze %dma_wait3A_917 : memref<1x16x1024xf32, #tpu.memory_space<vmem>> -> memref<16x1024xf32, #tpu.memory_space<vmem>>
      tpu.wait_dma2 semaphore(%dma_wait3A_912 : memref<!tpu.dma_semaphore, #tpu.memory_space<semaphore_mem>>) src(%dma_wait3A_918 : memref<16x1024xf32, #tpu.memory_space<vmem>>) dst(%dma_wait3A_914 : memref<16x1024xf32, #tpu.memory_space<hbm>>)
    } else {
    }
    %le3A_234 = arith.constant 12 : i32
    %le3A_235 = arith.cmpi sle, %select_n3A, %le3A_234 : i32
    %convert_element_type3A_236 = arith.extui %le3A_235 : i1 to i32
    %cond3A_237 = arith.constant 0 : i32
    %cond3A_238 = arith.cmpi ne, %convert_element_type3A_236, %cond3A_237 : i32
    scf.if %cond3A_238 {
      %add3A_902 = arith.constant 192 : i32
      %add3A_903 = arith.addi %mul3A_2, %add3A_902 : i32
      %dma_wait3A = arith.constant 0 : i32
      %dma_wait3A_904 = tpu.memref_slice %arg4[%add3A_903, %dma_wait3A] : memref<32768x1024xf32, #tpu.memory_space<hbm>> -> memref<16x1024xf32, #tpu.memory_space<hbm>>
      %dma_wait3A_905 = arith.constant 0 : i32
      %dma_wait3A_906 = tpu.memref_slice %arg4[%add3A_903, %dma_wait3A_905] : memref<32768x1024xf32, #tpu.memory_space<hbm>> -> memref<16x1024xf32, #tpu.memory_space<hbm>>
      tpu.wait_dma2 semaphore(%arg15 : memref<!tpu.dma_semaphore, #tpu.memory_space<semaphore_mem>>) src(%arg12 : memref<16x1024xf32, #tpu.memory_space<vmem>>) dst(%dma_wait3A_906 : memref<16x1024xf32, #tpu.memory_space<hbm>>)
    } else {
    }
    %gt3A_239 = arith.constant 13 : i32
    %gt3A_240 = arith.cmpi sgt, %select_n3A, %gt3A_239 : i32
    %le3A_241 = arith.constant 18 : i32
    %le3A_242 = arith.cmpi sle, %select_n3A, %le3A_241 : i32
    %and3A_243 = arith.andi %gt3A_240, %le3A_242 : i1
    %convert_element_type3A_244 = arith.extui %and3A_243 : i1 to i32
    %cond3A_245 = arith.constant 0 : i32
    %cond3A_246 = arith.cmpi ne, %convert_element_type3A_244, %cond3A_245 : i32
    scf.if %cond3A_246 {
      %add3A_902 = arith.constant 208 : i32
      %add3A_903 = arith.addi %mul3A_2, %add3A_902 : i32
      %dma_wait3A = arith.constant 3 : i32
      %dma_wait3A_904 = arith.constant 3 : i32
      %dma_wait3A_905 = arith.constant 0 : i32
      %dma_wait3A_906 = arith.constant 0 : i32
      %dma_wait3A_907 = tpu.memref_slice %arg11[%dma_wait3A, %dma_wait3A_905, %dma_wait3A_906] : memref<5x16x1024xf32, #tpu.memory_space<vmem>> -> memref<1x16x1024xf32, #tpu.memory_space<vmem>>
      %dma_wait3A_908 = tpu.memref_squeeze %dma_wait3A_907 : memref<1x16x1024xf32, #tpu.memory_space<vmem>> -> memref<16x1024xf32, #tpu.memory_space<vmem>>
      %dma_wait3A_909 = arith.constant 0 : i32
      %dma_wait3A_910 = tpu.memref_slice %arg4[%add3A_903, %dma_wait3A_909] : memref<32768x1024xf32, #tpu.memory_space<hbm>> -> memref<16x1024xf32, #tpu.memory_space<hbm>>
      %dma_wait3A_911 = tpu.memref_slice %arg14[%dma_wait3A_904] : memref<5x!tpu.dma_semaphore, #tpu.memory_space<semaphore_mem>> -> memref<1x!tpu.dma_semaphore, #tpu.memory_space<semaphore_mem>>
      %dma_wait3A_912 = tpu.memref_squeeze %dma_wait3A_911 : memref<1x!tpu.dma_semaphore, #tpu.memory_space<semaphore_mem>> -> memref<!tpu.dma_semaphore, #tpu.memory_space<semaphore_mem>>
      %dma_wait3A_913 = arith.constant 0 : i32
      %dma_wait3A_914 = tpu.memref_slice %arg4[%add3A_903, %dma_wait3A_913] : memref<32768x1024xf32, #tpu.memory_space<hbm>> -> memref<16x1024xf32, #tpu.memory_space<hbm>>
      %dma_wait3A_915 = arith.constant 0 : i32
      %dma_wait3A_916 = arith.constant 0 : i32
      %dma_wait3A_917 = tpu.memref_slice %arg11[%dma_wait3A, %dma_wait3A_915, %dma_wait3A_916] : memref<5x16x1024xf32, #tpu.memory_space<vmem>> -> memref<1x16x1024xf32, #tpu.memory_space<vmem>>
      %dma_wait3A_918 = tpu.memref_squeeze %dma_wait3A_917 : memref<1x16x1024xf32, #tpu.memory_space<vmem>> -> memref<16x1024xf32, #tpu.memory_space<vmem>>
      tpu.wait_dma2 semaphore(%dma_wait3A_912 : memref<!tpu.dma_semaphore, #tpu.memory_space<semaphore_mem>>) src(%dma_wait3A_918 : memref<16x1024xf32, #tpu.memory_space<vmem>>) dst(%dma_wait3A_914 : memref<16x1024xf32, #tpu.memory_space<hbm>>)
    } else {
    }
    %le3A_247 = arith.constant 13 : i32
    %le3A_248 = arith.cmpi sle, %select_n3A, %le3A_247 : i32
    %convert_element_type3A_249 = arith.extui %le3A_248 : i1 to i32
    %cond3A_250 = arith.constant 0 : i32
    %cond3A_251 = arith.cmpi ne, %convert_element_type3A_249, %cond3A_250 : i32
    scf.if %cond3A_251 {
      %add3A_902 = arith.constant 208 : i32
      %add3A_903 = arith.addi %mul3A_2, %add3A_902 : i32
      %dma_wait3A = arith.constant 0 : i32
      %dma_wait3A_904 = tpu.memref_slice %arg4[%add3A_903, %dma_wait3A] : memref<32768x1024xf32, #tpu.memory_space<hbm>> -> memref<16x1024xf32, #tpu.memory_space<hbm>>
      %dma_wait3A_905 = arith.constant 0 : i32
      %dma_wait3A_906 = tpu.memref_slice %arg4[%add3A_903, %dma_wait3A_905] : memref<32768x1024xf32, #tpu.memory_space<hbm>> -> memref<16x1024xf32, #tpu.memory_space<hbm>>
      tpu.wait_dma2 semaphore(%arg15 : memref<!tpu.dma_semaphore, #tpu.memory_space<semaphore_mem>>) src(%arg12 : memref<16x1024xf32, #tpu.memory_space<vmem>>) dst(%dma_wait3A_906 : memref<16x1024xf32, #tpu.memory_space<hbm>>)
    } else {
    }
    %gt3A_252 = arith.constant 14 : i32
    %gt3A_253 = arith.cmpi sgt, %select_n3A, %gt3A_252 : i32
    %le3A_254 = arith.constant 19 : i32
    %le3A_255 = arith.cmpi sle, %select_n3A, %le3A_254 : i32
    %and3A_256 = arith.andi %gt3A_253, %le3A_255 : i1
    %convert_element_type3A_257 = arith.extui %and3A_256 : i1 to i32
    %cond3A_258 = arith.constant 0 : i32
    %cond3A_259 = arith.cmpi ne, %convert_element_type3A_257, %cond3A_258 : i32
    scf.if %cond3A_259 {
      %add3A_902 = arith.constant 224 : i32
      %add3A_903 = arith.addi %mul3A_2, %add3A_902 : i32
      %dma_wait3A = arith.constant 4 : i32
      %dma_wait3A_904 = arith.constant 4 : i32
      %dma_wait3A_905 = arith.constant 0 : i32
      %dma_wait3A_906 = arith.constant 0 : i32
      %dma_wait3A_907 = tpu.memref_slice %arg11[%dma_wait3A, %dma_wait3A_905, %dma_wait3A_906] : memref<5x16x1024xf32, #tpu.memory_space<vmem>> -> memref<1x16x1024xf32, #tpu.memory_space<vmem>>
      %dma_wait3A_908 = tpu.memref_squeeze %dma_wait3A_907 : memref<1x16x1024xf32, #tpu.memory_space<vmem>> -> memref<16x1024xf32, #tpu.memory_space<vmem>>
      %dma_wait3A_909 = arith.constant 0 : i32
      %dma_wait3A_910 = tpu.memref_slice %arg4[%add3A_903, %dma_wait3A_909] : memref<32768x1024xf32, #tpu.memory_space<hbm>> -> memref<16x1024xf32, #tpu.memory_space<hbm>>
      %dma_wait3A_911 = tpu.memref_slice %arg14[%dma_wait3A_904] : memref<5x!tpu.dma_semaphore, #tpu.memory_space<semaphore_mem>> -> memref<1x!tpu.dma_semaphore, #tpu.memory_space<semaphore_mem>>
      %dma_wait3A_912 = tpu.memref_squeeze %dma_wait3A_911 : memref<1x!tpu.dma_semaphore, #tpu.memory_space<semaphore_mem>> -> memref<!tpu.dma_semaphore, #tpu.memory_space<semaphore_mem>>
      %dma_wait3A_913 = arith.constant 0 : i32
      %dma_wait3A_914 = tpu.memref_slice %arg4[%add3A_903, %dma_wait3A_913] : memref<32768x1024xf32, #tpu.memory_space<hbm>> -> memref<16x1024xf32, #tpu.memory_space<hbm>>
      %dma_wait3A_915 = arith.constant 0 : i32
      %dma_wait3A_916 = arith.constant 0 : i32
      %dma_wait3A_917 = tpu.memref_slice %arg11[%dma_wait3A, %dma_wait3A_915, %dma_wait3A_916] : memref<5x16x1024xf32, #tpu.memory_space<vmem>> -> memref<1x16x1024xf32, #tpu.memory_space<vmem>>
      %dma_wait3A_918 = tpu.memref_squeeze %dma_wait3A_917 : memref<1x16x1024xf32, #tpu.memory_space<vmem>> -> memref<16x1024xf32, #tpu.memory_space<vmem>>
      tpu.wait_dma2 semaphore(%dma_wait3A_912 : memref<!tpu.dma_semaphore, #tpu.memory_space<semaphore_mem>>) src(%dma_wait3A_918 : memref<16x1024xf32, #tpu.memory_space<vmem>>) dst(%dma_wait3A_914 : memref<16x1024xf32, #tpu.memory_space<hbm>>)
    } else {
    }
    %le3A_260 = arith.constant 14 : i32
    %le3A_261 = arith.cmpi sle, %select_n3A, %le3A_260 : i32
    %convert_element_type3A_262 = arith.extui %le3A_261 : i1 to i32
    %cond3A_263 = arith.constant 0 : i32
    %cond3A_264 = arith.cmpi ne, %convert_element_type3A_262, %cond3A_263 : i32
    scf.if %cond3A_264 {
      %add3A_902 = arith.constant 224 : i32
      %add3A_903 = arith.addi %mul3A_2, %add3A_902 : i32
      %dma_wait3A = arith.constant 0 : i32
      %dma_wait3A_904 = tpu.memref_slice %arg4[%add3A_903, %dma_wait3A] : memref<32768x1024xf32, #tpu.memory_space<hbm>> -> memref<16x1024xf32, #tpu.memory_space<hbm>>
      %dma_wait3A_905 = arith.constant 0 : i32
      %dma_wait3A_906 = tpu.memref_slice %arg4[%add3A_903, %dma_wait3A_905] : memref<32768x1024xf32, #tpu.memory_space<hbm>> -> memref<16x1024xf32, #tpu.memory_space<hbm>>
      tpu.wait_dma2 semaphore(%arg15 : memref<!tpu.dma_semaphore, #tpu.memory_space<semaphore_mem>>) src(%arg12 : memref<16x1024xf32, #tpu.memory_space<vmem>>) dst(%dma_wait3A_906 : memref<16x1024xf32, #tpu.memory_space<hbm>>)
    } else {
    }
    %gt3A_265 = arith.constant 15 : i32
    %gt3A_266 = arith.cmpi sgt, %select_n3A, %gt3A_265 : i32
    %le3A_267 = arith.constant 20 : i32
    %le3A_268 = arith.cmpi sle, %select_n3A, %le3A_267 : i32
    %and3A_269 = arith.andi %gt3A_266, %le3A_268 : i1
    %convert_element_type3A_270 = arith.extui %and3A_269 : i1 to i32
    %cond3A_271 = arith.constant 0 : i32
    %cond3A_272 = arith.cmpi ne, %convert_element_type3A_270, %cond3A_271 : i32
    scf.if %cond3A_272 {
      %add3A_902 = arith.constant 240 : i32
      %add3A_903 = arith.addi %mul3A_2, %add3A_902 : i32
      %dma_wait3A = arith.constant 0 : i32
      %dma_wait3A_904 = arith.constant 0 : i32
      %dma_wait3A_905 = arith.constant 0 : i32
      %dma_wait3A_906 = arith.constant 0 : i32
      %dma_wait3A_907 = tpu.memref_slice %arg11[%dma_wait3A, %dma_wait3A_905, %dma_wait3A_906] : memref<5x16x1024xf32, #tpu.memory_space<vmem>> -> memref<1x16x1024xf32, #tpu.memory_space<vmem>>
      %dma_wait3A_908 = tpu.memref_squeeze %dma_wait3A_907 : memref<1x16x1024xf32, #tpu.memory_space<vmem>> -> memref<16x1024xf32, #tpu.memory_space<vmem>>
      %dma_wait3A_909 = arith.constant 0 : i32
      %dma_wait3A_910 = tpu.memref_slice %arg4[%add3A_903, %dma_wait3A_909] : memref<32768x1024xf32, #tpu.memory_space<hbm>> -> memref<16x1024xf32, #tpu.memory_space<hbm>>
      %dma_wait3A_911 = tpu.memref_slice %arg14[%dma_wait3A_904] : memref<5x!tpu.dma_semaphore, #tpu.memory_space<semaphore_mem>> -> memref<1x!tpu.dma_semaphore, #tpu.memory_space<semaphore_mem>>
      %dma_wait3A_912 = tpu.memref_squeeze %dma_wait3A_911 : memref<1x!tpu.dma_semaphore, #tpu.memory_space<semaphore_mem>> -> memref<!tpu.dma_semaphore, #tpu.memory_space<semaphore_mem>>
      %dma_wait3A_913 = arith.constant 0 : i32
      %dma_wait3A_914 = tpu.memref_slice %arg4[%add3A_903, %dma_wait3A_913] : memref<32768x1024xf32, #tpu.memory_space<hbm>> -> memref<16x1024xf32, #tpu.memory_space<hbm>>
      %dma_wait3A_915 = arith.constant 0 : i32
      %dma_wait3A_916 = arith.constant 0 : i32
      %dma_wait3A_917 = tpu.memref_slice %arg11[%dma_wait3A, %dma_wait3A_915, %dma_wait3A_916] : memref<5x16x1024xf32, #tpu.memory_space<vmem>> -> memref<1x16x1024xf32, #tpu.memory_space<vmem>>
      %dma_wait3A_918 = tpu.memref_squeeze %dma_wait3A_917 : memref<1x16x1024xf32, #tpu.memory_space<vmem>> -> memref<16x1024xf32, #tpu.memory_space<vmem>>
      tpu.wait_dma2 semaphore(%dma_wait3A_912 : memref<!tpu.dma_semaphore, #tpu.memory_space<semaphore_mem>>) src(%dma_wait3A_918 : memref<16x1024xf32, #tpu.memory_space<vmem>>) dst(%dma_wait3A_914 : memref<16x1024xf32, #tpu.memory_space<hbm>>)
    } else {
    }
    %le3A_273 = arith.constant 15 : i32
    %le3A_274 = arith.cmpi sle, %select_n3A, %le3A_273 : i32
    %convert_element_type3A_275 = arith.extui %le3A_274 : i1 to i32
    %cond3A_276 = arith.constant 0 : i32
    %cond3A_277 = arith.cmpi ne, %convert_element_type3A_275, %cond3A_276 : i32
    scf.if %cond3A_277 {
      %add3A_902 = arith.constant 240 : i32
      %add3A_903 = arith.addi %mul3A_2, %add3A_902 : i32
      %dma_wait3A = arith.constant 0 : i32
      %dma_wait3A_904 = tpu.memref_slice %arg4[%add3A_903, %dma_wait3A] : memref<32768x1024xf32, #tpu.memory_space<hbm>> -> memref<16x1024xf32, #tpu.memory_space<hbm>>
      %dma_wait3A_905 = arith.constant 0 : i32
      %dma_wait3A_906 = tpu.memref_slice %arg4[%add3A_903, %dma_wait3A_905] : memref<32768x1024xf32, #tpu.memory_space<hbm>> -> memref<16x1024xf32, #tpu.memory_space<hbm>>
      tpu.wait_dma2 semaphore(%arg15 : memref<!tpu.dma_semaphore, #tpu.memory_space<semaphore_mem>>) src(%arg12 : memref<16x1024xf32, #tpu.memory_space<vmem>>) dst(%dma_wait3A_906 : memref<16x1024xf32, #tpu.memory_space<hbm>>)
    } else {
    }
    %gt3A_278 = arith.constant 16 : i32
    %gt3A_279 = arith.cmpi sgt, %select_n3A, %gt3A_278 : i32
    %le3A_280 = arith.constant 21 : i32
    %le3A_281 = arith.cmpi sle, %select_n3A, %le3A_280 : i32
    %and3A_282 = arith.andi %gt3A_279, %le3A_281 : i1
    %convert_element_type3A_283 = arith.extui %and3A_282 : i1 to i32
    %cond3A_284 = arith.constant 0 : i32
    %cond3A_285 = arith.cmpi ne, %convert_element_type3A_283, %cond3A_284 : i32
    scf.if %cond3A_285 {
      %add3A_902 = arith.constant 256 : i32
      %add3A_903 = arith.addi %mul3A_2, %add3A_902 : i32
      %dma_wait3A = arith.constant 1 : i32
      %dma_wait3A_904 = arith.constant 1 : i32
      %dma_wait3A_905 = arith.constant 0 : i32
      %dma_wait3A_906 = arith.constant 0 : i32
      %dma_wait3A_907 = tpu.memref_slice %arg11[%dma_wait3A, %dma_wait3A_905, %dma_wait3A_906] : memref<5x16x1024xf32, #tpu.memory_space<vmem>> -> memref<1x16x1024xf32, #tpu.memory_space<vmem>>
      %dma_wait3A_908 = tpu.memref_squeeze %dma_wait3A_907 : memref<1x16x1024xf32, #tpu.memory_space<vmem>> -> memref<16x1024xf32, #tpu.memory_space<vmem>>
      %dma_wait3A_909 = arith.constant 0 : i32
      %dma_wait3A_910 = tpu.memref_slice %arg4[%add3A_903, %dma_wait3A_909] : memref<32768x1024xf32, #tpu.memory_space<hbm>> -> memref<16x1024xf32, #tpu.memory_space<hbm>>
      %dma_wait3A_911 = tpu.memref_slice %arg14[%dma_wait3A_904] : memref<5x!tpu.dma_semaphore, #tpu.memory_space<semaphore_mem>> -> memref<1x!tpu.dma_semaphore, #tpu.memory_space<semaphore_mem>>
      %dma_wait3A_912 = tpu.memref_squeeze %dma_wait3A_911 : memref<1x!tpu.dma_semaphore, #tpu.memory_space<semaphore_mem>> -> memref<!tpu.dma_semaphore, #tpu.memory_space<semaphore_mem>>
      %dma_wait3A_913 = arith.constant 0 : i32
      %dma_wait3A_914 = tpu.memref_slice %arg4[%add3A_903, %dma_wait3A_913] : memref<32768x1024xf32, #tpu.memory_space<hbm>> -> memref<16x1024xf32, #tpu.memory_space<hbm>>
      %dma_wait3A_915 = arith.constant 0 : i32
      %dma_wait3A_916 = arith.constant 0 : i32
      %dma_wait3A_917 = tpu.memref_slice %arg11[%dma_wait3A, %dma_wait3A_915, %dma_wait3A_916] : memref<5x16x1024xf32, #tpu.memory_space<vmem>> -> memref<1x16x1024xf32, #tpu.memory_space<vmem>>
      %dma_wait3A_918 = tpu.memref_squeeze %dma_wait3A_917 : memref<1x16x1024xf32, #tpu.memory_space<vmem>> -> memref<16x1024xf32, #tpu.memory_space<vmem>>
      tpu.wait_dma2 semaphore(%dma_wait3A_912 : memref<!tpu.dma_semaphore, #tpu.memory_space<semaphore_mem>>) src(%dma_wait3A_918 : memref<16x1024xf32, #tpu.memory_space<vmem>>) dst(%dma_wait3A_914 : memref<16x1024xf32, #tpu.memory_space<hbm>>)
    } else {
    }
    %le3A_286 = arith.constant 16 : i32
    %le3A_287 = arith.cmpi sle, %select_n3A, %le3A_286 : i32
    %convert_element_type3A_288 = arith.extui %le3A_287 : i1 to i32
    %cond3A_289 = arith.constant 0 : i32
    %cond3A_290 = arith.cmpi ne, %convert_element_type3A_288, %cond3A_289 : i32
    scf.if %cond3A_290 {
      %add3A_902 = arith.constant 256 : i32
      %add3A_903 = arith.addi %mul3A_2, %add3A_902 : i32
      %dma_wait3A = arith.constant 0 : i32
      %dma_wait3A_904 = tpu.memref_slice %arg4[%add3A_903, %dma_wait3A] : memref<32768x1024xf32, #tpu.memory_space<hbm>> -> memref<16x1024xf32, #tpu.memory_space<hbm>>
      %dma_wait3A_905 = arith.constant 0 : i32
      %dma_wait3A_906 = tpu.memref_slice %arg4[%add3A_903, %dma_wait3A_905] : memref<32768x1024xf32, #tpu.memory_space<hbm>> -> memref<16x1024xf32, #tpu.memory_space<hbm>>
      tpu.wait_dma2 semaphore(%arg15 : memref<!tpu.dma_semaphore, #tpu.memory_space<semaphore_mem>>) src(%arg12 : memref<16x1024xf32, #tpu.memory_space<vmem>>) dst(%dma_wait3A_906 : memref<16x1024xf32, #tpu.memory_space<hbm>>)
    } else {
    }
    %gt3A_291 = arith.constant 17 : i32
    %gt3A_292 = arith.cmpi sgt, %select_n3A, %gt3A_291 : i32
    %le3A_293 = arith.constant 22 : i32
    %le3A_294 = arith.cmpi sle, %select_n3A, %le3A_293 : i32
    %and3A_295 = arith.andi %gt3A_292, %le3A_294 : i1
    %convert_element_type3A_296 = arith.extui %and3A_295 : i1 to i32
    %cond3A_297 = arith.constant 0 : i32
    %cond3A_298 = arith.cmpi ne, %convert_element_type3A_296, %cond3A_297 : i32
    scf.if %cond3A_298 {
      %add3A_902 = arith.constant 272 : i32
      %add3A_903 = arith.addi %mul3A_2, %add3A_902 : i32
      %dma_wait3A = arith.constant 2 : i32
      %dma_wait3A_904 = arith.constant 2 : i32
      %dma_wait3A_905 = arith.constant 0 : i32
      %dma_wait3A_906 = arith.constant 0 : i32
      %dma_wait3A_907 = tpu.memref_slice %arg11[%dma_wait3A, %dma_wait3A_905, %dma_wait3A_906] : memref<5x16x1024xf32, #tpu.memory_space<vmem>> -> memref<1x16x1024xf32, #tpu.memory_space<vmem>>
      %dma_wait3A_908 = tpu.memref_squeeze %dma_wait3A_907 : memref<1x16x1024xf32, #tpu.memory_space<vmem>> -> memref<16x1024xf32, #tpu.memory_space<vmem>>
      %dma_wait3A_909 = arith.constant 0 : i32
      %dma_wait3A_910 = tpu.memref_slice %arg4[%add3A_903, %dma_wait3A_909] : memref<32768x1024xf32, #tpu.memory_space<hbm>> -> memref<16x1024xf32, #tpu.memory_space<hbm>>
      %dma_wait3A_911 = tpu.memref_slice %arg14[%dma_wait3A_904] : memref<5x!tpu.dma_semaphore, #tpu.memory_space<semaphore_mem>> -> memref<1x!tpu.dma_semaphore, #tpu.memory_space<semaphore_mem>>
      %dma_wait3A_912 = tpu.memref_squeeze %dma_wait3A_911 : memref<1x!tpu.dma_semaphore, #tpu.memory_space<semaphore_mem>> -> memref<!tpu.dma_semaphore, #tpu.memory_space<semaphore_mem>>
      %dma_wait3A_913 = arith.constant 0 : i32
      %dma_wait3A_914 = tpu.memref_slice %arg4[%add3A_903, %dma_wait3A_913] : memref<32768x1024xf32, #tpu.memory_space<hbm>> -> memref<16x1024xf32, #tpu.memory_space<hbm>>
      %dma_wait3A_915 = arith.constant 0 : i32
      %dma_wait3A_916 = arith.constant 0 : i32
      %dma_wait3A_917 = tpu.memref_slice %arg11[%dma_wait3A, %dma_wait3A_915, %dma_wait3A_916] : memref<5x16x1024xf32, #tpu.memory_space<vmem>> -> memref<1x16x1024xf32, #tpu.memory_space<vmem>>
      %dma_wait3A_918 = tpu.memref_squeeze %dma_wait3A_917 : memref<1x16x1024xf32, #tpu.memory_space<vmem>> -> memref<16x1024xf32, #tpu.memory_space<vmem>>
      tpu.wait_dma2 semaphore(%dma_wait3A_912 : memref<!tpu.dma_semaphore, #tpu.memory_space<semaphore_mem>>) src(%dma_wait3A_918 : memref<16x1024xf32, #tpu.memory_space<vmem>>) dst(%dma_wait3A_914 : memref<16x1024xf32, #tpu.memory_space<hbm>>)
    } else {
    }
    %le3A_299 = arith.constant 17 : i32
    %le3A_300 = arith.cmpi sle, %select_n3A, %le3A_299 : i32
    %convert_element_type3A_301 = arith.extui %le3A_300 : i1 to i32
    %cond3A_302 = arith.constant 0 : i32
    %cond3A_303 = arith.cmpi ne, %convert_element_type3A_301, %cond3A_302 : i32
    scf.if %cond3A_303 {
      %add3A_902 = arith.constant 272 : i32
      %add3A_903 = arith.addi %mul3A_2, %add3A_902 : i32
      %dma_wait3A = arith.constant 0 : i32
      %dma_wait3A_904 = tpu.memref_slice %arg4[%add3A_903, %dma_wait3A] : memref<32768x1024xf32, #tpu.memory_space<hbm>> -> memref<16x1024xf32, #tpu.memory_space<hbm>>
      %dma_wait3A_905 = arith.constant 0 : i32
      %dma_wait3A_906 = tpu.memref_slice %arg4[%add3A_903, %dma_wait3A_905] : memref<32768x1024xf32, #tpu.memory_space<hbm>> -> memref<16x1024xf32, #tpu.memory_space<hbm>>
      tpu.wait_dma2 semaphore(%arg15 : memref<!tpu.dma_semaphore, #tpu.memory_space<semaphore_mem>>) src(%arg12 : memref<16x1024xf32, #tpu.memory_space<vmem>>) dst(%dma_wait3A_906 : memref<16x1024xf32, #tpu.memory_space<hbm>>)
    } else {
    }
    %gt3A_304 = arith.constant 18 : i32
    %gt3A_305 = arith.cmpi sgt, %select_n3A, %gt3A_304 : i32
    %le3A_306 = arith.constant 23 : i32
    %le3A_307 = arith.cmpi sle, %select_n3A, %le3A_306 : i32
    %and3A_308 = arith.andi %gt3A_305, %le3A_307 : i1
    %convert_element_type3A_309 = arith.extui %and3A_308 : i1 to i32
    %cond3A_310 = arith.constant 0 : i32
    %cond3A_311 = arith.cmpi ne, %convert_element_type3A_309, %cond3A_310 : i32
    scf.if %cond3A_311 {
      %add3A_902 = arith.constant 288 : i32
      %add3A_903 = arith.addi %mul3A_2, %add3A_902 : i32
      %dma_wait3A = arith.constant 3 : i32
      %dma_wait3A_904 = arith.constant 3 : i32
      %dma_wait3A_905 = arith.constant 0 : i32
      %dma_wait3A_906 = arith.constant 0 : i32
      %dma_wait3A_907 = tpu.memref_slice %arg11[%dma_wait3A, %dma_wait3A_905, %dma_wait3A_906] : memref<5x16x1024xf32, #tpu.memory_space<vmem>> -> memref<1x16x1024xf32, #tpu.memory_space<vmem>>
      %dma_wait3A_908 = tpu.memref_squeeze %dma_wait3A_907 : memref<1x16x1024xf32, #tpu.memory_space<vmem>> -> memref<16x1024xf32, #tpu.memory_space<vmem>>
      %dma_wait3A_909 = arith.constant 0 : i32
      %dma_wait3A_910 = tpu.memref_slice %arg4[%add3A_903, %dma_wait3A_909] : memref<32768x1024xf32, #tpu.memory_space<hbm>> -> memref<16x1024xf32, #tpu.memory_space<hbm>>
      %dma_wait3A_911 = tpu.memref_slice %arg14[%dma_wait3A_904] : memref<5x!tpu.dma_semaphore, #tpu.memory_space<semaphore_mem>> -> memref<1x!tpu.dma_semaphore, #tpu.memory_space<semaphore_mem>>
      %dma_wait3A_912 = tpu.memref_squeeze %dma_wait3A_911 : memref<1x!tpu.dma_semaphore, #tpu.memory_space<semaphore_mem>> -> memref<!tpu.dma_semaphore, #tpu.memory_space<semaphore_mem>>
      %dma_wait3A_913 = arith.constant 0 : i32
      %dma_wait3A_914 = tpu.memref_slice %arg4[%add3A_903, %dma_wait3A_913] : memref<32768x1024xf32, #tpu.memory_space<hbm>> -> memref<16x1024xf32, #tpu.memory_space<hbm>>
      %dma_wait3A_915 = arith.constant 0 : i32
      %dma_wait3A_916 = arith.constant 0 : i32
      %dma_wait3A_917 = tpu.memref_slice %arg11[%dma_wait3A, %dma_wait3A_915, %dma_wait3A_916] : memref<5x16x1024xf32, #tpu.memory_space<vmem>> -> memref<1x16x1024xf32, #tpu.memory_space<vmem>>
      %dma_wait3A_918 = tpu.memref_squeeze %dma_wait3A_917 : memref<1x16x1024xf32, #tpu.memory_space<vmem>> -> memref<16x1024xf32, #tpu.memory_space<vmem>>
      tpu.wait_dma2 semaphore(%dma_wait3A_912 : memref<!tpu.dma_semaphore, #tpu.memory_space<semaphore_mem>>) src(%dma_wait3A_918 : memref<16x1024xf32, #tpu.memory_space<vmem>>) dst(%dma_wait3A_914 : memref<16x1024xf32, #tpu.memory_space<hbm>>)
    } else {
    }
    %le3A_312 = arith.constant 18 : i32
    %le3A_313 = arith.cmpi sle, %select_n3A, %le3A_312 : i32
    %convert_element_type3A_314 = arith.extui %le3A_313 : i1 to i32
    %cond3A_315 = arith.constant 0 : i32
    %cond3A_316 = arith.cmpi ne, %convert_element_type3A_314, %cond3A_315 : i32
    scf.if %cond3A_316 {
      %add3A_902 = arith.constant 288 : i32
      %add3A_903 = arith.addi %mul3A_2, %add3A_902 : i32
      %dma_wait3A = arith.constant 0 : i32
      %dma_wait3A_904 = tpu.memref_slice %arg4[%add3A_903, %dma_wait3A] : memref<32768x1024xf32, #tpu.memory_space<hbm>> -> memref<16x1024xf32, #tpu.memory_space<hbm>>
      %dma_wait3A_905 = arith.constant 0 : i32
      %dma_wait3A_906 = tpu.memref_slice %arg4[%add3A_903, %dma_wait3A_905] : memref<32768x1024xf32, #tpu.memory_space<hbm>> -> memref<16x1024xf32, #tpu.memory_space<hbm>>
      tpu.wait_dma2 semaphore(%arg15 : memref<!tpu.dma_semaphore, #tpu.memory_space<semaphore_mem>>) src(%arg12 : memref<16x1024xf32, #tpu.memory_space<vmem>>) dst(%dma_wait3A_906 : memref<16x1024xf32, #tpu.memory_space<hbm>>)
    } else {
    }
    %gt3A_317 = arith.constant 19 : i32
    %gt3A_318 = arith.cmpi sgt, %select_n3A, %gt3A_317 : i32
    %le3A_319 = arith.constant 24 : i32
    %le3A_320 = arith.cmpi sle, %select_n3A, %le3A_319 : i32
    %and3A_321 = arith.andi %gt3A_318, %le3A_320 : i1
    %convert_element_type3A_322 = arith.extui %and3A_321 : i1 to i32
    %cond3A_323 = arith.constant 0 : i32
    %cond3A_324 = arith.cmpi ne, %convert_element_type3A_322, %cond3A_323 : i32
    scf.if %cond3A_324 {
      %add3A_902 = arith.constant 304 : i32
      %add3A_903 = arith.addi %mul3A_2, %add3A_902 : i32
      %dma_wait3A = arith.constant 4 : i32
      %dma_wait3A_904 = arith.constant 4 : i32
      %dma_wait3A_905 = arith.constant 0 : i32
      %dma_wait3A_906 = arith.constant 0 : i32
      %dma_wait3A_907 = tpu.memref_slice %arg11[%dma_wait3A, %dma_wait3A_905, %dma_wait3A_906] : memref<5x16x1024xf32, #tpu.memory_space<vmem>> -> memref<1x16x1024xf32, #tpu.memory_space<vmem>>
      %dma_wait3A_908 = tpu.memref_squeeze %dma_wait3A_907 : memref<1x16x1024xf32, #tpu.memory_space<vmem>> -> memref<16x1024xf32, #tpu.memory_space<vmem>>
      %dma_wait3A_909 = arith.constant 0 : i32
      %dma_wait3A_910 = tpu.memref_slice %arg4[%add3A_903, %dma_wait3A_909] : memref<32768x1024xf32, #tpu.memory_space<hbm>> -> memref<16x1024xf32, #tpu.memory_space<hbm>>
      %dma_wait3A_911 = tpu.memref_slice %arg14[%dma_wait3A_904] : memref<5x!tpu.dma_semaphore, #tpu.memory_space<semaphore_mem>> -> memref<1x!tpu.dma_semaphore, #tpu.memory_space<semaphore_mem>>
      %dma_wait3A_912 = tpu.memref_squeeze %dma_wait3A_911 : memref<1x!tpu.dma_semaphore, #tpu.memory_space<semaphore_mem>> -> memref<!tpu.dma_semaphore, #tpu.memory_space<semaphore_mem>>
      %dma_wait3A_913 = arith.constant 0 : i32
      %dma_wait3A_914 = tpu.memref_slice %arg4[%add3A_903, %dma_wait3A_913] : memref<32768x1024xf32, #tpu.memory_space<hbm>> -> memref<16x1024xf32, #tpu.memory_space<hbm>>
      %dma_wait3A_915 = arith.constant 0 : i32
      %dma_wait3A_916 = arith.constant 0 : i32
      %dma_wait3A_917 = tpu.memref_slice %arg11[%dma_wait3A, %dma_wait3A_915, %dma_wait3A_916] : memref<5x16x1024xf32, #tpu.memory_space<vmem>> -> memref<1x16x1024xf32, #tpu.memory_space<vmem>>
      %dma_wait3A_918 = tpu.memref_squeeze %dma_wait3A_917 : memref<1x16x1024xf32, #tpu.memory_space<vmem>> -> memref<16x1024xf32, #tpu.memory_space<vmem>>
      tpu.wait_dma2 semaphore(%dma_wait3A_912 : memref<!tpu.dma_semaphore, #tpu.memory_space<semaphore_mem>>) src(%dma_wait3A_918 : memref<16x1024xf32, #tpu.memory_space<vmem>>) dst(%dma_wait3A_914 : memref<16x1024xf32, #tpu.memory_space<hbm>>)
    } else {
    }
    %le3A_325 = arith.constant 19 : i32
    %le3A_326 = arith.cmpi sle, %select_n3A, %le3A_325 : i32
    %convert_element_type3A_327 = arith.extui %le3A_326 : i1 to i32
    %cond3A_328 = arith.constant 0 : i32
    %cond3A_329 = arith.cmpi ne, %convert_element_type3A_327, %cond3A_328 : i32
    scf.if %cond3A_329 {
      %add3A_902 = arith.constant 304 : i32
      %add3A_903 = arith.addi %mul3A_2, %add3A_902 : i32
      %dma_wait3A = arith.constant 0 : i32
      %dma_wait3A_904 = tpu.memref_slice %arg4[%add3A_903, %dma_wait3A] : memref<32768x1024xf32, #tpu.memory_space<hbm>> -> memref<16x1024xf32, #tpu.memory_space<hbm>>
      %dma_wait3A_905 = arith.constant 0 : i32
      %dma_wait3A_906 = tpu.memref_slice %arg4[%add3A_903, %dma_wait3A_905] : memref<32768x1024xf32, #tpu.memory_space<hbm>> -> memref<16x1024xf32, #tpu.memory_space<hbm>>
      tpu.wait_dma2 semaphore(%arg15 : memref<!tpu.dma_semaphore, #tpu.memory_space<semaphore_mem>>) src(%arg12 : memref<16x1024xf32, #tpu.memory_space<vmem>>) dst(%dma_wait3A_906 : memref<16x1024xf32, #tpu.memory_space<hbm>>)
    } else {
    }
    %gt3A_330 = arith.constant 20 : i32
    %gt3A_331 = arith.cmpi sgt, %select_n3A, %gt3A_330 : i32
    %le3A_332 = arith.constant 25 : i32
    %le3A_333 = arith.cmpi sle, %select_n3A, %le3A_332 : i32
    %and3A_334 = arith.andi %gt3A_331, %le3A_333 : i1
    %convert_element_type3A_335 = arith.extui %and3A_334 : i1 to i32
    %cond3A_336 = arith.constant 0 : i32
    %cond3A_337 = arith.cmpi ne, %convert_element_type3A_335, %cond3A_336 : i32
    scf.if %cond3A_337 {
      %add3A_902 = arith.constant 320 : i32
      %add3A_903 = arith.addi %mul3A_2, %add3A_902 : i32
      %dma_wait3A = arith.constant 0 : i32
      %dma_wait3A_904 = arith.constant 0 : i32
      %dma_wait3A_905 = arith.constant 0 : i32
      %dma_wait3A_906 = arith.constant 0 : i32
      %dma_wait3A_907 = tpu.memref_slice %arg11[%dma_wait3A, %dma_wait3A_905, %dma_wait3A_906] : memref<5x16x1024xf32, #tpu.memory_space<vmem>> -> memref<1x16x1024xf32, #tpu.memory_space<vmem>>
      %dma_wait3A_908 = tpu.memref_squeeze %dma_wait3A_907 : memref<1x16x1024xf32, #tpu.memory_space<vmem>> -> memref<16x1024xf32, #tpu.memory_space<vmem>>
      %dma_wait3A_909 = arith.constant 0 : i32
      %dma_wait3A_910 = tpu.memref_slice %arg4[%add3A_903, %dma_wait3A_909] : memref<32768x1024xf32, #tpu.memory_space<hbm>> -> memref<16x1024xf32, #tpu.memory_space<hbm>>
      %dma_wait3A_911 = tpu.memref_slice %arg14[%dma_wait3A_904] : memref<5x!tpu.dma_semaphore, #tpu.memory_space<semaphore_mem>> -> memref<1x!tpu.dma_semaphore, #tpu.memory_space<semaphore_mem>>
      %dma_wait3A_912 = tpu.memref_squeeze %dma_wait3A_911 : memref<1x!tpu.dma_semaphore, #tpu.memory_space<semaphore_mem>> -> memref<!tpu.dma_semaphore, #tpu.memory_space<semaphore_mem>>
      %dma_wait3A_913 = arith.constant 0 : i32
      %dma_wait3A_914 = tpu.memref_slice %arg4[%add3A_903, %dma_wait3A_913] : memref<32768x1024xf32, #tpu.memory_space<hbm>> -> memref<16x1024xf32, #tpu.memory_space<hbm>>
      %dma_wait3A_915 = arith.constant 0 : i32
      %dma_wait3A_916 = arith.constant 0 : i32
      %dma_wait3A_917 = tpu.memref_slice %arg11[%dma_wait3A, %dma_wait3A_915, %dma_wait3A_916] : memref<5x16x1024xf32, #tpu.memory_space<vmem>> -> memref<1x16x1024xf32, #tpu.memory_space<vmem>>
      %dma_wait3A_918 = tpu.memref_squeeze %dma_wait3A_917 : memref<1x16x1024xf32, #tpu.memory_space<vmem>> -> memref<16x1024xf32, #tpu.memory_space<vmem>>
      tpu.wait_dma2 semaphore(%dma_wait3A_912 : memref<!tpu.dma_semaphore, #tpu.memory_space<semaphore_mem>>) src(%dma_wait3A_918 : memref<16x1024xf32, #tpu.memory_space<vmem>>) dst(%dma_wait3A_914 : memref<16x1024xf32, #tpu.memory_space<hbm>>)
    } else {
    }
    %le3A_338 = arith.constant 20 : i32
    %le3A_339 = arith.cmpi sle, %select_n3A, %le3A_338 : i32
    %convert_element_type3A_340 = arith.extui %le3A_339 : i1 to i32
    %cond3A_341 = arith.constant 0 : i32
    %cond3A_342 = arith.cmpi ne, %convert_element_type3A_340, %cond3A_341 : i32
    scf.if %cond3A_342 {
      %add3A_902 = arith.constant 320 : i32
      %add3A_903 = arith.addi %mul3A_2, %add3A_902 : i32
      %dma_wait3A = arith.constant 0 : i32
      %dma_wait3A_904 = tpu.memref_slice %arg4[%add3A_903, %dma_wait3A] : memref<32768x1024xf32, #tpu.memory_space<hbm>> -> memref<16x1024xf32, #tpu.memory_space<hbm>>
      %dma_wait3A_905 = arith.constant 0 : i32
      %dma_wait3A_906 = tpu.memref_slice %arg4[%add3A_903, %dma_wait3A_905] : memref<32768x1024xf32, #tpu.memory_space<hbm>> -> memref<16x1024xf32, #tpu.memory_space<hbm>>
      tpu.wait_dma2 semaphore(%arg15 : memref<!tpu.dma_semaphore, #tpu.memory_space<semaphore_mem>>) src(%arg12 : memref<16x1024xf32, #tpu.memory_space<vmem>>) dst(%dma_wait3A_906 : memref<16x1024xf32, #tpu.memory_space<hbm>>)
    } else {
    }
    %gt3A_343 = arith.constant 21 : i32
    %gt3A_344 = arith.cmpi sgt, %select_n3A, %gt3A_343 : i32
    %le3A_345 = arith.constant 26 : i32
    %le3A_346 = arith.cmpi sle, %select_n3A, %le3A_345 : i32
    %and3A_347 = arith.andi %gt3A_344, %le3A_346 : i1
    %convert_element_type3A_348 = arith.extui %and3A_347 : i1 to i32
    %cond3A_349 = arith.constant 0 : i32
    %cond3A_350 = arith.cmpi ne, %convert_element_type3A_348, %cond3A_349 : i32
    scf.if %cond3A_350 {
      %add3A_902 = arith.constant 336 : i32
      %add3A_903 = arith.addi %mul3A_2, %add3A_902 : i32
      %dma_wait3A = arith.constant 1 : i32
      %dma_wait3A_904 = arith.constant 1 : i32
      %dma_wait3A_905 = arith.constant 0 : i32
      %dma_wait3A_906 = arith.constant 0 : i32
      %dma_wait3A_907 = tpu.memref_slice %arg11[%dma_wait3A, %dma_wait3A_905, %dma_wait3A_906] : memref<5x16x1024xf32, #tpu.memory_space<vmem>> -> memref<1x16x1024xf32, #tpu.memory_space<vmem>>
      %dma_wait3A_908 = tpu.memref_squeeze %dma_wait3A_907 : memref<1x16x1024xf32, #tpu.memory_space<vmem>> -> memref<16x1024xf32, #tpu.memory_space<vmem>>
      %dma_wait3A_909 = arith.constant 0 : i32
      %dma_wait3A_910 = tpu.memref_slice %arg4[%add3A_903, %dma_wait3A_909] : memref<32768x1024xf32, #tpu.memory_space<hbm>> -> memref<16x1024xf32, #tpu.memory_space<hbm>>
      %dma_wait3A_911 = tpu.memref_slice %arg14[%dma_wait3A_904] : memref<5x!tpu.dma_semaphore, #tpu.memory_space<semaphore_mem>> -> memref<1x!tpu.dma_semaphore, #tpu.memory_space<semaphore_mem>>
      %dma_wait3A_912 = tpu.memref_squeeze %dma_wait3A_911 : memref<1x!tpu.dma_semaphore, #tpu.memory_space<semaphore_mem>> -> memref<!tpu.dma_semaphore, #tpu.memory_space<semaphore_mem>>
      %dma_wait3A_913 = arith.constant 0 : i32
      %dma_wait3A_914 = tpu.memref_slice %arg4[%add3A_903, %dma_wait3A_913] : memref<32768x1024xf32, #tpu.memory_space<hbm>> -> memref<16x1024xf32, #tpu.memory_space<hbm>>
      %dma_wait3A_915 = arith.constant 0 : i32
      %dma_wait3A_916 = arith.constant 0 : i32
      %dma_wait3A_917 = tpu.memref_slice %arg11[%dma_wait3A, %dma_wait3A_915, %dma_wait3A_916] : memref<5x16x1024xf32, #tpu.memory_space<vmem>> -> memref<1x16x1024xf32, #tpu.memory_space<vmem>>
      %dma_wait3A_918 = tpu.memref_squeeze %dma_wait3A_917 : memref<1x16x1024xf32, #tpu.memory_space<vmem>> -> memref<16x1024xf32, #tpu.memory_space<vmem>>
      tpu.wait_dma2 semaphore(%dma_wait3A_912 : memref<!tpu.dma_semaphore, #tpu.memory_space<semaphore_mem>>) src(%dma_wait3A_918 : memref<16x1024xf32, #tpu.memory_space<vmem>>) dst(%dma_wait3A_914 : memref<16x1024xf32, #tpu.memory_space<hbm>>)
    } else {
    }
    %le3A_351 = arith.constant 21 : i32
    %le3A_352 = arith.cmpi sle, %select_n3A, %le3A_351 : i32
    %convert_element_type3A_353 = arith.extui %le3A_352 : i1 to i32
    %cond3A_354 = arith.constant 0 : i32
    %cond3A_355 = arith.cmpi ne, %convert_element_type3A_353, %cond3A_354 : i32
    scf.if %cond3A_355 {
      %add3A_902 = arith.constant 336 : i32
      %add3A_903 = arith.addi %mul3A_2, %add3A_902 : i32
      %dma_wait3A = arith.constant 0 : i32
      %dma_wait3A_904 = tpu.memref_slice %arg4[%add3A_903, %dma_wait3A] : memref<32768x1024xf32, #tpu.memory_space<hbm>> -> memref<16x1024xf32, #tpu.memory_space<hbm>>
      %dma_wait3A_905 = arith.constant 0 : i32
      %dma_wait3A_906 = tpu.memref_slice %arg4[%add3A_903, %dma_wait3A_905] : memref<32768x1024xf32, #tpu.memory_space<hbm>> -> memref<16x1024xf32, #tpu.memory_space<hbm>>
      tpu.wait_dma2 semaphore(%arg15 : memref<!tpu.dma_semaphore, #tpu.memory_space<semaphore_mem>>) src(%arg12 : memref<16x1024xf32, #tpu.memory_space<vmem>>) dst(%dma_wait3A_906 : memref<16x1024xf32, #tpu.memory_space<hbm>>)
    } else {
    }
    %gt3A_356 = arith.constant 22 : i32
    %gt3A_357 = arith.cmpi sgt, %select_n3A, %gt3A_356 : i32
    %le3A_358 = arith.constant 27 : i32
    %le3A_359 = arith.cmpi sle, %select_n3A, %le3A_358 : i32
    %and3A_360 = arith.andi %gt3A_357, %le3A_359 : i1
    %convert_element_type3A_361 = arith.extui %and3A_360 : i1 to i32
    %cond3A_362 = arith.constant 0 : i32
    %cond3A_363 = arith.cmpi ne, %convert_element_type3A_361, %cond3A_362 : i32
    scf.if %cond3A_363 {
      %add3A_902 = arith.constant 352 : i32
      %add3A_903 = arith.addi %mul3A_2, %add3A_902 : i32
      %dma_wait3A = arith.constant 2 : i32
      %dma_wait3A_904 = arith.constant 2 : i32
      %dma_wait3A_905 = arith.constant 0 : i32
      %dma_wait3A_906 = arith.constant 0 : i32
      %dma_wait3A_907 = tpu.memref_slice %arg11[%dma_wait3A, %dma_wait3A_905, %dma_wait3A_906] : memref<5x16x1024xf32, #tpu.memory_space<vmem>> -> memref<1x16x1024xf32, #tpu.memory_space<vmem>>
      %dma_wait3A_908 = tpu.memref_squeeze %dma_wait3A_907 : memref<1x16x1024xf32, #tpu.memory_space<vmem>> -> memref<16x1024xf32, #tpu.memory_space<vmem>>
      %dma_wait3A_909 = arith.constant 0 : i32
      %dma_wait3A_910 = tpu.memref_slice %arg4[%add3A_903, %dma_wait3A_909] : memref<32768x1024xf32, #tpu.memory_space<hbm>> -> memref<16x1024xf32, #tpu.memory_space<hbm>>
      %dma_wait3A_911 = tpu.memref_slice %arg14[%dma_wait3A_904] : memref<5x!tpu.dma_semaphore, #tpu.memory_space<semaphore_mem>> -> memref<1x!tpu.dma_semaphore, #tpu.memory_space<semaphore_mem>>
      %dma_wait3A_912 = tpu.memref_squeeze %dma_wait3A_911 : memref<1x!tpu.dma_semaphore, #tpu.memory_space<semaphore_mem>> -> memref<!tpu.dma_semaphore, #tpu.memory_space<semaphore_mem>>
      %dma_wait3A_913 = arith.constant 0 : i32
      %dma_wait3A_914 = tpu.memref_slice %arg4[%add3A_903, %dma_wait3A_913] : memref<32768x1024xf32, #tpu.memory_space<hbm>> -> memref<16x1024xf32, #tpu.memory_space<hbm>>
      %dma_wait3A_915 = arith.constant 0 : i32
      %dma_wait3A_916 = arith.constant 0 : i32
      %dma_wait3A_917 = tpu.memref_slice %arg11[%dma_wait3A, %dma_wait3A_915, %dma_wait3A_916] : memref<5x16x1024xf32, #tpu.memory_space<vmem>> -> memref<1x16x1024xf32, #tpu.memory_space<vmem>>
      %dma_wait3A_918 = tpu.memref_squeeze %dma_wait3A_917 : memref<1x16x1024xf32, #tpu.memory_space<vmem>> -> memref<16x1024xf32, #tpu.memory_space<vmem>>
      tpu.wait_dma2 semaphore(%dma_wait3A_912 : memref<!tpu.dma_semaphore, #tpu.memory_space<semaphore_mem>>) src(%dma_wait3A_918 : memref<16x1024xf32, #tpu.memory_space<vmem>>) dst(%dma_wait3A_914 : memref<16x1024xf32, #tpu.memory_space<hbm>>)
    } else {
    }
    %le3A_364 = arith.constant 22 : i32
    %le3A_365 = arith.cmpi sle, %select_n3A, %le3A_364 : i32
    %convert_element_type3A_366 = arith.extui %le3A_365 : i1 to i32
    %cond3A_367 = arith.constant 0 : i32
    %cond3A_368 = arith.cmpi ne, %convert_element_type3A_366, %cond3A_367 : i32
    scf.if %cond3A_368 {
      %add3A_902 = arith.constant 352 : i32
      %add3A_903 = arith.addi %mul3A_2, %add3A_902 : i32
      %dma_wait3A = arith.constant 0 : i32
      %dma_wait3A_904 = tpu.memref_slice %arg4[%add3A_903, %dma_wait3A] : memref<32768x1024xf32, #tpu.memory_space<hbm>> -> memref<16x1024xf32, #tpu.memory_space<hbm>>
      %dma_wait3A_905 = arith.constant 0 : i32
      %dma_wait3A_906 = tpu.memref_slice %arg4[%add3A_903, %dma_wait3A_905] : memref<32768x1024xf32, #tpu.memory_space<hbm>> -> memref<16x1024xf32, #tpu.memory_space<hbm>>
      tpu.wait_dma2 semaphore(%arg15 : memref<!tpu.dma_semaphore, #tpu.memory_space<semaphore_mem>>) src(%arg12 : memref<16x1024xf32, #tpu.memory_space<vmem>>) dst(%dma_wait3A_906 : memref<16x1024xf32, #tpu.memory_space<hbm>>)
    } else {
    }
    %gt3A_369 = arith.constant 23 : i32
    %gt3A_370 = arith.cmpi sgt, %select_n3A, %gt3A_369 : i32
    %le3A_371 = arith.constant 28 : i32
    %le3A_372 = arith.cmpi sle, %select_n3A, %le3A_371 : i32
    %and3A_373 = arith.andi %gt3A_370, %le3A_372 : i1
    %convert_element_type3A_374 = arith.extui %and3A_373 : i1 to i32
    %cond3A_375 = arith.constant 0 : i32
    %cond3A_376 = arith.cmpi ne, %convert_element_type3A_374, %cond3A_375 : i32
    scf.if %cond3A_376 {
      %add3A_902 = arith.constant 368 : i32
      %add3A_903 = arith.addi %mul3A_2, %add3A_902 : i32
      %dma_wait3A = arith.constant 3 : i32
      %dma_wait3A_904 = arith.constant 3 : i32
      %dma_wait3A_905 = arith.constant 0 : i32
      %dma_wait3A_906 = arith.constant 0 : i32
      %dma_wait3A_907 = tpu.memref_slice %arg11[%dma_wait3A, %dma_wait3A_905, %dma_wait3A_906] : memref<5x16x1024xf32, #tpu.memory_space<vmem>> -> memref<1x16x1024xf32, #tpu.memory_space<vmem>>
      %dma_wait3A_908 = tpu.memref_squeeze %dma_wait3A_907 : memref<1x16x1024xf32, #tpu.memory_space<vmem>> -> memref<16x1024xf32, #tpu.memory_space<vmem>>
      %dma_wait3A_909 = arith.constant 0 : i32
      %dma_wait3A_910 = tpu.memref_slice %arg4[%add3A_903, %dma_wait3A_909] : memref<32768x1024xf32, #tpu.memory_space<hbm>> -> memref<16x1024xf32, #tpu.memory_space<hbm>>
      %dma_wait3A_911 = tpu.memref_slice %arg14[%dma_wait3A_904] : memref<5x!tpu.dma_semaphore, #tpu.memory_space<semaphore_mem>> -> memref<1x!tpu.dma_semaphore, #tpu.memory_space<semaphore_mem>>
      %dma_wait3A_912 = tpu.memref_squeeze %dma_wait3A_911 : memref<1x!tpu.dma_semaphore, #tpu.memory_space<semaphore_mem>> -> memref<!tpu.dma_semaphore, #tpu.memory_space<semaphore_mem>>
      %dma_wait3A_913 = arith.constant 0 : i32
      %dma_wait3A_914 = tpu.memref_slice %arg4[%add3A_903, %dma_wait3A_913] : memref<32768x1024xf32, #tpu.memory_space<hbm>> -> memref<16x1024xf32, #tpu.memory_space<hbm>>
      %dma_wait3A_915 = arith.constant 0 : i32
      %dma_wait3A_916 = arith.constant 0 : i32
      %dma_wait3A_917 = tpu.memref_slice %arg11[%dma_wait3A, %dma_wait3A_915, %dma_wait3A_916] : memref<5x16x1024xf32, #tpu.memory_space<vmem>> -> memref<1x16x1024xf32, #tpu.memory_space<vmem>>
      %dma_wait3A_918 = tpu.memref_squeeze %dma_wait3A_917 : memref<1x16x1024xf32, #tpu.memory_space<vmem>> -> memref<16x1024xf32, #tpu.memory_space<vmem>>
      tpu.wait_dma2 semaphore(%dma_wait3A_912 : memref<!tpu.dma_semaphore, #tpu.memory_space<semaphore_mem>>) src(%dma_wait3A_918 : memref<16x1024xf32, #tpu.memory_space<vmem>>) dst(%dma_wait3A_914 : memref<16x1024xf32, #tpu.memory_space<hbm>>)
    } else {
    }
    %le3A_377 = arith.constant 23 : i32
    %le3A_378 = arith.cmpi sle, %select_n3A, %le3A_377 : i32
    %convert_element_type3A_379 = arith.extui %le3A_378 : i1 to i32
    %cond3A_380 = arith.constant 0 : i32
    %cond3A_381 = arith.cmpi ne, %convert_element_type3A_379, %cond3A_380 : i32
    scf.if %cond3A_381 {
      %add3A_902 = arith.constant 368 : i32
      %add3A_903 = arith.addi %mul3A_2, %add3A_902 : i32
      %dma_wait3A = arith.constant 0 : i32
      %dma_wait3A_904 = tpu.memref_slice %arg4[%add3A_903, %dma_wait3A] : memref<32768x1024xf32, #tpu.memory_space<hbm>> -> memref<16x1024xf32, #tpu.memory_space<hbm>>
      %dma_wait3A_905 = arith.constant 0 : i32
      %dma_wait3A_906 = tpu.memref_slice %arg4[%add3A_903, %dma_wait3A_905] : memref<32768x1024xf32, #tpu.memory_space<hbm>> -> memref<16x1024xf32, #tpu.memory_space<hbm>>
      tpu.wait_dma2 semaphore(%arg15 : memref<!tpu.dma_semaphore, #tpu.memory_space<semaphore_mem>>) src(%arg12 : memref<16x1024xf32, #tpu.memory_space<vmem>>) dst(%dma_wait3A_906 : memref<16x1024xf32, #tpu.memory_space<hbm>>)
    } else {
    }
    %gt3A_382 = arith.constant 24 : i32
    %gt3A_383 = arith.cmpi sgt, %select_n3A, %gt3A_382 : i32
    %le3A_384 = arith.constant 29 : i32
    %le3A_385 = arith.cmpi sle, %select_n3A, %le3A_384 : i32
    %and3A_386 = arith.andi %gt3A_383, %le3A_385 : i1
    %convert_element_type3A_387 = arith.extui %and3A_386 : i1 to i32
    %cond3A_388 = arith.constant 0 : i32
    %cond3A_389 = arith.cmpi ne, %convert_element_type3A_387, %cond3A_388 : i32
    scf.if %cond3A_389 {
      %add3A_902 = arith.constant 384 : i32
      %add3A_903 = arith.addi %mul3A_2, %add3A_902 : i32
      %dma_wait3A = arith.constant 4 : i32
      %dma_wait3A_904 = arith.constant 4 : i32
      %dma_wait3A_905 = arith.constant 0 : i32
      %dma_wait3A_906 = arith.constant 0 : i32
      %dma_wait3A_907 = tpu.memref_slice %arg11[%dma_wait3A, %dma_wait3A_905, %dma_wait3A_906] : memref<5x16x1024xf32, #tpu.memory_space<vmem>> -> memref<1x16x1024xf32, #tpu.memory_space<vmem>>
      %dma_wait3A_908 = tpu.memref_squeeze %dma_wait3A_907 : memref<1x16x1024xf32, #tpu.memory_space<vmem>> -> memref<16x1024xf32, #tpu.memory_space<vmem>>
      %dma_wait3A_909 = arith.constant 0 : i32
      %dma_wait3A_910 = tpu.memref_slice %arg4[%add3A_903, %dma_wait3A_909] : memref<32768x1024xf32, #tpu.memory_space<hbm>> -> memref<16x1024xf32, #tpu.memory_space<hbm>>
      %dma_wait3A_911 = tpu.memref_slice %arg14[%dma_wait3A_904] : memref<5x!tpu.dma_semaphore, #tpu.memory_space<semaphore_mem>> -> memref<1x!tpu.dma_semaphore, #tpu.memory_space<semaphore_mem>>
      %dma_wait3A_912 = tpu.memref_squeeze %dma_wait3A_911 : memref<1x!tpu.dma_semaphore, #tpu.memory_space<semaphore_mem>> -> memref<!tpu.dma_semaphore, #tpu.memory_space<semaphore_mem>>
      %dma_wait3A_913 = arith.constant 0 : i32
      %dma_wait3A_914 = tpu.memref_slice %arg4[%add3A_903, %dma_wait3A_913] : memref<32768x1024xf32, #tpu.memory_space<hbm>> -> memref<16x1024xf32, #tpu.memory_space<hbm>>
      %dma_wait3A_915 = arith.constant 0 : i32
      %dma_wait3A_916 = arith.constant 0 : i32
      %dma_wait3A_917 = tpu.memref_slice %arg11[%dma_wait3A, %dma_wait3A_915, %dma_wait3A_916] : memref<5x16x1024xf32, #tpu.memory_space<vmem>> -> memref<1x16x1024xf32, #tpu.memory_space<vmem>>
      %dma_wait3A_918 = tpu.memref_squeeze %dma_wait3A_917 : memref<1x16x1024xf32, #tpu.memory_space<vmem>> -> memref<16x1024xf32, #tpu.memory_space<vmem>>
      tpu.wait_dma2 semaphore(%dma_wait3A_912 : memref<!tpu.dma_semaphore, #tpu.memory_space<semaphore_mem>>) src(%dma_wait3A_918 : memref<16x1024xf32, #tpu.memory_space<vmem>>) dst(%dma_wait3A_914 : memref<16x1024xf32, #tpu.memory_space<hbm>>)
    } else {
    }
    %le3A_390 = arith.constant 24 : i32
    %le3A_391 = arith.cmpi sle, %select_n3A, %le3A_390 : i32
    %convert_element_type3A_392 = arith.extui %le3A_391 : i1 to i32
    %cond3A_393 = arith.constant 0 : i32
    %cond3A_394 = arith.cmpi ne, %convert_element_type3A_392, %cond3A_393 : i32
    scf.if %cond3A_394 {
      %add3A_902 = arith.constant 384 : i32
      %add3A_903 = arith.addi %mul3A_2, %add3A_902 : i32
      %dma_wait3A = arith.constant 0 : i32
      %dma_wait3A_904 = tpu.memref_slice %arg4[%add3A_903, %dma_wait3A] : memref<32768x1024xf32, #tpu.memory_space<hbm>> -> memref<16x1024xf32, #tpu.memory_space<hbm>>
      %dma_wait3A_905 = arith.constant 0 : i32
      %dma_wait3A_906 = tpu.memref_slice %arg4[%add3A_903, %dma_wait3A_905] : memref<32768x1024xf32, #tpu.memory_space<hbm>> -> memref<16x1024xf32, #tpu.memory_space<hbm>>
      tpu.wait_dma2 semaphore(%arg15 : memref<!tpu.dma_semaphore, #tpu.memory_space<semaphore_mem>>) src(%arg12 : memref<16x1024xf32, #tpu.memory_space<vmem>>) dst(%dma_wait3A_906 : memref<16x1024xf32, #tpu.memory_space<hbm>>)
    } else {
    }
    %gt3A_395 = arith.constant 25 : i32
    %gt3A_396 = arith.cmpi sgt, %select_n3A, %gt3A_395 : i32
    %le3A_397 = arith.constant 30 : i32
    %le3A_398 = arith.cmpi sle, %select_n3A, %le3A_397 : i32
    %and3A_399 = arith.andi %gt3A_396, %le3A_398 : i1
    %convert_element_type3A_400 = arith.extui %and3A_399 : i1 to i32
    %cond3A_401 = arith.constant 0 : i32
    %cond3A_402 = arith.cmpi ne, %convert_element_type3A_400, %cond3A_401 : i32
    scf.if %cond3A_402 {
      %add3A_902 = arith.constant 400 : i32
      %add3A_903 = arith.addi %mul3A_2, %add3A_902 : i32
      %dma_wait3A = arith.constant 0 : i32
      %dma_wait3A_904 = arith.constant 0 : i32
      %dma_wait3A_905 = arith.constant 0 : i32
      %dma_wait3A_906 = arith.constant 0 : i32
      %dma_wait3A_907 = tpu.memref_slice %arg11[%dma_wait3A, %dma_wait3A_905, %dma_wait3A_906] : memref<5x16x1024xf32, #tpu.memory_space<vmem>> -> memref<1x16x1024xf32, #tpu.memory_space<vmem>>
      %dma_wait3A_908 = tpu.memref_squeeze %dma_wait3A_907 : memref<1x16x1024xf32, #tpu.memory_space<vmem>> -> memref<16x1024xf32, #tpu.memory_space<vmem>>
      %dma_wait3A_909 = arith.constant 0 : i32
      %dma_wait3A_910 = tpu.memref_slice %arg4[%add3A_903, %dma_wait3A_909] : memref<32768x1024xf32, #tpu.memory_space<hbm>> -> memref<16x1024xf32, #tpu.memory_space<hbm>>
      %dma_wait3A_911 = tpu.memref_slice %arg14[%dma_wait3A_904] : memref<5x!tpu.dma_semaphore, #tpu.memory_space<semaphore_mem>> -> memref<1x!tpu.dma_semaphore, #tpu.memory_space<semaphore_mem>>
      %dma_wait3A_912 = tpu.memref_squeeze %dma_wait3A_911 : memref<1x!tpu.dma_semaphore, #tpu.memory_space<semaphore_mem>> -> memref<!tpu.dma_semaphore, #tpu.memory_space<semaphore_mem>>
      %dma_wait3A_913 = arith.constant 0 : i32
      %dma_wait3A_914 = tpu.memref_slice %arg4[%add3A_903, %dma_wait3A_913] : memref<32768x1024xf32, #tpu.memory_space<hbm>> -> memref<16x1024xf32, #tpu.memory_space<hbm>>
      %dma_wait3A_915 = arith.constant 0 : i32
      %dma_wait3A_916 = arith.constant 0 : i32
      %dma_wait3A_917 = tpu.memref_slice %arg11[%dma_wait3A, %dma_wait3A_915, %dma_wait3A_916] : memref<5x16x1024xf32, #tpu.memory_space<vmem>> -> memref<1x16x1024xf32, #tpu.memory_space<vmem>>
      %dma_wait3A_918 = tpu.memref_squeeze %dma_wait3A_917 : memref<1x16x1024xf32, #tpu.memory_space<vmem>> -> memref<16x1024xf32, #tpu.memory_space<vmem>>
      tpu.wait_dma2 semaphore(%dma_wait3A_912 : memref<!tpu.dma_semaphore, #tpu.memory_space<semaphore_mem>>) src(%dma_wait3A_918 : memref<16x1024xf32, #tpu.memory_space<vmem>>) dst(%dma_wait3A_914 : memref<16x1024xf32, #tpu.memory_space<hbm>>)
    } else {
    }
    %le3A_403 = arith.constant 25 : i32
    %le3A_404 = arith.cmpi sle, %select_n3A, %le3A_403 : i32
    %convert_element_type3A_405 = arith.extui %le3A_404 : i1 to i32
    %cond3A_406 = arith.constant 0 : i32
    %cond3A_407 = arith.cmpi ne, %convert_element_type3A_405, %cond3A_406 : i32
    scf.if %cond3A_407 {
      %add3A_902 = arith.constant 400 : i32
      %add3A_903 = arith.addi %mul3A_2, %add3A_902 : i32
      %dma_wait3A = arith.constant 0 : i32
      %dma_wait3A_904 = tpu.memref_slice %arg4[%add3A_903, %dma_wait3A] : memref<32768x1024xf32, #tpu.memory_space<hbm>> -> memref<16x1024xf32, #tpu.memory_space<hbm>>
      %dma_wait3A_905 = arith.constant 0 : i32
      %dma_wait3A_906 = tpu.memref_slice %arg4[%add3A_903, %dma_wait3A_905] : memref<32768x1024xf32, #tpu.memory_space<hbm>> -> memref<16x1024xf32, #tpu.memory_space<hbm>>
      tpu.wait_dma2 semaphore(%arg15 : memref<!tpu.dma_semaphore, #tpu.memory_space<semaphore_mem>>) src(%arg12 : memref<16x1024xf32, #tpu.memory_space<vmem>>) dst(%dma_wait3A_906 : memref<16x1024xf32, #tpu.memory_space<hbm>>)
    } else {
    }
    %gt3A_408 = arith.constant 26 : i32
    %gt3A_409 = arith.cmpi sgt, %select_n3A, %gt3A_408 : i32
    %le3A_410 = arith.constant 31 : i32
    %le3A_411 = arith.cmpi sle, %select_n3A, %le3A_410 : i32
    %and3A_412 = arith.andi %gt3A_409, %le3A_411 : i1
    %convert_element_type3A_413 = arith.extui %and3A_412 : i1 to i32
    %cond3A_414 = arith.constant 0 : i32
    %cond3A_415 = arith.cmpi ne, %convert_element_type3A_413, %cond3A_414 : i32
    scf.if %cond3A_415 {
      %add3A_902 = arith.constant 416 : i32
      %add3A_903 = arith.addi %mul3A_2, %add3A_902 : i32
      %dma_wait3A = arith.constant 1 : i32
      %dma_wait3A_904 = arith.constant 1 : i32
      %dma_wait3A_905 = arith.constant 0 : i32
      %dma_wait3A_906 = arith.constant 0 : i32
      %dma_wait3A_907 = tpu.memref_slice %arg11[%dma_wait3A, %dma_wait3A_905, %dma_wait3A_906] : memref<5x16x1024xf32, #tpu.memory_space<vmem>> -> memref<1x16x1024xf32, #tpu.memory_space<vmem>>
      %dma_wait3A_908 = tpu.memref_squeeze %dma_wait3A_907 : memref<1x16x1024xf32, #tpu.memory_space<vmem>> -> memref<16x1024xf32, #tpu.memory_space<vmem>>
      %dma_wait3A_909 = arith.constant 0 : i32
      %dma_wait3A_910 = tpu.memref_slice %arg4[%add3A_903, %dma_wait3A_909] : memref<32768x1024xf32, #tpu.memory_space<hbm>> -> memref<16x1024xf32, #tpu.memory_space<hbm>>
      %dma_wait3A_911 = tpu.memref_slice %arg14[%dma_wait3A_904] : memref<5x!tpu.dma_semaphore, #tpu.memory_space<semaphore_mem>> -> memref<1x!tpu.dma_semaphore, #tpu.memory_space<semaphore_mem>>
      %dma_wait3A_912 = tpu.memref_squeeze %dma_wait3A_911 : memref<1x!tpu.dma_semaphore, #tpu.memory_space<semaphore_mem>> -> memref<!tpu.dma_semaphore, #tpu.memory_space<semaphore_mem>>
      %dma_wait3A_913 = arith.constant 0 : i32
      %dma_wait3A_914 = tpu.memref_slice %arg4[%add3A_903, %dma_wait3A_913] : memref<32768x1024xf32, #tpu.memory_space<hbm>> -> memref<16x1024xf32, #tpu.memory_space<hbm>>
      %dma_wait3A_915 = arith.constant 0 : i32
      %dma_wait3A_916 = arith.constant 0 : i32
      %dma_wait3A_917 = tpu.memref_slice %arg11[%dma_wait3A, %dma_wait3A_915, %dma_wait3A_916] : memref<5x16x1024xf32, #tpu.memory_space<vmem>> -> memref<1x16x1024xf32, #tpu.memory_space<vmem>>
      %dma_wait3A_918 = tpu.memref_squeeze %dma_wait3A_917 : memref<1x16x1024xf32, #tpu.memory_space<vmem>> -> memref<16x1024xf32, #tpu.memory_space<vmem>>
      tpu.wait_dma2 semaphore(%dma_wait3A_912 : memref<!tpu.dma_semaphore, #tpu.memory_space<semaphore_mem>>) src(%dma_wait3A_918 : memref<16x1024xf32, #tpu.memory_space<vmem>>) dst(%dma_wait3A_914 : memref<16x1024xf32, #tpu.memory_space<hbm>>)
    } else {
    }
    %le3A_416 = arith.constant 26 : i32
    %le3A_417 = arith.cmpi sle, %select_n3A, %le3A_416 : i32
    %convert_element_type3A_418 = arith.extui %le3A_417 : i1 to i32
    %cond3A_419 = arith.constant 0 : i32
    %cond3A_420 = arith.cmpi ne, %convert_element_type3A_418, %cond3A_419 : i32
    scf.if %cond3A_420 {
      %add3A_902 = arith.constant 416 : i32
      %add3A_903 = arith.addi %mul3A_2, %add3A_902 : i32
      %dma_wait3A = arith.constant 0 : i32
      %dma_wait3A_904 = tpu.memref_slice %arg4[%add3A_903, %dma_wait3A] : memref<32768x1024xf32, #tpu.memory_space<hbm>> -> memref<16x1024xf32, #tpu.memory_space<hbm>>
      %dma_wait3A_905 = arith.constant 0 : i32
      %dma_wait3A_906 = tpu.memref_slice %arg4[%add3A_903, %dma_wait3A_905] : memref<32768x1024xf32, #tpu.memory_space<hbm>> -> memref<16x1024xf32, #tpu.memory_space<hbm>>
      tpu.wait_dma2 semaphore(%arg15 : memref<!tpu.dma_semaphore, #tpu.memory_space<semaphore_mem>>) src(%arg12 : memref<16x1024xf32, #tpu.memory_space<vmem>>) dst(%dma_wait3A_906 : memref<16x1024xf32, #tpu.memory_space<hbm>>)
    } else {
    }
    %gt3A_421 = arith.constant 27 : i32
    %gt3A_422 = arith.cmpi sgt, %select_n3A, %gt3A_421 : i32
    %le3A_423 = arith.constant 32 : i32
    %le3A_424 = arith.cmpi sle, %select_n3A, %le3A_423 : i32
    %and3A_425 = arith.andi %gt3A_422, %le3A_424 : i1
    %convert_element_type3A_426 = arith.extui %and3A_425 : i1 to i32
    %cond3A_427 = arith.constant 0 : i32
    %cond3A_428 = arith.cmpi ne, %convert_element_type3A_426, %cond3A_427 : i32
    scf.if %cond3A_428 {
      %add3A_902 = arith.constant 432 : i32
      %add3A_903 = arith.addi %mul3A_2, %add3A_902 : i32
      %dma_wait3A = arith.constant 2 : i32
      %dma_wait3A_904 = arith.constant 2 : i32
      %dma_wait3A_905 = arith.constant 0 : i32
      %dma_wait3A_906 = arith.constant 0 : i32
      %dma_wait3A_907 = tpu.memref_slice %arg11[%dma_wait3A, %dma_wait3A_905, %dma_wait3A_906] : memref<5x16x1024xf32, #tpu.memory_space<vmem>> -> memref<1x16x1024xf32, #tpu.memory_space<vmem>>
      %dma_wait3A_908 = tpu.memref_squeeze %dma_wait3A_907 : memref<1x16x1024xf32, #tpu.memory_space<vmem>> -> memref<16x1024xf32, #tpu.memory_space<vmem>>
      %dma_wait3A_909 = arith.constant 0 : i32
      %dma_wait3A_910 = tpu.memref_slice %arg4[%add3A_903, %dma_wait3A_909] : memref<32768x1024xf32, #tpu.memory_space<hbm>> -> memref<16x1024xf32, #tpu.memory_space<hbm>>
      %dma_wait3A_911 = tpu.memref_slice %arg14[%dma_wait3A_904] : memref<5x!tpu.dma_semaphore, #tpu.memory_space<semaphore_mem>> -> memref<1x!tpu.dma_semaphore, #tpu.memory_space<semaphore_mem>>
      %dma_wait3A_912 = tpu.memref_squeeze %dma_wait3A_911 : memref<1x!tpu.dma_semaphore, #tpu.memory_space<semaphore_mem>> -> memref<!tpu.dma_semaphore, #tpu.memory_space<semaphore_mem>>
      %dma_wait3A_913 = arith.constant 0 : i32
      %dma_wait3A_914 = tpu.memref_slice %arg4[%add3A_903, %dma_wait3A_913] : memref<32768x1024xf32, #tpu.memory_space<hbm>> -> memref<16x1024xf32, #tpu.memory_space<hbm>>
      %dma_wait3A_915 = arith.constant 0 : i32
      %dma_wait3A_916 = arith.constant 0 : i32
      %dma_wait3A_917 = tpu.memref_slice %arg11[%dma_wait3A, %dma_wait3A_915, %dma_wait3A_916] : memref<5x16x1024xf32, #tpu.memory_space<vmem>> -> memref<1x16x1024xf32, #tpu.memory_space<vmem>>
      %dma_wait3A_918 = tpu.memref_squeeze %dma_wait3A_917 : memref<1x16x1024xf32, #tpu.memory_space<vmem>> -> memref<16x1024xf32, #tpu.memory_space<vmem>>
      tpu.wait_dma2 semaphore(%dma_wait3A_912 : memref<!tpu.dma_semaphore, #tpu.memory_space<semaphore_mem>>) src(%dma_wait3A_918 : memref<16x1024xf32, #tpu.memory_space<vmem>>) dst(%dma_wait3A_914 : memref<16x1024xf32, #tpu.memory_space<hbm>>)
    } else {
    }
    %le3A_429 = arith.constant 27 : i32
    %le3A_430 = arith.cmpi sle, %select_n3A, %le3A_429 : i32
    %convert_element_type3A_431 = arith.extui %le3A_430 : i1 to i32
    %cond3A_432 = arith.constant 0 : i32
    %cond3A_433 = arith.cmpi ne, %convert_element_type3A_431, %cond3A_432 : i32
    scf.if %cond3A_433 {
      %add3A_902 = arith.constant 432 : i32
      %add3A_903 = arith.addi %mul3A_2, %add3A_902 : i32
      %dma_wait3A = arith.constant 0 : i32
      %dma_wait3A_904 = tpu.memref_slice %arg4[%add3A_903, %dma_wait3A] : memref<32768x1024xf32, #tpu.memory_space<hbm>> -> memref<16x1024xf32, #tpu.memory_space<hbm>>
      %dma_wait3A_905 = arith.constant 0 : i32
      %dma_wait3A_906 = tpu.memref_slice %arg4[%add3A_903, %dma_wait3A_905] : memref<32768x1024xf32, #tpu.memory_space<hbm>> -> memref<16x1024xf32, #tpu.memory_space<hbm>>
      tpu.wait_dma2 semaphore(%arg15 : memref<!tpu.dma_semaphore, #tpu.memory_space<semaphore_mem>>) src(%arg12 : memref<16x1024xf32, #tpu.memory_space<vmem>>) dst(%dma_wait3A_906 : memref<16x1024xf32, #tpu.memory_space<hbm>>)
    } else {
    }
    %gt3A_434 = arith.constant 28 : i32
    %gt3A_435 = arith.cmpi sgt, %select_n3A, %gt3A_434 : i32
    %le3A_436 = arith.constant 33 : i32
    %le3A_437 = arith.cmpi sle, %select_n3A, %le3A_436 : i32
    %and3A_438 = arith.andi %gt3A_435, %le3A_437 : i1
    %convert_element_type3A_439 = arith.extui %and3A_438 : i1 to i32
    %cond3A_440 = arith.constant 0 : i32
    %cond3A_441 = arith.cmpi ne, %convert_element_type3A_439, %cond3A_440 : i32
    scf.if %cond3A_441 {
      %add3A_902 = arith.constant 448 : i32
      %add3A_903 = arith.addi %mul3A_2, %add3A_902 : i32
      %dma_wait3A = arith.constant 3 : i32
      %dma_wait3A_904 = arith.constant 3 : i32
      %dma_wait3A_905 = arith.constant 0 : i32
      %dma_wait3A_906 = arith.constant 0 : i32
      %dma_wait3A_907 = tpu.memref_slice %arg11[%dma_wait3A, %dma_wait3A_905, %dma_wait3A_906] : memref<5x16x1024xf32, #tpu.memory_space<vmem>> -> memref<1x16x1024xf32, #tpu.memory_space<vmem>>
      %dma_wait3A_908 = tpu.memref_squeeze %dma_wait3A_907 : memref<1x16x1024xf32, #tpu.memory_space<vmem>> -> memref<16x1024xf32, #tpu.memory_space<vmem>>
      %dma_wait3A_909 = arith.constant 0 : i32
      %dma_wait3A_910 = tpu.memref_slice %arg4[%add3A_903, %dma_wait3A_909] : memref<32768x1024xf32, #tpu.memory_space<hbm>> -> memref<16x1024xf32, #tpu.memory_space<hbm>>
      %dma_wait3A_911 = tpu.memref_slice %arg14[%dma_wait3A_904] : memref<5x!tpu.dma_semaphore, #tpu.memory_space<semaphore_mem>> -> memref<1x!tpu.dma_semaphore, #tpu.memory_space<semaphore_mem>>
      %dma_wait3A_912 = tpu.memref_squeeze %dma_wait3A_911 : memref<1x!tpu.dma_semaphore, #tpu.memory_space<semaphore_mem>> -> memref<!tpu.dma_semaphore, #tpu.memory_space<semaphore_mem>>
      %dma_wait3A_913 = arith.constant 0 : i32
      %dma_wait3A_914 = tpu.memref_slice %arg4[%add3A_903, %dma_wait3A_913] : memref<32768x1024xf32, #tpu.memory_space<hbm>> -> memref<16x1024xf32, #tpu.memory_space<hbm>>
      %dma_wait3A_915 = arith.constant 0 : i32
      %dma_wait3A_916 = arith.constant 0 : i32
      %dma_wait3A_917 = tpu.memref_slice %arg11[%dma_wait3A, %dma_wait3A_915, %dma_wait3A_916] : memref<5x16x1024xf32, #tpu.memory_space<vmem>> -> memref<1x16x1024xf32, #tpu.memory_space<vmem>>
      %dma_wait3A_918 = tpu.memref_squeeze %dma_wait3A_917 : memref<1x16x1024xf32, #tpu.memory_space<vmem>> -> memref<16x1024xf32, #tpu.memory_space<vmem>>
      tpu.wait_dma2 semaphore(%dma_wait3A_912 : memref<!tpu.dma_semaphore, #tpu.memory_space<semaphore_mem>>) src(%dma_wait3A_918 : memref<16x1024xf32, #tpu.memory_space<vmem>>) dst(%dma_wait3A_914 : memref<16x1024xf32, #tpu.memory_space<hbm>>)
    } else {
    }
    %le3A_442 = arith.constant 28 : i32
    %le3A_443 = arith.cmpi sle, %select_n3A, %le3A_442 : i32
    %convert_element_type3A_444 = arith.extui %le3A_443 : i1 to i32
    %cond3A_445 = arith.constant 0 : i32
    %cond3A_446 = arith.cmpi ne, %convert_element_type3A_444, %cond3A_445 : i32
    scf.if %cond3A_446 {
      %add3A_902 = arith.constant 448 : i32
      %add3A_903 = arith.addi %mul3A_2, %add3A_902 : i32
      %dma_wait3A = arith.constant 0 : i32
      %dma_wait3A_904 = tpu.memref_slice %arg4[%add3A_903, %dma_wait3A] : memref<32768x1024xf32, #tpu.memory_space<hbm>> -> memref<16x1024xf32, #tpu.memory_space<hbm>>
      %dma_wait3A_905 = arith.constant 0 : i32
      %dma_wait3A_906 = tpu.memref_slice %arg4[%add3A_903, %dma_wait3A_905] : memref<32768x1024xf32, #tpu.memory_space<hbm>> -> memref<16x1024xf32, #tpu.memory_space<hbm>>
      tpu.wait_dma2 semaphore(%arg15 : memref<!tpu.dma_semaphore, #tpu.memory_space<semaphore_mem>>) src(%arg12 : memref<16x1024xf32, #tpu.memory_space<vmem>>) dst(%dma_wait3A_906 : memref<16x1024xf32, #tpu.memory_space<hbm>>)
    } else {
    }
    %gt3A_447 = arith.constant 29 : i32
    %gt3A_448 = arith.cmpi sgt, %select_n3A, %gt3A_447 : i32
    %le3A_449 = arith.constant 34 : i32
    %le3A_450 = arith.cmpi sle, %select_n3A, %le3A_449 : i32
    %and3A_451 = arith.andi %gt3A_448, %le3A_450 : i1
    %convert_element_type3A_452 = arith.extui %and3A_451 : i1 to i32
    %cond3A_453 = arith.constant 0 : i32
    %cond3A_454 = arith.cmpi ne, %convert_element_type3A_452, %cond3A_453 : i32
    scf.if %cond3A_454 {
      %add3A_902 = arith.constant 464 : i32
      %add3A_903 = arith.addi %mul3A_2, %add3A_902 : i32
      %dma_wait3A = arith.constant 4 : i32
      %dma_wait3A_904 = arith.constant 4 : i32
      %dma_wait3A_905 = arith.constant 0 : i32
      %dma_wait3A_906 = arith.constant 0 : i32
      %dma_wait3A_907 = tpu.memref_slice %arg11[%dma_wait3A, %dma_wait3A_905, %dma_wait3A_906] : memref<5x16x1024xf32, #tpu.memory_space<vmem>> -> memref<1x16x1024xf32, #tpu.memory_space<vmem>>
      %dma_wait3A_908 = tpu.memref_squeeze %dma_wait3A_907 : memref<1x16x1024xf32, #tpu.memory_space<vmem>> -> memref<16x1024xf32, #tpu.memory_space<vmem>>
      %dma_wait3A_909 = arith.constant 0 : i32
      %dma_wait3A_910 = tpu.memref_slice %arg4[%add3A_903, %dma_wait3A_909] : memref<32768x1024xf32, #tpu.memory_space<hbm>> -> memref<16x1024xf32, #tpu.memory_space<hbm>>
      %dma_wait3A_911 = tpu.memref_slice %arg14[%dma_wait3A_904] : memref<5x!tpu.dma_semaphore, #tpu.memory_space<semaphore_mem>> -> memref<1x!tpu.dma_semaphore, #tpu.memory_space<semaphore_mem>>
      %dma_wait3A_912 = tpu.memref_squeeze %dma_wait3A_911 : memref<1x!tpu.dma_semaphore, #tpu.memory_space<semaphore_mem>> -> memref<!tpu.dma_semaphore, #tpu.memory_space<semaphore_mem>>
      %dma_wait3A_913 = arith.constant 0 : i32
      %dma_wait3A_914 = tpu.memref_slice %arg4[%add3A_903, %dma_wait3A_913] : memref<32768x1024xf32, #tpu.memory_space<hbm>> -> memref<16x1024xf32, #tpu.memory_space<hbm>>
      %dma_wait3A_915 = arith.constant 0 : i32
      %dma_wait3A_916 = arith.constant 0 : i32
      %dma_wait3A_917 = tpu.memref_slice %arg11[%dma_wait3A, %dma_wait3A_915, %dma_wait3A_916] : memref<5x16x1024xf32, #tpu.memory_space<vmem>> -> memref<1x16x1024xf32, #tpu.memory_space<vmem>>
      %dma_wait3A_918 = tpu.memref_squeeze %dma_wait3A_917 : memref<1x16x1024xf32, #tpu.memory_space<vmem>> -> memref<16x1024xf32, #tpu.memory_space<vmem>>
      tpu.wait_dma2 semaphore(%dma_wait3A_912 : memref<!tpu.dma_semaphore, #tpu.memory_space<semaphore_mem>>) src(%dma_wait3A_918 : memref<16x1024xf32, #tpu.memory_space<vmem>>) dst(%dma_wait3A_914 : memref<16x1024xf32, #tpu.memory_space<hbm>>)
    } else {
    }
    %le3A_455 = arith.constant 29 : i32
    %le3A_456 = arith.cmpi sle, %select_n3A, %le3A_455 : i32
    %convert_element_type3A_457 = arith.extui %le3A_456 : i1 to i32
    %cond3A_458 = arith.constant 0 : i32
    %cond3A_459 = arith.cmpi ne, %convert_element_type3A_457, %cond3A_458 : i32
    scf.if %cond3A_459 {
      %add3A_902 = arith.constant 464 : i32
      %add3A_903 = arith.addi %mul3A_2, %add3A_902 : i32
      %dma_wait3A = arith.constant 0 : i32
      %dma_wait3A_904 = tpu.memref_slice %arg4[%add3A_903, %dma_wait3A] : memref<32768x1024xf32, #tpu.memory_space<hbm>> -> memref<16x1024xf32, #tpu.memory_space<hbm>>
      %dma_wait3A_905 = arith.constant 0 : i32
      %dma_wait3A_906 = tpu.memref_slice %arg4[%add3A_903, %dma_wait3A_905] : memref<32768x1024xf32, #tpu.memory_space<hbm>> -> memref<16x1024xf32, #tpu.memory_space<hbm>>
      tpu.wait_dma2 semaphore(%arg15 : memref<!tpu.dma_semaphore, #tpu.memory_space<semaphore_mem>>) src(%arg12 : memref<16x1024xf32, #tpu.memory_space<vmem>>) dst(%dma_wait3A_906 : memref<16x1024xf32, #tpu.memory_space<hbm>>)
    } else {
    }
    %gt3A_460 = arith.constant 30 : i32
    %gt3A_461 = arith.cmpi sgt, %select_n3A, %gt3A_460 : i32
    %le3A_462 = arith.constant 35 : i32
    %le3A_463 = arith.cmpi sle, %select_n3A, %le3A_462 : i32
    %and3A_464 = arith.andi %gt3A_461, %le3A_463 : i1
    %convert_element_type3A_465 = arith.extui %and3A_464 : i1 to i32
    %cond3A_466 = arith.constant 0 : i32
    %cond3A_467 = arith.cmpi ne, %convert_element_type3A_465, %cond3A_466 : i32
    scf.if %cond3A_467 {
      %add3A_902 = arith.constant 480 : i32
      %add3A_903 = arith.addi %mul3A_2, %add3A_902 : i32
      %dma_wait3A = arith.constant 0 : i32
      %dma_wait3A_904 = arith.constant 0 : i32
      %dma_wait3A_905 = arith.constant 0 : i32
      %dma_wait3A_906 = arith.constant 0 : i32
      %dma_wait3A_907 = tpu.memref_slice %arg11[%dma_wait3A, %dma_wait3A_905, %dma_wait3A_906] : memref<5x16x1024xf32, #tpu.memory_space<vmem>> -> memref<1x16x1024xf32, #tpu.memory_space<vmem>>
      %dma_wait3A_908 = tpu.memref_squeeze %dma_wait3A_907 : memref<1x16x1024xf32, #tpu.memory_space<vmem>> -> memref<16x1024xf32, #tpu.memory_space<vmem>>
      %dma_wait3A_909 = arith.constant 0 : i32
      %dma_wait3A_910 = tpu.memref_slice %arg4[%add3A_903, %dma_wait3A_909] : memref<32768x1024xf32, #tpu.memory_space<hbm>> -> memref<16x1024xf32, #tpu.memory_space<hbm>>
      %dma_wait3A_911 = tpu.memref_slice %arg14[%dma_wait3A_904] : memref<5x!tpu.dma_semaphore, #tpu.memory_space<semaphore_mem>> -> memref<1x!tpu.dma_semaphore, #tpu.memory_space<semaphore_mem>>
      %dma_wait3A_912 = tpu.memref_squeeze %dma_wait3A_911 : memref<1x!tpu.dma_semaphore, #tpu.memory_space<semaphore_mem>> -> memref<!tpu.dma_semaphore, #tpu.memory_space<semaphore_mem>>
      %dma_wait3A_913 = arith.constant 0 : i32
      %dma_wait3A_914 = tpu.memref_slice %arg4[%add3A_903, %dma_wait3A_913] : memref<32768x1024xf32, #tpu.memory_space<hbm>> -> memref<16x1024xf32, #tpu.memory_space<hbm>>
      %dma_wait3A_915 = arith.constant 0 : i32
      %dma_wait3A_916 = arith.constant 0 : i32
      %dma_wait3A_917 = tpu.memref_slice %arg11[%dma_wait3A, %dma_wait3A_915, %dma_wait3A_916] : memref<5x16x1024xf32, #tpu.memory_space<vmem>> -> memref<1x16x1024xf32, #tpu.memory_space<vmem>>
      %dma_wait3A_918 = tpu.memref_squeeze %dma_wait3A_917 : memref<1x16x1024xf32, #tpu.memory_space<vmem>> -> memref<16x1024xf32, #tpu.memory_space<vmem>>
      tpu.wait_dma2 semaphore(%dma_wait3A_912 : memref<!tpu.dma_semaphore, #tpu.memory_space<semaphore_mem>>) src(%dma_wait3A_918 : memref<16x1024xf32, #tpu.memory_space<vmem>>) dst(%dma_wait3A_914 : memref<16x1024xf32, #tpu.memory_space<hbm>>)
    } else {
    }
    %le3A_468 = arith.constant 30 : i32
    %le3A_469 = arith.cmpi sle, %select_n3A, %le3A_468 : i32
    %convert_element_type3A_470 = arith.extui %le3A_469 : i1 to i32
    %cond3A_471 = arith.constant 0 : i32
    %cond3A_472 = arith.cmpi ne, %convert_element_type3A_470, %cond3A_471 : i32
    scf.if %cond3A_472 {
      %add3A_902 = arith.constant 480 : i32
      %add3A_903 = arith.addi %mul3A_2, %add3A_902 : i32
      %dma_wait3A = arith.constant 0 : i32
      %dma_wait3A_904 = tpu.memref_slice %arg4[%add3A_903, %dma_wait3A] : memref<32768x1024xf32, #tpu.memory_space<hbm>> -> memref<16x1024xf32, #tpu.memory_space<hbm>>
      %dma_wait3A_905 = arith.constant 0 : i32
      %dma_wait3A_906 = tpu.memref_slice %arg4[%add3A_903, %dma_wait3A_905] : memref<32768x1024xf32, #tpu.memory_space<hbm>> -> memref<16x1024xf32, #tpu.memory_space<hbm>>
      tpu.wait_dma2 semaphore(%arg15 : memref<!tpu.dma_semaphore, #tpu.memory_space<semaphore_mem>>) src(%arg12 : memref<16x1024xf32, #tpu.memory_space<vmem>>) dst(%dma_wait3A_906 : memref<16x1024xf32, #tpu.memory_space<hbm>>)
    } else {
    }
    %gt3A_473 = arith.constant 31 : i32
    %gt3A_474 = arith.cmpi sgt, %select_n3A, %gt3A_473 : i32
    %le3A_475 = arith.constant 36 : i32
    %le3A_476 = arith.cmpi sle, %select_n3A, %le3A_475 : i32
    %and3A_477 = arith.andi %gt3A_474, %le3A_476 : i1
    %convert_element_type3A_478 = arith.extui %and3A_477 : i1 to i32
    %cond3A_479 = arith.constant 0 : i32
    %cond3A_480 = arith.cmpi ne, %convert_element_type3A_478, %cond3A_479 : i32
    scf.if %cond3A_480 {
      %add3A_902 = arith.constant 496 : i32
      %add3A_903 = arith.addi %mul3A_2, %add3A_902 : i32
      %dma_wait3A = arith.constant 1 : i32
      %dma_wait3A_904 = arith.constant 1 : i32
      %dma_wait3A_905 = arith.constant 0 : i32
      %dma_wait3A_906 = arith.constant 0 : i32
      %dma_wait3A_907 = tpu.memref_slice %arg11[%dma_wait3A, %dma_wait3A_905, %dma_wait3A_906] : memref<5x16x1024xf32, #tpu.memory_space<vmem>> -> memref<1x16x1024xf32, #tpu.memory_space<vmem>>
      %dma_wait3A_908 = tpu.memref_squeeze %dma_wait3A_907 : memref<1x16x1024xf32, #tpu.memory_space<vmem>> -> memref<16x1024xf32, #tpu.memory_space<vmem>>
      %dma_wait3A_909 = arith.constant 0 : i32
      %dma_wait3A_910 = tpu.memref_slice %arg4[%add3A_903, %dma_wait3A_909] : memref<32768x1024xf32, #tpu.memory_space<hbm>> -> memref<16x1024xf32, #tpu.memory_space<hbm>>
      %dma_wait3A_911 = tpu.memref_slice %arg14[%dma_wait3A_904] : memref<5x!tpu.dma_semaphore, #tpu.memory_space<semaphore_mem>> -> memref<1x!tpu.dma_semaphore, #tpu.memory_space<semaphore_mem>>
      %dma_wait3A_912 = tpu.memref_squeeze %dma_wait3A_911 : memref<1x!tpu.dma_semaphore, #tpu.memory_space<semaphore_mem>> -> memref<!tpu.dma_semaphore, #tpu.memory_space<semaphore_mem>>
      %dma_wait3A_913 = arith.constant 0 : i32
      %dma_wait3A_914 = tpu.memref_slice %arg4[%add3A_903, %dma_wait3A_913] : memref<32768x1024xf32, #tpu.memory_space<hbm>> -> memref<16x1024xf32, #tpu.memory_space<hbm>>
      %dma_wait3A_915 = arith.constant 0 : i32
      %dma_wait3A_916 = arith.constant 0 : i32
      %dma_wait3A_917 = tpu.memref_slice %arg11[%dma_wait3A, %dma_wait3A_915, %dma_wait3A_916] : memref<5x16x1024xf32, #tpu.memory_space<vmem>> -> memref<1x16x1024xf32, #tpu.memory_space<vmem>>
      %dma_wait3A_918 = tpu.memref_squeeze %dma_wait3A_917 : memref<1x16x1024xf32, #tpu.memory_space<vmem>> -> memref<16x1024xf32, #tpu.memory_space<vmem>>
      tpu.wait_dma2 semaphore(%dma_wait3A_912 : memref<!tpu.dma_semaphore, #tpu.memory_space<semaphore_mem>>) src(%dma_wait3A_918 : memref<16x1024xf32, #tpu.memory_space<vmem>>) dst(%dma_wait3A_914 : memref<16x1024xf32, #tpu.memory_space<hbm>>)
    } else {
    }
    %le3A_481 = arith.constant 31 : i32
    %le3A_482 = arith.cmpi sle, %select_n3A, %le3A_481 : i32
    %convert_element_type3A_483 = arith.extui %le3A_482 : i1 to i32
    %cond3A_484 = arith.constant 0 : i32
    %cond3A_485 = arith.cmpi ne, %convert_element_type3A_483, %cond3A_484 : i32
    scf.if %cond3A_485 {
      %add3A_902 = arith.constant 496 : i32
      %add3A_903 = arith.addi %mul3A_2, %add3A_902 : i32
      %dma_wait3A = arith.constant 0 : i32
      %dma_wait3A_904 = tpu.memref_slice %arg4[%add3A_903, %dma_wait3A] : memref<32768x1024xf32, #tpu.memory_space<hbm>> -> memref<16x1024xf32, #tpu.memory_space<hbm>>
      %dma_wait3A_905 = arith.constant 0 : i32
      %dma_wait3A_906 = tpu.memref_slice %arg4[%add3A_903, %dma_wait3A_905] : memref<32768x1024xf32, #tpu.memory_space<hbm>> -> memref<16x1024xf32, #tpu.memory_space<hbm>>
      tpu.wait_dma2 semaphore(%arg15 : memref<!tpu.dma_semaphore, #tpu.memory_space<semaphore_mem>>) src(%arg12 : memref<16x1024xf32, #tpu.memory_space<vmem>>) dst(%dma_wait3A_906 : memref<16x1024xf32, #tpu.memory_space<hbm>>)
    } else {
    }
    %gt3A_486 = arith.constant 32 : i32
    %gt3A_487 = arith.cmpi sgt, %select_n3A, %gt3A_486 : i32
    %le3A_488 = arith.constant 37 : i32
    %le3A_489 = arith.cmpi sle, %select_n3A, %le3A_488 : i32
    %and3A_490 = arith.andi %gt3A_487, %le3A_489 : i1
    %convert_element_type3A_491 = arith.extui %and3A_490 : i1 to i32
    %cond3A_492 = arith.constant 0 : i32
    %cond3A_493 = arith.cmpi ne, %convert_element_type3A_491, %cond3A_492 : i32
    scf.if %cond3A_493 {
      %add3A_902 = arith.constant 512 : i32
      %add3A_903 = arith.addi %mul3A_2, %add3A_902 : i32
      %dma_wait3A = arith.constant 2 : i32
      %dma_wait3A_904 = arith.constant 2 : i32
      %dma_wait3A_905 = arith.constant 0 : i32
      %dma_wait3A_906 = arith.constant 0 : i32
      %dma_wait3A_907 = tpu.memref_slice %arg11[%dma_wait3A, %dma_wait3A_905, %dma_wait3A_906] : memref<5x16x1024xf32, #tpu.memory_space<vmem>> -> memref<1x16x1024xf32, #tpu.memory_space<vmem>>
      %dma_wait3A_908 = tpu.memref_squeeze %dma_wait3A_907 : memref<1x16x1024xf32, #tpu.memory_space<vmem>> -> memref<16x1024xf32, #tpu.memory_space<vmem>>
      %dma_wait3A_909 = arith.constant 0 : i32
      %dma_wait3A_910 = tpu.memref_slice %arg4[%add3A_903, %dma_wait3A_909] : memref<32768x1024xf32, #tpu.memory_space<hbm>> -> memref<16x1024xf32, #tpu.memory_space<hbm>>
      %dma_wait3A_911 = tpu.memref_slice %arg14[%dma_wait3A_904] : memref<5x!tpu.dma_semaphore, #tpu.memory_space<semaphore_mem>> -> memref<1x!tpu.dma_semaphore, #tpu.memory_space<semaphore_mem>>
      %dma_wait3A_912 = tpu.memref_squeeze %dma_wait3A_911 : memref<1x!tpu.dma_semaphore, #tpu.memory_space<semaphore_mem>> -> memref<!tpu.dma_semaphore, #tpu.memory_space<semaphore_mem>>
      %dma_wait3A_913 = arith.constant 0 : i32
      %dma_wait3A_914 = tpu.memref_slice %arg4[%add3A_903, %dma_wait3A_913] : memref<32768x1024xf32, #tpu.memory_space<hbm>> -> memref<16x1024xf32, #tpu.memory_space<hbm>>
      %dma_wait3A_915 = arith.constant 0 : i32
      %dma_wait3A_916 = arith.constant 0 : i32
      %dma_wait3A_917 = tpu.memref_slice %arg11[%dma_wait3A, %dma_wait3A_915, %dma_wait3A_916] : memref<5x16x1024xf32, #tpu.memory_space<vmem>> -> memref<1x16x1024xf32, #tpu.memory_space<vmem>>
      %dma_wait3A_918 = tpu.memref_squeeze %dma_wait3A_917 : memref<1x16x1024xf32, #tpu.memory_space<vmem>> -> memref<16x1024xf32, #tpu.memory_space<vmem>>
      tpu.wait_dma2 semaphore(%dma_wait3A_912 : memref<!tpu.dma_semaphore, #tpu.memory_space<semaphore_mem>>) src(%dma_wait3A_918 : memref<16x1024xf32, #tpu.memory_space<vmem>>) dst(%dma_wait3A_914 : memref<16x1024xf32, #tpu.memory_space<hbm>>)
    } else {
    }
    %le3A_494 = arith.constant 32 : i32
    %le3A_495 = arith.cmpi sle, %select_n3A, %le3A_494 : i32
    %convert_element_type3A_496 = arith.extui %le3A_495 : i1 to i32
    %cond3A_497 = arith.constant 0 : i32
    %cond3A_498 = arith.cmpi ne, %convert_element_type3A_496, %cond3A_497 : i32
    scf.if %cond3A_498 {
      %add3A_902 = arith.constant 512 : i32
      %add3A_903 = arith.addi %mul3A_2, %add3A_902 : i32
      %dma_wait3A = arith.constant 0 : i32
      %dma_wait3A_904 = tpu.memref_slice %arg4[%add3A_903, %dma_wait3A] : memref<32768x1024xf32, #tpu.memory_space<hbm>> -> memref<16x1024xf32, #tpu.memory_space<hbm>>
      %dma_wait3A_905 = arith.constant 0 : i32
      %dma_wait3A_906 = tpu.memref_slice %arg4[%add3A_903, %dma_wait3A_905] : memref<32768x1024xf32, #tpu.memory_space<hbm>> -> memref<16x1024xf32, #tpu.memory_space<hbm>>
      tpu.wait_dma2 semaphore(%arg15 : memref<!tpu.dma_semaphore, #tpu.memory_space<semaphore_mem>>) src(%arg12 : memref<16x1024xf32, #tpu.memory_space<vmem>>) dst(%dma_wait3A_906 : memref<16x1024xf32, #tpu.memory_space<hbm>>)
    } else {
    }
    %gt3A_499 = arith.constant 33 : i32
    %gt3A_500 = arith.cmpi sgt, %select_n3A, %gt3A_499 : i32
    %le3A_501 = arith.constant 38 : i32
    %le3A_502 = arith.cmpi sle, %select_n3A, %le3A_501 : i32
    %and3A_503 = arith.andi %gt3A_500, %le3A_502 : i1
    %convert_element_type3A_504 = arith.extui %and3A_503 : i1 to i32
    %cond3A_505 = arith.constant 0 : i32
    %cond3A_506 = arith.cmpi ne, %convert_element_type3A_504, %cond3A_505 : i32
    scf.if %cond3A_506 {
      %add3A_902 = arith.constant 528 : i32
      %add3A_903 = arith.addi %mul3A_2, %add3A_902 : i32
      %dma_wait3A = arith.constant 3 : i32
      %dma_wait3A_904 = arith.constant 3 : i32
      %dma_wait3A_905 = arith.constant 0 : i32
      %dma_wait3A_906 = arith.constant 0 : i32
      %dma_wait3A_907 = tpu.memref_slice %arg11[%dma_wait3A, %dma_wait3A_905, %dma_wait3A_906] : memref<5x16x1024xf32, #tpu.memory_space<vmem>> -> memref<1x16x1024xf32, #tpu.memory_space<vmem>>
      %dma_wait3A_908 = tpu.memref_squeeze %dma_wait3A_907 : memref<1x16x1024xf32, #tpu.memory_space<vmem>> -> memref<16x1024xf32, #tpu.memory_space<vmem>>
      %dma_wait3A_909 = arith.constant 0 : i32
      %dma_wait3A_910 = tpu.memref_slice %arg4[%add3A_903, %dma_wait3A_909] : memref<32768x1024xf32, #tpu.memory_space<hbm>> -> memref<16x1024xf32, #tpu.memory_space<hbm>>
      %dma_wait3A_911 = tpu.memref_slice %arg14[%dma_wait3A_904] : memref<5x!tpu.dma_semaphore, #tpu.memory_space<semaphore_mem>> -> memref<1x!tpu.dma_semaphore, #tpu.memory_space<semaphore_mem>>
      %dma_wait3A_912 = tpu.memref_squeeze %dma_wait3A_911 : memref<1x!tpu.dma_semaphore, #tpu.memory_space<semaphore_mem>> -> memref<!tpu.dma_semaphore, #tpu.memory_space<semaphore_mem>>
      %dma_wait3A_913 = arith.constant 0 : i32
      %dma_wait3A_914 = tpu.memref_slice %arg4[%add3A_903, %dma_wait3A_913] : memref<32768x1024xf32, #tpu.memory_space<hbm>> -> memref<16x1024xf32, #tpu.memory_space<hbm>>
      %dma_wait3A_915 = arith.constant 0 : i32
      %dma_wait3A_916 = arith.constant 0 : i32
      %dma_wait3A_917 = tpu.memref_slice %arg11[%dma_wait3A, %dma_wait3A_915, %dma_wait3A_916] : memref<5x16x1024xf32, #tpu.memory_space<vmem>> -> memref<1x16x1024xf32, #tpu.memory_space<vmem>>
      %dma_wait3A_918 = tpu.memref_squeeze %dma_wait3A_917 : memref<1x16x1024xf32, #tpu.memory_space<vmem>> -> memref<16x1024xf32, #tpu.memory_space<vmem>>
      tpu.wait_dma2 semaphore(%dma_wait3A_912 : memref<!tpu.dma_semaphore, #tpu.memory_space<semaphore_mem>>) src(%dma_wait3A_918 : memref<16x1024xf32, #tpu.memory_space<vmem>>) dst(%dma_wait3A_914 : memref<16x1024xf32, #tpu.memory_space<hbm>>)
    } else {
    }
    %le3A_507 = arith.constant 33 : i32
    %le3A_508 = arith.cmpi sle, %select_n3A, %le3A_507 : i32
    %convert_element_type3A_509 = arith.extui %le3A_508 : i1 to i32
    %cond3A_510 = arith.constant 0 : i32
    %cond3A_511 = arith.cmpi ne, %convert_element_type3A_509, %cond3A_510 : i32
    scf.if %cond3A_511 {
      %add3A_902 = arith.constant 528 : i32
      %add3A_903 = arith.addi %mul3A_2, %add3A_902 : i32
      %dma_wait3A = arith.constant 0 : i32
      %dma_wait3A_904 = tpu.memref_slice %arg4[%add3A_903, %dma_wait3A] : memref<32768x1024xf32, #tpu.memory_space<hbm>> -> memref<16x1024xf32, #tpu.memory_space<hbm>>
      %dma_wait3A_905 = arith.constant 0 : i32
      %dma_wait3A_906 = tpu.memref_slice %arg4[%add3A_903, %dma_wait3A_905] : memref<32768x1024xf32, #tpu.memory_space<hbm>> -> memref<16x1024xf32, #tpu.memory_space<hbm>>
      tpu.wait_dma2 semaphore(%arg15 : memref<!tpu.dma_semaphore, #tpu.memory_space<semaphore_mem>>) src(%arg12 : memref<16x1024xf32, #tpu.memory_space<vmem>>) dst(%dma_wait3A_906 : memref<16x1024xf32, #tpu.memory_space<hbm>>)
    } else {
    }
    %gt3A_512 = arith.constant 34 : i32
    %gt3A_513 = arith.cmpi sgt, %select_n3A, %gt3A_512 : i32
    %le3A_514 = arith.constant 39 : i32
    %le3A_515 = arith.cmpi sle, %select_n3A, %le3A_514 : i32
    %and3A_516 = arith.andi %gt3A_513, %le3A_515 : i1
    %convert_element_type3A_517 = arith.extui %and3A_516 : i1 to i32
    %cond3A_518 = arith.constant 0 : i32
    %cond3A_519 = arith.cmpi ne, %convert_element_type3A_517, %cond3A_518 : i32
    scf.if %cond3A_519 {
      %add3A_902 = arith.constant 544 : i32
      %add3A_903 = arith.addi %mul3A_2, %add3A_902 : i32
      %dma_wait3A = arith.constant 4 : i32
      %dma_wait3A_904 = arith.constant 4 : i32
      %dma_wait3A_905 = arith.constant 0 : i32
      %dma_wait3A_906 = arith.constant 0 : i32
      %dma_wait3A_907 = tpu.memref_slice %arg11[%dma_wait3A, %dma_wait3A_905, %dma_wait3A_906] : memref<5x16x1024xf32, #tpu.memory_space<vmem>> -> memref<1x16x1024xf32, #tpu.memory_space<vmem>>
      %dma_wait3A_908 = tpu.memref_squeeze %dma_wait3A_907 : memref<1x16x1024xf32, #tpu.memory_space<vmem>> -> memref<16x1024xf32, #tpu.memory_space<vmem>>
      %dma_wait3A_909 = arith.constant 0 : i32
      %dma_wait3A_910 = tpu.memref_slice %arg4[%add3A_903, %dma_wait3A_909] : memref<32768x1024xf32, #tpu.memory_space<hbm>> -> memref<16x1024xf32, #tpu.memory_space<hbm>>
      %dma_wait3A_911 = tpu.memref_slice %arg14[%dma_wait3A_904] : memref<5x!tpu.dma_semaphore, #tpu.memory_space<semaphore_mem>> -> memref<1x!tpu.dma_semaphore, #tpu.memory_space<semaphore_mem>>
      %dma_wait3A_912 = tpu.memref_squeeze %dma_wait3A_911 : memref<1x!tpu.dma_semaphore, #tpu.memory_space<semaphore_mem>> -> memref<!tpu.dma_semaphore, #tpu.memory_space<semaphore_mem>>
      %dma_wait3A_913 = arith.constant 0 : i32
      %dma_wait3A_914 = tpu.memref_slice %arg4[%add3A_903, %dma_wait3A_913] : memref<32768x1024xf32, #tpu.memory_space<hbm>> -> memref<16x1024xf32, #tpu.memory_space<hbm>>
      %dma_wait3A_915 = arith.constant 0 : i32
      %dma_wait3A_916 = arith.constant 0 : i32
      %dma_wait3A_917 = tpu.memref_slice %arg11[%dma_wait3A, %dma_wait3A_915, %dma_wait3A_916] : memref<5x16x1024xf32, #tpu.memory_space<vmem>> -> memref<1x16x1024xf32, #tpu.memory_space<vmem>>
      %dma_wait3A_918 = tpu.memref_squeeze %dma_wait3A_917 : memref<1x16x1024xf32, #tpu.memory_space<vmem>> -> memref<16x1024xf32, #tpu.memory_space<vmem>>
      tpu.wait_dma2 semaphore(%dma_wait3A_912 : memref<!tpu.dma_semaphore, #tpu.memory_space<semaphore_mem>>) src(%dma_wait3A_918 : memref<16x1024xf32, #tpu.memory_space<vmem>>) dst(%dma_wait3A_914 : memref<16x1024xf32, #tpu.memory_space<hbm>>)
    } else {
    }
    %le3A_520 = arith.constant 34 : i32
    %le3A_521 = arith.cmpi sle, %select_n3A, %le3A_520 : i32
    %convert_element_type3A_522 = arith.extui %le3A_521 : i1 to i32
    %cond3A_523 = arith.constant 0 : i32
    %cond3A_524 = arith.cmpi ne, %convert_element_type3A_522, %cond3A_523 : i32
    scf.if %cond3A_524 {
      %add3A_902 = arith.constant 544 : i32
      %add3A_903 = arith.addi %mul3A_2, %add3A_902 : i32
      %dma_wait3A = arith.constant 0 : i32
      %dma_wait3A_904 = tpu.memref_slice %arg4[%add3A_903, %dma_wait3A] : memref<32768x1024xf32, #tpu.memory_space<hbm>> -> memref<16x1024xf32, #tpu.memory_space<hbm>>
      %dma_wait3A_905 = arith.constant 0 : i32
      %dma_wait3A_906 = tpu.memref_slice %arg4[%add3A_903, %dma_wait3A_905] : memref<32768x1024xf32, #tpu.memory_space<hbm>> -> memref<16x1024xf32, #tpu.memory_space<hbm>>
      tpu.wait_dma2 semaphore(%arg15 : memref<!tpu.dma_semaphore, #tpu.memory_space<semaphore_mem>>) src(%arg12 : memref<16x1024xf32, #tpu.memory_space<vmem>>) dst(%dma_wait3A_906 : memref<16x1024xf32, #tpu.memory_space<hbm>>)
    } else {
    }
    %gt3A_525 = arith.constant 35 : i32
    %gt3A_526 = arith.cmpi sgt, %select_n3A, %gt3A_525 : i32
    %le3A_527 = arith.constant 40 : i32
    %le3A_528 = arith.cmpi sle, %select_n3A, %le3A_527 : i32
    %and3A_529 = arith.andi %gt3A_526, %le3A_528 : i1
    %convert_element_type3A_530 = arith.extui %and3A_529 : i1 to i32
    %cond3A_531 = arith.constant 0 : i32
    %cond3A_532 = arith.cmpi ne, %convert_element_type3A_530, %cond3A_531 : i32
    scf.if %cond3A_532 {
      %add3A_902 = arith.constant 560 : i32
      %add3A_903 = arith.addi %mul3A_2, %add3A_902 : i32
      %dma_wait3A = arith.constant 0 : i32
      %dma_wait3A_904 = arith.constant 0 : i32
      %dma_wait3A_905 = arith.constant 0 : i32
      %dma_wait3A_906 = arith.constant 0 : i32
      %dma_wait3A_907 = tpu.memref_slice %arg11[%dma_wait3A, %dma_wait3A_905, %dma_wait3A_906] : memref<5x16x1024xf32, #tpu.memory_space<vmem>> -> memref<1x16x1024xf32, #tpu.memory_space<vmem>>
      %dma_wait3A_908 = tpu.memref_squeeze %dma_wait3A_907 : memref<1x16x1024xf32, #tpu.memory_space<vmem>> -> memref<16x1024xf32, #tpu.memory_space<vmem>>
      %dma_wait3A_909 = arith.constant 0 : i32
      %dma_wait3A_910 = tpu.memref_slice %arg4[%add3A_903, %dma_wait3A_909] : memref<32768x1024xf32, #tpu.memory_space<hbm>> -> memref<16x1024xf32, #tpu.memory_space<hbm>>
      %dma_wait3A_911 = tpu.memref_slice %arg14[%dma_wait3A_904] : memref<5x!tpu.dma_semaphore, #tpu.memory_space<semaphore_mem>> -> memref<1x!tpu.dma_semaphore, #tpu.memory_space<semaphore_mem>>
      %dma_wait3A_912 = tpu.memref_squeeze %dma_wait3A_911 : memref<1x!tpu.dma_semaphore, #tpu.memory_space<semaphore_mem>> -> memref<!tpu.dma_semaphore, #tpu.memory_space<semaphore_mem>>
      %dma_wait3A_913 = arith.constant 0 : i32
      %dma_wait3A_914 = tpu.memref_slice %arg4[%add3A_903, %dma_wait3A_913] : memref<32768x1024xf32, #tpu.memory_space<hbm>> -> memref<16x1024xf32, #tpu.memory_space<hbm>>
      %dma_wait3A_915 = arith.constant 0 : i32
      %dma_wait3A_916 = arith.constant 0 : i32
      %dma_wait3A_917 = tpu.memref_slice %arg11[%dma_wait3A, %dma_wait3A_915, %dma_wait3A_916] : memref<5x16x1024xf32, #tpu.memory_space<vmem>> -> memref<1x16x1024xf32, #tpu.memory_space<vmem>>
      %dma_wait3A_918 = tpu.memref_squeeze %dma_wait3A_917 : memref<1x16x1024xf32, #tpu.memory_space<vmem>> -> memref<16x1024xf32, #tpu.memory_space<vmem>>
      tpu.wait_dma2 semaphore(%dma_wait3A_912 : memref<!tpu.dma_semaphore, #tpu.memory_space<semaphore_mem>>) src(%dma_wait3A_918 : memref<16x1024xf32, #tpu.memory_space<vmem>>) dst(%dma_wait3A_914 : memref<16x1024xf32, #tpu.memory_space<hbm>>)
    } else {
    }
    %le3A_533 = arith.constant 35 : i32
    %le3A_534 = arith.cmpi sle, %select_n3A, %le3A_533 : i32
    %convert_element_type3A_535 = arith.extui %le3A_534 : i1 to i32
    %cond3A_536 = arith.constant 0 : i32
    %cond3A_537 = arith.cmpi ne, %convert_element_type3A_535, %cond3A_536 : i32
    scf.if %cond3A_537 {
      %add3A_902 = arith.constant 560 : i32
      %add3A_903 = arith.addi %mul3A_2, %add3A_902 : i32
      %dma_wait3A = arith.constant 0 : i32
      %dma_wait3A_904 = tpu.memref_slice %arg4[%add3A_903, %dma_wait3A] : memref<32768x1024xf32, #tpu.memory_space<hbm>> -> memref<16x1024xf32, #tpu.memory_space<hbm>>
      %dma_wait3A_905 = arith.constant 0 : i32
      %dma_wait3A_906 = tpu.memref_slice %arg4[%add3A_903, %dma_wait3A_905] : memref<32768x1024xf32, #tpu.memory_space<hbm>> -> memref<16x1024xf32, #tpu.memory_space<hbm>>
      tpu.wait_dma2 semaphore(%arg15 : memref<!tpu.dma_semaphore, #tpu.memory_space<semaphore_mem>>) src(%arg12 : memref<16x1024xf32, #tpu.memory_space<vmem>>) dst(%dma_wait3A_906 : memref<16x1024xf32, #tpu.memory_space<hbm>>)
    } else {
    }
    %gt3A_538 = arith.constant 36 : i32
    %gt3A_539 = arith.cmpi sgt, %select_n3A, %gt3A_538 : i32
    %le3A_540 = arith.constant 41 : i32
    %le3A_541 = arith.cmpi sle, %select_n3A, %le3A_540 : i32
    %and3A_542 = arith.andi %gt3A_539, %le3A_541 : i1
    %convert_element_type3A_543 = arith.extui %and3A_542 : i1 to i32
    %cond3A_544 = arith.constant 0 : i32
    %cond3A_545 = arith.cmpi ne, %convert_element_type3A_543, %cond3A_544 : i32
    scf.if %cond3A_545 {
      %add3A_902 = arith.constant 576 : i32
      %add3A_903 = arith.addi %mul3A_2, %add3A_902 : i32
      %dma_wait3A = arith.constant 1 : i32
      %dma_wait3A_904 = arith.constant 1 : i32
      %dma_wait3A_905 = arith.constant 0 : i32
      %dma_wait3A_906 = arith.constant 0 : i32
      %dma_wait3A_907 = tpu.memref_slice %arg11[%dma_wait3A, %dma_wait3A_905, %dma_wait3A_906] : memref<5x16x1024xf32, #tpu.memory_space<vmem>> -> memref<1x16x1024xf32, #tpu.memory_space<vmem>>
      %dma_wait3A_908 = tpu.memref_squeeze %dma_wait3A_907 : memref<1x16x1024xf32, #tpu.memory_space<vmem>> -> memref<16x1024xf32, #tpu.memory_space<vmem>>
      %dma_wait3A_909 = arith.constant 0 : i32
      %dma_wait3A_910 = tpu.memref_slice %arg4[%add3A_903, %dma_wait3A_909] : memref<32768x1024xf32, #tpu.memory_space<hbm>> -> memref<16x1024xf32, #tpu.memory_space<hbm>>
      %dma_wait3A_911 = tpu.memref_slice %arg14[%dma_wait3A_904] : memref<5x!tpu.dma_semaphore, #tpu.memory_space<semaphore_mem>> -> memref<1x!tpu.dma_semaphore, #tpu.memory_space<semaphore_mem>>
      %dma_wait3A_912 = tpu.memref_squeeze %dma_wait3A_911 : memref<1x!tpu.dma_semaphore, #tpu.memory_space<semaphore_mem>> -> memref<!tpu.dma_semaphore, #tpu.memory_space<semaphore_mem>>
      %dma_wait3A_913 = arith.constant 0 : i32
      %dma_wait3A_914 = tpu.memref_slice %arg4[%add3A_903, %dma_wait3A_913] : memref<32768x1024xf32, #tpu.memory_space<hbm>> -> memref<16x1024xf32, #tpu.memory_space<hbm>>
      %dma_wait3A_915 = arith.constant 0 : i32
      %dma_wait3A_916 = arith.constant 0 : i32
      %dma_wait3A_917 = tpu.memref_slice %arg11[%dma_wait3A, %dma_wait3A_915, %dma_wait3A_916] : memref<5x16x1024xf32, #tpu.memory_space<vmem>> -> memref<1x16x1024xf32, #tpu.memory_space<vmem>>
      %dma_wait3A_918 = tpu.memref_squeeze %dma_wait3A_917 : memref<1x16x1024xf32, #tpu.memory_space<vmem>> -> memref<16x1024xf32, #tpu.memory_space<vmem>>
      tpu.wait_dma2 semaphore(%dma_wait3A_912 : memref<!tpu.dma_semaphore, #tpu.memory_space<semaphore_mem>>) src(%dma_wait3A_918 : memref<16x1024xf32, #tpu.memory_space<vmem>>) dst(%dma_wait3A_914 : memref<16x1024xf32, #tpu.memory_space<hbm>>)
    } else {
    }
    %le3A_546 = arith.constant 36 : i32
    %le3A_547 = arith.cmpi sle, %select_n3A, %le3A_546 : i32
    %convert_element_type3A_548 = arith.extui %le3A_547 : i1 to i32
    %cond3A_549 = arith.constant 0 : i32
    %cond3A_550 = arith.cmpi ne, %convert_element_type3A_548, %cond3A_549 : i32
    scf.if %cond3A_550 {
      %add3A_902 = arith.constant 576 : i32
      %add3A_903 = arith.addi %mul3A_2, %add3A_902 : i32
      %dma_wait3A = arith.constant 0 : i32
      %dma_wait3A_904 = tpu.memref_slice %arg4[%add3A_903, %dma_wait3A] : memref<32768x1024xf32, #tpu.memory_space<hbm>> -> memref<16x1024xf32, #tpu.memory_space<hbm>>
      %dma_wait3A_905 = arith.constant 0 : i32
      %dma_wait3A_906 = tpu.memref_slice %arg4[%add3A_903, %dma_wait3A_905] : memref<32768x1024xf32, #tpu.memory_space<hbm>> -> memref<16x1024xf32, #tpu.memory_space<hbm>>
      tpu.wait_dma2 semaphore(%arg15 : memref<!tpu.dma_semaphore, #tpu.memory_space<semaphore_mem>>) src(%arg12 : memref<16x1024xf32, #tpu.memory_space<vmem>>) dst(%dma_wait3A_906 : memref<16x1024xf32, #tpu.memory_space<hbm>>)
    } else {
    }
    %gt3A_551 = arith.constant 37 : i32
    %gt3A_552 = arith.cmpi sgt, %select_n3A, %gt3A_551 : i32
    %le3A_553 = arith.constant 42 : i32
    %le3A_554 = arith.cmpi sle, %select_n3A, %le3A_553 : i32
    %and3A_555 = arith.andi %gt3A_552, %le3A_554 : i1
    %convert_element_type3A_556 = arith.extui %and3A_555 : i1 to i32
    %cond3A_557 = arith.constant 0 : i32
    %cond3A_558 = arith.cmpi ne, %convert_element_type3A_556, %cond3A_557 : i32
    scf.if %cond3A_558 {
      %add3A_902 = arith.constant 592 : i32
      %add3A_903 = arith.addi %mul3A_2, %add3A_902 : i32
      %dma_wait3A = arith.constant 2 : i32
      %dma_wait3A_904 = arith.constant 2 : i32
      %dma_wait3A_905 = arith.constant 0 : i32
      %dma_wait3A_906 = arith.constant 0 : i32
      %dma_wait3A_907 = tpu.memref_slice %arg11[%dma_wait3A, %dma_wait3A_905, %dma_wait3A_906] : memref<5x16x1024xf32, #tpu.memory_space<vmem>> -> memref<1x16x1024xf32, #tpu.memory_space<vmem>>
      %dma_wait3A_908 = tpu.memref_squeeze %dma_wait3A_907 : memref<1x16x1024xf32, #tpu.memory_space<vmem>> -> memref<16x1024xf32, #tpu.memory_space<vmem>>
      %dma_wait3A_909 = arith.constant 0 : i32
      %dma_wait3A_910 = tpu.memref_slice %arg4[%add3A_903, %dma_wait3A_909] : memref<32768x1024xf32, #tpu.memory_space<hbm>> -> memref<16x1024xf32, #tpu.memory_space<hbm>>
      %dma_wait3A_911 = tpu.memref_slice %arg14[%dma_wait3A_904] : memref<5x!tpu.dma_semaphore, #tpu.memory_space<semaphore_mem>> -> memref<1x!tpu.dma_semaphore, #tpu.memory_space<semaphore_mem>>
      %dma_wait3A_912 = tpu.memref_squeeze %dma_wait3A_911 : memref<1x!tpu.dma_semaphore, #tpu.memory_space<semaphore_mem>> -> memref<!tpu.dma_semaphore, #tpu.memory_space<semaphore_mem>>
      %dma_wait3A_913 = arith.constant 0 : i32
      %dma_wait3A_914 = tpu.memref_slice %arg4[%add3A_903, %dma_wait3A_913] : memref<32768x1024xf32, #tpu.memory_space<hbm>> -> memref<16x1024xf32, #tpu.memory_space<hbm>>
      %dma_wait3A_915 = arith.constant 0 : i32
      %dma_wait3A_916 = arith.constant 0 : i32
      %dma_wait3A_917 = tpu.memref_slice %arg11[%dma_wait3A, %dma_wait3A_915, %dma_wait3A_916] : memref<5x16x1024xf32, #tpu.memory_space<vmem>> -> memref<1x16x1024xf32, #tpu.memory_space<vmem>>
      %dma_wait3A_918 = tpu.memref_squeeze %dma_wait3A_917 : memref<1x16x1024xf32, #tpu.memory_space<vmem>> -> memref<16x1024xf32, #tpu.memory_space<vmem>>
      tpu.wait_dma2 semaphore(%dma_wait3A_912 : memref<!tpu.dma_semaphore, #tpu.memory_space<semaphore_mem>>) src(%dma_wait3A_918 : memref<16x1024xf32, #tpu.memory_space<vmem>>) dst(%dma_wait3A_914 : memref<16x1024xf32, #tpu.memory_space<hbm>>)
    } else {
    }
    %le3A_559 = arith.constant 37 : i32
    %le3A_560 = arith.cmpi sle, %select_n3A, %le3A_559 : i32
    %convert_element_type3A_561 = arith.extui %le3A_560 : i1 to i32
    %cond3A_562 = arith.constant 0 : i32
    %cond3A_563 = arith.cmpi ne, %convert_element_type3A_561, %cond3A_562 : i32
    scf.if %cond3A_563 {
      %add3A_902 = arith.constant 592 : i32
      %add3A_903 = arith.addi %mul3A_2, %add3A_902 : i32
      %dma_wait3A = arith.constant 0 : i32
      %dma_wait3A_904 = tpu.memref_slice %arg4[%add3A_903, %dma_wait3A] : memref<32768x1024xf32, #tpu.memory_space<hbm>> -> memref<16x1024xf32, #tpu.memory_space<hbm>>
      %dma_wait3A_905 = arith.constant 0 : i32
      %dma_wait3A_906 = tpu.memref_slice %arg4[%add3A_903, %dma_wait3A_905] : memref<32768x1024xf32, #tpu.memory_space<hbm>> -> memref<16x1024xf32, #tpu.memory_space<hbm>>
      tpu.wait_dma2 semaphore(%arg15 : memref<!tpu.dma_semaphore, #tpu.memory_space<semaphore_mem>>) src(%arg12 : memref<16x1024xf32, #tpu.memory_space<vmem>>) dst(%dma_wait3A_906 : memref<16x1024xf32, #tpu.memory_space<hbm>>)
    } else {
    }
    %gt3A_564 = arith.constant 38 : i32
    %gt3A_565 = arith.cmpi sgt, %select_n3A, %gt3A_564 : i32
    %le3A_566 = arith.constant 43 : i32
    %le3A_567 = arith.cmpi sle, %select_n3A, %le3A_566 : i32
    %and3A_568 = arith.andi %gt3A_565, %le3A_567 : i1
    %convert_element_type3A_569 = arith.extui %and3A_568 : i1 to i32
    %cond3A_570 = arith.constant 0 : i32
    %cond3A_571 = arith.cmpi ne, %convert_element_type3A_569, %cond3A_570 : i32
    scf.if %cond3A_571 {
      %add3A_902 = arith.constant 608 : i32
      %add3A_903 = arith.addi %mul3A_2, %add3A_902 : i32
      %dma_wait3A = arith.constant 3 : i32
      %dma_wait3A_904 = arith.constant 3 : i32
      %dma_wait3A_905 = arith.constant 0 : i32
      %dma_wait3A_906 = arith.constant 0 : i32
      %dma_wait3A_907 = tpu.memref_slice %arg11[%dma_wait3A, %dma_wait3A_905, %dma_wait3A_906] : memref<5x16x1024xf32, #tpu.memory_space<vmem>> -> memref<1x16x1024xf32, #tpu.memory_space<vmem>>
      %dma_wait3A_908 = tpu.memref_squeeze %dma_wait3A_907 : memref<1x16x1024xf32, #tpu.memory_space<vmem>> -> memref<16x1024xf32, #tpu.memory_space<vmem>>
      %dma_wait3A_909 = arith.constant 0 : i32
      %dma_wait3A_910 = tpu.memref_slice %arg4[%add3A_903, %dma_wait3A_909] : memref<32768x1024xf32, #tpu.memory_space<hbm>> -> memref<16x1024xf32, #tpu.memory_space<hbm>>
      %dma_wait3A_911 = tpu.memref_slice %arg14[%dma_wait3A_904] : memref<5x!tpu.dma_semaphore, #tpu.memory_space<semaphore_mem>> -> memref<1x!tpu.dma_semaphore, #tpu.memory_space<semaphore_mem>>
      %dma_wait3A_912 = tpu.memref_squeeze %dma_wait3A_911 : memref<1x!tpu.dma_semaphore, #tpu.memory_space<semaphore_mem>> -> memref<!tpu.dma_semaphore, #tpu.memory_space<semaphore_mem>>
      %dma_wait3A_913 = arith.constant 0 : i32
      %dma_wait3A_914 = tpu.memref_slice %arg4[%add3A_903, %dma_wait3A_913] : memref<32768x1024xf32, #tpu.memory_space<hbm>> -> memref<16x1024xf32, #tpu.memory_space<hbm>>
      %dma_wait3A_915 = arith.constant 0 : i32
      %dma_wait3A_916 = arith.constant 0 : i32
      %dma_wait3A_917 = tpu.memref_slice %arg11[%dma_wait3A, %dma_wait3A_915, %dma_wait3A_916] : memref<5x16x1024xf32, #tpu.memory_space<vmem>> -> memref<1x16x1024xf32, #tpu.memory_space<vmem>>
      %dma_wait3A_918 = tpu.memref_squeeze %dma_wait3A_917 : memref<1x16x1024xf32, #tpu.memory_space<vmem>> -> memref<16x1024xf32, #tpu.memory_space<vmem>>
      tpu.wait_dma2 semaphore(%dma_wait3A_912 : memref<!tpu.dma_semaphore, #tpu.memory_space<semaphore_mem>>) src(%dma_wait3A_918 : memref<16x1024xf32, #tpu.memory_space<vmem>>) dst(%dma_wait3A_914 : memref<16x1024xf32, #tpu.memory_space<hbm>>)
    } else {
    }
    %le3A_572 = arith.constant 38 : i32
    %le3A_573 = arith.cmpi sle, %select_n3A, %le3A_572 : i32
    %convert_element_type3A_574 = arith.extui %le3A_573 : i1 to i32
    %cond3A_575 = arith.constant 0 : i32
    %cond3A_576 = arith.cmpi ne, %convert_element_type3A_574, %cond3A_575 : i32
    scf.if %cond3A_576 {
      %add3A_902 = arith.constant 608 : i32
      %add3A_903 = arith.addi %mul3A_2, %add3A_902 : i32
      %dma_wait3A = arith.constant 0 : i32
      %dma_wait3A_904 = tpu.memref_slice %arg4[%add3A_903, %dma_wait3A] : memref<32768x1024xf32, #tpu.memory_space<hbm>> -> memref<16x1024xf32, #tpu.memory_space<hbm>>
      %dma_wait3A_905 = arith.constant 0 : i32
      %dma_wait3A_906 = tpu.memref_slice %arg4[%add3A_903, %dma_wait3A_905] : memref<32768x1024xf32, #tpu.memory_space<hbm>> -> memref<16x1024xf32, #tpu.memory_space<hbm>>
      tpu.wait_dma2 semaphore(%arg15 : memref<!tpu.dma_semaphore, #tpu.memory_space<semaphore_mem>>) src(%arg12 : memref<16x1024xf32, #tpu.memory_space<vmem>>) dst(%dma_wait3A_906 : memref<16x1024xf32, #tpu.memory_space<hbm>>)
    } else {
    }
    %gt3A_577 = arith.constant 39 : i32
    %gt3A_578 = arith.cmpi sgt, %select_n3A, %gt3A_577 : i32
    %le3A_579 = arith.constant 44 : i32
    %le3A_580 = arith.cmpi sle, %select_n3A, %le3A_579 : i32
    %and3A_581 = arith.andi %gt3A_578, %le3A_580 : i1
    %convert_element_type3A_582 = arith.extui %and3A_581 : i1 to i32
    %cond3A_583 = arith.constant 0 : i32
    %cond3A_584 = arith.cmpi ne, %convert_element_type3A_582, %cond3A_583 : i32
    scf.if %cond3A_584 {
      %add3A_902 = arith.constant 624 : i32
      %add3A_903 = arith.addi %mul3A_2, %add3A_902 : i32
      %dma_wait3A = arith.constant 4 : i32
      %dma_wait3A_904 = arith.constant 4 : i32
      %dma_wait3A_905 = arith.constant 0 : i32
      %dma_wait3A_906 = arith.constant 0 : i32
      %dma_wait3A_907 = tpu.memref_slice %arg11[%dma_wait3A, %dma_wait3A_905, %dma_wait3A_906] : memref<5x16x1024xf32, #tpu.memory_space<vmem>> -> memref<1x16x1024xf32, #tpu.memory_space<vmem>>
      %dma_wait3A_908 = tpu.memref_squeeze %dma_wait3A_907 : memref<1x16x1024xf32, #tpu.memory_space<vmem>> -> memref<16x1024xf32, #tpu.memory_space<vmem>>
      %dma_wait3A_909 = arith.constant 0 : i32
      %dma_wait3A_910 = tpu.memref_slice %arg4[%add3A_903, %dma_wait3A_909] : memref<32768x1024xf32, #tpu.memory_space<hbm>> -> memref<16x1024xf32, #tpu.memory_space<hbm>>
      %dma_wait3A_911 = tpu.memref_slice %arg14[%dma_wait3A_904] : memref<5x!tpu.dma_semaphore, #tpu.memory_space<semaphore_mem>> -> memref<1x!tpu.dma_semaphore, #tpu.memory_space<semaphore_mem>>
      %dma_wait3A_912 = tpu.memref_squeeze %dma_wait3A_911 : memref<1x!tpu.dma_semaphore, #tpu.memory_space<semaphore_mem>> -> memref<!tpu.dma_semaphore, #tpu.memory_space<semaphore_mem>>
      %dma_wait3A_913 = arith.constant 0 : i32
      %dma_wait3A_914 = tpu.memref_slice %arg4[%add3A_903, %dma_wait3A_913] : memref<32768x1024xf32, #tpu.memory_space<hbm>> -> memref<16x1024xf32, #tpu.memory_space<hbm>>
      %dma_wait3A_915 = arith.constant 0 : i32
      %dma_wait3A_916 = arith.constant 0 : i32
      %dma_wait3A_917 = tpu.memref_slice %arg11[%dma_wait3A, %dma_wait3A_915, %dma_wait3A_916] : memref<5x16x1024xf32, #tpu.memory_space<vmem>> -> memref<1x16x1024xf32, #tpu.memory_space<vmem>>
      %dma_wait3A_918 = tpu.memref_squeeze %dma_wait3A_917 : memref<1x16x1024xf32, #tpu.memory_space<vmem>> -> memref<16x1024xf32, #tpu.memory_space<vmem>>
      tpu.wait_dma2 semaphore(%dma_wait3A_912 : memref<!tpu.dma_semaphore, #tpu.memory_space<semaphore_mem>>) src(%dma_wait3A_918 : memref<16x1024xf32, #tpu.memory_space<vmem>>) dst(%dma_wait3A_914 : memref<16x1024xf32, #tpu.memory_space<hbm>>)
    } else {
    }
    %le3A_585 = arith.constant 39 : i32
    %le3A_586 = arith.cmpi sle, %select_n3A, %le3A_585 : i32
    %convert_element_type3A_587 = arith.extui %le3A_586 : i1 to i32
    %cond3A_588 = arith.constant 0 : i32
    %cond3A_589 = arith.cmpi ne, %convert_element_type3A_587, %cond3A_588 : i32
    scf.if %cond3A_589 {
      %add3A_902 = arith.constant 624 : i32
      %add3A_903 = arith.addi %mul3A_2, %add3A_902 : i32
      %dma_wait3A = arith.constant 0 : i32
      %dma_wait3A_904 = tpu.memref_slice %arg4[%add3A_903, %dma_wait3A] : memref<32768x1024xf32, #tpu.memory_space<hbm>> -> memref<16x1024xf32, #tpu.memory_space<hbm>>
      %dma_wait3A_905 = arith.constant 0 : i32
      %dma_wait3A_906 = tpu.memref_slice %arg4[%add3A_903, %dma_wait3A_905] : memref<32768x1024xf32, #tpu.memory_space<hbm>> -> memref<16x1024xf32, #tpu.memory_space<hbm>>
      tpu.wait_dma2 semaphore(%arg15 : memref<!tpu.dma_semaphore, #tpu.memory_space<semaphore_mem>>) src(%arg12 : memref<16x1024xf32, #tpu.memory_space<vmem>>) dst(%dma_wait3A_906 : memref<16x1024xf32, #tpu.memory_space<hbm>>)
    } else {
    }
    %gt3A_590 = arith.constant 40 : i32
    %gt3A_591 = arith.cmpi sgt, %select_n3A, %gt3A_590 : i32
    %le3A_592 = arith.constant 45 : i32
    %le3A_593 = arith.cmpi sle, %select_n3A, %le3A_592 : i32
    %and3A_594 = arith.andi %gt3A_591, %le3A_593 : i1
    %convert_element_type3A_595 = arith.extui %and3A_594 : i1 to i32
    %cond3A_596 = arith.constant 0 : i32
    %cond3A_597 = arith.cmpi ne, %convert_element_type3A_595, %cond3A_596 : i32
    scf.if %cond3A_597 {
      %add3A_902 = arith.constant 640 : i32
      %add3A_903 = arith.addi %mul3A_2, %add3A_902 : i32
      %dma_wait3A = arith.constant 0 : i32
      %dma_wait3A_904 = arith.constant 0 : i32
      %dma_wait3A_905 = arith.constant 0 : i32
      %dma_wait3A_906 = arith.constant 0 : i32
      %dma_wait3A_907 = tpu.memref_slice %arg11[%dma_wait3A, %dma_wait3A_905, %dma_wait3A_906] : memref<5x16x1024xf32, #tpu.memory_space<vmem>> -> memref<1x16x1024xf32, #tpu.memory_space<vmem>>
      %dma_wait3A_908 = tpu.memref_squeeze %dma_wait3A_907 : memref<1x16x1024xf32, #tpu.memory_space<vmem>> -> memref<16x1024xf32, #tpu.memory_space<vmem>>
      %dma_wait3A_909 = arith.constant 0 : i32
      %dma_wait3A_910 = tpu.memref_slice %arg4[%add3A_903, %dma_wait3A_909] : memref<32768x1024xf32, #tpu.memory_space<hbm>> -> memref<16x1024xf32, #tpu.memory_space<hbm>>
      %dma_wait3A_911 = tpu.memref_slice %arg14[%dma_wait3A_904] : memref<5x!tpu.dma_semaphore, #tpu.memory_space<semaphore_mem>> -> memref<1x!tpu.dma_semaphore, #tpu.memory_space<semaphore_mem>>
      %dma_wait3A_912 = tpu.memref_squeeze %dma_wait3A_911 : memref<1x!tpu.dma_semaphore, #tpu.memory_space<semaphore_mem>> -> memref<!tpu.dma_semaphore, #tpu.memory_space<semaphore_mem>>
      %dma_wait3A_913 = arith.constant 0 : i32
      %dma_wait3A_914 = tpu.memref_slice %arg4[%add3A_903, %dma_wait3A_913] : memref<32768x1024xf32, #tpu.memory_space<hbm>> -> memref<16x1024xf32, #tpu.memory_space<hbm>>
      %dma_wait3A_915 = arith.constant 0 : i32
      %dma_wait3A_916 = arith.constant 0 : i32
      %dma_wait3A_917 = tpu.memref_slice %arg11[%dma_wait3A, %dma_wait3A_915, %dma_wait3A_916] : memref<5x16x1024xf32, #tpu.memory_space<vmem>> -> memref<1x16x1024xf32, #tpu.memory_space<vmem>>
      %dma_wait3A_918 = tpu.memref_squeeze %dma_wait3A_917 : memref<1x16x1024xf32, #tpu.memory_space<vmem>> -> memref<16x1024xf32, #tpu.memory_space<vmem>>
      tpu.wait_dma2 semaphore(%dma_wait3A_912 : memref<!tpu.dma_semaphore, #tpu.memory_space<semaphore_mem>>) src(%dma_wait3A_918 : memref<16x1024xf32, #tpu.memory_space<vmem>>) dst(%dma_wait3A_914 : memref<16x1024xf32, #tpu.memory_space<hbm>>)
    } else {
    }
    %le3A_598 = arith.constant 40 : i32
    %le3A_599 = arith.cmpi sle, %select_n3A, %le3A_598 : i32
    %convert_element_type3A_600 = arith.extui %le3A_599 : i1 to i32
    %cond3A_601 = arith.constant 0 : i32
    %cond3A_602 = arith.cmpi ne, %convert_element_type3A_600, %cond3A_601 : i32
    scf.if %cond3A_602 {
      %add3A_902 = arith.constant 640 : i32
      %add3A_903 = arith.addi %mul3A_2, %add3A_902 : i32
      %dma_wait3A = arith.constant 0 : i32
      %dma_wait3A_904 = tpu.memref_slice %arg4[%add3A_903, %dma_wait3A] : memref<32768x1024xf32, #tpu.memory_space<hbm>> -> memref<16x1024xf32, #tpu.memory_space<hbm>>
      %dma_wait3A_905 = arith.constant 0 : i32
      %dma_wait3A_906 = tpu.memref_slice %arg4[%add3A_903, %dma_wait3A_905] : memref<32768x1024xf32, #tpu.memory_space<hbm>> -> memref<16x1024xf32, #tpu.memory_space<hbm>>
      tpu.wait_dma2 semaphore(%arg15 : memref<!tpu.dma_semaphore, #tpu.memory_space<semaphore_mem>>) src(%arg12 : memref<16x1024xf32, #tpu.memory_space<vmem>>) dst(%dma_wait3A_906 : memref<16x1024xf32, #tpu.memory_space<hbm>>)
    } else {
    }
    %gt3A_603 = arith.constant 41 : i32
    %gt3A_604 = arith.cmpi sgt, %select_n3A, %gt3A_603 : i32
    %le3A_605 = arith.constant 46 : i32
    %le3A_606 = arith.cmpi sle, %select_n3A, %le3A_605 : i32
    %and3A_607 = arith.andi %gt3A_604, %le3A_606 : i1
    %convert_element_type3A_608 = arith.extui %and3A_607 : i1 to i32
    %cond3A_609 = arith.constant 0 : i32
    %cond3A_610 = arith.cmpi ne, %convert_element_type3A_608, %cond3A_609 : i32
    scf.if %cond3A_610 {
      %add3A_902 = arith.constant 656 : i32
      %add3A_903 = arith.addi %mul3A_2, %add3A_902 : i32
      %dma_wait3A = arith.constant 1 : i32
      %dma_wait3A_904 = arith.constant 1 : i32
      %dma_wait3A_905 = arith.constant 0 : i32
      %dma_wait3A_906 = arith.constant 0 : i32
      %dma_wait3A_907 = tpu.memref_slice %arg11[%dma_wait3A, %dma_wait3A_905, %dma_wait3A_906] : memref<5x16x1024xf32, #tpu.memory_space<vmem>> -> memref<1x16x1024xf32, #tpu.memory_space<vmem>>
      %dma_wait3A_908 = tpu.memref_squeeze %dma_wait3A_907 : memref<1x16x1024xf32, #tpu.memory_space<vmem>> -> memref<16x1024xf32, #tpu.memory_space<vmem>>
      %dma_wait3A_909 = arith.constant 0 : i32
      %dma_wait3A_910 = tpu.memref_slice %arg4[%add3A_903, %dma_wait3A_909] : memref<32768x1024xf32, #tpu.memory_space<hbm>> -> memref<16x1024xf32, #tpu.memory_space<hbm>>
      %dma_wait3A_911 = tpu.memref_slice %arg14[%dma_wait3A_904] : memref<5x!tpu.dma_semaphore, #tpu.memory_space<semaphore_mem>> -> memref<1x!tpu.dma_semaphore, #tpu.memory_space<semaphore_mem>>
      %dma_wait3A_912 = tpu.memref_squeeze %dma_wait3A_911 : memref<1x!tpu.dma_semaphore, #tpu.memory_space<semaphore_mem>> -> memref<!tpu.dma_semaphore, #tpu.memory_space<semaphore_mem>>
      %dma_wait3A_913 = arith.constant 0 : i32
      %dma_wait3A_914 = tpu.memref_slice %arg4[%add3A_903, %dma_wait3A_913] : memref<32768x1024xf32, #tpu.memory_space<hbm>> -> memref<16x1024xf32, #tpu.memory_space<hbm>>
      %dma_wait3A_915 = arith.constant 0 : i32
      %dma_wait3A_916 = arith.constant 0 : i32
      %dma_wait3A_917 = tpu.memref_slice %arg11[%dma_wait3A, %dma_wait3A_915, %dma_wait3A_916] : memref<5x16x1024xf32, #tpu.memory_space<vmem>> -> memref<1x16x1024xf32, #tpu.memory_space<vmem>>
      %dma_wait3A_918 = tpu.memref_squeeze %dma_wait3A_917 : memref<1x16x1024xf32, #tpu.memory_space<vmem>> -> memref<16x1024xf32, #tpu.memory_space<vmem>>
      tpu.wait_dma2 semaphore(%dma_wait3A_912 : memref<!tpu.dma_semaphore, #tpu.memory_space<semaphore_mem>>) src(%dma_wait3A_918 : memref<16x1024xf32, #tpu.memory_space<vmem>>) dst(%dma_wait3A_914 : memref<16x1024xf32, #tpu.memory_space<hbm>>)
    } else {
    }
    %le3A_611 = arith.constant 41 : i32
    %le3A_612 = arith.cmpi sle, %select_n3A, %le3A_611 : i32
    %convert_element_type3A_613 = arith.extui %le3A_612 : i1 to i32
    %cond3A_614 = arith.constant 0 : i32
    %cond3A_615 = arith.cmpi ne, %convert_element_type3A_613, %cond3A_614 : i32
    scf.if %cond3A_615 {
      %add3A_902 = arith.constant 656 : i32
      %add3A_903 = arith.addi %mul3A_2, %add3A_902 : i32
      %dma_wait3A = arith.constant 0 : i32
      %dma_wait3A_904 = tpu.memref_slice %arg4[%add3A_903, %dma_wait3A] : memref<32768x1024xf32, #tpu.memory_space<hbm>> -> memref<16x1024xf32, #tpu.memory_space<hbm>>
      %dma_wait3A_905 = arith.constant 0 : i32
      %dma_wait3A_906 = tpu.memref_slice %arg4[%add3A_903, %dma_wait3A_905] : memref<32768x1024xf32, #tpu.memory_space<hbm>> -> memref<16x1024xf32, #tpu.memory_space<hbm>>
      tpu.wait_dma2 semaphore(%arg15 : memref<!tpu.dma_semaphore, #tpu.memory_space<semaphore_mem>>) src(%arg12 : memref<16x1024xf32, #tpu.memory_space<vmem>>) dst(%dma_wait3A_906 : memref<16x1024xf32, #tpu.memory_space<hbm>>)
    } else {
    }
    %gt3A_616 = arith.constant 42 : i32
    %gt3A_617 = arith.cmpi sgt, %select_n3A, %gt3A_616 : i32
    %le3A_618 = arith.constant 47 : i32
    %le3A_619 = arith.cmpi sle, %select_n3A, %le3A_618 : i32
    %and3A_620 = arith.andi %gt3A_617, %le3A_619 : i1
    %convert_element_type3A_621 = arith.extui %and3A_620 : i1 to i32
    %cond3A_622 = arith.constant 0 : i32
    %cond3A_623 = arith.cmpi ne, %convert_element_type3A_621, %cond3A_622 : i32
    scf.if %cond3A_623 {
      %add3A_902 = arith.constant 672 : i32
      %add3A_903 = arith.addi %mul3A_2, %add3A_902 : i32
      %dma_wait3A = arith.constant 2 : i32
      %dma_wait3A_904 = arith.constant 2 : i32
      %dma_wait3A_905 = arith.constant 0 : i32
      %dma_wait3A_906 = arith.constant 0 : i32
      %dma_wait3A_907 = tpu.memref_slice %arg11[%dma_wait3A, %dma_wait3A_905, %dma_wait3A_906] : memref<5x16x1024xf32, #tpu.memory_space<vmem>> -> memref<1x16x1024xf32, #tpu.memory_space<vmem>>
      %dma_wait3A_908 = tpu.memref_squeeze %dma_wait3A_907 : memref<1x16x1024xf32, #tpu.memory_space<vmem>> -> memref<16x1024xf32, #tpu.memory_space<vmem>>
      %dma_wait3A_909 = arith.constant 0 : i32
      %dma_wait3A_910 = tpu.memref_slice %arg4[%add3A_903, %dma_wait3A_909] : memref<32768x1024xf32, #tpu.memory_space<hbm>> -> memref<16x1024xf32, #tpu.memory_space<hbm>>
      %dma_wait3A_911 = tpu.memref_slice %arg14[%dma_wait3A_904] : memref<5x!tpu.dma_semaphore, #tpu.memory_space<semaphore_mem>> -> memref<1x!tpu.dma_semaphore, #tpu.memory_space<semaphore_mem>>
      %dma_wait3A_912 = tpu.memref_squeeze %dma_wait3A_911 : memref<1x!tpu.dma_semaphore, #tpu.memory_space<semaphore_mem>> -> memref<!tpu.dma_semaphore, #tpu.memory_space<semaphore_mem>>
      %dma_wait3A_913 = arith.constant 0 : i32
      %dma_wait3A_914 = tpu.memref_slice %arg4[%add3A_903, %dma_wait3A_913] : memref<32768x1024xf32, #tpu.memory_space<hbm>> -> memref<16x1024xf32, #tpu.memory_space<hbm>>
      %dma_wait3A_915 = arith.constant 0 : i32
      %dma_wait3A_916 = arith.constant 0 : i32
      %dma_wait3A_917 = tpu.memref_slice %arg11[%dma_wait3A, %dma_wait3A_915, %dma_wait3A_916] : memref<5x16x1024xf32, #tpu.memory_space<vmem>> -> memref<1x16x1024xf32, #tpu.memory_space<vmem>>
      %dma_wait3A_918 = tpu.memref_squeeze %dma_wait3A_917 : memref<1x16x1024xf32, #tpu.memory_space<vmem>> -> memref<16x1024xf32, #tpu.memory_space<vmem>>
      tpu.wait_dma2 semaphore(%dma_wait3A_912 : memref<!tpu.dma_semaphore, #tpu.memory_space<semaphore_mem>>) src(%dma_wait3A_918 : memref<16x1024xf32, #tpu.memory_space<vmem>>) dst(%dma_wait3A_914 : memref<16x1024xf32, #tpu.memory_space<hbm>>)
    } else {
    }
    %le3A_624 = arith.constant 42 : i32
    %le3A_625 = arith.cmpi sle, %select_n3A, %le3A_624 : i32
    %convert_element_type3A_626 = arith.extui %le3A_625 : i1 to i32
    %cond3A_627 = arith.constant 0 : i32
    %cond3A_628 = arith.cmpi ne, %convert_element_type3A_626, %cond3A_627 : i32
    scf.if %cond3A_628 {
      %add3A_902 = arith.constant 672 : i32
      %add3A_903 = arith.addi %mul3A_2, %add3A_902 : i32
      %dma_wait3A = arith.constant 0 : i32
      %dma_wait3A_904 = tpu.memref_slice %arg4[%add3A_903, %dma_wait3A] : memref<32768x1024xf32, #tpu.memory_space<hbm>> -> memref<16x1024xf32, #tpu.memory_space<hbm>>
      %dma_wait3A_905 = arith.constant 0 : i32
      %dma_wait3A_906 = tpu.memref_slice %arg4[%add3A_903, %dma_wait3A_905] : memref<32768x1024xf32, #tpu.memory_space<hbm>> -> memref<16x1024xf32, #tpu.memory_space<hbm>>
      tpu.wait_dma2 semaphore(%arg15 : memref<!tpu.dma_semaphore, #tpu.memory_space<semaphore_mem>>) src(%arg12 : memref<16x1024xf32, #tpu.memory_space<vmem>>) dst(%dma_wait3A_906 : memref<16x1024xf32, #tpu.memory_space<hbm>>)
    } else {
    }
    %gt3A_629 = arith.constant 43 : i32
    %gt3A_630 = arith.cmpi sgt, %select_n3A, %gt3A_629 : i32
    %le3A_631 = arith.constant 48 : i32
    %le3A_632 = arith.cmpi sle, %select_n3A, %le3A_631 : i32
    %and3A_633 = arith.andi %gt3A_630, %le3A_632 : i1
    %convert_element_type3A_634 = arith.extui %and3A_633 : i1 to i32
    %cond3A_635 = arith.constant 0 : i32
    %cond3A_636 = arith.cmpi ne, %convert_element_type3A_634, %cond3A_635 : i32
    scf.if %cond3A_636 {
      %add3A_902 = arith.constant 688 : i32
      %add3A_903 = arith.addi %mul3A_2, %add3A_902 : i32
      %dma_wait3A = arith.constant 3 : i32
      %dma_wait3A_904 = arith.constant 3 : i32
      %dma_wait3A_905 = arith.constant 0 : i32
      %dma_wait3A_906 = arith.constant 0 : i32
      %dma_wait3A_907 = tpu.memref_slice %arg11[%dma_wait3A, %dma_wait3A_905, %dma_wait3A_906] : memref<5x16x1024xf32, #tpu.memory_space<vmem>> -> memref<1x16x1024xf32, #tpu.memory_space<vmem>>
      %dma_wait3A_908 = tpu.memref_squeeze %dma_wait3A_907 : memref<1x16x1024xf32, #tpu.memory_space<vmem>> -> memref<16x1024xf32, #tpu.memory_space<vmem>>
      %dma_wait3A_909 = arith.constant 0 : i32
      %dma_wait3A_910 = tpu.memref_slice %arg4[%add3A_903, %dma_wait3A_909] : memref<32768x1024xf32, #tpu.memory_space<hbm>> -> memref<16x1024xf32, #tpu.memory_space<hbm>>
      %dma_wait3A_911 = tpu.memref_slice %arg14[%dma_wait3A_904] : memref<5x!tpu.dma_semaphore, #tpu.memory_space<semaphore_mem>> -> memref<1x!tpu.dma_semaphore, #tpu.memory_space<semaphore_mem>>
      %dma_wait3A_912 = tpu.memref_squeeze %dma_wait3A_911 : memref<1x!tpu.dma_semaphore, #tpu.memory_space<semaphore_mem>> -> memref<!tpu.dma_semaphore, #tpu.memory_space<semaphore_mem>>
      %dma_wait3A_913 = arith.constant 0 : i32
      %dma_wait3A_914 = tpu.memref_slice %arg4[%add3A_903, %dma_wait3A_913] : memref<32768x1024xf32, #tpu.memory_space<hbm>> -> memref<16x1024xf32, #tpu.memory_space<hbm>>
      %dma_wait3A_915 = arith.constant 0 : i32
      %dma_wait3A_916 = arith.constant 0 : i32
      %dma_wait3A_917 = tpu.memref_slice %arg11[%dma_wait3A, %dma_wait3A_915, %dma_wait3A_916] : memref<5x16x1024xf32, #tpu.memory_space<vmem>> -> memref<1x16x1024xf32, #tpu.memory_space<vmem>>
      %dma_wait3A_918 = tpu.memref_squeeze %dma_wait3A_917 : memref<1x16x1024xf32, #tpu.memory_space<vmem>> -> memref<16x1024xf32, #tpu.memory_space<vmem>>
      tpu.wait_dma2 semaphore(%dma_wait3A_912 : memref<!tpu.dma_semaphore, #tpu.memory_space<semaphore_mem>>) src(%dma_wait3A_918 : memref<16x1024xf32, #tpu.memory_space<vmem>>) dst(%dma_wait3A_914 : memref<16x1024xf32, #tpu.memory_space<hbm>>)
    } else {
    }
    %le3A_637 = arith.constant 43 : i32
    %le3A_638 = arith.cmpi sle, %select_n3A, %le3A_637 : i32
    %convert_element_type3A_639 = arith.extui %le3A_638 : i1 to i32
    %cond3A_640 = arith.constant 0 : i32
    %cond3A_641 = arith.cmpi ne, %convert_element_type3A_639, %cond3A_640 : i32
    scf.if %cond3A_641 {
      %add3A_902 = arith.constant 688 : i32
      %add3A_903 = arith.addi %mul3A_2, %add3A_902 : i32
      %dma_wait3A = arith.constant 0 : i32
      %dma_wait3A_904 = tpu.memref_slice %arg4[%add3A_903, %dma_wait3A] : memref<32768x1024xf32, #tpu.memory_space<hbm>> -> memref<16x1024xf32, #tpu.memory_space<hbm>>
      %dma_wait3A_905 = arith.constant 0 : i32
      %dma_wait3A_906 = tpu.memref_slice %arg4[%add3A_903, %dma_wait3A_905] : memref<32768x1024xf32, #tpu.memory_space<hbm>> -> memref<16x1024xf32, #tpu.memory_space<hbm>>
      tpu.wait_dma2 semaphore(%arg15 : memref<!tpu.dma_semaphore, #tpu.memory_space<semaphore_mem>>) src(%arg12 : memref<16x1024xf32, #tpu.memory_space<vmem>>) dst(%dma_wait3A_906 : memref<16x1024xf32, #tpu.memory_space<hbm>>)
    } else {
    }
    %gt3A_642 = arith.constant 44 : i32
    %gt3A_643 = arith.cmpi sgt, %select_n3A, %gt3A_642 : i32
    %le3A_644 = arith.constant 49 : i32
    %le3A_645 = arith.cmpi sle, %select_n3A, %le3A_644 : i32
    %and3A_646 = arith.andi %gt3A_643, %le3A_645 : i1
    %convert_element_type3A_647 = arith.extui %and3A_646 : i1 to i32
    %cond3A_648 = arith.constant 0 : i32
    %cond3A_649 = arith.cmpi ne, %convert_element_type3A_647, %cond3A_648 : i32
    scf.if %cond3A_649 {
      %add3A_902 = arith.constant 704 : i32
      %add3A_903 = arith.addi %mul3A_2, %add3A_902 : i32
      %dma_wait3A = arith.constant 4 : i32
      %dma_wait3A_904 = arith.constant 4 : i32
      %dma_wait3A_905 = arith.constant 0 : i32
      %dma_wait3A_906 = arith.constant 0 : i32
      %dma_wait3A_907 = tpu.memref_slice %arg11[%dma_wait3A, %dma_wait3A_905, %dma_wait3A_906] : memref<5x16x1024xf32, #tpu.memory_space<vmem>> -> memref<1x16x1024xf32, #tpu.memory_space<vmem>>
      %dma_wait3A_908 = tpu.memref_squeeze %dma_wait3A_907 : memref<1x16x1024xf32, #tpu.memory_space<vmem>> -> memref<16x1024xf32, #tpu.memory_space<vmem>>
      %dma_wait3A_909 = arith.constant 0 : i32
      %dma_wait3A_910 = tpu.memref_slice %arg4[%add3A_903, %dma_wait3A_909] : memref<32768x1024xf32, #tpu.memory_space<hbm>> -> memref<16x1024xf32, #tpu.memory_space<hbm>>
      %dma_wait3A_911 = tpu.memref_slice %arg14[%dma_wait3A_904] : memref<5x!tpu.dma_semaphore, #tpu.memory_space<semaphore_mem>> -> memref<1x!tpu.dma_semaphore, #tpu.memory_space<semaphore_mem>>
      %dma_wait3A_912 = tpu.memref_squeeze %dma_wait3A_911 : memref<1x!tpu.dma_semaphore, #tpu.memory_space<semaphore_mem>> -> memref<!tpu.dma_semaphore, #tpu.memory_space<semaphore_mem>>
      %dma_wait3A_913 = arith.constant 0 : i32
      %dma_wait3A_914 = tpu.memref_slice %arg4[%add3A_903, %dma_wait3A_913] : memref<32768x1024xf32, #tpu.memory_space<hbm>> -> memref<16x1024xf32, #tpu.memory_space<hbm>>
      %dma_wait3A_915 = arith.constant 0 : i32
      %dma_wait3A_916 = arith.constant 0 : i32
      %dma_wait3A_917 = tpu.memref_slice %arg11[%dma_wait3A, %dma_wait3A_915, %dma_wait3A_916] : memref<5x16x1024xf32, #tpu.memory_space<vmem>> -> memref<1x16x1024xf32, #tpu.memory_space<vmem>>
      %dma_wait3A_918 = tpu.memref_squeeze %dma_wait3A_917 : memref<1x16x1024xf32, #tpu.memory_space<vmem>> -> memref<16x1024xf32, #tpu.memory_space<vmem>>
      tpu.wait_dma2 semaphore(%dma_wait3A_912 : memref<!tpu.dma_semaphore, #tpu.memory_space<semaphore_mem>>) src(%dma_wait3A_918 : memref<16x1024xf32, #tpu.memory_space<vmem>>) dst(%dma_wait3A_914 : memref<16x1024xf32, #tpu.memory_space<hbm>>)
    } else {
    }
    %le3A_650 = arith.constant 44 : i32
    %le3A_651 = arith.cmpi sle, %select_n3A, %le3A_650 : i32
    %convert_element_type3A_652 = arith.extui %le3A_651 : i1 to i32
    %cond3A_653 = arith.constant 0 : i32
    %cond3A_654 = arith.cmpi ne, %convert_element_type3A_652, %cond3A_653 : i32
    scf.if %cond3A_654 {
      %add3A_902 = arith.constant 704 : i32
      %add3A_903 = arith.addi %mul3A_2, %add3A_902 : i32
      %dma_wait3A = arith.constant 0 : i32
      %dma_wait3A_904 = tpu.memref_slice %arg4[%add3A_903, %dma_wait3A] : memref<32768x1024xf32, #tpu.memory_space<hbm>> -> memref<16x1024xf32, #tpu.memory_space<hbm>>
      %dma_wait3A_905 = arith.constant 0 : i32
      %dma_wait3A_906 = tpu.memref_slice %arg4[%add3A_903, %dma_wait3A_905] : memref<32768x1024xf32, #tpu.memory_space<hbm>> -> memref<16x1024xf32, #tpu.memory_space<hbm>>
      tpu.wait_dma2 semaphore(%arg15 : memref<!tpu.dma_semaphore, #tpu.memory_space<semaphore_mem>>) src(%arg12 : memref<16x1024xf32, #tpu.memory_space<vmem>>) dst(%dma_wait3A_906 : memref<16x1024xf32, #tpu.memory_space<hbm>>)
    } else {
    }
    %gt3A_655 = arith.constant 45 : i32
    %gt3A_656 = arith.cmpi sgt, %select_n3A, %gt3A_655 : i32
    %le3A_657 = arith.constant 50 : i32
    %le3A_658 = arith.cmpi sle, %select_n3A, %le3A_657 : i32
    %and3A_659 = arith.andi %gt3A_656, %le3A_658 : i1
    %convert_element_type3A_660 = arith.extui %and3A_659 : i1 to i32
    %cond3A_661 = arith.constant 0 : i32
    %cond3A_662 = arith.cmpi ne, %convert_element_type3A_660, %cond3A_661 : i32
    scf.if %cond3A_662 {
      %add3A_902 = arith.constant 720 : i32
      %add3A_903 = arith.addi %mul3A_2, %add3A_902 : i32
      %dma_wait3A = arith.constant 0 : i32
      %dma_wait3A_904 = arith.constant 0 : i32
      %dma_wait3A_905 = arith.constant 0 : i32
      %dma_wait3A_906 = arith.constant 0 : i32
      %dma_wait3A_907 = tpu.memref_slice %arg11[%dma_wait3A, %dma_wait3A_905, %dma_wait3A_906] : memref<5x16x1024xf32, #tpu.memory_space<vmem>> -> memref<1x16x1024xf32, #tpu.memory_space<vmem>>
      %dma_wait3A_908 = tpu.memref_squeeze %dma_wait3A_907 : memref<1x16x1024xf32, #tpu.memory_space<vmem>> -> memref<16x1024xf32, #tpu.memory_space<vmem>>
      %dma_wait3A_909 = arith.constant 0 : i32
      %dma_wait3A_910 = tpu.memref_slice %arg4[%add3A_903, %dma_wait3A_909] : memref<32768x1024xf32, #tpu.memory_space<hbm>> -> memref<16x1024xf32, #tpu.memory_space<hbm>>
      %dma_wait3A_911 = tpu.memref_slice %arg14[%dma_wait3A_904] : memref<5x!tpu.dma_semaphore, #tpu.memory_space<semaphore_mem>> -> memref<1x!tpu.dma_semaphore, #tpu.memory_space<semaphore_mem>>
      %dma_wait3A_912 = tpu.memref_squeeze %dma_wait3A_911 : memref<1x!tpu.dma_semaphore, #tpu.memory_space<semaphore_mem>> -> memref<!tpu.dma_semaphore, #tpu.memory_space<semaphore_mem>>
      %dma_wait3A_913 = arith.constant 0 : i32
      %dma_wait3A_914 = tpu.memref_slice %arg4[%add3A_903, %dma_wait3A_913] : memref<32768x1024xf32, #tpu.memory_space<hbm>> -> memref<16x1024xf32, #tpu.memory_space<hbm>>
      %dma_wait3A_915 = arith.constant 0 : i32
      %dma_wait3A_916 = arith.constant 0 : i32
      %dma_wait3A_917 = tpu.memref_slice %arg11[%dma_wait3A, %dma_wait3A_915, %dma_wait3A_916] : memref<5x16x1024xf32, #tpu.memory_space<vmem>> -> memref<1x16x1024xf32, #tpu.memory_space<vmem>>
      %dma_wait3A_918 = tpu.memref_squeeze %dma_wait3A_917 : memref<1x16x1024xf32, #tpu.memory_space<vmem>> -> memref<16x1024xf32, #tpu.memory_space<vmem>>
      tpu.wait_dma2 semaphore(%dma_wait3A_912 : memref<!tpu.dma_semaphore, #tpu.memory_space<semaphore_mem>>) src(%dma_wait3A_918 : memref<16x1024xf32, #tpu.memory_space<vmem>>) dst(%dma_wait3A_914 : memref<16x1024xf32, #tpu.memory_space<hbm>>)
    } else {
    }
    %le3A_663 = arith.constant 45 : i32
    %le3A_664 = arith.cmpi sle, %select_n3A, %le3A_663 : i32
    %convert_element_type3A_665 = arith.extui %le3A_664 : i1 to i32
    %cond3A_666 = arith.constant 0 : i32
    %cond3A_667 = arith.cmpi ne, %convert_element_type3A_665, %cond3A_666 : i32
    scf.if %cond3A_667 {
      %add3A_902 = arith.constant 720 : i32
      %add3A_903 = arith.addi %mul3A_2, %add3A_902 : i32
      %dma_wait3A = arith.constant 0 : i32
      %dma_wait3A_904 = tpu.memref_slice %arg4[%add3A_903, %dma_wait3A] : memref<32768x1024xf32, #tpu.memory_space<hbm>> -> memref<16x1024xf32, #tpu.memory_space<hbm>>
      %dma_wait3A_905 = arith.constant 0 : i32
      %dma_wait3A_906 = tpu.memref_slice %arg4[%add3A_903, %dma_wait3A_905] : memref<32768x1024xf32, #tpu.memory_space<hbm>> -> memref<16x1024xf32, #tpu.memory_space<hbm>>
      tpu.wait_dma2 semaphore(%arg15 : memref<!tpu.dma_semaphore, #tpu.memory_space<semaphore_mem>>) src(%arg12 : memref<16x1024xf32, #tpu.memory_space<vmem>>) dst(%dma_wait3A_906 : memref<16x1024xf32, #tpu.memory_space<hbm>>)
    } else {
    }
    %gt3A_668 = arith.constant 46 : i32
    %gt3A_669 = arith.cmpi sgt, %select_n3A, %gt3A_668 : i32
    %le3A_670 = arith.constant 51 : i32
    %le3A_671 = arith.cmpi sle, %select_n3A, %le3A_670 : i32
    %and3A_672 = arith.andi %gt3A_669, %le3A_671 : i1
    %convert_element_type3A_673 = arith.extui %and3A_672 : i1 to i32
    %cond3A_674 = arith.constant 0 : i32
    %cond3A_675 = arith.cmpi ne, %convert_element_type3A_673, %cond3A_674 : i32
    scf.if %cond3A_675 {
      %add3A_902 = arith.constant 736 : i32
      %add3A_903 = arith.addi %mul3A_2, %add3A_902 : i32
      %dma_wait3A = arith.constant 1 : i32
      %dma_wait3A_904 = arith.constant 1 : i32
      %dma_wait3A_905 = arith.constant 0 : i32
      %dma_wait3A_906 = arith.constant 0 : i32
      %dma_wait3A_907 = tpu.memref_slice %arg11[%dma_wait3A, %dma_wait3A_905, %dma_wait3A_906] : memref<5x16x1024xf32, #tpu.memory_space<vmem>> -> memref<1x16x1024xf32, #tpu.memory_space<vmem>>
      %dma_wait3A_908 = tpu.memref_squeeze %dma_wait3A_907 : memref<1x16x1024xf32, #tpu.memory_space<vmem>> -> memref<16x1024xf32, #tpu.memory_space<vmem>>
      %dma_wait3A_909 = arith.constant 0 : i32
      %dma_wait3A_910 = tpu.memref_slice %arg4[%add3A_903, %dma_wait3A_909] : memref<32768x1024xf32, #tpu.memory_space<hbm>> -> memref<16x1024xf32, #tpu.memory_space<hbm>>
      %dma_wait3A_911 = tpu.memref_slice %arg14[%dma_wait3A_904] : memref<5x!tpu.dma_semaphore, #tpu.memory_space<semaphore_mem>> -> memref<1x!tpu.dma_semaphore, #tpu.memory_space<semaphore_mem>>
      %dma_wait3A_912 = tpu.memref_squeeze %dma_wait3A_911 : memref<1x!tpu.dma_semaphore, #tpu.memory_space<semaphore_mem>> -> memref<!tpu.dma_semaphore, #tpu.memory_space<semaphore_mem>>
      %dma_wait3A_913 = arith.constant 0 : i32
      %dma_wait3A_914 = tpu.memref_slice %arg4[%add3A_903, %dma_wait3A_913] : memref<32768x1024xf32, #tpu.memory_space<hbm>> -> memref<16x1024xf32, #tpu.memory_space<hbm>>
      %dma_wait3A_915 = arith.constant 0 : i32
      %dma_wait3A_916 = arith.constant 0 : i32
      %dma_wait3A_917 = tpu.memref_slice %arg11[%dma_wait3A, %dma_wait3A_915, %dma_wait3A_916] : memref<5x16x1024xf32, #tpu.memory_space<vmem>> -> memref<1x16x1024xf32, #tpu.memory_space<vmem>>
      %dma_wait3A_918 = tpu.memref_squeeze %dma_wait3A_917 : memref<1x16x1024xf32, #tpu.memory_space<vmem>> -> memref<16x1024xf32, #tpu.memory_space<vmem>>
      tpu.wait_dma2 semaphore(%dma_wait3A_912 : memref<!tpu.dma_semaphore, #tpu.memory_space<semaphore_mem>>) src(%dma_wait3A_918 : memref<16x1024xf32, #tpu.memory_space<vmem>>) dst(%dma_wait3A_914 : memref<16x1024xf32, #tpu.memory_space<hbm>>)
    } else {
    }
    %le3A_676 = arith.constant 46 : i32
    %le3A_677 = arith.cmpi sle, %select_n3A, %le3A_676 : i32
    %convert_element_type3A_678 = arith.extui %le3A_677 : i1 to i32
    %cond3A_679 = arith.constant 0 : i32
    %cond3A_680 = arith.cmpi ne, %convert_element_type3A_678, %cond3A_679 : i32
    scf.if %cond3A_680 {
      %add3A_902 = arith.constant 736 : i32
      %add3A_903 = arith.addi %mul3A_2, %add3A_902 : i32
      %dma_wait3A = arith.constant 0 : i32
      %dma_wait3A_904 = tpu.memref_slice %arg4[%add3A_903, %dma_wait3A] : memref<32768x1024xf32, #tpu.memory_space<hbm>> -> memref<16x1024xf32, #tpu.memory_space<hbm>>
      %dma_wait3A_905 = arith.constant 0 : i32
      %dma_wait3A_906 = tpu.memref_slice %arg4[%add3A_903, %dma_wait3A_905] : memref<32768x1024xf32, #tpu.memory_space<hbm>> -> memref<16x1024xf32, #tpu.memory_space<hbm>>
      tpu.wait_dma2 semaphore(%arg15 : memref<!tpu.dma_semaphore, #tpu.memory_space<semaphore_mem>>) src(%arg12 : memref<16x1024xf32, #tpu.memory_space<vmem>>) dst(%dma_wait3A_906 : memref<16x1024xf32, #tpu.memory_space<hbm>>)
    } else {
    }
    %gt3A_681 = arith.constant 47 : i32
    %gt3A_682 = arith.cmpi sgt, %select_n3A, %gt3A_681 : i32
    %le3A_683 = arith.constant 52 : i32
    %le3A_684 = arith.cmpi sle, %select_n3A, %le3A_683 : i32
    %and3A_685 = arith.andi %gt3A_682, %le3A_684 : i1
    %convert_element_type3A_686 = arith.extui %and3A_685 : i1 to i32
    %cond3A_687 = arith.constant 0 : i32
    %cond3A_688 = arith.cmpi ne, %convert_element_type3A_686, %cond3A_687 : i32
    scf.if %cond3A_688 {
      %add3A_902 = arith.constant 752 : i32
      %add3A_903 = arith.addi %mul3A_2, %add3A_902 : i32
      %dma_wait3A = arith.constant 2 : i32
      %dma_wait3A_904 = arith.constant 2 : i32
      %dma_wait3A_905 = arith.constant 0 : i32
      %dma_wait3A_906 = arith.constant 0 : i32
      %dma_wait3A_907 = tpu.memref_slice %arg11[%dma_wait3A, %dma_wait3A_905, %dma_wait3A_906] : memref<5x16x1024xf32, #tpu.memory_space<vmem>> -> memref<1x16x1024xf32, #tpu.memory_space<vmem>>
      %dma_wait3A_908 = tpu.memref_squeeze %dma_wait3A_907 : memref<1x16x1024xf32, #tpu.memory_space<vmem>> -> memref<16x1024xf32, #tpu.memory_space<vmem>>
      %dma_wait3A_909 = arith.constant 0 : i32
      %dma_wait3A_910 = tpu.memref_slice %arg4[%add3A_903, %dma_wait3A_909] : memref<32768x1024xf32, #tpu.memory_space<hbm>> -> memref<16x1024xf32, #tpu.memory_space<hbm>>
      %dma_wait3A_911 = tpu.memref_slice %arg14[%dma_wait3A_904] : memref<5x!tpu.dma_semaphore, #tpu.memory_space<semaphore_mem>> -> memref<1x!tpu.dma_semaphore, #tpu.memory_space<semaphore_mem>>
      %dma_wait3A_912 = tpu.memref_squeeze %dma_wait3A_911 : memref<1x!tpu.dma_semaphore, #tpu.memory_space<semaphore_mem>> -> memref<!tpu.dma_semaphore, #tpu.memory_space<semaphore_mem>>
      %dma_wait3A_913 = arith.constant 0 : i32
      %dma_wait3A_914 = tpu.memref_slice %arg4[%add3A_903, %dma_wait3A_913] : memref<32768x1024xf32, #tpu.memory_space<hbm>> -> memref<16x1024xf32, #tpu.memory_space<hbm>>
      %dma_wait3A_915 = arith.constant 0 : i32
      %dma_wait3A_916 = arith.constant 0 : i32
      %dma_wait3A_917 = tpu.memref_slice %arg11[%dma_wait3A, %dma_wait3A_915, %dma_wait3A_916] : memref<5x16x1024xf32, #tpu.memory_space<vmem>> -> memref<1x16x1024xf32, #tpu.memory_space<vmem>>
      %dma_wait3A_918 = tpu.memref_squeeze %dma_wait3A_917 : memref<1x16x1024xf32, #tpu.memory_space<vmem>> -> memref<16x1024xf32, #tpu.memory_space<vmem>>
      tpu.wait_dma2 semaphore(%dma_wait3A_912 : memref<!tpu.dma_semaphore, #tpu.memory_space<semaphore_mem>>) src(%dma_wait3A_918 : memref<16x1024xf32, #tpu.memory_space<vmem>>) dst(%dma_wait3A_914 : memref<16x1024xf32, #tpu.memory_space<hbm>>)
    } else {
    }
    %le3A_689 = arith.constant 47 : i32
    %le3A_690 = arith.cmpi sle, %select_n3A, %le3A_689 : i32
    %convert_element_type3A_691 = arith.extui %le3A_690 : i1 to i32
    %cond3A_692 = arith.constant 0 : i32
    %cond3A_693 = arith.cmpi ne, %convert_element_type3A_691, %cond3A_692 : i32
    scf.if %cond3A_693 {
      %add3A_902 = arith.constant 752 : i32
      %add3A_903 = arith.addi %mul3A_2, %add3A_902 : i32
      %dma_wait3A = arith.constant 0 : i32
      %dma_wait3A_904 = tpu.memref_slice %arg4[%add3A_903, %dma_wait3A] : memref<32768x1024xf32, #tpu.memory_space<hbm>> -> memref<16x1024xf32, #tpu.memory_space<hbm>>
      %dma_wait3A_905 = arith.constant 0 : i32
      %dma_wait3A_906 = tpu.memref_slice %arg4[%add3A_903, %dma_wait3A_905] : memref<32768x1024xf32, #tpu.memory_space<hbm>> -> memref<16x1024xf32, #tpu.memory_space<hbm>>
      tpu.wait_dma2 semaphore(%arg15 : memref<!tpu.dma_semaphore, #tpu.memory_space<semaphore_mem>>) src(%arg12 : memref<16x1024xf32, #tpu.memory_space<vmem>>) dst(%dma_wait3A_906 : memref<16x1024xf32, #tpu.memory_space<hbm>>)
    } else {
    }
    %gt3A_694 = arith.constant 48 : i32
    %gt3A_695 = arith.cmpi sgt, %select_n3A, %gt3A_694 : i32
    %le3A_696 = arith.constant 53 : i32
    %le3A_697 = arith.cmpi sle, %select_n3A, %le3A_696 : i32
    %and3A_698 = arith.andi %gt3A_695, %le3A_697 : i1
    %convert_element_type3A_699 = arith.extui %and3A_698 : i1 to i32
    %cond3A_700 = arith.constant 0 : i32
    %cond3A_701 = arith.cmpi ne, %convert_element_type3A_699, %cond3A_700 : i32
    scf.if %cond3A_701 {
      %add3A_902 = arith.constant 768 : i32
      %add3A_903 = arith.addi %mul3A_2, %add3A_902 : i32
      %dma_wait3A = arith.constant 3 : i32
      %dma_wait3A_904 = arith.constant 3 : i32
      %dma_wait3A_905 = arith.constant 0 : i32
      %dma_wait3A_906 = arith.constant 0 : i32
      %dma_wait3A_907 = tpu.memref_slice %arg11[%dma_wait3A, %dma_wait3A_905, %dma_wait3A_906] : memref<5x16x1024xf32, #tpu.memory_space<vmem>> -> memref<1x16x1024xf32, #tpu.memory_space<vmem>>
      %dma_wait3A_908 = tpu.memref_squeeze %dma_wait3A_907 : memref<1x16x1024xf32, #tpu.memory_space<vmem>> -> memref<16x1024xf32, #tpu.memory_space<vmem>>
      %dma_wait3A_909 = arith.constant 0 : i32
      %dma_wait3A_910 = tpu.memref_slice %arg4[%add3A_903, %dma_wait3A_909] : memref<32768x1024xf32, #tpu.memory_space<hbm>> -> memref<16x1024xf32, #tpu.memory_space<hbm>>
      %dma_wait3A_911 = tpu.memref_slice %arg14[%dma_wait3A_904] : memref<5x!tpu.dma_semaphore, #tpu.memory_space<semaphore_mem>> -> memref<1x!tpu.dma_semaphore, #tpu.memory_space<semaphore_mem>>
      %dma_wait3A_912 = tpu.memref_squeeze %dma_wait3A_911 : memref<1x!tpu.dma_semaphore, #tpu.memory_space<semaphore_mem>> -> memref<!tpu.dma_semaphore, #tpu.memory_space<semaphore_mem>>
      %dma_wait3A_913 = arith.constant 0 : i32
      %dma_wait3A_914 = tpu.memref_slice %arg4[%add3A_903, %dma_wait3A_913] : memref<32768x1024xf32, #tpu.memory_space<hbm>> -> memref<16x1024xf32, #tpu.memory_space<hbm>>
      %dma_wait3A_915 = arith.constant 0 : i32
      %dma_wait3A_916 = arith.constant 0 : i32
      %dma_wait3A_917 = tpu.memref_slice %arg11[%dma_wait3A, %dma_wait3A_915, %dma_wait3A_916] : memref<5x16x1024xf32, #tpu.memory_space<vmem>> -> memref<1x16x1024xf32, #tpu.memory_space<vmem>>
      %dma_wait3A_918 = tpu.memref_squeeze %dma_wait3A_917 : memref<1x16x1024xf32, #tpu.memory_space<vmem>> -> memref<16x1024xf32, #tpu.memory_space<vmem>>
      tpu.wait_dma2 semaphore(%dma_wait3A_912 : memref<!tpu.dma_semaphore, #tpu.memory_space<semaphore_mem>>) src(%dma_wait3A_918 : memref<16x1024xf32, #tpu.memory_space<vmem>>) dst(%dma_wait3A_914 : memref<16x1024xf32, #tpu.memory_space<hbm>>)
    } else {
    }
    %le3A_702 = arith.constant 48 : i32
    %le3A_703 = arith.cmpi sle, %select_n3A, %le3A_702 : i32
    %convert_element_type3A_704 = arith.extui %le3A_703 : i1 to i32
    %cond3A_705 = arith.constant 0 : i32
    %cond3A_706 = arith.cmpi ne, %convert_element_type3A_704, %cond3A_705 : i32
    scf.if %cond3A_706 {
      %add3A_902 = arith.constant 768 : i32
      %add3A_903 = arith.addi %mul3A_2, %add3A_902 : i32
      %dma_wait3A = arith.constant 0 : i32
      %dma_wait3A_904 = tpu.memref_slice %arg4[%add3A_903, %dma_wait3A] : memref<32768x1024xf32, #tpu.memory_space<hbm>> -> memref<16x1024xf32, #tpu.memory_space<hbm>>
      %dma_wait3A_905 = arith.constant 0 : i32
      %dma_wait3A_906 = tpu.memref_slice %arg4[%add3A_903, %dma_wait3A_905] : memref<32768x1024xf32, #tpu.memory_space<hbm>> -> memref<16x1024xf32, #tpu.memory_space<hbm>>
      tpu.wait_dma2 semaphore(%arg15 : memref<!tpu.dma_semaphore, #tpu.memory_space<semaphore_mem>>) src(%arg12 : memref<16x1024xf32, #tpu.memory_space<vmem>>) dst(%dma_wait3A_906 : memref<16x1024xf32, #tpu.memory_space<hbm>>)
    } else {
    }
    %gt3A_707 = arith.constant 49 : i32
    %gt3A_708 = arith.cmpi sgt, %select_n3A, %gt3A_707 : i32
    %le3A_709 = arith.constant 54 : i32
    %le3A_710 = arith.cmpi sle, %select_n3A, %le3A_709 : i32
    %and3A_711 = arith.andi %gt3A_708, %le3A_710 : i1
    %convert_element_type3A_712 = arith.extui %and3A_711 : i1 to i32
    %cond3A_713 = arith.constant 0 : i32
    %cond3A_714 = arith.cmpi ne, %convert_element_type3A_712, %cond3A_713 : i32
    scf.if %cond3A_714 {
      %add3A_902 = arith.constant 784 : i32
      %add3A_903 = arith.addi %mul3A_2, %add3A_902 : i32
      %dma_wait3A = arith.constant 4 : i32
      %dma_wait3A_904 = arith.constant 4 : i32
      %dma_wait3A_905 = arith.constant 0 : i32
      %dma_wait3A_906 = arith.constant 0 : i32
      %dma_wait3A_907 = tpu.memref_slice %arg11[%dma_wait3A, %dma_wait3A_905, %dma_wait3A_906] : memref<5x16x1024xf32, #tpu.memory_space<vmem>> -> memref<1x16x1024xf32, #tpu.memory_space<vmem>>
      %dma_wait3A_908 = tpu.memref_squeeze %dma_wait3A_907 : memref<1x16x1024xf32, #tpu.memory_space<vmem>> -> memref<16x1024xf32, #tpu.memory_space<vmem>>
      %dma_wait3A_909 = arith.constant 0 : i32
      %dma_wait3A_910 = tpu.memref_slice %arg4[%add3A_903, %dma_wait3A_909] : memref<32768x1024xf32, #tpu.memory_space<hbm>> -> memref<16x1024xf32, #tpu.memory_space<hbm>>
      %dma_wait3A_911 = tpu.memref_slice %arg14[%dma_wait3A_904] : memref<5x!tpu.dma_semaphore, #tpu.memory_space<semaphore_mem>> -> memref<1x!tpu.dma_semaphore, #tpu.memory_space<semaphore_mem>>
      %dma_wait3A_912 = tpu.memref_squeeze %dma_wait3A_911 : memref<1x!tpu.dma_semaphore, #tpu.memory_space<semaphore_mem>> -> memref<!tpu.dma_semaphore, #tpu.memory_space<semaphore_mem>>
      %dma_wait3A_913 = arith.constant 0 : i32
      %dma_wait3A_914 = tpu.memref_slice %arg4[%add3A_903, %dma_wait3A_913] : memref<32768x1024xf32, #tpu.memory_space<hbm>> -> memref<16x1024xf32, #tpu.memory_space<hbm>>
      %dma_wait3A_915 = arith.constant 0 : i32
      %dma_wait3A_916 = arith.constant 0 : i32
      %dma_wait3A_917 = tpu.memref_slice %arg11[%dma_wait3A, %dma_wait3A_915, %dma_wait3A_916] : memref<5x16x1024xf32, #tpu.memory_space<vmem>> -> memref<1x16x1024xf32, #tpu.memory_space<vmem>>
      %dma_wait3A_918 = tpu.memref_squeeze %dma_wait3A_917 : memref<1x16x1024xf32, #tpu.memory_space<vmem>> -> memref<16x1024xf32, #tpu.memory_space<vmem>>
      tpu.wait_dma2 semaphore(%dma_wait3A_912 : memref<!tpu.dma_semaphore, #tpu.memory_space<semaphore_mem>>) src(%dma_wait3A_918 : memref<16x1024xf32, #tpu.memory_space<vmem>>) dst(%dma_wait3A_914 : memref<16x1024xf32, #tpu.memory_space<hbm>>)
    } else {
    }
    %le3A_715 = arith.constant 49 : i32
    %le3A_716 = arith.cmpi sle, %select_n3A, %le3A_715 : i32
    %convert_element_type3A_717 = arith.extui %le3A_716 : i1 to i32
    %cond3A_718 = arith.constant 0 : i32
    %cond3A_719 = arith.cmpi ne, %convert_element_type3A_717, %cond3A_718 : i32
    scf.if %cond3A_719 {
      %add3A_902 = arith.constant 784 : i32
      %add3A_903 = arith.addi %mul3A_2, %add3A_902 : i32
      %dma_wait3A = arith.constant 0 : i32
      %dma_wait3A_904 = tpu.memref_slice %arg4[%add3A_903, %dma_wait3A] : memref<32768x1024xf32, #tpu.memory_space<hbm>> -> memref<16x1024xf32, #tpu.memory_space<hbm>>
      %dma_wait3A_905 = arith.constant 0 : i32
      %dma_wait3A_906 = tpu.memref_slice %arg4[%add3A_903, %dma_wait3A_905] : memref<32768x1024xf32, #tpu.memory_space<hbm>> -> memref<16x1024xf32, #tpu.memory_space<hbm>>
      tpu.wait_dma2 semaphore(%arg15 : memref<!tpu.dma_semaphore, #tpu.memory_space<semaphore_mem>>) src(%arg12 : memref<16x1024xf32, #tpu.memory_space<vmem>>) dst(%dma_wait3A_906 : memref<16x1024xf32, #tpu.memory_space<hbm>>)
    } else {
    }
    %gt3A_720 = arith.constant 50 : i32
    %gt3A_721 = arith.cmpi sgt, %select_n3A, %gt3A_720 : i32
    %le3A_722 = arith.constant 55 : i32
    %le3A_723 = arith.cmpi sle, %select_n3A, %le3A_722 : i32
    %and3A_724 = arith.andi %gt3A_721, %le3A_723 : i1
    %convert_element_type3A_725 = arith.extui %and3A_724 : i1 to i32
    %cond3A_726 = arith.constant 0 : i32
    %cond3A_727 = arith.cmpi ne, %convert_element_type3A_725, %cond3A_726 : i32
    scf.if %cond3A_727 {
      %add3A_902 = arith.constant 800 : i32
      %add3A_903 = arith.addi %mul3A_2, %add3A_902 : i32
      %dma_wait3A = arith.constant 0 : i32
      %dma_wait3A_904 = arith.constant 0 : i32
      %dma_wait3A_905 = arith.constant 0 : i32
      %dma_wait3A_906 = arith.constant 0 : i32
      %dma_wait3A_907 = tpu.memref_slice %arg11[%dma_wait3A, %dma_wait3A_905, %dma_wait3A_906] : memref<5x16x1024xf32, #tpu.memory_space<vmem>> -> memref<1x16x1024xf32, #tpu.memory_space<vmem>>
      %dma_wait3A_908 = tpu.memref_squeeze %dma_wait3A_907 : memref<1x16x1024xf32, #tpu.memory_space<vmem>> -> memref<16x1024xf32, #tpu.memory_space<vmem>>
      %dma_wait3A_909 = arith.constant 0 : i32
      %dma_wait3A_910 = tpu.memref_slice %arg4[%add3A_903, %dma_wait3A_909] : memref<32768x1024xf32, #tpu.memory_space<hbm>> -> memref<16x1024xf32, #tpu.memory_space<hbm>>
      %dma_wait3A_911 = tpu.memref_slice %arg14[%dma_wait3A_904] : memref<5x!tpu.dma_semaphore, #tpu.memory_space<semaphore_mem>> -> memref<1x!tpu.dma_semaphore, #tpu.memory_space<semaphore_mem>>
      %dma_wait3A_912 = tpu.memref_squeeze %dma_wait3A_911 : memref<1x!tpu.dma_semaphore, #tpu.memory_space<semaphore_mem>> -> memref<!tpu.dma_semaphore, #tpu.memory_space<semaphore_mem>>
      %dma_wait3A_913 = arith.constant 0 : i32
      %dma_wait3A_914 = tpu.memref_slice %arg4[%add3A_903, %dma_wait3A_913] : memref<32768x1024xf32, #tpu.memory_space<hbm>> -> memref<16x1024xf32, #tpu.memory_space<hbm>>
      %dma_wait3A_915 = arith.constant 0 : i32
      %dma_wait3A_916 = arith.constant 0 : i32
      %dma_wait3A_917 = tpu.memref_slice %arg11[%dma_wait3A, %dma_wait3A_915, %dma_wait3A_916] : memref<5x16x1024xf32, #tpu.memory_space<vmem>> -> memref<1x16x1024xf32, #tpu.memory_space<vmem>>
      %dma_wait3A_918 = tpu.memref_squeeze %dma_wait3A_917 : memref<1x16x1024xf32, #tpu.memory_space<vmem>> -> memref<16x1024xf32, #tpu.memory_space<vmem>>
      tpu.wait_dma2 semaphore(%dma_wait3A_912 : memref<!tpu.dma_semaphore, #tpu.memory_space<semaphore_mem>>) src(%dma_wait3A_918 : memref<16x1024xf32, #tpu.memory_space<vmem>>) dst(%dma_wait3A_914 : memref<16x1024xf32, #tpu.memory_space<hbm>>)
    } else {
    }
    %le3A_728 = arith.constant 50 : i32
    %le3A_729 = arith.cmpi sle, %select_n3A, %le3A_728 : i32
    %convert_element_type3A_730 = arith.extui %le3A_729 : i1 to i32
    %cond3A_731 = arith.constant 0 : i32
    %cond3A_732 = arith.cmpi ne, %convert_element_type3A_730, %cond3A_731 : i32
    scf.if %cond3A_732 {
      %add3A_902 = arith.constant 800 : i32
      %add3A_903 = arith.addi %mul3A_2, %add3A_902 : i32
      %dma_wait3A = arith.constant 0 : i32
      %dma_wait3A_904 = tpu.memref_slice %arg4[%add3A_903, %dma_wait3A] : memref<32768x1024xf32, #tpu.memory_space<hbm>> -> memref<16x1024xf32, #tpu.memory_space<hbm>>
      %dma_wait3A_905 = arith.constant 0 : i32
      %dma_wait3A_906 = tpu.memref_slice %arg4[%add3A_903, %dma_wait3A_905] : memref<32768x1024xf32, #tpu.memory_space<hbm>> -> memref<16x1024xf32, #tpu.memory_space<hbm>>
      tpu.wait_dma2 semaphore(%arg15 : memref<!tpu.dma_semaphore, #tpu.memory_space<semaphore_mem>>) src(%arg12 : memref<16x1024xf32, #tpu.memory_space<vmem>>) dst(%dma_wait3A_906 : memref<16x1024xf32, #tpu.memory_space<hbm>>)
    } else {
    }
    %gt3A_733 = arith.constant 51 : i32
    %gt3A_734 = arith.cmpi sgt, %select_n3A, %gt3A_733 : i32
    %le3A_735 = arith.constant 56 : i32
    %le3A_736 = arith.cmpi sle, %select_n3A, %le3A_735 : i32
    %and3A_737 = arith.andi %gt3A_734, %le3A_736 : i1
    %convert_element_type3A_738 = arith.extui %and3A_737 : i1 to i32
    %cond3A_739 = arith.constant 0 : i32
    %cond3A_740 = arith.cmpi ne, %convert_element_type3A_738, %cond3A_739 : i32
    scf.if %cond3A_740 {
      %add3A_902 = arith.constant 816 : i32
      %add3A_903 = arith.addi %mul3A_2, %add3A_902 : i32
      %dma_wait3A = arith.constant 1 : i32
      %dma_wait3A_904 = arith.constant 1 : i32
      %dma_wait3A_905 = arith.constant 0 : i32
      %dma_wait3A_906 = arith.constant 0 : i32
      %dma_wait3A_907 = tpu.memref_slice %arg11[%dma_wait3A, %dma_wait3A_905, %dma_wait3A_906] : memref<5x16x1024xf32, #tpu.memory_space<vmem>> -> memref<1x16x1024xf32, #tpu.memory_space<vmem>>
      %dma_wait3A_908 = tpu.memref_squeeze %dma_wait3A_907 : memref<1x16x1024xf32, #tpu.memory_space<vmem>> -> memref<16x1024xf32, #tpu.memory_space<vmem>>
      %dma_wait3A_909 = arith.constant 0 : i32
      %dma_wait3A_910 = tpu.memref_slice %arg4[%add3A_903, %dma_wait3A_909] : memref<32768x1024xf32, #tpu.memory_space<hbm>> -> memref<16x1024xf32, #tpu.memory_space<hbm>>
      %dma_wait3A_911 = tpu.memref_slice %arg14[%dma_wait3A_904] : memref<5x!tpu.dma_semaphore, #tpu.memory_space<semaphore_mem>> -> memref<1x!tpu.dma_semaphore, #tpu.memory_space<semaphore_mem>>
      %dma_wait3A_912 = tpu.memref_squeeze %dma_wait3A_911 : memref<1x!tpu.dma_semaphore, #tpu.memory_space<semaphore_mem>> -> memref<!tpu.dma_semaphore, #tpu.memory_space<semaphore_mem>>
      %dma_wait3A_913 = arith.constant 0 : i32
      %dma_wait3A_914 = tpu.memref_slice %arg4[%add3A_903, %dma_wait3A_913] : memref<32768x1024xf32, #tpu.memory_space<hbm>> -> memref<16x1024xf32, #tpu.memory_space<hbm>>
      %dma_wait3A_915 = arith.constant 0 : i32
      %dma_wait3A_916 = arith.constant 0 : i32
      %dma_wait3A_917 = tpu.memref_slice %arg11[%dma_wait3A, %dma_wait3A_915, %dma_wait3A_916] : memref<5x16x1024xf32, #tpu.memory_space<vmem>> -> memref<1x16x1024xf32, #tpu.memory_space<vmem>>
      %dma_wait3A_918 = tpu.memref_squeeze %dma_wait3A_917 : memref<1x16x1024xf32, #tpu.memory_space<vmem>> -> memref<16x1024xf32, #tpu.memory_space<vmem>>
      tpu.wait_dma2 semaphore(%dma_wait3A_912 : memref<!tpu.dma_semaphore, #tpu.memory_space<semaphore_mem>>) src(%dma_wait3A_918 : memref<16x1024xf32, #tpu.memory_space<vmem>>) dst(%dma_wait3A_914 : memref<16x1024xf32, #tpu.memory_space<hbm>>)
    } else {
    }
    %le3A_741 = arith.constant 51 : i32
    %le3A_742 = arith.cmpi sle, %select_n3A, %le3A_741 : i32
    %convert_element_type3A_743 = arith.extui %le3A_742 : i1 to i32
    %cond3A_744 = arith.constant 0 : i32
    %cond3A_745 = arith.cmpi ne, %convert_element_type3A_743, %cond3A_744 : i32
    scf.if %cond3A_745 {
      %add3A_902 = arith.constant 816 : i32
      %add3A_903 = arith.addi %mul3A_2, %add3A_902 : i32
      %dma_wait3A = arith.constant 0 : i32
      %dma_wait3A_904 = tpu.memref_slice %arg4[%add3A_903, %dma_wait3A] : memref<32768x1024xf32, #tpu.memory_space<hbm>> -> memref<16x1024xf32, #tpu.memory_space<hbm>>
      %dma_wait3A_905 = arith.constant 0 : i32
      %dma_wait3A_906 = tpu.memref_slice %arg4[%add3A_903, %dma_wait3A_905] : memref<32768x1024xf32, #tpu.memory_space<hbm>> -> memref<16x1024xf32, #tpu.memory_space<hbm>>
      tpu.wait_dma2 semaphore(%arg15 : memref<!tpu.dma_semaphore, #tpu.memory_space<semaphore_mem>>) src(%arg12 : memref<16x1024xf32, #tpu.memory_space<vmem>>) dst(%dma_wait3A_906 : memref<16x1024xf32, #tpu.memory_space<hbm>>)
    } else {
    }
    %gt3A_746 = arith.constant 52 : i32
    %gt3A_747 = arith.cmpi sgt, %select_n3A, %gt3A_746 : i32
    %le3A_748 = arith.constant 57 : i32
    %le3A_749 = arith.cmpi sle, %select_n3A, %le3A_748 : i32
    %and3A_750 = arith.andi %gt3A_747, %le3A_749 : i1
    %convert_element_type3A_751 = arith.extui %and3A_750 : i1 to i32
    %cond3A_752 = arith.constant 0 : i32
    %cond3A_753 = arith.cmpi ne, %convert_element_type3A_751, %cond3A_752 : i32
    scf.if %cond3A_753 {
      %add3A_902 = arith.constant 832 : i32
      %add3A_903 = arith.addi %mul3A_2, %add3A_902 : i32
      %dma_wait3A = arith.constant 2 : i32
      %dma_wait3A_904 = arith.constant 2 : i32
      %dma_wait3A_905 = arith.constant 0 : i32
      %dma_wait3A_906 = arith.constant 0 : i32
      %dma_wait3A_907 = tpu.memref_slice %arg11[%dma_wait3A, %dma_wait3A_905, %dma_wait3A_906] : memref<5x16x1024xf32, #tpu.memory_space<vmem>> -> memref<1x16x1024xf32, #tpu.memory_space<vmem>>
      %dma_wait3A_908 = tpu.memref_squeeze %dma_wait3A_907 : memref<1x16x1024xf32, #tpu.memory_space<vmem>> -> memref<16x1024xf32, #tpu.memory_space<vmem>>
      %dma_wait3A_909 = arith.constant 0 : i32
      %dma_wait3A_910 = tpu.memref_slice %arg4[%add3A_903, %dma_wait3A_909] : memref<32768x1024xf32, #tpu.memory_space<hbm>> -> memref<16x1024xf32, #tpu.memory_space<hbm>>
      %dma_wait3A_911 = tpu.memref_slice %arg14[%dma_wait3A_904] : memref<5x!tpu.dma_semaphore, #tpu.memory_space<semaphore_mem>> -> memref<1x!tpu.dma_semaphore, #tpu.memory_space<semaphore_mem>>
      %dma_wait3A_912 = tpu.memref_squeeze %dma_wait3A_911 : memref<1x!tpu.dma_semaphore, #tpu.memory_space<semaphore_mem>> -> memref<!tpu.dma_semaphore, #tpu.memory_space<semaphore_mem>>
      %dma_wait3A_913 = arith.constant 0 : i32
      %dma_wait3A_914 = tpu.memref_slice %arg4[%add3A_903, %dma_wait3A_913] : memref<32768x1024xf32, #tpu.memory_space<hbm>> -> memref<16x1024xf32, #tpu.memory_space<hbm>>
      %dma_wait3A_915 = arith.constant 0 : i32
      %dma_wait3A_916 = arith.constant 0 : i32
      %dma_wait3A_917 = tpu.memref_slice %arg11[%dma_wait3A, %dma_wait3A_915, %dma_wait3A_916] : memref<5x16x1024xf32, #tpu.memory_space<vmem>> -> memref<1x16x1024xf32, #tpu.memory_space<vmem>>
      %dma_wait3A_918 = tpu.memref_squeeze %dma_wait3A_917 : memref<1x16x1024xf32, #tpu.memory_space<vmem>> -> memref<16x1024xf32, #tpu.memory_space<vmem>>
      tpu.wait_dma2 semaphore(%dma_wait3A_912 : memref<!tpu.dma_semaphore, #tpu.memory_space<semaphore_mem>>) src(%dma_wait3A_918 : memref<16x1024xf32, #tpu.memory_space<vmem>>) dst(%dma_wait3A_914 : memref<16x1024xf32, #tpu.memory_space<hbm>>)
    } else {
    }
    %le3A_754 = arith.constant 52 : i32
    %le3A_755 = arith.cmpi sle, %select_n3A, %le3A_754 : i32
    %convert_element_type3A_756 = arith.extui %le3A_755 : i1 to i32
    %cond3A_757 = arith.constant 0 : i32
    %cond3A_758 = arith.cmpi ne, %convert_element_type3A_756, %cond3A_757 : i32
    scf.if %cond3A_758 {
      %add3A_902 = arith.constant 832 : i32
      %add3A_903 = arith.addi %mul3A_2, %add3A_902 : i32
      %dma_wait3A = arith.constant 0 : i32
      %dma_wait3A_904 = tpu.memref_slice %arg4[%add3A_903, %dma_wait3A] : memref<32768x1024xf32, #tpu.memory_space<hbm>> -> memref<16x1024xf32, #tpu.memory_space<hbm>>
      %dma_wait3A_905 = arith.constant 0 : i32
      %dma_wait3A_906 = tpu.memref_slice %arg4[%add3A_903, %dma_wait3A_905] : memref<32768x1024xf32, #tpu.memory_space<hbm>> -> memref<16x1024xf32, #tpu.memory_space<hbm>>
      tpu.wait_dma2 semaphore(%arg15 : memref<!tpu.dma_semaphore, #tpu.memory_space<semaphore_mem>>) src(%arg12 : memref<16x1024xf32, #tpu.memory_space<vmem>>) dst(%dma_wait3A_906 : memref<16x1024xf32, #tpu.memory_space<hbm>>)
    } else {
    }
    %gt3A_759 = arith.constant 53 : i32
    %gt3A_760 = arith.cmpi sgt, %select_n3A, %gt3A_759 : i32
    %le3A_761 = arith.constant 58 : i32
    %le3A_762 = arith.cmpi sle, %select_n3A, %le3A_761 : i32
    %and3A_763 = arith.andi %gt3A_760, %le3A_762 : i1
    %convert_element_type3A_764 = arith.extui %and3A_763 : i1 to i32
    %cond3A_765 = arith.constant 0 : i32
    %cond3A_766 = arith.cmpi ne, %convert_element_type3A_764, %cond3A_765 : i32
    scf.if %cond3A_766 {
      %add3A_902 = arith.constant 848 : i32
      %add3A_903 = arith.addi %mul3A_2, %add3A_902 : i32
      %dma_wait3A = arith.constant 3 : i32
      %dma_wait3A_904 = arith.constant 3 : i32
      %dma_wait3A_905 = arith.constant 0 : i32
      %dma_wait3A_906 = arith.constant 0 : i32
      %dma_wait3A_907 = tpu.memref_slice %arg11[%dma_wait3A, %dma_wait3A_905, %dma_wait3A_906] : memref<5x16x1024xf32, #tpu.memory_space<vmem>> -> memref<1x16x1024xf32, #tpu.memory_space<vmem>>
      %dma_wait3A_908 = tpu.memref_squeeze %dma_wait3A_907 : memref<1x16x1024xf32, #tpu.memory_space<vmem>> -> memref<16x1024xf32, #tpu.memory_space<vmem>>
      %dma_wait3A_909 = arith.constant 0 : i32
      %dma_wait3A_910 = tpu.memref_slice %arg4[%add3A_903, %dma_wait3A_909] : memref<32768x1024xf32, #tpu.memory_space<hbm>> -> memref<16x1024xf32, #tpu.memory_space<hbm>>
      %dma_wait3A_911 = tpu.memref_slice %arg14[%dma_wait3A_904] : memref<5x!tpu.dma_semaphore, #tpu.memory_space<semaphore_mem>> -> memref<1x!tpu.dma_semaphore, #tpu.memory_space<semaphore_mem>>
      %dma_wait3A_912 = tpu.memref_squeeze %dma_wait3A_911 : memref<1x!tpu.dma_semaphore, #tpu.memory_space<semaphore_mem>> -> memref<!tpu.dma_semaphore, #tpu.memory_space<semaphore_mem>>
      %dma_wait3A_913 = arith.constant 0 : i32
      %dma_wait3A_914 = tpu.memref_slice %arg4[%add3A_903, %dma_wait3A_913] : memref<32768x1024xf32, #tpu.memory_space<hbm>> -> memref<16x1024xf32, #tpu.memory_space<hbm>>
      %dma_wait3A_915 = arith.constant 0 : i32
      %dma_wait3A_916 = arith.constant 0 : i32
      %dma_wait3A_917 = tpu.memref_slice %arg11[%dma_wait3A, %dma_wait3A_915, %dma_wait3A_916] : memref<5x16x1024xf32, #tpu.memory_space<vmem>> -> memref<1x16x1024xf32, #tpu.memory_space<vmem>>
      %dma_wait3A_918 = tpu.memref_squeeze %dma_wait3A_917 : memref<1x16x1024xf32, #tpu.memory_space<vmem>> -> memref<16x1024xf32, #tpu.memory_space<vmem>>
      tpu.wait_dma2 semaphore(%dma_wait3A_912 : memref<!tpu.dma_semaphore, #tpu.memory_space<semaphore_mem>>) src(%dma_wait3A_918 : memref<16x1024xf32, #tpu.memory_space<vmem>>) dst(%dma_wait3A_914 : memref<16x1024xf32, #tpu.memory_space<hbm>>)
    } else {
    }
    %le3A_767 = arith.constant 53 : i32
    %le3A_768 = arith.cmpi sle, %select_n3A, %le3A_767 : i32
    %convert_element_type3A_769 = arith.extui %le3A_768 : i1 to i32
    %cond3A_770 = arith.constant 0 : i32
    %cond3A_771 = arith.cmpi ne, %convert_element_type3A_769, %cond3A_770 : i32
    scf.if %cond3A_771 {
      %add3A_902 = arith.constant 848 : i32
      %add3A_903 = arith.addi %mul3A_2, %add3A_902 : i32
      %dma_wait3A = arith.constant 0 : i32
      %dma_wait3A_904 = tpu.memref_slice %arg4[%add3A_903, %dma_wait3A] : memref<32768x1024xf32, #tpu.memory_space<hbm>> -> memref<16x1024xf32, #tpu.memory_space<hbm>>
      %dma_wait3A_905 = arith.constant 0 : i32
      %dma_wait3A_906 = tpu.memref_slice %arg4[%add3A_903, %dma_wait3A_905] : memref<32768x1024xf32, #tpu.memory_space<hbm>> -> memref<16x1024xf32, #tpu.memory_space<hbm>>
      tpu.wait_dma2 semaphore(%arg15 : memref<!tpu.dma_semaphore, #tpu.memory_space<semaphore_mem>>) src(%arg12 : memref<16x1024xf32, #tpu.memory_space<vmem>>) dst(%dma_wait3A_906 : memref<16x1024xf32, #tpu.memory_space<hbm>>)
    } else {
    }
    %gt3A_772 = arith.constant 54 : i32
    %gt3A_773 = arith.cmpi sgt, %select_n3A, %gt3A_772 : i32
    %le3A_774 = arith.constant 59 : i32
    %le3A_775 = arith.cmpi sle, %select_n3A, %le3A_774 : i32
    %and3A_776 = arith.andi %gt3A_773, %le3A_775 : i1
    %convert_element_type3A_777 = arith.extui %and3A_776 : i1 to i32
    %cond3A_778 = arith.constant 0 : i32
    %cond3A_779 = arith.cmpi ne, %convert_element_type3A_777, %cond3A_778 : i32
    scf.if %cond3A_779 {
      %add3A_902 = arith.constant 864 : i32
      %add3A_903 = arith.addi %mul3A_2, %add3A_902 : i32
      %dma_wait3A = arith.constant 4 : i32
      %dma_wait3A_904 = arith.constant 4 : i32
      %dma_wait3A_905 = arith.constant 0 : i32
      %dma_wait3A_906 = arith.constant 0 : i32
      %dma_wait3A_907 = tpu.memref_slice %arg11[%dma_wait3A, %dma_wait3A_905, %dma_wait3A_906] : memref<5x16x1024xf32, #tpu.memory_space<vmem>> -> memref<1x16x1024xf32, #tpu.memory_space<vmem>>
      %dma_wait3A_908 = tpu.memref_squeeze %dma_wait3A_907 : memref<1x16x1024xf32, #tpu.memory_space<vmem>> -> memref<16x1024xf32, #tpu.memory_space<vmem>>
      %dma_wait3A_909 = arith.constant 0 : i32
      %dma_wait3A_910 = tpu.memref_slice %arg4[%add3A_903, %dma_wait3A_909] : memref<32768x1024xf32, #tpu.memory_space<hbm>> -> memref<16x1024xf32, #tpu.memory_space<hbm>>
      %dma_wait3A_911 = tpu.memref_slice %arg14[%dma_wait3A_904] : memref<5x!tpu.dma_semaphore, #tpu.memory_space<semaphore_mem>> -> memref<1x!tpu.dma_semaphore, #tpu.memory_space<semaphore_mem>>
      %dma_wait3A_912 = tpu.memref_squeeze %dma_wait3A_911 : memref<1x!tpu.dma_semaphore, #tpu.memory_space<semaphore_mem>> -> memref<!tpu.dma_semaphore, #tpu.memory_space<semaphore_mem>>
      %dma_wait3A_913 = arith.constant 0 : i32
      %dma_wait3A_914 = tpu.memref_slice %arg4[%add3A_903, %dma_wait3A_913] : memref<32768x1024xf32, #tpu.memory_space<hbm>> -> memref<16x1024xf32, #tpu.memory_space<hbm>>
      %dma_wait3A_915 = arith.constant 0 : i32
      %dma_wait3A_916 = arith.constant 0 : i32
      %dma_wait3A_917 = tpu.memref_slice %arg11[%dma_wait3A, %dma_wait3A_915, %dma_wait3A_916] : memref<5x16x1024xf32, #tpu.memory_space<vmem>> -> memref<1x16x1024xf32, #tpu.memory_space<vmem>>
      %dma_wait3A_918 = tpu.memref_squeeze %dma_wait3A_917 : memref<1x16x1024xf32, #tpu.memory_space<vmem>> -> memref<16x1024xf32, #tpu.memory_space<vmem>>
      tpu.wait_dma2 semaphore(%dma_wait3A_912 : memref<!tpu.dma_semaphore, #tpu.memory_space<semaphore_mem>>) src(%dma_wait3A_918 : memref<16x1024xf32, #tpu.memory_space<vmem>>) dst(%dma_wait3A_914 : memref<16x1024xf32, #tpu.memory_space<hbm>>)
    } else {
    }
    %le3A_780 = arith.constant 54 : i32
    %le3A_781 = arith.cmpi sle, %select_n3A, %le3A_780 : i32
    %convert_element_type3A_782 = arith.extui %le3A_781 : i1 to i32
    %cond3A_783 = arith.constant 0 : i32
    %cond3A_784 = arith.cmpi ne, %convert_element_type3A_782, %cond3A_783 : i32
    scf.if %cond3A_784 {
      %add3A_902 = arith.constant 864 : i32
      %add3A_903 = arith.addi %mul3A_2, %add3A_902 : i32
      %dma_wait3A = arith.constant 0 : i32
      %dma_wait3A_904 = tpu.memref_slice %arg4[%add3A_903, %dma_wait3A] : memref<32768x1024xf32, #tpu.memory_space<hbm>> -> memref<16x1024xf32, #tpu.memory_space<hbm>>
      %dma_wait3A_905 = arith.constant 0 : i32
      %dma_wait3A_906 = tpu.memref_slice %arg4[%add3A_903, %dma_wait3A_905] : memref<32768x1024xf32, #tpu.memory_space<hbm>> -> memref<16x1024xf32, #tpu.memory_space<hbm>>
      tpu.wait_dma2 semaphore(%arg15 : memref<!tpu.dma_semaphore, #tpu.memory_space<semaphore_mem>>) src(%arg12 : memref<16x1024xf32, #tpu.memory_space<vmem>>) dst(%dma_wait3A_906 : memref<16x1024xf32, #tpu.memory_space<hbm>>)
    } else {
    }
    %gt3A_785 = arith.constant 55 : i32
    %gt3A_786 = arith.cmpi sgt, %select_n3A, %gt3A_785 : i32
    %le3A_787 = arith.constant 60 : i32
    %le3A_788 = arith.cmpi sle, %select_n3A, %le3A_787 : i32
    %and3A_789 = arith.andi %gt3A_786, %le3A_788 : i1
    %convert_element_type3A_790 = arith.extui %and3A_789 : i1 to i32
    %cond3A_791 = arith.constant 0 : i32
    %cond3A_792 = arith.cmpi ne, %convert_element_type3A_790, %cond3A_791 : i32
    scf.if %cond3A_792 {
      %add3A_902 = arith.constant 880 : i32
      %add3A_903 = arith.addi %mul3A_2, %add3A_902 : i32
      %dma_wait3A = arith.constant 0 : i32
      %dma_wait3A_904 = arith.constant 0 : i32
      %dma_wait3A_905 = arith.constant 0 : i32
      %dma_wait3A_906 = arith.constant 0 : i32
      %dma_wait3A_907 = tpu.memref_slice %arg11[%dma_wait3A, %dma_wait3A_905, %dma_wait3A_906] : memref<5x16x1024xf32, #tpu.memory_space<vmem>> -> memref<1x16x1024xf32, #tpu.memory_space<vmem>>
      %dma_wait3A_908 = tpu.memref_squeeze %dma_wait3A_907 : memref<1x16x1024xf32, #tpu.memory_space<vmem>> -> memref<16x1024xf32, #tpu.memory_space<vmem>>
      %dma_wait3A_909 = arith.constant 0 : i32
      %dma_wait3A_910 = tpu.memref_slice %arg4[%add3A_903, %dma_wait3A_909] : memref<32768x1024xf32, #tpu.memory_space<hbm>> -> memref<16x1024xf32, #tpu.memory_space<hbm>>
      %dma_wait3A_911 = tpu.memref_slice %arg14[%dma_wait3A_904] : memref<5x!tpu.dma_semaphore, #tpu.memory_space<semaphore_mem>> -> memref<1x!tpu.dma_semaphore, #tpu.memory_space<semaphore_mem>>
      %dma_wait3A_912 = tpu.memref_squeeze %dma_wait3A_911 : memref<1x!tpu.dma_semaphore, #tpu.memory_space<semaphore_mem>> -> memref<!tpu.dma_semaphore, #tpu.memory_space<semaphore_mem>>
      %dma_wait3A_913 = arith.constant 0 : i32
      %dma_wait3A_914 = tpu.memref_slice %arg4[%add3A_903, %dma_wait3A_913] : memref<32768x1024xf32, #tpu.memory_space<hbm>> -> memref<16x1024xf32, #tpu.memory_space<hbm>>
      %dma_wait3A_915 = arith.constant 0 : i32
      %dma_wait3A_916 = arith.constant 0 : i32
      %dma_wait3A_917 = tpu.memref_slice %arg11[%dma_wait3A, %dma_wait3A_915, %dma_wait3A_916] : memref<5x16x1024xf32, #tpu.memory_space<vmem>> -> memref<1x16x1024xf32, #tpu.memory_space<vmem>>
      %dma_wait3A_918 = tpu.memref_squeeze %dma_wait3A_917 : memref<1x16x1024xf32, #tpu.memory_space<vmem>> -> memref<16x1024xf32, #tpu.memory_space<vmem>>
      tpu.wait_dma2 semaphore(%dma_wait3A_912 : memref<!tpu.dma_semaphore, #tpu.memory_space<semaphore_mem>>) src(%dma_wait3A_918 : memref<16x1024xf32, #tpu.memory_space<vmem>>) dst(%dma_wait3A_914 : memref<16x1024xf32, #tpu.memory_space<hbm>>)
    } else {
    }
    %le3A_793 = arith.constant 55 : i32
    %le3A_794 = arith.cmpi sle, %select_n3A, %le3A_793 : i32
    %convert_element_type3A_795 = arith.extui %le3A_794 : i1 to i32
    %cond3A_796 = arith.constant 0 : i32
    %cond3A_797 = arith.cmpi ne, %convert_element_type3A_795, %cond3A_796 : i32
    scf.if %cond3A_797 {
      %add3A_902 = arith.constant 880 : i32
      %add3A_903 = arith.addi %mul3A_2, %add3A_902 : i32
      %dma_wait3A = arith.constant 0 : i32
      %dma_wait3A_904 = tpu.memref_slice %arg4[%add3A_903, %dma_wait3A] : memref<32768x1024xf32, #tpu.memory_space<hbm>> -> memref<16x1024xf32, #tpu.memory_space<hbm>>
      %dma_wait3A_905 = arith.constant 0 : i32
      %dma_wait3A_906 = tpu.memref_slice %arg4[%add3A_903, %dma_wait3A_905] : memref<32768x1024xf32, #tpu.memory_space<hbm>> -> memref<16x1024xf32, #tpu.memory_space<hbm>>
      tpu.wait_dma2 semaphore(%arg15 : memref<!tpu.dma_semaphore, #tpu.memory_space<semaphore_mem>>) src(%arg12 : memref<16x1024xf32, #tpu.memory_space<vmem>>) dst(%dma_wait3A_906 : memref<16x1024xf32, #tpu.memory_space<hbm>>)
    } else {
    }
    %gt3A_798 = arith.constant 56 : i32
    %gt3A_799 = arith.cmpi sgt, %select_n3A, %gt3A_798 : i32
    %le3A_800 = arith.constant 61 : i32
    %le3A_801 = arith.cmpi sle, %select_n3A, %le3A_800 : i32
    %and3A_802 = arith.andi %gt3A_799, %le3A_801 : i1
    %convert_element_type3A_803 = arith.extui %and3A_802 : i1 to i32
    %cond3A_804 = arith.constant 0 : i32
    %cond3A_805 = arith.cmpi ne, %convert_element_type3A_803, %cond3A_804 : i32
    scf.if %cond3A_805 {
      %add3A_902 = arith.constant 896 : i32
      %add3A_903 = arith.addi %mul3A_2, %add3A_902 : i32
      %dma_wait3A = arith.constant 1 : i32
      %dma_wait3A_904 = arith.constant 1 : i32
      %dma_wait3A_905 = arith.constant 0 : i32
      %dma_wait3A_906 = arith.constant 0 : i32
      %dma_wait3A_907 = tpu.memref_slice %arg11[%dma_wait3A, %dma_wait3A_905, %dma_wait3A_906] : memref<5x16x1024xf32, #tpu.memory_space<vmem>> -> memref<1x16x1024xf32, #tpu.memory_space<vmem>>
      %dma_wait3A_908 = tpu.memref_squeeze %dma_wait3A_907 : memref<1x16x1024xf32, #tpu.memory_space<vmem>> -> memref<16x1024xf32, #tpu.memory_space<vmem>>
      %dma_wait3A_909 = arith.constant 0 : i32
      %dma_wait3A_910 = tpu.memref_slice %arg4[%add3A_903, %dma_wait3A_909] : memref<32768x1024xf32, #tpu.memory_space<hbm>> -> memref<16x1024xf32, #tpu.memory_space<hbm>>
      %dma_wait3A_911 = tpu.memref_slice %arg14[%dma_wait3A_904] : memref<5x!tpu.dma_semaphore, #tpu.memory_space<semaphore_mem>> -> memref<1x!tpu.dma_semaphore, #tpu.memory_space<semaphore_mem>>
      %dma_wait3A_912 = tpu.memref_squeeze %dma_wait3A_911 : memref<1x!tpu.dma_semaphore, #tpu.memory_space<semaphore_mem>> -> memref<!tpu.dma_semaphore, #tpu.memory_space<semaphore_mem>>
      %dma_wait3A_913 = arith.constant 0 : i32
      %dma_wait3A_914 = tpu.memref_slice %arg4[%add3A_903, %dma_wait3A_913] : memref<32768x1024xf32, #tpu.memory_space<hbm>> -> memref<16x1024xf32, #tpu.memory_space<hbm>>
      %dma_wait3A_915 = arith.constant 0 : i32
      %dma_wait3A_916 = arith.constant 0 : i32
      %dma_wait3A_917 = tpu.memref_slice %arg11[%dma_wait3A, %dma_wait3A_915, %dma_wait3A_916] : memref<5x16x1024xf32, #tpu.memory_space<vmem>> -> memref<1x16x1024xf32, #tpu.memory_space<vmem>>
      %dma_wait3A_918 = tpu.memref_squeeze %dma_wait3A_917 : memref<1x16x1024xf32, #tpu.memory_space<vmem>> -> memref<16x1024xf32, #tpu.memory_space<vmem>>
      tpu.wait_dma2 semaphore(%dma_wait3A_912 : memref<!tpu.dma_semaphore, #tpu.memory_space<semaphore_mem>>) src(%dma_wait3A_918 : memref<16x1024xf32, #tpu.memory_space<vmem>>) dst(%dma_wait3A_914 : memref<16x1024xf32, #tpu.memory_space<hbm>>)
    } else {
    }
    %le3A_806 = arith.constant 56 : i32
    %le3A_807 = arith.cmpi sle, %select_n3A, %le3A_806 : i32
    %convert_element_type3A_808 = arith.extui %le3A_807 : i1 to i32
    %cond3A_809 = arith.constant 0 : i32
    %cond3A_810 = arith.cmpi ne, %convert_element_type3A_808, %cond3A_809 : i32
    scf.if %cond3A_810 {
      %add3A_902 = arith.constant 896 : i32
      %add3A_903 = arith.addi %mul3A_2, %add3A_902 : i32
      %dma_wait3A = arith.constant 0 : i32
      %dma_wait3A_904 = tpu.memref_slice %arg4[%add3A_903, %dma_wait3A] : memref<32768x1024xf32, #tpu.memory_space<hbm>> -> memref<16x1024xf32, #tpu.memory_space<hbm>>
      %dma_wait3A_905 = arith.constant 0 : i32
      %dma_wait3A_906 = tpu.memref_slice %arg4[%add3A_903, %dma_wait3A_905] : memref<32768x1024xf32, #tpu.memory_space<hbm>> -> memref<16x1024xf32, #tpu.memory_space<hbm>>
      tpu.wait_dma2 semaphore(%arg15 : memref<!tpu.dma_semaphore, #tpu.memory_space<semaphore_mem>>) src(%arg12 : memref<16x1024xf32, #tpu.memory_space<vmem>>) dst(%dma_wait3A_906 : memref<16x1024xf32, #tpu.memory_space<hbm>>)
    } else {
    }
    %gt3A_811 = arith.constant 57 : i32
    %gt3A_812 = arith.cmpi sgt, %select_n3A, %gt3A_811 : i32
    %le3A_813 = arith.constant 62 : i32
    %le3A_814 = arith.cmpi sle, %select_n3A, %le3A_813 : i32
    %and3A_815 = arith.andi %gt3A_812, %le3A_814 : i1
    %convert_element_type3A_816 = arith.extui %and3A_815 : i1 to i32
    %cond3A_817 = arith.constant 0 : i32
    %cond3A_818 = arith.cmpi ne, %convert_element_type3A_816, %cond3A_817 : i32
    scf.if %cond3A_818 {
      %add3A_902 = arith.constant 912 : i32
      %add3A_903 = arith.addi %mul3A_2, %add3A_902 : i32
      %dma_wait3A = arith.constant 2 : i32
      %dma_wait3A_904 = arith.constant 2 : i32
      %dma_wait3A_905 = arith.constant 0 : i32
      %dma_wait3A_906 = arith.constant 0 : i32
      %dma_wait3A_907 = tpu.memref_slice %arg11[%dma_wait3A, %dma_wait3A_905, %dma_wait3A_906] : memref<5x16x1024xf32, #tpu.memory_space<vmem>> -> memref<1x16x1024xf32, #tpu.memory_space<vmem>>
      %dma_wait3A_908 = tpu.memref_squeeze %dma_wait3A_907 : memref<1x16x1024xf32, #tpu.memory_space<vmem>> -> memref<16x1024xf32, #tpu.memory_space<vmem>>
      %dma_wait3A_909 = arith.constant 0 : i32
      %dma_wait3A_910 = tpu.memref_slice %arg4[%add3A_903, %dma_wait3A_909] : memref<32768x1024xf32, #tpu.memory_space<hbm>> -> memref<16x1024xf32, #tpu.memory_space<hbm>>
      %dma_wait3A_911 = tpu.memref_slice %arg14[%dma_wait3A_904] : memref<5x!tpu.dma_semaphore, #tpu.memory_space<semaphore_mem>> -> memref<1x!tpu.dma_semaphore, #tpu.memory_space<semaphore_mem>>
      %dma_wait3A_912 = tpu.memref_squeeze %dma_wait3A_911 : memref<1x!tpu.dma_semaphore, #tpu.memory_space<semaphore_mem>> -> memref<!tpu.dma_semaphore, #tpu.memory_space<semaphore_mem>>
      %dma_wait3A_913 = arith.constant 0 : i32
      %dma_wait3A_914 = tpu.memref_slice %arg4[%add3A_903, %dma_wait3A_913] : memref<32768x1024xf32, #tpu.memory_space<hbm>> -> memref<16x1024xf32, #tpu.memory_space<hbm>>
      %dma_wait3A_915 = arith.constant 0 : i32
      %dma_wait3A_916 = arith.constant 0 : i32
      %dma_wait3A_917 = tpu.memref_slice %arg11[%dma_wait3A, %dma_wait3A_915, %dma_wait3A_916] : memref<5x16x1024xf32, #tpu.memory_space<vmem>> -> memref<1x16x1024xf32, #tpu.memory_space<vmem>>
      %dma_wait3A_918 = tpu.memref_squeeze %dma_wait3A_917 : memref<1x16x1024xf32, #tpu.memory_space<vmem>> -> memref<16x1024xf32, #tpu.memory_space<vmem>>
      tpu.wait_dma2 semaphore(%dma_wait3A_912 : memref<!tpu.dma_semaphore, #tpu.memory_space<semaphore_mem>>) src(%dma_wait3A_918 : memref<16x1024xf32, #tpu.memory_space<vmem>>) dst(%dma_wait3A_914 : memref<16x1024xf32, #tpu.memory_space<hbm>>)
    } else {
    }
    %le3A_819 = arith.constant 57 : i32
    %le3A_820 = arith.cmpi sle, %select_n3A, %le3A_819 : i32
    %convert_element_type3A_821 = arith.extui %le3A_820 : i1 to i32
    %cond3A_822 = arith.constant 0 : i32
    %cond3A_823 = arith.cmpi ne, %convert_element_type3A_821, %cond3A_822 : i32
    scf.if %cond3A_823 {
      %add3A_902 = arith.constant 912 : i32
      %add3A_903 = arith.addi %mul3A_2, %add3A_902 : i32
      %dma_wait3A = arith.constant 0 : i32
      %dma_wait3A_904 = tpu.memref_slice %arg4[%add3A_903, %dma_wait3A] : memref<32768x1024xf32, #tpu.memory_space<hbm>> -> memref<16x1024xf32, #tpu.memory_space<hbm>>
      %dma_wait3A_905 = arith.constant 0 : i32
      %dma_wait3A_906 = tpu.memref_slice %arg4[%add3A_903, %dma_wait3A_905] : memref<32768x1024xf32, #tpu.memory_space<hbm>> -> memref<16x1024xf32, #tpu.memory_space<hbm>>
      tpu.wait_dma2 semaphore(%arg15 : memref<!tpu.dma_semaphore, #tpu.memory_space<semaphore_mem>>) src(%arg12 : memref<16x1024xf32, #tpu.memory_space<vmem>>) dst(%dma_wait3A_906 : memref<16x1024xf32, #tpu.memory_space<hbm>>)
    } else {
    }
    %gt3A_824 = arith.constant 58 : i32
    %gt3A_825 = arith.cmpi sgt, %select_n3A, %gt3A_824 : i32
    %le3A_826 = arith.constant 63 : i32
    %le3A_827 = arith.cmpi sle, %select_n3A, %le3A_826 : i32
    %and3A_828 = arith.andi %gt3A_825, %le3A_827 : i1
    %convert_element_type3A_829 = arith.extui %and3A_828 : i1 to i32
    %cond3A_830 = arith.constant 0 : i32
    %cond3A_831 = arith.cmpi ne, %convert_element_type3A_829, %cond3A_830 : i32
    scf.if %cond3A_831 {
      %add3A_902 = arith.constant 928 : i32
      %add3A_903 = arith.addi %mul3A_2, %add3A_902 : i32
      %dma_wait3A = arith.constant 3 : i32
      %dma_wait3A_904 = arith.constant 3 : i32
      %dma_wait3A_905 = arith.constant 0 : i32
      %dma_wait3A_906 = arith.constant 0 : i32
      %dma_wait3A_907 = tpu.memref_slice %arg11[%dma_wait3A, %dma_wait3A_905, %dma_wait3A_906] : memref<5x16x1024xf32, #tpu.memory_space<vmem>> -> memref<1x16x1024xf32, #tpu.memory_space<vmem>>
      %dma_wait3A_908 = tpu.memref_squeeze %dma_wait3A_907 : memref<1x16x1024xf32, #tpu.memory_space<vmem>> -> memref<16x1024xf32, #tpu.memory_space<vmem>>
      %dma_wait3A_909 = arith.constant 0 : i32
      %dma_wait3A_910 = tpu.memref_slice %arg4[%add3A_903, %dma_wait3A_909] : memref<32768x1024xf32, #tpu.memory_space<hbm>> -> memref<16x1024xf32, #tpu.memory_space<hbm>>
      %dma_wait3A_911 = tpu.memref_slice %arg14[%dma_wait3A_904] : memref<5x!tpu.dma_semaphore, #tpu.memory_space<semaphore_mem>> -> memref<1x!tpu.dma_semaphore, #tpu.memory_space<semaphore_mem>>
      %dma_wait3A_912 = tpu.memref_squeeze %dma_wait3A_911 : memref<1x!tpu.dma_semaphore, #tpu.memory_space<semaphore_mem>> -> memref<!tpu.dma_semaphore, #tpu.memory_space<semaphore_mem>>
      %dma_wait3A_913 = arith.constant 0 : i32
      %dma_wait3A_914 = tpu.memref_slice %arg4[%add3A_903, %dma_wait3A_913] : memref<32768x1024xf32, #tpu.memory_space<hbm>> -> memref<16x1024xf32, #tpu.memory_space<hbm>>
      %dma_wait3A_915 = arith.constant 0 : i32
      %dma_wait3A_916 = arith.constant 0 : i32
      %dma_wait3A_917 = tpu.memref_slice %arg11[%dma_wait3A, %dma_wait3A_915, %dma_wait3A_916] : memref<5x16x1024xf32, #tpu.memory_space<vmem>> -> memref<1x16x1024xf32, #tpu.memory_space<vmem>>
      %dma_wait3A_918 = tpu.memref_squeeze %dma_wait3A_917 : memref<1x16x1024xf32, #tpu.memory_space<vmem>> -> memref<16x1024xf32, #tpu.memory_space<vmem>>
      tpu.wait_dma2 semaphore(%dma_wait3A_912 : memref<!tpu.dma_semaphore, #tpu.memory_space<semaphore_mem>>) src(%dma_wait3A_918 : memref<16x1024xf32, #tpu.memory_space<vmem>>) dst(%dma_wait3A_914 : memref<16x1024xf32, #tpu.memory_space<hbm>>)
    } else {
    }
    %le3A_832 = arith.constant 58 : i32
    %le3A_833 = arith.cmpi sle, %select_n3A, %le3A_832 : i32
    %convert_element_type3A_834 = arith.extui %le3A_833 : i1 to i32
    %cond3A_835 = arith.constant 0 : i32
    %cond3A_836 = arith.cmpi ne, %convert_element_type3A_834, %cond3A_835 : i32
    scf.if %cond3A_836 {
      %add3A_902 = arith.constant 928 : i32
      %add3A_903 = arith.addi %mul3A_2, %add3A_902 : i32
      %dma_wait3A = arith.constant 0 : i32
      %dma_wait3A_904 = tpu.memref_slice %arg4[%add3A_903, %dma_wait3A] : memref<32768x1024xf32, #tpu.memory_space<hbm>> -> memref<16x1024xf32, #tpu.memory_space<hbm>>
      %dma_wait3A_905 = arith.constant 0 : i32
      %dma_wait3A_906 = tpu.memref_slice %arg4[%add3A_903, %dma_wait3A_905] : memref<32768x1024xf32, #tpu.memory_space<hbm>> -> memref<16x1024xf32, #tpu.memory_space<hbm>>
      tpu.wait_dma2 semaphore(%arg15 : memref<!tpu.dma_semaphore, #tpu.memory_space<semaphore_mem>>) src(%arg12 : memref<16x1024xf32, #tpu.memory_space<vmem>>) dst(%dma_wait3A_906 : memref<16x1024xf32, #tpu.memory_space<hbm>>)
    } else {
    }
    %gt3A_837 = arith.constant 59 : i32
    %gt3A_838 = arith.cmpi sgt, %select_n3A, %gt3A_837 : i32
    %le3A_839 = arith.constant 64 : i32
    %le3A_840 = arith.cmpi sle, %select_n3A, %le3A_839 : i32
    %and3A_841 = arith.andi %gt3A_838, %le3A_840 : i1
    %convert_element_type3A_842 = arith.extui %and3A_841 : i1 to i32
    %cond3A_843 = arith.constant 0 : i32
    %cond3A_844 = arith.cmpi ne, %convert_element_type3A_842, %cond3A_843 : i32
    scf.if %cond3A_844 {
      %add3A_902 = arith.constant 944 : i32
      %add3A_903 = arith.addi %mul3A_2, %add3A_902 : i32
      %dma_wait3A = arith.constant 4 : i32
      %dma_wait3A_904 = arith.constant 4 : i32
      %dma_wait3A_905 = arith.constant 0 : i32
      %dma_wait3A_906 = arith.constant 0 : i32
      %dma_wait3A_907 = tpu.memref_slice %arg11[%dma_wait3A, %dma_wait3A_905, %dma_wait3A_906] : memref<5x16x1024xf32, #tpu.memory_space<vmem>> -> memref<1x16x1024xf32, #tpu.memory_space<vmem>>
      %dma_wait3A_908 = tpu.memref_squeeze %dma_wait3A_907 : memref<1x16x1024xf32, #tpu.memory_space<vmem>> -> memref<16x1024xf32, #tpu.memory_space<vmem>>
      %dma_wait3A_909 = arith.constant 0 : i32
      %dma_wait3A_910 = tpu.memref_slice %arg4[%add3A_903, %dma_wait3A_909] : memref<32768x1024xf32, #tpu.memory_space<hbm>> -> memref<16x1024xf32, #tpu.memory_space<hbm>>
      %dma_wait3A_911 = tpu.memref_slice %arg14[%dma_wait3A_904] : memref<5x!tpu.dma_semaphore, #tpu.memory_space<semaphore_mem>> -> memref<1x!tpu.dma_semaphore, #tpu.memory_space<semaphore_mem>>
      %dma_wait3A_912 = tpu.memref_squeeze %dma_wait3A_911 : memref<1x!tpu.dma_semaphore, #tpu.memory_space<semaphore_mem>> -> memref<!tpu.dma_semaphore, #tpu.memory_space<semaphore_mem>>
      %dma_wait3A_913 = arith.constant 0 : i32
      %dma_wait3A_914 = tpu.memref_slice %arg4[%add3A_903, %dma_wait3A_913] : memref<32768x1024xf32, #tpu.memory_space<hbm>> -> memref<16x1024xf32, #tpu.memory_space<hbm>>
      %dma_wait3A_915 = arith.constant 0 : i32
      %dma_wait3A_916 = arith.constant 0 : i32
      %dma_wait3A_917 = tpu.memref_slice %arg11[%dma_wait3A, %dma_wait3A_915, %dma_wait3A_916] : memref<5x16x1024xf32, #tpu.memory_space<vmem>> -> memref<1x16x1024xf32, #tpu.memory_space<vmem>>
      %dma_wait3A_918 = tpu.memref_squeeze %dma_wait3A_917 : memref<1x16x1024xf32, #tpu.memory_space<vmem>> -> memref<16x1024xf32, #tpu.memory_space<vmem>>
      tpu.wait_dma2 semaphore(%dma_wait3A_912 : memref<!tpu.dma_semaphore, #tpu.memory_space<semaphore_mem>>) src(%dma_wait3A_918 : memref<16x1024xf32, #tpu.memory_space<vmem>>) dst(%dma_wait3A_914 : memref<16x1024xf32, #tpu.memory_space<hbm>>)
    } else {
    }
    %le3A_845 = arith.constant 59 : i32
    %le3A_846 = arith.cmpi sle, %select_n3A, %le3A_845 : i32
    %convert_element_type3A_847 = arith.extui %le3A_846 : i1 to i32
    %cond3A_848 = arith.constant 0 : i32
    %cond3A_849 = arith.cmpi ne, %convert_element_type3A_847, %cond3A_848 : i32
    scf.if %cond3A_849 {
      %add3A_902 = arith.constant 944 : i32
      %add3A_903 = arith.addi %mul3A_2, %add3A_902 : i32
      %dma_wait3A = arith.constant 0 : i32
      %dma_wait3A_904 = tpu.memref_slice %arg4[%add3A_903, %dma_wait3A] : memref<32768x1024xf32, #tpu.memory_space<hbm>> -> memref<16x1024xf32, #tpu.memory_space<hbm>>
      %dma_wait3A_905 = arith.constant 0 : i32
      %dma_wait3A_906 = tpu.memref_slice %arg4[%add3A_903, %dma_wait3A_905] : memref<32768x1024xf32, #tpu.memory_space<hbm>> -> memref<16x1024xf32, #tpu.memory_space<hbm>>
      tpu.wait_dma2 semaphore(%arg15 : memref<!tpu.dma_semaphore, #tpu.memory_space<semaphore_mem>>) src(%arg12 : memref<16x1024xf32, #tpu.memory_space<vmem>>) dst(%dma_wait3A_906 : memref<16x1024xf32, #tpu.memory_space<hbm>>)
    } else {
    }
    %gt3A_850 = arith.constant 60 : i32
    %gt3A_851 = arith.cmpi sgt, %select_n3A, %gt3A_850 : i32
    %le3A_852 = arith.constant 65 : i32
    %le3A_853 = arith.cmpi sle, %select_n3A, %le3A_852 : i32
    %and3A_854 = arith.andi %gt3A_851, %le3A_853 : i1
    %convert_element_type3A_855 = arith.extui %and3A_854 : i1 to i32
    %cond3A_856 = arith.constant 0 : i32
    %cond3A_857 = arith.cmpi ne, %convert_element_type3A_855, %cond3A_856 : i32
    scf.if %cond3A_857 {
      %add3A_902 = arith.constant 960 : i32
      %add3A_903 = arith.addi %mul3A_2, %add3A_902 : i32
      %dma_wait3A = arith.constant 0 : i32
      %dma_wait3A_904 = arith.constant 0 : i32
      %dma_wait3A_905 = arith.constant 0 : i32
      %dma_wait3A_906 = arith.constant 0 : i32
      %dma_wait3A_907 = tpu.memref_slice %arg11[%dma_wait3A, %dma_wait3A_905, %dma_wait3A_906] : memref<5x16x1024xf32, #tpu.memory_space<vmem>> -> memref<1x16x1024xf32, #tpu.memory_space<vmem>>
      %dma_wait3A_908 = tpu.memref_squeeze %dma_wait3A_907 : memref<1x16x1024xf32, #tpu.memory_space<vmem>> -> memref<16x1024xf32, #tpu.memory_space<vmem>>
      %dma_wait3A_909 = arith.constant 0 : i32
      %dma_wait3A_910 = tpu.memref_slice %arg4[%add3A_903, %dma_wait3A_909] : memref<32768x1024xf32, #tpu.memory_space<hbm>> -> memref<16x1024xf32, #tpu.memory_space<hbm>>
      %dma_wait3A_911 = tpu.memref_slice %arg14[%dma_wait3A_904] : memref<5x!tpu.dma_semaphore, #tpu.memory_space<semaphore_mem>> -> memref<1x!tpu.dma_semaphore, #tpu.memory_space<semaphore_mem>>
      %dma_wait3A_912 = tpu.memref_squeeze %dma_wait3A_911 : memref<1x!tpu.dma_semaphore, #tpu.memory_space<semaphore_mem>> -> memref<!tpu.dma_semaphore, #tpu.memory_space<semaphore_mem>>
      %dma_wait3A_913 = arith.constant 0 : i32
      %dma_wait3A_914 = tpu.memref_slice %arg4[%add3A_903, %dma_wait3A_913] : memref<32768x1024xf32, #tpu.memory_space<hbm>> -> memref<16x1024xf32, #tpu.memory_space<hbm>>
      %dma_wait3A_915 = arith.constant 0 : i32
      %dma_wait3A_916 = arith.constant 0 : i32
      %dma_wait3A_917 = tpu.memref_slice %arg11[%dma_wait3A, %dma_wait3A_915, %dma_wait3A_916] : memref<5x16x1024xf32, #tpu.memory_space<vmem>> -> memref<1x16x1024xf32, #tpu.memory_space<vmem>>
      %dma_wait3A_918 = tpu.memref_squeeze %dma_wait3A_917 : memref<1x16x1024xf32, #tpu.memory_space<vmem>> -> memref<16x1024xf32, #tpu.memory_space<vmem>>
      tpu.wait_dma2 semaphore(%dma_wait3A_912 : memref<!tpu.dma_semaphore, #tpu.memory_space<semaphore_mem>>) src(%dma_wait3A_918 : memref<16x1024xf32, #tpu.memory_space<vmem>>) dst(%dma_wait3A_914 : memref<16x1024xf32, #tpu.memory_space<hbm>>)
    } else {
    }
    %le3A_858 = arith.constant 60 : i32
    %le3A_859 = arith.cmpi sle, %select_n3A, %le3A_858 : i32
    %convert_element_type3A_860 = arith.extui %le3A_859 : i1 to i32
    %cond3A_861 = arith.constant 0 : i32
    %cond3A_862 = arith.cmpi ne, %convert_element_type3A_860, %cond3A_861 : i32
    scf.if %cond3A_862 {
      %add3A_902 = arith.constant 960 : i32
      %add3A_903 = arith.addi %mul3A_2, %add3A_902 : i32
      %dma_wait3A = arith.constant 0 : i32
      %dma_wait3A_904 = tpu.memref_slice %arg4[%add3A_903, %dma_wait3A] : memref<32768x1024xf32, #tpu.memory_space<hbm>> -> memref<16x1024xf32, #tpu.memory_space<hbm>>
      %dma_wait3A_905 = arith.constant 0 : i32
      %dma_wait3A_906 = tpu.memref_slice %arg4[%add3A_903, %dma_wait3A_905] : memref<32768x1024xf32, #tpu.memory_space<hbm>> -> memref<16x1024xf32, #tpu.memory_space<hbm>>
      tpu.wait_dma2 semaphore(%arg15 : memref<!tpu.dma_semaphore, #tpu.memory_space<semaphore_mem>>) src(%arg12 : memref<16x1024xf32, #tpu.memory_space<vmem>>) dst(%dma_wait3A_906 : memref<16x1024xf32, #tpu.memory_space<hbm>>)
    } else {
    }
    %gt3A_863 = arith.constant 61 : i32
    %gt3A_864 = arith.cmpi sgt, %select_n3A, %gt3A_863 : i32
    %le3A_865 = arith.constant 66 : i32
    %le3A_866 = arith.cmpi sle, %select_n3A, %le3A_865 : i32
    %and3A_867 = arith.andi %gt3A_864, %le3A_866 : i1
    %convert_element_type3A_868 = arith.extui %and3A_867 : i1 to i32
    %cond3A_869 = arith.constant 0 : i32
    %cond3A_870 = arith.cmpi ne, %convert_element_type3A_868, %cond3A_869 : i32
    scf.if %cond3A_870 {
      %add3A_902 = arith.constant 976 : i32
      %add3A_903 = arith.addi %mul3A_2, %add3A_902 : i32
      %dma_wait3A = arith.constant 1 : i32
      %dma_wait3A_904 = arith.constant 1 : i32
      %dma_wait3A_905 = arith.constant 0 : i32
      %dma_wait3A_906 = arith.constant 0 : i32
      %dma_wait3A_907 = tpu.memref_slice %arg11[%dma_wait3A, %dma_wait3A_905, %dma_wait3A_906] : memref<5x16x1024xf32, #tpu.memory_space<vmem>> -> memref<1x16x1024xf32, #tpu.memory_space<vmem>>
      %dma_wait3A_908 = tpu.memref_squeeze %dma_wait3A_907 : memref<1x16x1024xf32, #tpu.memory_space<vmem>> -> memref<16x1024xf32, #tpu.memory_space<vmem>>
      %dma_wait3A_909 = arith.constant 0 : i32
      %dma_wait3A_910 = tpu.memref_slice %arg4[%add3A_903, %dma_wait3A_909] : memref<32768x1024xf32, #tpu.memory_space<hbm>> -> memref<16x1024xf32, #tpu.memory_space<hbm>>
      %dma_wait3A_911 = tpu.memref_slice %arg14[%dma_wait3A_904] : memref<5x!tpu.dma_semaphore, #tpu.memory_space<semaphore_mem>> -> memref<1x!tpu.dma_semaphore, #tpu.memory_space<semaphore_mem>>
      %dma_wait3A_912 = tpu.memref_squeeze %dma_wait3A_911 : memref<1x!tpu.dma_semaphore, #tpu.memory_space<semaphore_mem>> -> memref<!tpu.dma_semaphore, #tpu.memory_space<semaphore_mem>>
      %dma_wait3A_913 = arith.constant 0 : i32
      %dma_wait3A_914 = tpu.memref_slice %arg4[%add3A_903, %dma_wait3A_913] : memref<32768x1024xf32, #tpu.memory_space<hbm>> -> memref<16x1024xf32, #tpu.memory_space<hbm>>
      %dma_wait3A_915 = arith.constant 0 : i32
      %dma_wait3A_916 = arith.constant 0 : i32
      %dma_wait3A_917 = tpu.memref_slice %arg11[%dma_wait3A, %dma_wait3A_915, %dma_wait3A_916] : memref<5x16x1024xf32, #tpu.memory_space<vmem>> -> memref<1x16x1024xf32, #tpu.memory_space<vmem>>
      %dma_wait3A_918 = tpu.memref_squeeze %dma_wait3A_917 : memref<1x16x1024xf32, #tpu.memory_space<vmem>> -> memref<16x1024xf32, #tpu.memory_space<vmem>>
      tpu.wait_dma2 semaphore(%dma_wait3A_912 : memref<!tpu.dma_semaphore, #tpu.memory_space<semaphore_mem>>) src(%dma_wait3A_918 : memref<16x1024xf32, #tpu.memory_space<vmem>>) dst(%dma_wait3A_914 : memref<16x1024xf32, #tpu.memory_space<hbm>>)
    } else {
    }
    %le3A_871 = arith.constant 61 : i32
    %le3A_872 = arith.cmpi sle, %select_n3A, %le3A_871 : i32
    %convert_element_type3A_873 = arith.extui %le3A_872 : i1 to i32
    %cond3A_874 = arith.constant 0 : i32
    %cond3A_875 = arith.cmpi ne, %convert_element_type3A_873, %cond3A_874 : i32
    scf.if %cond3A_875 {
      %add3A_902 = arith.constant 976 : i32
      %add3A_903 = arith.addi %mul3A_2, %add3A_902 : i32
      %dma_wait3A = arith.constant 0 : i32
      %dma_wait3A_904 = tpu.memref_slice %arg4[%add3A_903, %dma_wait3A] : memref<32768x1024xf32, #tpu.memory_space<hbm>> -> memref<16x1024xf32, #tpu.memory_space<hbm>>
      %dma_wait3A_905 = arith.constant 0 : i32
      %dma_wait3A_906 = tpu.memref_slice %arg4[%add3A_903, %dma_wait3A_905] : memref<32768x1024xf32, #tpu.memory_space<hbm>> -> memref<16x1024xf32, #tpu.memory_space<hbm>>
      tpu.wait_dma2 semaphore(%arg15 : memref<!tpu.dma_semaphore, #tpu.memory_space<semaphore_mem>>) src(%arg12 : memref<16x1024xf32, #tpu.memory_space<vmem>>) dst(%dma_wait3A_906 : memref<16x1024xf32, #tpu.memory_space<hbm>>)
    } else {
    }
    %gt3A_876 = arith.constant 62 : i32
    %gt3A_877 = arith.cmpi sgt, %select_n3A, %gt3A_876 : i32
    %le3A_878 = arith.constant 67 : i32
    %le3A_879 = arith.cmpi sle, %select_n3A, %le3A_878 : i32
    %and3A_880 = arith.andi %gt3A_877, %le3A_879 : i1
    %convert_element_type3A_881 = arith.extui %and3A_880 : i1 to i32
    %cond3A_882 = arith.constant 0 : i32
    %cond3A_883 = arith.cmpi ne, %convert_element_type3A_881, %cond3A_882 : i32
    scf.if %cond3A_883 {
      %add3A_902 = arith.constant 992 : i32
      %add3A_903 = arith.addi %mul3A_2, %add3A_902 : i32
      %dma_wait3A = arith.constant 2 : i32
      %dma_wait3A_904 = arith.constant 2 : i32
      %dma_wait3A_905 = arith.constant 0 : i32
      %dma_wait3A_906 = arith.constant 0 : i32
      %dma_wait3A_907 = tpu.memref_slice %arg11[%dma_wait3A, %dma_wait3A_905, %dma_wait3A_906] : memref<5x16x1024xf32, #tpu.memory_space<vmem>> -> memref<1x16x1024xf32, #tpu.memory_space<vmem>>
      %dma_wait3A_908 = tpu.memref_squeeze %dma_wait3A_907 : memref<1x16x1024xf32, #tpu.memory_space<vmem>> -> memref<16x1024xf32, #tpu.memory_space<vmem>>
      %dma_wait3A_909 = arith.constant 0 : i32
      %dma_wait3A_910 = tpu.memref_slice %arg4[%add3A_903, %dma_wait3A_909] : memref<32768x1024xf32, #tpu.memory_space<hbm>> -> memref<16x1024xf32, #tpu.memory_space<hbm>>
      %dma_wait3A_911 = tpu.memref_slice %arg14[%dma_wait3A_904] : memref<5x!tpu.dma_semaphore, #tpu.memory_space<semaphore_mem>> -> memref<1x!tpu.dma_semaphore, #tpu.memory_space<semaphore_mem>>
      %dma_wait3A_912 = tpu.memref_squeeze %dma_wait3A_911 : memref<1x!tpu.dma_semaphore, #tpu.memory_space<semaphore_mem>> -> memref<!tpu.dma_semaphore, #tpu.memory_space<semaphore_mem>>
      %dma_wait3A_913 = arith.constant 0 : i32
      %dma_wait3A_914 = tpu.memref_slice %arg4[%add3A_903, %dma_wait3A_913] : memref<32768x1024xf32, #tpu.memory_space<hbm>> -> memref<16x1024xf32, #tpu.memory_space<hbm>>
      %dma_wait3A_915 = arith.constant 0 : i32
      %dma_wait3A_916 = arith.constant 0 : i32
      %dma_wait3A_917 = tpu.memref_slice %arg11[%dma_wait3A, %dma_wait3A_915, %dma_wait3A_916] : memref<5x16x1024xf32, #tpu.memory_space<vmem>> -> memref<1x16x1024xf32, #tpu.memory_space<vmem>>
      %dma_wait3A_918 = tpu.memref_squeeze %dma_wait3A_917 : memref<1x16x1024xf32, #tpu.memory_space<vmem>> -> memref<16x1024xf32, #tpu.memory_space<vmem>>
      tpu.wait_dma2 semaphore(%dma_wait3A_912 : memref<!tpu.dma_semaphore, #tpu.memory_space<semaphore_mem>>) src(%dma_wait3A_918 : memref<16x1024xf32, #tpu.memory_space<vmem>>) dst(%dma_wait3A_914 : memref<16x1024xf32, #tpu.memory_space<hbm>>)
    } else {
    }
    %le3A_884 = arith.constant 62 : i32
    %le3A_885 = arith.cmpi sle, %select_n3A, %le3A_884 : i32
    %convert_element_type3A_886 = arith.extui %le3A_885 : i1 to i32
    %cond3A_887 = arith.constant 0 : i32
    %cond3A_888 = arith.cmpi ne, %convert_element_type3A_886, %cond3A_887 : i32
    scf.if %cond3A_888 {
      %add3A_902 = arith.constant 992 : i32
      %add3A_903 = arith.addi %mul3A_2, %add3A_902 : i32
      %dma_wait3A = arith.constant 0 : i32
      %dma_wait3A_904 = tpu.memref_slice %arg4[%add3A_903, %dma_wait3A] : memref<32768x1024xf32, #tpu.memory_space<hbm>> -> memref<16x1024xf32, #tpu.memory_space<hbm>>
      %dma_wait3A_905 = arith.constant 0 : i32
      %dma_wait3A_906 = tpu.memref_slice %arg4[%add3A_903, %dma_wait3A_905] : memref<32768x1024xf32, #tpu.memory_space<hbm>> -> memref<16x1024xf32, #tpu.memory_space<hbm>>
      tpu.wait_dma2 semaphore(%arg15 : memref<!tpu.dma_semaphore, #tpu.memory_space<semaphore_mem>>) src(%arg12 : memref<16x1024xf32, #tpu.memory_space<vmem>>) dst(%dma_wait3A_906 : memref<16x1024xf32, #tpu.memory_space<hbm>>)
    } else {
    }
    %gt3A_889 = arith.constant 63 : i32
    %gt3A_890 = arith.cmpi sgt, %select_n3A, %gt3A_889 : i32
    %le3A_891 = arith.constant 68 : i32
    %le3A_892 = arith.cmpi sle, %select_n3A, %le3A_891 : i32
    %and3A_893 = arith.andi %gt3A_890, %le3A_892 : i1
    %convert_element_type3A_894 = arith.extui %and3A_893 : i1 to i32
    %cond3A_895 = arith.constant 0 : i32
    %cond3A_896 = arith.cmpi ne, %convert_element_type3A_894, %cond3A_895 : i32
    scf.if %cond3A_896 {
      %add3A_902 = arith.constant 1008 : i32
      %add3A_903 = arith.addi %mul3A_2, %add3A_902 : i32
      %dma_wait3A = arith.constant 3 : i32
      %dma_wait3A_904 = arith.constant 3 : i32
      %dma_wait3A_905 = arith.constant 0 : i32
      %dma_wait3A_906 = arith.constant 0 : i32
      %dma_wait3A_907 = tpu.memref_slice %arg11[%dma_wait3A, %dma_wait3A_905, %dma_wait3A_906] : memref<5x16x1024xf32, #tpu.memory_space<vmem>> -> memref<1x16x1024xf32, #tpu.memory_space<vmem>>
      %dma_wait3A_908 = tpu.memref_squeeze %dma_wait3A_907 : memref<1x16x1024xf32, #tpu.memory_space<vmem>> -> memref<16x1024xf32, #tpu.memory_space<vmem>>
      %dma_wait3A_909 = arith.constant 0 : i32
      %dma_wait3A_910 = tpu.memref_slice %arg4[%add3A_903, %dma_wait3A_909] : memref<32768x1024xf32, #tpu.memory_space<hbm>> -> memref<16x1024xf32, #tpu.memory_space<hbm>>
      %dma_wait3A_911 = tpu.memref_slice %arg14[%dma_wait3A_904] : memref<5x!tpu.dma_semaphore, #tpu.memory_space<semaphore_mem>> -> memref<1x!tpu.dma_semaphore, #tpu.memory_space<semaphore_mem>>
      %dma_wait3A_912 = tpu.memref_squeeze %dma_wait3A_911 : memref<1x!tpu.dma_semaphore, #tpu.memory_space<semaphore_mem>> -> memref<!tpu.dma_semaphore, #tpu.memory_space<semaphore_mem>>
      %dma_wait3A_913 = arith.constant 0 : i32
      %dma_wait3A_914 = tpu.memref_slice %arg4[%add3A_903, %dma_wait3A_913] : memref<32768x1024xf32, #tpu.memory_space<hbm>> -> memref<16x1024xf32, #tpu.memory_space<hbm>>
      %dma_wait3A_915 = arith.constant 0 : i32
      %dma_wait3A_916 = arith.constant 0 : i32
      %dma_wait3A_917 = tpu.memref_slice %arg11[%dma_wait3A, %dma_wait3A_915, %dma_wait3A_916] : memref<5x16x1024xf32, #tpu.memory_space<vmem>> -> memref<1x16x1024xf32, #tpu.memory_space<vmem>>
      %dma_wait3A_918 = tpu.memref_squeeze %dma_wait3A_917 : memref<1x16x1024xf32, #tpu.memory_space<vmem>> -> memref<16x1024xf32, #tpu.memory_space<vmem>>
      tpu.wait_dma2 semaphore(%dma_wait3A_912 : memref<!tpu.dma_semaphore, #tpu.memory_space<semaphore_mem>>) src(%dma_wait3A_918 : memref<16x1024xf32, #tpu.memory_space<vmem>>) dst(%dma_wait3A_914 : memref<16x1024xf32, #tpu.memory_space<hbm>>)
    } else {
    }
    %le3A_897 = arith.constant 63 : i32
    %le3A_898 = arith.cmpi sle, %select_n3A, %le3A_897 : i32
    %convert_element_type3A_899 = arith.extui %le3A_898 : i1 to i32
    %cond3A_900 = arith.constant 0 : i32
    %cond3A_901 = arith.cmpi ne, %convert_element_type3A_899, %cond3A_900 : i32
    scf.if %cond3A_901 {
      %add3A_902 = arith.constant 1008 : i32
      %add3A_903 = arith.addi %mul3A_2, %add3A_902 : i32
      %dma_wait3A = arith.constant 0 : i32
      %dma_wait3A_904 = tpu.memref_slice %arg4[%add3A_903, %dma_wait3A] : memref<32768x1024xf32, #tpu.memory_space<hbm>> -> memref<16x1024xf32, #tpu.memory_space<hbm>>
      %dma_wait3A_905 = arith.constant 0 : i32
      %dma_wait3A_906 = tpu.memref_slice %arg4[%add3A_903, %dma_wait3A_905] : memref<32768x1024xf32, #tpu.memory_space<hbm>> -> memref<16x1024xf32, #tpu.memory_space<hbm>>
      tpu.wait_dma2 semaphore(%arg15 : memref<!tpu.dma_semaphore, #tpu.memory_space<semaphore_mem>>) src(%arg12 : memref<16x1024xf32, #tpu.memory_space<vmem>>) dst(%dma_wait3A_906 : memref<16x1024xf32, #tpu.memory_space<hbm>>)
    } else {
    }
    return
  }
}

</mosaic_0001>

<sc_bundles>
// kernel: kernel.3.cloned.1.call-start
scs
__scs_entry_jumppad:
0x0: {  	(pc) =	sbr.rel $0x88, $3  }
0x1: {  	(tag) =	ssettag $0x0;
	lr =	simm.s32 $0x1  }
0x2: {  	[smem:$0x3F9F] =	sst lr;
	_ =	strace $0xD0000000  }
0x3: {  	_ = 	snop  }
0x4: {  	_ = 	snop  }
0x5: {  	_ = 	snop  }
0x6: {  	_ = 	snop  }
0x7: {  	_ = 	snop  }
__scs_overlays_trampoline_lowered:
0x8: {  	[smem:$0x3FAE] =	sst s0  }
0x9: {  	[smem:$0x3FAF] =	sst s1  }
0xa: {  	[smem:$0x3FB0] =	sst s2  }
0xb: {  	[smem:$0x3FB1] =	sst s3  }
0xc: {  	[smem:$0x3FB2] =	sst s4  }
0xd: {  	[smem:$0x3FB3] =	sst s5  }
0xe: {  	[smem:$0x3FB4] =	sst s6  }
0xf: {  	[smem:$0x3FB5] =	sst s7  }
0x10: {  	[smem:$0x3FB6] =	sst s8  }
0x11: {  	[smem:$0x3FB7] =	sst s9;
	s0 =	simm.s32 @!p0 $0x0  }
0x12: {  	s1 =	sld [smem:$0x3F9D];
	s0 =	simm.s32 @p0 $0x1  }
0x13: {  	[smem:$0x3FB8] =	sst s0;
	s0 =	simm.s32 @!p1 $0x0  }
0x14: {  	s2 =	sld [smem:$0x3F9C];
	s0 =	simm.s32 @p1 $0x1  }
0x15: {  	[smem:$0x3FB9] =	sst s0;
	s0 =	simm.s32 @!p2 $0x0  }
0x16: {  	s3 =	sld [smem:$0x3FDB];
	s0 =	simm.s32 @p2 $0x1  }
0x17: {  	s4 =	simm.s32 $0x1BF5;
	[smem:$0x3FBB] =	sst s0  }
0x18: {  	s0 =	sld [smem:$0x3F9E];
	_ =	swait.ge [sflag:s4], $0x0  }
0x19: {  	s7 =	sld [smem:$0x3F9F]  }
0x1a: {  	s8 =	sadd.s32 $0xFFFFE003, lr  }
0x1b: {  	s9 =	sadd.s32 $0xFFFFFEF7, lr;
	s5 =	simm.s32 $0xFFFFFFFF;
	p2 =	slt.u32 s8, $0xFFFFF086  }
0x1c: {  	p1 =	slt.u32 s9, $0xF7A;
	s5 =	simm.s32 @!p2 $0x0  }
0x1d: {  	s5 =	simm.s32 @p1 $0x1;
	p0 =	seq.s32 s7, s2  }
0x1e: {  	s7 =	smul.u32 @!p0 $0xF7A, s2;
	p2 =	seq.s32 @!p0 s5, $0x0  }
0x1f: {  	s9 =	smul.u32 $0xF7A, s1;
	s8 =	simm.s32 @!p0 $0x1BF5;
	p2 =	por !p2, p0  }
0x20: {  	[sflag:s8] =	ssyncset.s32 @!p0 $0xFFFFF086;
	s6 =	sadd.s32 @!p0 s3, s7;
	s7 =	simm.s32 @!p0 $0x108  }
0x21: {  	s3 =	sadd.s32 s3, s9;
	s6 =	sadd.s32 @!p0 $0x88, s6;
	s7 =	simm.s32 @p2 $0x1082  }
0x22: {  	[simem:s7], [sflag:s8] =	dma.local @!p0 [hbm:s6], $0xF7A  }
0x23: {  	s9 =	sor.u32 $0xD0000000, s2;
	s6 =	simm.s32 $0x108;
	_ =	swait.ge @!p0 [sflag:s8], $0x0  }
0x24: {  	s3 =	sadd.s32 $0x88, s3;
	s6 =	simm.s32 @!p1 $0x1082;
	[sflag:s4] =	ssyncset.s32 $0xFFFFF086  }
0x25: {  	[simem:s6], [sflag:s4] =	dma.local [hbm:s3], $0xF7A  }
0x26: {  	[smem:$0x3F9F] =	sst s1;
	(tag) =	ssettag s2;
	_ =	strace s9  }
0x27: {  	s1 =	sld [smem:$0x3FAF]  }
0x28: {  	s2 =	sld [smem:$0x3FB0]  }
0x29: {  	s4 =	sld [smem:$0x3FB2]  }
0x2a: {  	p0 =	seq.s32 s5, $0x0;
	s5 =	sld [smem:$0x3FB3]  }
0x2b: {  	s6 =	sld [smem:$0x3FB4]  }
0x2c: {  	s7 =	sld [smem:$0x3FB5]  }
0x2d: {  	s3 =	simm.s32 $0x108;
	s8 =	sld [smem:$0x3FB6]  }
0x2e: {  	s3 =	simm.s32 @!p0 $0x1082;
	s9 =	sld [smem:$0x3FB7]  }
0x2f: {  	lr =	sadd.s32 s0, s3;
	s0 =	sld [smem:$0x3FAE]  }
0x30: {  	s3 =	sld [smem:$0x3FB1]  }
0x31: {  	[smem:$0x3FBA] =	sst s10  }
0x32: {  	s10 =	sld [smem:$0x3FB8];
	_ =	sdelay $0x3  }
0x33: {  	p0 =	seq.s32 s10, $0x1;
	s10 =	sld [smem:$0x3FBA];
	_ =	sdelay $0x3  }
0x34: {  	[smem:$0x3FBA] =	sst s10  }
0x35: {  	s10 =	sld [smem:$0x3FB9];
	_ =	sdelay $0x3  }
0x36: {  	p1 =	seq.s32 s10, $0x1;
	s10 =	sld [smem:$0x3FBA];
	_ =	sdelay $0x3  }
0x37: {  	[smem:$0x3FBA] =	sst s10  }
0x38: {  	s10 =	sld [smem:$0x3FBB]  }
0x39: {  	_ = 	snop;
	(pc) =	sbr.ind lr, $3  }
0x3a: {  	_ = 	snop  }
0x3b: {  	_ = 	snop  }
0x3c: {  	p2 =	seq.s32 s10, $0x1;
	s10 =	sld [smem:$0x3FBA]  }
0x3d: {  	_ =	shalt  }
0x3e: {  	_ =	shalt  }
0x3f: {  	_ =	shalt  }
0x40: {  	_ =	shalt  }
0x41: {  	_ =	shalt  }
0x42: {  	_ =	shalt  }
0x43: {  	_ =	shalt  }
0x44: {  	_ =	shalt  }
0x45: {  	_ =	shalt  }
0x46: {  	_ =	shalt  }
0x47: {  	_ =	shalt  }
0x48: {  	_ =	shalt  }
0x49: {  	_ =	shalt  }
0x4a: {  	_ =	shalt  }
0x4b: {  	_ =	shalt  }
0x4c: {  	_ =	shalt  }
0x4d: {  	_ =	shalt  }
0x4e: {  	_ =	shalt  }
0x4f: {  	_ =	shalt  }
0x50: {  	_ =	shalt  }
0x51: {  	_ =	shalt  }
0x52: {  	_ =	shalt  }
0x53: {  	_ =	shalt  }
0x54: {  	_ =	shalt  }
0x55: {  	_ =	shalt  }
0x56: {  	_ =	shalt  }
0x57: {  	_ =	shalt  }
0x58: {  	_ =	shalt  }
0x59: {  	_ =	shalt  }
0x5a: {  	_ =	shalt  }
0x5b: {  	_ =	shalt  }
0x5c: {  	_ =	shalt  }
0x5d: {  	_ =	shalt  }
0x5e: {  	_ =	shalt  }
0x5f: {  	_ =	shalt  }
0x60: {  	_ =	shalt  }
0x61: {  	_ =	shalt  }
0x62: {  	_ =	shalt  }
0x63: {  	_ =	shalt  }
0x64: {  	_ =	shalt  }
0x65: {  	_ =	shalt  }
0x66: {  	_ =	shalt  }
0x67: {  	_ =	shalt  }
0x68: {  	_ =	shalt  }
0x69: {  	_ =	shalt  }
0x6a: {  	_ =	shalt  }
0x6b: {  	_ =	shalt  }
0x6c: {  	_ =	shalt  }
0x6d: {  	_ =	shalt  }
0x6e: {  	_ =	shalt  }
0x6f: {  	_ =	shalt  }
0x70: {  	_ =	shalt  }
0x71: {  	_ =	shalt  }
0x72: {  	_ =	shalt  }
0x73: {  	_ =	shalt  }
0x74: {  	_ =	shalt  }
0x75: {  	_ =	shalt  }
0x76: {  	_ =	shalt  }
0x77: {  	_ =	shalt  }
0x78: {  	_ =	shalt  }
0x79: {  	_ =	shalt  }
0x7a: {  	_ =	shalt  }
0x7b: {  	_ =	shalt  }
0x7c: {  	_ =	shalt  }
0x7d: {  	_ =	shalt  }
0x7e: {  	_ =	shalt  }
0x7f: {  	_ =	shalt  }
0x80: {  	_ =	shalt  }
0x81: {  	_ =	shalt  }
0x82: {  	_ =	shalt  }
0x83: {  	_ =	shalt  }
0x84: {  	_ =	shalt  }
0x85: {  	_ =	shalt  }
0x86: {  	_ =	shalt  }
0x87: {  	_ =	shalt  }
.Lfunc_end0:
.L_simem_size_0:
called_computation_lowered:
.L_overlay_start_0:
0x88: {  	s2 =	sld [smem:$0x3FD9]  }
0x89: {  	s3 =	sld [smem:$0x3FFE];
	_ =	sdelay $0x1  }
0x8a: {  	s1 =	srdreg.scid  }
0x8b: {  	s0 =	sand.u32 $0x1, s1  }
0x8c: {  	s18 =	sshll.u32 s0, $0xA;
	s2 =	sadd.s32 s3, s2  }
0x8d: {  	s2 =	sadd.s32 s2, s18  }
0x8e: {  	[smem:$0x3FC6] =	sst s2  }
0x8f: {  	_ = 	snop  }
0x90: {  	s2 =	sld [smem:$0x3FC9]  }
0x91: {  	s19 =	sld [smem:$0x3FC8]  }
0x92: {  	s4 =	sld [smem:$0x3FD0];
	(tm) =	ssettm $0x1  }
0x93: {  	s5 =	sld [smem:$0x3FFB];
	_ =	sdelay $0x3  }
0x94: {  	_ =	strace s5  }
0x95: {  	s5 =	sld [smem:$0x3FFC];
	_ =	sdelay $0x3  }
0x96: {  	_ =	strace s5  }
0x97: {  	s5 =	sld [smem:$0x3FFD];
	_ =	sdelay $0x3  }
0x98: {  	_ =	strace s5  }
0x99: {  	_ =	strace $0x8FFFFFFF  }
0x9a: {  	s20 =	sld [smem:$0x3FDB];
	_ =	sdelay $0x1  }
0x9b: {  	s6 =	simm.s32 $_scs_section_size  }
0x9c: {  	s7 =	simm.s32 $_size__tile_overlayer_lowered;
	s8 =	simm.s32 $_tile_overlayer_lowered  }
0x9d: {  	s23 =	simm.s32 $0x1BFF;
	s22 =	sshll.u32 s8, $0x1;
	s5 =	sadd.s32 s6, s20  }
0x9e: {  	s9 =	simm.s32 $0x0;
	s21 =	sshll.u32 s7, $0x1;
	s7 =	sadd.s32 s22, s5  }
0x9f: {  	[timem:s9], [sflag:s23] =	dma.local [hbm:s7], s21  }
0xa0: {  	_ =	swait.ge [sflag:s23], s21  }
0xa1: {  	s6 =	ssub.s32 $0x0, s21;
	[sflag:s23] =	ssyncset.done $0x0  }
0xa2: {  	[sflag:s23] =	ssyncadd.s32 s6;
	_ =	sdelay $0x1  }
0xa3: {  	s24 =	simm.s32 $0x1B8B  }
0xa4: {  	_ =	swait.ge [sflag:s24], $0x1  }
0xa5: {  	[sflag:s24] =	ssyncset.done $0x0  }
0xa6: {  	s25 =	simm.s32 $0x1B8E;
	[sflag:s24] =	ssyncadd.s32 $0xFFFFFFFF  }
0xa7: {  	s26 =	simm.s32 $execute0_lowered;
	[smem:$0x3FD2] =	sst s25  }
0xa8: {  	s6 =	sshll.u32 s26, $0x1;
	_ =	strace $0x80000046;
	[dreg:$0x1] =	wrdreg $0xFFFFFFFF  }
0xa9: {  	s28 =	simm.s32 $_size_execute0_lowered;
	s5 =	sadd.s32 s5, s6;
	[dreg:$0x0] =	wrdreg $0x0  }
0xaa: {  	s6 =	sshll.u32 s28, $0x1;
	[dreg:$0x2] =	wrdreg s5  }
0xab: {  	[dreg:$0x3] =	wrdreg s6  }
0xac: {  	[dreg:$0x4] =	wrdreg $0xC0  }
0xad: {  	_ =	task [dreg:s9], $0x5FFFF  }
0xae: {  	[dreg:$0x1] =	wrdreg $0xFFFFFFFF  }
0xaf: {  	[dreg:$0x0] =	wrdreg $0x60  }
0xb0: {  	[dreg:$0x2] =	wrdreg s2  }
0xb1: {  	[dreg:$0x3] =	wrdreg s19  }
0xb2: {  	[dreg:$0x4] =	wrdreg s4  }
0xb3: {  	[dreg:$0x5] =	wrdreg $0x0  }
0xb4: {  	[dreg:$0x6] =	wrdreg $0x9  }
0xb5: {  	_ =	task.clear_ibuf [dreg:s9], $0x7FFFF;
	_ =	strace $0x90000046  }
0xb6: {  	s29 =	simm.s32 $0x9;
	_ =	strace $0x80000048  }
0xb7: {  	_ =	swait.ge [sflag:s29], $0x1  }
0xb8: {  	[sflag:s29] =	ssyncadd.s32 $0xFFFFFFFF  }
0xb9: {  	_ =	strace $0x90000048  }
0xba: {  	_ =	sfence  }
0xbb: {  	s30 =	sld [smem:$0x0];
	_ =	sdelay $0x2  }
0xbc: {  	s31 =	sshll.u32 s1, $0xD;
	s1 =	sshrl.u32 s1, $0x2  }
0xbd: {  	s3 =	sand.u32 $0x4000, s31;
	s1 =	sadd.s32 s1, s30  }
0xbe: {  	s0 =	sor.u32 s3, s0;
	s1 =	sshll.u32 s1, $0x11  }
0xbf: {  	s0 =	sor.u32 s1, s0  }
0xc0: {  	s0 =	sadd.s32 $0x8F2B, s0  }
0xc1: {  	[sflag:s0] =	ssyncadd.remote.s32 $0x1  }
0xc2: {  	_ =	sfence.sel $0xFFFF  }
0xc3: {  	[dreg:$0x0] =	wrdreg $0xFFFFFFFF;
	(pc) =	sbr.abs _section_cstart, $3  }
0xc4: {  	[dreg:$0x1] =	wrdreg $0xFFFFFFFF  }
0xc5: {  	_ =	task.clear_ibuf [dreg:s9], $0x2FFFF;
	_ =	strace $0x9FFFFFFF  }
0xc6: {  	(tm) =	ssettm $0x7FFFFFFF  }
0xc7: {  	_ =	shalt  }
tec
execute0_lowered:
.L_overlay_start_1:
0x0: {  	(tag) =	ssettag $0x1  }
0x1: {  	s1 =	rddreg [dreg:$0x0]  }
0x2: {  	s0 =	rddreg [dreg:$0x1]  }
0x3: {  	s2 =	rddreg [dreg:$0x2]  }
0x4: {  	s9 =	rddreg [dreg:$0x3];
	s3 =	srdreg.scid  }
0x5: {  	s4 =	simm.s32 $0x0;
	s8 =	stileid.u32;
	s14 =	simm.s32 $0xC  }
0x6: {  	s16 =	simm.s32 $0xC00;
	s17 =	simm.s32 $0x2000;
	s18 =	simm.s32 $0x5000  }
0x7: {  	s31 =	simm.s32 $0x7;
	s28 =	simm.s32 $0xA;
	s29 =	simm.s32 $0xB  }
0x8: {  	s19 =	simm.s32 $0x19080;
	s20 =	simm.s32 $0x0;
	s3 =	sand.u32 $0x1, s3  }
0x9: {  	[smem:$0x7FF] =	sst s4;
	s7 =	sshll.u32 s8, $0xA;
	s8 =	sshll.u32 s8, $0x7  }
0xa: {  	s10 =	sadd.s32 $0x200, s1;
	s11 =	sadd.s32 $0x300, s1;
	s5 =	ssub.s32 $0x2, s3  }
.Ltmp0:
0xb: {  	_ =	strace $0x80000047;
	s3 =	sshll.u32 s3, $0xE;
	(pc) =	sbr.rel .LBB2_1-.Ltmp0, $4  }
0xc: {  	v0 =	vlaneseq.u32;
	vm0 =	vmmov $0xffff;
	s0 =	sadd.s32 s0, s8;
	s25 =	sadd.s32 s7, s9;
	s6 =	sshrl.u32 s5, $0x1  }
0xd: {  	v7 =	vimm.f32 $0.0e+00;
	v3 =	vmul.u32 $0x400, v0;
	v5 =	vshrl.u32 v0, $0x3;
	[dreg:$0x5] =	wrdreg s0;
	s5 =	ssub.s32 s5, s6;
	s6 =	sor.u32 s7, s3  }
0xe: {  	v4 =	vand.u32 $0x7, v0;
	v6 =	vor.u32 $0x8, v0;
	v5 =	vmul.u32 $0x8, v5;
	[dreg:$0x6] =	wrdreg s25;
	s26 =	sor.u32 $0x10, s6;
	s30 =	smax.u32 s5, $0x1  }
0xf: {  	s9 =	sadd.s32 $0x100, s1;
	v3 =	vor.u32 $0x3FF, v3;
	s0 =	simm.s32 $0x8;
	v2 =	vor.u32 s6, v0;
	[dreg:$0x7] =	wrdreg s30;
	v1 =	vor.u32 s26, v0  }
.LBB2_230:
0x10: {  	_ =	swait.ge [sflag:s29], $0x4000  }
0x11: {  	[sflag:s29] =	ssyncset.done $0x0  }
0x12: {  	[sflag:s29] =	ssyncadd.s32 $0xFFFFC000  }
0x13: {  	_ =	swait.ge [sflag:s29], $0x4000  }
0x14: {  	[sflag:s29] =	ssyncset.done $0x0  }
0x15: {  	[sflag:s29] =	ssyncadd.s32 $0xFFFFC000  }
0x16: {  	_ =	swait.ge [sflag:s29], $0x4000  }
0x17: {  	[sflag:s29] =	ssyncset.done $0x0  }
0x18: {  	[sflag:s29] =	ssyncadd.s32 $0xFFFFC000  }
.LBB2_249:
0x19: {  	s3 =	simm.s32 $0xB  }
.LBB2_250:
0x1a: {  	_ =	swait.ge [sflag:s3], $0x4000  }
0x1b: {  	[sflag:s3] =	ssyncset.done $0x0  }
0x1c: {  	[sflag:s3] =	ssyncadd.s32 $0xFFFFC000  }
.LBB2_251:
0x1d: {  	s20 =	sadd.s32 $0x1, s20;
	s3 =	rddreg [dreg:$0x7]  }
0x1e: {  	p0 =	sne.s32 s20, s3  }
.Ltmp1:
0x1f: {  	_ = 	snop;
	(pc) =	sbr.rel @!p0 .LBB2_252-.Ltmp1, $1  }
0x20: {  	_ =	sdelay $0x3  }
.LBB2_1:
0x21: {  	s3 =	rddreg [dreg:$0x5];
	s5 =	simm.s32 $0x400  }
0x22: {  	[tilespmem:s5], [sflag:$0xC] =	stream.linear.gather [hbm4b:s3+s4], $0x400, $0x38;
	[tilespmem:$0x1D080] =	vst v63  }
0x23: {  	_ =	swait.ge [sflag:s14], $0x400  }
0x24: {  	[sflag:s14] =	ssyncset.done $0x0  }
0x25: {  	s30 =	simm.s32 $0x0;
	[sflag:s14] =	ssyncadd.s32 $0xFFFFFC00  }
0x26: {  	v8 =	vld [tilespmem:s30+$0x400];
	_ =	sdelay $0x4  }
0x27: {  	(xrf0) =	vadd.scan.msk.s32 $0xffff, v8;
	_ =	sdelay $0x5  }
0x28: {  	v8, _, _ =	vpop (xrf0)  }
0x29: {  	v8 =	vadd.s32 s4, v8  }
0x2a: {  	(v2sf) =	vpush v8, $0xF;
	_ =	sdelay $0x2  }
0x2b: {  	s13 =	simm.s32 $0x80;
	s3 =	simm.s32 $0x10;
	[tilespmem:s30+$0x800] =	vst v8  }
.LBB2_2:
0x2c: {  	p0 =	sne.s32 s13, $0xFC0;
	v8 =	vld [tilespmem:s3+$0x400];
	_ =	sdelay $0x4  }
0x2d: {  	(xrf0) =	vadd.scan.msk.s32 $0xffff, v8;
	_ =	sdelay $0x5  }
0x2e: {  	v8, _, _ =	vpop (xrf0);
	s5 =	spop (v2sf)  }
.Ltmp2:
0x2f: {  	v8 =	vadd.s32 s5, v8;
	(pc) =	sbr.rel @p0 .LBB2_2-.Ltmp2, $2  }
0x30: {  	[tilespmem:s3+$0x800] =	vst v8;
	(v2sf) =	vpush v8, $0xF;
	_ =	sdelay $0x2  }
0x31: {  	s3 =	sshra.s32 s13, $0x2;
	s13 =	sadd.s32 $0x40, s13  }
0x32: {  	v8 =	vld [tilespmem:s3+$0x400];
	_ =	sdelay $0x4  }
0x33: {  	(xrf0) =	vadd.scan.msk.s32 $0xffff, v8;
	_ =	sdelay $0x5  }
0x34: {  	v8, _, _ =	vpop (xrf0);
	s5 =	spop (v2sf)  }
0x35: {  	v8 =	vadd.s32 s5, v8  }
0x36: {  	(v2sf) =	vpush v8, $0xF;
	_ =	sdelay $0xc  }
0x37: {  	s25 =	simm.s32 $0x800;
	[tilespmem:s3+$0x800] =	vst v8;
	s3 =	rddreg [dreg:$0x6]  }
0x38: {  	[spmem:s3] =	stream.linear.scatter [tilespmem:s25], [sflag:$0xC], $0x400, $0x38;
	[tilespmem:$0x1D080] =	vst v63  }
0x39: {  	s24 =	spop (v2sf)  }
0x3a: {  	_ =	swait.ge [sflag:s14], $0x400  }
0x3b: {  	[sflag:s14] =	ssyncset.done $0x0  }
0x3c: {  	[sflag:s14] =	ssyncadd.s32 $0xFFFFFC00  }
0x3d: {  	[bflag:$0x0] =	sbarrier.arrive $0xFFFF  }
0x3e: {  	s26 =	rddreg [dreg:$0x3]  }
0x3f: {  	[tilespmem:s16], [sflag:$0xC] =	stream.linear.gather [spmem:s26], $0x4000, $0x38;
	[tilespmem:$0x1D080] =	vst v63  }
0x40: {  	_ =	swait.ge [sflag:s14], $0x4000  }
0x41: {  	[sflag:s14] =	ssyncset.done $0x0  }
0x42: {  	[sflag:s14] =	ssyncadd.s32 $0xFFFFC000  }
0x43: {  	v8 =	vld.idx.msk [tilespmem:v3+s16+$0x0], $0xffff;
	_ =	sdelay $0x4  }
0x44: {  	(xrf0) =	vadd.scan.msk.s32 $0xffff, v8;
	_ =	sdelay $0x5  }
0x45: {  	v9, _, _ =	vpop (xrf0)  }
0x46: {  	(v2sf) =	vpush v9, $0xF;
	_ =	sdelay $0xe  }
0x47: {  	s30 =	spop (v2sf)  }
0x48: {  	s21 =	ssub.s32 s30, s6  }
0x49: {  	p0 =	sgt.s32 s21, $0x0;
	s3 =	smov.u32 s21  }
0x4a: {  	s3 =	simm.s32 @!p0 $0x0  }
0x4b: {  	s23 =	smin.u32 s3, $0x400  }
0x4c: {  	s3 =	sadd.s32 $0xF, s23  }
0x4d: {  	s22 =	sshrl.u32 s3, $0x4  }
0x4e: {  	p0 =	seq.s32 s22, $0x0  }
.Ltmp3:
0x4f: {  	_ = 	snop;
	(pc) =	sbr.rel @p0 .LBB2_7-.Ltmp3, $3  }
0x50: {  	_ =	sdelay $0x1  }
0x51: {  	v8 =	vsub.s32 v9, v8  }
0x52: {  	[tilespmem:$0x5000] =	vst v8  }
0x53: {  	v8 =	vimm.s32 $0x0;
	s3 =	simm.s32 $0x1FFF  }
0x54: {  	v9 =	vadd.s32 s3, v8  }
0x55: {  	v10 =	vshrl.u32 v9, $0xA;
	_ =	sdelay $0x3  }
0x56: {  	v9 =	vld.idx.msk [tilespmem:v9+s16+$0x0], $0xffff  }
0x57: {  	v10 =	vld.idx.msk [tilespmem:v10+s18+$0x0], $0xffff;
	_ =	sdelay $0x4  }
0x58: {  	s30 =	simm.s32 $0x2000;
	v9 =	vadd.s32 v9, v10  }
0x59: {  	vm1 =	vgt.s32 v9, v2;
	v9 =	vmov s30  }
0x5a: {  	s13 =	simm.s32 $0x2;
	s3 =	simm.s32 $0x1000;
	v9 =	vsel vm1, $0x0, v9  }
.LBB2_5:
0x5b: {  	p0 =	sne.s32 s13, $0xD;
	s5 =	sadd.s32 $0xFFFFFFFF, s3;
	v8 =	vadd.s32 v8, v9  }
0x5c: {  	v9 =	vadd.s32 s5, v8  }
0x5d: {  	v10 =	vshrl.u32 v9, $0xA;
	_ =	sdelay $0x3  }
0x5e: {  	v9 =	vld.idx.msk [tilespmem:v9+s16+$0x0], $0xffff  }
0x5f: {  	v10 =	vld.idx.msk [tilespmem:v10+s18+$0x0], $0xffff;
	_ =	sdelay $0x3  }
.Ltmp4:
0x60: {  	(pc) =	sbr.rel @p0 .LBB2_5-.Ltmp4, $4  }
0x61: {  	_ = 	snop  }
0x62: {  	v9 =	vadd.s32 v9, v10  }
0x63: {  	vm1 =	vgt.s32 v9, v2;
	v9 =	vmov s3  }
0x64: {  	s3 =	sshrl.u32 s17, s13;
	s13 =	sadd.s32 $0x1, s13;
	v9 =	vsel vm1, $0x0, v9  }
0x65: {  	s5 =	sadd.s32 $0xFFFFFFFF, s3;
	v8 =	vadd.s32 v8, v9  }
0x66: {  	v9 =	vadd.s32 s5, v8  }
0x67: {  	v10 =	vshrl.u32 v9, $0xA;
	_ =	sdelay $0x3  }
0x68: {  	v9 =	vld.idx.msk [tilespmem:v9+s16+$0x0], $0xffff  }
0x69: {  	v10 =	vld.idx.msk [tilespmem:v10+s18+$0x0], $0xffff;
	_ =	sdelay $0x4  }
0x6a: {  	v9 =	vadd.s32 v9, v10  }
0x6b: {  	v61 =	vmov s3;
	vm1 =	vgt.s32 v9, v2  }
0x6c: {  	v9 =	vsel vm1, $0x0, v61  }
0x6d: {  	v8 =	vadd.s32 v8, v9  }
0x6e: {  	vm1 =	vlt.s32 v8, $0x3FFF  }
0x6f: {  	v8 =	vnsel vm1, $0x3FFF, v8  }
0x70: {  	v62 =	vshll.u32 v8, $0x3  }
0x71: {  	v63 =	vand.u32 $0x7, v8;
	v9 =	vand.u32 $0xFFFFFFC0, v62  }
0x72: {  	v9 =	vor.u32 v63, v9  }
0x73: {  	v10 =	vperm.xlane v9, v4;
	_ =	sdelay $0x1  }
0x74: {  	v10 =	vadd.s32 v5, v10;
	_ =	sdelay $0x3  }
0x75: {  	s8 =	simm.s32 $0x5080;
	[tilespmem:$0x4C00] =	vst v8  }
0x76: {  	[tilespmem:s8], [sflag:$0x1] =	stream.indirect_vreg.gather [hbm4b:s1+s4], $0x80, v10, vm0, $0xb8;
	[tilespmem:$0x1D080] =	vst v63  }
0x77: {  	s12 =	simm.s32 $0x5880;
	v8 =	vperm.xlane v9, v6  }
0x78: {  	[tilespmem:s12], [sflag:$0x1] =	stream.indirect_vreg.gather [hbm4b:s9+s4], $0x80, v10, vm0, $0xb8;
	[tilespmem:$0x1D080] =	vst v63  }
0x79: {  	s13 =	simm.s32 $0x6080;
	v8 =	vadd.s32 v5, v8  }
0x7a: {  	[tilespmem:s13], [sflag:$0x1] =	stream.indirect_vreg.gather [hbm4b:s10+s4], $0x80, v10, vm0, $0xb8;
	[tilespmem:$0x1D080] =	vst v63  }
0x7b: {  	s15 =	simm.s32 $0x6880  }
0x7c: {  	[tilespmem:s15], [sflag:$0x1] =	stream.indirect_vreg.gather [hbm4b:s11+s4], $0x80, v10, vm0, $0xb8;
	[tilespmem:$0x1D080] =	vst v63  }
0x7d: {  	s24 =	simm.s32 $0x7080  }
0x7e: {  	[tilespmem:s24], [sflag:$0x1] =	stream.indirect_vreg.gather [hbm4b:s1+s4], $0x80, v8, vm0, $0xb8;
	[tilespmem:$0x1D080] =	vst v63  }
0x7f: {  	s25 =	simm.s32 $0x7880  }
0x80: {  	[tilespmem:s25], [sflag:$0x1] =	stream.indirect_vreg.gather [hbm4b:s9+s4], $0x80, v8, vm0, $0xb8;
	[tilespmem:$0x1D080] =	vst v63  }
0x81: {  	s26 =	simm.s32 $0x8080  }
0x82: {  	[tilespmem:s26], [sflag:$0x1] =	stream.indirect_vreg.gather [hbm4b:s10+s4], $0x80, v8, vm0, $0xb8;
	[tilespmem:$0x1D080] =	vst v63  }
0x83: {  	s30 =	simm.s32 $0x8880  }
0x84: {  	[tilespmem:s30], [sflag:$0x1] =	stream.indirect_vreg.gather [hbm4b:s11+s4], $0x80, v8, vm0, $0xb8;
	[tilespmem:$0x1D080] =	vst v63  }
.LBB2_7:
0x85: {  	p0 =	slt.s32 s21, $0x11  }
.Ltmp5:
0x86: {  	_ = 	snop;
	(pc) =	sbr.rel @p0 .LBB2_11-.Ltmp5, $1  }
0x87: {  	_ =	sdelay $0x3  }
0x88: {  	v8 =	vimm.s32 $0x0;
	s3 =	simm.s32 $0x1FFF  }
0x89: {  	v9 =	vadd.s32 s3, v8  }
0x8a: {  	v10 =	vshrl.u32 v9, $0xA;
	_ =	sdelay $0x3  }
0x8b: {  	v9 =	vld.idx.msk [tilespmem:v9+s16+$0x0], $0xffff  }
0x8c: {  	v10 =	vld.idx.msk [tilespmem:v10+s18+$0x0], $0xffff;
	_ =	sdelay $0x4  }
0x8d: {  	s30 =	simm.s32 $0x2000;
	v9 =	vadd.s32 v9, v10  }
0x8e: {  	vm1 =	vgt.s32 v9, v1;
	v9 =	vmov s30  }
0x8f: {  	s13 =	simm.s32 $0x2;
	s3 =	simm.s32 $0x1000;
	v9 =	vsel vm1, $0x0, v9  }
.LBB2_9:
0x90: {  	p0 =	sne.s32 s13, $0xD;
	s5 =	sadd.s32 $0xFFFFFFFF, s3;
	v8 =	vadd.s32 v8, v9  }
0x91: {  	v9 =	vadd.s32 s5, v8  }
0x92: {  	v10 =	vshrl.u32 v9, $0xA;
	_ =	sdelay $0x3  }
0x93: {  	v9 =	vld.idx.msk [tilespmem:v9+s16+$0x0], $0xffff  }
0x94: {  	v10 =	vld.idx.msk [tilespmem:v10+s18+$0x0], $0xffff;
	_ =	sdelay $0x3  }
.Ltmp6:
0x95: {  	(pc) =	sbr.rel @p0 .LBB2_9-.Ltmp6, $4  }
0x96: {  	_ = 	snop  }
0x97: {  	v9 =	vadd.s32 v9, v10  }
0x98: {  	vm1 =	vgt.s32 v9, v1;
	v9 =	vmov s3  }
0x99: {  	s3 =	sshrl.u32 s17, s13;
	s13 =	sadd.s32 $0x1, s13;
	v9 =	vsel vm1, $0x0, v9  }
0x9a: {  	s5 =	sadd.s32 $0xFFFFFFFF, s3;
	v8 =	vadd.s32 v8, v9  }
0x9b: {  	v9 =	vadd.s32 s5, v8  }
0x9c: {  	v10 =	vshrl.u32 v9, $0xA;
	_ =	sdelay $0x3  }
0x9d: {  	v9 =	vld.idx.msk [tilespmem:v9+s16+$0x0], $0xffff  }
0x9e: {  	v10 =	vld.idx.msk [tilespmem:v10+s18+$0x0], $0xffff;
	_ =	sdelay $0x4  }
0x9f: {  	v9 =	vadd.s32 v9, v10  }
0xa0: {  	v61 =	vmov s3;
	vm1 =	vgt.s32 v9, v1  }
0xa1: {  	v9 =	vsel vm1, $0x0, v61  }
0xa2: {  	v8 =	vadd.s32 v8, v9  }
0xa3: {  	vm1 =	vlt.s32 v8, $0x3FFF  }
0xa4: {  	v8 =	vnsel vm1, $0x3FFF, v8  }
0xa5: {  	v62 =	vshll.u32 v8, $0x3  }
0xa6: {  	v63 =	vand.u32 $0x7, v8;
	v9 =	vand.u32 $0xFFFFFFC0, v62  }
0xa7: {  	v9 =	vor.u32 v63, v9  }
0xa8: {  	v10 =	vperm.xlane v9, v4;
	_ =	sdelay $0x1  }
0xa9: {  	v10 =	vadd.s32 v5, v10;
	_ =	sdelay $0x3  }
0xaa: {  	s8 =	simm.s32 $0x9080;
	[tilespmem:$0x4C10] =	vst v8  }
0xab: {  	[tilespmem:s8], [sflag:$0x2] =	stream.indirect_vreg.gather [hbm4b:s1+s4], $0x80, v10, vm0, $0xb8;
	[tilespmem:$0x1D080] =	vst v63  }
0xac: {  	s12 =	simm.s32 $0x9880;
	v8 =	vperm.xlane v9, v6  }
0xad: {  	[tilespmem:s12], [sflag:$0x2] =	stream.indirect_vreg.gather [hbm4b:s9+s4], $0x80, v10, vm0, $0xb8;
	[tilespmem:$0x1D080] =	vst v63  }
0xae: {  	s13 =	simm.s32 $0xA080;
	v8 =	vadd.s32 v5, v8  }
0xaf: {  	[tilespmem:s13], [sflag:$0x2] =	stream.indirect_vreg.gather [hbm4b:s10+s4], $0x80, v10, vm0, $0xb8;
	[tilespmem:$0x1D080] =	vst v63  }
0xb0: {  	s15 =	simm.s32 $0xA880  }
0xb1: {  	[tilespmem:s15], [sflag:$0x2] =	stream.indirect_vreg.gather [hbm4b:s11+s4], $0x80, v10, vm0, $0xb8;
	[tilespmem:$0x1D080] =	vst v63  }
0xb2: {  	s24 =	simm.s32 $0xB080  }
0xb3: {  	[tilespmem:s24], [sflag:$0x2] =	stream.indirect_vreg.gather [hbm4b:s1+s4], $0x80, v8, vm0, $0xb8;
	[tilespmem:$0x1D080] =	vst v63  }
0xb4: {  	s25 =	simm.s32 $0xB880  }
0xb5: {  	[tilespmem:s25], [sflag:$0x2] =	stream.indirect_vreg.gather [hbm4b:s9+s4], $0x80, v8, vm0, $0xb8;
	[tilespmem:$0x1D080] =	vst v63  }
0xb6: {  	s26 =	simm.s32 $0xC080  }
0xb7: {  	[tilespmem:s26], [sflag:$0x2] =	stream.indirect_vreg.gather [hbm4b:s10+s4], $0x80, v8, vm0, $0xb8;
	[tilespmem:$0x1D080] =	vst v63  }
0xb8: {  	s30 =	simm.s32 $0xC880  }
0xb9: {  	[tilespmem:s30], [sflag:$0x2] =	stream.indirect_vreg.gather [hbm4b:s11+s4], $0x80, v8, vm0, $0xb8;
	[tilespmem:$0x1D080] =	vst v63  }
.LBB2_11:
0xba: {  	s24 =	simm.s32 $0x0  }
0xbb: {  	s3 =	sand.u32 $0x2000, s24;
	s5 =	sand.u32 $0x380, s24  }
0xbc: {  	s3 =	sor.u32 s5, s3  }
0xbd: {  	s25 =	sadd.s32 $0x19080, s3;
	[tilespmem:s3+$0x19080] =	vst v7  }
0xbe: {  	[tilespmem:s25+$0x10] =	vst v7  }
0xbf: {  	[tilespmem:s25+$0x20] =	vst v7  }
0xc0: {  	[tilespmem:s25+$0x30] =	vst v7  }
0xc1: {  	[tilespmem:s25+$0x40] =	vst v7  }
0xc2: {  	[tilespmem:s25+$0x50] =	vst v7  }
0xc3: {  	[tilespmem:s25+$0x60] =	vst v7  }
0xc4: {  	[tilespmem:s25+$0x70] =	vst v7  }
0xc5: {  	[tilespmem:s25+$0x400] =	vst v7  }
0xc6: {  	[tilespmem:s25+$0x410] =	vst v7  }
0xc7: {  	[tilespmem:s25+$0x420] =	vst v7  }
0xc8: {  	[tilespmem:s25+$0x430] =	vst v7  }
0xc9: {  	[tilespmem:s25+$0x440] =	vst v7  }
0xca: {  	[tilespmem:s25+$0x450] =	vst v7  }
0xcb: {  	[tilespmem:s25+$0x460] =	vst v7  }
0xcc: {  	[tilespmem:s25+$0x470] =	vst v7  }
0xcd: {  	[tilespmem:s25+$0x800] =	vst v7  }
0xce: {  	[tilespmem:s25+$0x810] =	vst v7  }
0xcf: {  	[tilespmem:s25+$0x820] =	vst v7  }
0xd0: {  	[tilespmem:s25+$0x830] =	vst v7  }
0xd1: {  	[tilespmem:s25+$0x840] =	vst v7  }
0xd2: {  	[tilespmem:s25+$0x850] =	vst v7  }
0xd3: {  	[tilespmem:s25+$0x860] =	vst v7  }
0xd4: {  	[tilespmem:s25+$0x870] =	vst v7  }
0xd5: {  	[tilespmem:s25+$0xC00] =	vst v7  }
0xd6: {  	[tilespmem:s25+$0xC10] =	vst v7  }
0xd7: {  	[tilespmem:s25+$0xC20] =	vst v7  }
0xd8: {  	[tilespmem:s25+$0xC30] =	vst v7  }
0xd9: {  	[tilespmem:s25+$0xC40] =	vst v7  }
0xda: {  	[tilespmem:s25+$0xC50] =	vst v7  }
0xdb: {  	[tilespmem:s25+$0xC60] =	vst v7  }
0xdc: {  	[tilespmem:s25+$0xC70] =	vst v7  }
0xdd: {  	[tilespmem:s25+$0x1000] =	vst v7  }
0xde: {  	[tilespmem:s25+$0x1010] =	vst v7  }
0xdf: {  	[tilespmem:s25+$0x1020] =	vst v7  }
0xe0: {  	[tilespmem:s25+$0x1030] =	vst v7  }
0xe1: {  	[tilespmem:s25+$0x1040] =	vst v7  }
0xe2: {  	[tilespmem:s25+$0x1050] =	vst v7  }
0xe3: {  	[tilespmem:s25+$0x1060] =	vst v7  }
0xe4: {  	[tilespmem:s25+$0x1070] =	vst v7  }
0xe5: {  	[tilespmem:s25+$0x1400] =	vst v7  }
0xe6: {  	[tilespmem:s25+$0x1410] =	vst v7  }
0xe7: {  	[tilespmem:s25+$0x1420] =	vst v7  }
0xe8: {  	[tilespmem:s25+$0x1430] =	vst v7  }
0xe9: {  	[tilespmem:s25+$0x1440] =	vst v7  }
0xea: {  	[tilespmem:s25+$0x1450] =	vst v7  }
0xeb: {  	[tilespmem:s25+$0x1460] =	vst v7  }
0xec: {  	[tilespmem:s25+$0x1470] =	vst v7  }
0xed: {  	[tilespmem:s25+$0x1800] =	vst v7  }
0xee: {  	[tilespmem:s25+$0x1810] =	vst v7  }
0xef: {  	[tilespmem:s25+$0x1820] =	vst v7  }
0xf0: {  	[tilespmem:s25+$0x1830] =	vst v7  }
0xf1: {  	[tilespmem:s25+$0x1840] =	vst v7  }
0xf2: {  	[tilespmem:s25+$0x1850] =	vst v7  }
0xf3: {  	[tilespmem:s25+$0x1860] =	vst v7  }
0xf4: {  	[tilespmem:s25+$0x1870] =	vst v7  }
0xf5: {  	[tilespmem:s25+$0x1C00] =	vst v7  }
0xf6: {  	[tilespmem:s25+$0x1C10] =	vst v7  }
0xf7: {  	[tilespmem:s25+$0x1C20] =	vst v7  }
0xf8: {  	[tilespmem:s25+$0x1C30] =	vst v7  }
0xf9: {  	[tilespmem:s25+$0x1C40] =	vst v7  }
0xfa: {  	s30 =	simm.s32 $0x400;
	s26 =	simm.s32 $0x80;
	[tilespmem:s25+$0x1C50] =	vst v7  }
0xfb: {  	s13 =	simm.s32 $0x800;
	s7 =	sand.u32 $0x380, s26;
	s3 =	sand.u32 $0x2000, s30;
	[tilespmem:s25+$0x1C60] =	vst v7  }
.LBB2_12:
0xfc: {  	p0 =	sne.s32 s13, $0x3C00;
	s3 =	sor.u32 s7, s3;
	[tilespmem:s25+$0x1C70] =	vst v7  }
0xfd: {  	s25 =	sadd.s32 $0x19080, s3;
	[tilespmem:s3+$0x19080] =	vst v7  }
0xfe: {  	[tilespmem:s25+$0x10] =	vst v7  }
0xff: {  	[tilespmem:s25+$0x20] =	vst v7  }
0x100: {  	[tilespmem:s25+$0x30] =	vst v7  }
0x101: {  	[tilespmem:s25+$0x40] =	vst v7  }
0x102: {  	[tilespmem:s25+$0x50] =	vst v7  }
0x103: {  	[tilespmem:s25+$0x60] =	vst v7  }
0x104: {  	[tilespmem:s25+$0x70] =	vst v7  }
0x105: {  	[tilespmem:s25+$0x400] =	vst v7  }
0x106: {  	[tilespmem:s25+$0x410] =	vst v7  }
0x107: {  	[tilespmem:s25+$0x420] =	vst v7  }
0x108: {  	[tilespmem:s25+$0x430] =	vst v7  }
0x109: {  	[tilespmem:s25+$0x440] =	vst v7  }
0x10a: {  	[tilespmem:s25+$0x450] =	vst v7  }
0x10b: {  	[tilespmem:s25+$0x460] =	vst v7  }
0x10c: {  	[tilespmem:s25+$0x470] =	vst v7  }
0x10d: {  	[tilespmem:s25+$0x800] =	vst v7  }
0x10e: {  	[tilespmem:s25+$0x810] =	vst v7  }
0x10f: {  	[tilespmem:s25+$0x820] =	vst v7  }
0x110: {  	[tilespmem:s25+$0x830] =	vst v7  }
0x111: {  	[tilespmem:s25+$0x840] =	vst v7  }
0x112: {  	[tilespmem:s25+$0x850] =	vst v7  }
0x113: {  	[tilespmem:s25+$0x860] =	vst v7  }
0x114: {  	[tilespmem:s25+$0x870] =	vst v7  }
0x115: {  	[tilespmem:s25+$0xC00] =	vst v7  }
0x116: {  	[tilespmem:s25+$0xC10] =	vst v7  }
0x117: {  	[tilespmem:s25+$0xC20] =	vst v7  }
0x118: {  	[tilespmem:s25+$0xC30] =	vst v7  }
0x119: {  	[tilespmem:s25+$0xC40] =	vst v7  }
0x11a: {  	[tilespmem:s25+$0xC50] =	vst v7  }
0x11b: {  	[tilespmem:s25+$0xC60] =	vst v7  }
0x11c: {  	[tilespmem:s25+$0xC70] =	vst v7  }
0x11d: {  	[tilespmem:s25+$0x1000] =	vst v7  }
0x11e: {  	[tilespmem:s25+$0x1010] =	vst v7  }
0x11f: {  	[tilespmem:s25+$0x1020] =	vst v7  }
0x120: {  	[tilespmem:s25+$0x1030] =	vst v7  }
0x121: {  	[tilespmem:s25+$0x1040] =	vst v7  }
0x122: {  	[tilespmem:s25+$0x1050] =	vst v7  }
0x123: {  	[tilespmem:s25+$0x1060] =	vst v7  }
0x124: {  	[tilespmem:s25+$0x1070] =	vst v7  }
0x125: {  	[tilespmem:s25+$0x1400] =	vst v7  }
0x126: {  	[tilespmem:s25+$0x1410] =	vst v7  }
0x127: {  	[tilespmem:s25+$0x1420] =	vst v7  }
0x128: {  	[tilespmem:s25+$0x1430] =	vst v7  }
0x129: {  	[tilespmem:s25+$0x1440] =	vst v7  }
0x12a: {  	[tilespmem:s25+$0x1450] =	vst v7  }
0x12b: {  	[tilespmem:s25+$0x1460] =	vst v7  }
0x12c: {  	[tilespmem:s25+$0x1470] =	vst v7  }
0x12d: {  	[tilespmem:s25+$0x1800] =	vst v7  }
0x12e: {  	[tilespmem:s25+$0x1810] =	vst v7  }
0x12f: {  	[tilespmem:s25+$0x1820] =	vst v7  }
0x130: {  	[tilespmem:s25+$0x1830] =	vst v7  }
0x131: {  	[tilespmem:s25+$0x1840] =	vst v7  }
0x132: {  	[tilespmem:s25+$0x1850] =	vst v7  }
0x133: {  	[tilespmem:s25+$0x1860] =	vst v7  }
0x134: {  	[tilespmem:s25+$0x1870] =	vst v7  }
0x135: {  	[tilespmem:s25+$0x1C00] =	vst v7  }
0x136: {  	[tilespmem:s25+$0x1C10] =	vst v7  }
.Ltmp7:
0x137: {  	[tilespmem:s25+$0x1C20] =	vst v7;
	(pc) =	sbr.rel @p0 .LBB2_12-.Ltmp7, $4  }
0x138: {  	[tilespmem:s25+$0x1C30] =	vst v7  }
0x139: {  	[tilespmem:s25+$0x1C40] =	vst v7  }
0x13a: {  	s26 =	sadd.s32 $0x80, s26;
	[tilespmem:s25+$0x1C50] =	vst v7  }
0x13b: {  	s3 =	sand.u32 $0x2000, s13;
	s7 =	sand.u32 $0x380, s26;
	s13 =	sadd.s32 $0x400, s13;
	[tilespmem:s25+$0x1C60] =	vst v7  }
0x13c: {  	s3 =	sor.u32 s7, s3;
	[tilespmem:s25+$0x1C70] =	vst v7  }
0x13d: {  	s13 =	sadd.s32 $0x19080, s3;
	[tilespmem:s3+$0x19080] =	vst v7  }
0x13e: {  	[tilespmem:s13+$0x10] =	vst v7  }
0x13f: {  	[tilespmem:s13+$0x20] =	vst v7  }
0x140: {  	[tilespmem:s13+$0x30] =	vst v7  }
0x141: {  	[tilespmem:s13+$0x40] =	vst v7  }
0x142: {  	[tilespmem:s13+$0x50] =	vst v7  }
0x143: {  	[tilespmem:s13+$0x60] =	vst v7  }
0x144: {  	[tilespmem:s13+$0x70] =	vst v7  }
0x145: {  	[tilespmem:s13+$0x400] =	vst v7  }
0x146: {  	[tilespmem:s13+$0x410] =	vst v7  }
0x147: {  	[tilespmem:s13+$0x420] =	vst v7  }
0x148: {  	[tilespmem:s13+$0x430] =	vst v7  }
0x149: {  	[tilespmem:s13+$0x440] =	vst v7  }
0x14a: {  	[tilespmem:s13+$0x450] =	vst v7  }
0x14b: {  	[tilespmem:s13+$0x460] =	vst v7  }
0x14c: {  	[tilespmem:s13+$0x470] =	vst v7  }
0x14d: {  	[tilespmem:s13+$0x800] =	vst v7  }
0x14e: {  	[tilespmem:s13+$0x810] =	vst v7  }
0x14f: {  	[tilespmem:s13+$0x820] =	vst v7  }
0x150: {  	[tilespmem:s13+$0x830] =	vst v7  }
0x151: {  	[tilespmem:s13+$0x840] =	vst v7  }
0x152: {  	[tilespmem:s13+$0x850] =	vst v7  }
0x153: {  	[tilespmem:s13+$0x860] =	vst v7  }
0x154: {  	[tilespmem:s13+$0x870] =	vst v7  }
0x155: {  	[tilespmem:s13+$0xC00] =	vst v7  }
0x156: {  	[tilespmem:s13+$0xC10] =	vst v7  }
0x157: {  	[tilespmem:s13+$0xC20] =	vst v7  }
0x158: {  	[tilespmem:s13+$0xC30] =	vst v7  }
0x159: {  	[tilespmem:s13+$0xC40] =	vst v7  }
0x15a: {  	[tilespmem:s13+$0xC50] =	vst v7  }
0x15b: {  	[tilespmem:s13+$0xC60] =	vst v7  }
0x15c: {  	[tilespmem:s13+$0xC70] =	vst v7  }
0x15d: {  	[tilespmem:s13+$0x1000] =	vst v7  }
0x15e: {  	[tilespmem:s13+$0x1010] =	vst v7  }
0x15f: {  	[tilespmem:s13+$0x1020] =	vst v7  }
0x160: {  	[tilespmem:s13+$0x1030] =	vst v7  }
0x161: {  	[tilespmem:s13+$0x1040] =	vst v7  }
0x162: {  	[tilespmem:s13+$0x1050] =	vst v7  }
0x163: {  	[tilespmem:s13+$0x1060] =	vst v7  }
0x164: {  	[tilespmem:s13+$0x1070] =	vst v7  }
0x165: {  	[tilespmem:s13+$0x1400] =	vst v7  }
0x166: {  	[tilespmem:s13+$0x1410] =	vst v7  }
0x167: {  	[tilespmem:s13+$0x1420] =	vst v7  }
0x168: {  	[tilespmem:s13+$0x1430] =	vst v7  }
0x169: {  	[tilespmem:s13+$0x1440] =	vst v7  }
0x16a: {  	[tilespmem:s13+$0x1450] =	vst v7  }
0x16b: {  	[tilespmem:s13+$0x1460] =	vst v7  }
0x16c: {  	[tilespmem:s13+$0x1470] =	vst v7  }
0x16d: {  	[tilespmem:s13+$0x1800] =	vst v7  }
0x16e: {  	[tilespmem:s13+$0x1810] =	vst v7  }
0x16f: {  	[tilespmem:s13+$0x1820] =	vst v7  }
0x170: {  	[tilespmem:s13+$0x1830] =	vst v7  }
0x171: {  	[tilespmem:s13+$0x1840] =	vst v7  }
0x172: {  	[tilespmem:s13+$0x1850] =	vst v7  }
0x173: {  	[tilespmem:s13+$0x1860] =	vst v7  }
0x174: {  	[tilespmem:s13+$0x1870] =	vst v7  }
0x175: {  	[tilespmem:s13+$0x1C00] =	vst v7  }
0x176: {  	[tilespmem:s13+$0x1C10] =	vst v7  }
0x177: {  	[tilespmem:s13+$0x1C20] =	vst v7  }
.Ltmp8:
0x178: {  	[tilespmem:s13+$0x1C30] =	vst v7;
	(pc) =	sbr.rel .LBB2_14-.Ltmp8, $4  }
0x179: {  	[tilespmem:s13+$0x1C40] =	vst v7  }
0x17a: {  	[tilespmem:s13+$0x1C50] =	vst v7  }
0x17b: {  	[tilespmem:s13+$0x1C60] =	vst v7  }
0x17c: {  	[tilespmem:s13+$0x1C70] =	vst v7  }
.LBB2_27:
0x17d: {  	s3 =	sadd.s32 s6, s13  }
0x17e: {  	s3 =	sshll.u32 s3, $0x7  }
0x17f: {  	s3 =	sadd.s32 s2, s3  }
0x180: {  	[hbm4b:s3+s4] =	stream.linear.scatter [tilespmem:s19], [sflag:$0xB], $0x4000, $0x38;
	[tilespmem:$0x1D080] =	vst v63  }
.LBB2_28:
0x181: {  	s24 =	sadd.s32 $0x1, s24  }
0x182: {  	p0 =	sne.s32 s24, $0x40  }
.Ltmp9:
0x183: {  	_ = 	snop;
	(pc) =	sbr.rel @!p0 .LBB2_29-.Ltmp9, $1  }
0x184: {  	_ =	sdelay $0x3  }
.LBB2_14:
0x185: {  	s13 =	sadd.s32 $0x2, s24  }
0x186: {  	p0 =	sge.u32 s13, s22  }
.Ltmp10:
0x187: {  	_ = 	snop;
	(pc) =	sbr.rel @p0 .LBB2_18-.Ltmp10, $1  }
0x188: {  	_ =	sdelay $0x3  }
0x189: {  	v8 =	vimm.s32 $0x0;
	s3 =	simm.s32 $0x1FFF  }
0x18a: {  	v9 =	vadd.s32 s3, v8  }
0x18b: {  	v10 =	vshrl.u32 v9, $0xA;
	_ =	sdelay $0x3  }
0x18c: {  	v11 =	vld.idx.msk [tilespmem:v9+s16+$0x0], $0xffff  }
0x18d: {  	v10 =	vld.idx.msk [tilespmem:v10+s18+$0x0], $0xffff;
	_ =	sdelay $0x2  }
0x18e: {  	s25 =	sshll.u32 s13, $0x4  }
0x18f: {  	s26 =	sadd.s32 s6, s25  }
0x190: {  	s30 =	simm.s32 $0x2000;
	v9 =	vor.u32 s26, v0;
	v10 =	vadd.s32 v11, v10  }
0x191: {  	vm1 =	vgt.s32 v10, v9;
	v10 =	vmov s30  }
0x192: {  	s15 =	simm.s32 $0x2;
	s3 =	simm.s32 $0x1000;
	v10 =	vsel vm1, $0x0, v10  }
.LBB2_16:
0x193: {  	p0 =	sne.s32 s15, $0xD;
	s5 =	sadd.s32 $0xFFFFFFFF, s3;
	v8 =	vadd.s32 v8, v10  }
0x194: {  	v10 =	vadd.s32 s5, v8  }
0x195: {  	v11 =	vshrl.u32 v10, $0xA;
	_ =	sdelay $0x3  }
0x196: {  	v10 =	vld.idx.msk [tilespmem:v10+s16+$0x0], $0xffff  }
0x197: {  	v11 =	vld.idx.msk [tilespmem:v11+s18+$0x0], $0xffff;
	_ =	sdelay $0x3  }
.Ltmp11:
0x198: {  	(pc) =	sbr.rel @p0 .LBB2_16-.Ltmp11, $4  }
0x199: {  	_ = 	snop  }
0x19a: {  	v10 =	vadd.s32 v10, v11  }
0x19b: {  	vm1 =	vgt.s32 v10, v9;
	v10 =	vmov s3  }
0x19c: {  	s3 =	sshrl.u32 s17, s15;
	s15 =	sadd.s32 $0x1, s15;
	v10 =	vsel vm1, $0x0, v10  }
0x19d: {  	s5 =	sadd.s32 $0xFFFFFFFF, s3;
	v8 =	vadd.s32 v8, v10  }
0x19e: {  	v10 =	vadd.s32 s5, v8  }
0x19f: {  	v11 =	vshrl.u32 v10, $0xA;
	_ =	sdelay $0x3  }
0x1a0: {  	v10 =	vld.idx.msk [tilespmem:v10+s16+$0x0], $0xffff  }
0x1a1: {  	v11 =	vld.idx.msk [tilespmem:v11+s18+$0x0], $0xffff;
	_ =	sdelay $0x4  }
0x1a2: {  	v10 =	vadd.s32 v10, v11  }
0x1a3: {  	v61 =	vmov s3;
	vm1 =	vgt.s32 v10, v9  }
0x1a4: {  	v9 =	vsel vm1, $0x0, v61  }
0x1a5: {  	v8 =	vadd.s32 v8, v9  }
0x1a6: {  	vm1 =	vlt.s32 v8, $0x3FFF  }
0x1a7: {  	v8 =	vnsel vm1, $0x3FFF, v8  }
0x1a8: {  	s26 =	smulhi.u32 $0xCCCCCCCD, s13;
	v62 =	vshll.u32 v8, $0x3  }
0x1a9: {  	v63 =	vand.u32 $0x7, v8;
	v9 =	vand.u32 $0xFFFFFFC0, v62  }
0x1aa: {  	s3 =	sshrl.u32 s26, $0x2;
	v9 =	vor.u32 v63, v9  }
0x1ab: {  	s3 =	smul.u32 $0x5, s3;
	v10 =	vperm.xlane v9, v4;
	_ =	sdelay $0x1  }
0x1ac: {  	p0 =	slt.u32 s24, $0x3;
	s3 =	ssub.s32 s13, s3;
	v10 =	vadd.s32 v5, v10  }
0x1ad: {  	s5 =	sadd.s32 @!p0 $0x6, s3;
	[tilespmem:s25+$0x4C00] =	vst v8  }
0x1ae: {  	s7 =	sshll.u32 s3, $0xE;
	_ =	swait.ge @!p0 [sflag:s5], $0x4000  }
0x1af: {  	s7 =	sand.u32 $0x3FFFC000, s7;
	[sflag:s5] =	ssyncset.done @!p0 $0x0  }
0x1b0: {  	s3 =	sadd.s32 $0x1, s3;
	s30 =	sadd.s32 $0x5080, s7;
	[sflag:s5] =	ssyncadd.s32 @!p0 $0xFFFFC000  }
0x1b1: {  	[tilespmem:s30], [sflag:s3] =	stream.indirect_vreg.gather [hbm4b:s1+s4], $0x80, v10, vm0, $0xb8;
	[tilespmem:$0x1D080] =	vst v63  }
0x1b2: {  	s8 =	sadd.s32 $0x5880, s7;
	v8 =	vperm.xlane v9, v6  }
0x1b3: {  	[tilespmem:s8], [sflag:s3] =	stream.indirect_vreg.gather [hbm4b:s9+s4], $0x80, v10, vm0, $0xb8;
	[tilespmem:$0x1D080] =	vst v63  }
0x1b4: {  	s12 =	sadd.s32 $0x6080, s7;
	v8 =	vadd.s32 v5, v8  }
0x1b5: {  	[tilespmem:s12], [sflag:s3] =	stream.indirect_vreg.gather [hbm4b:s10+s4], $0x80, v10, vm0, $0xb8;
	[tilespmem:$0x1D080] =	vst v63  }
0x1b6: {  	s13 =	sadd.s32 $0x6880, s7  }
0x1b7: {  	[tilespmem:s13], [sflag:s3] =	stream.indirect_vreg.gather [hbm4b:s11+s4], $0x80, v10, vm0, $0xb8;
	[tilespmem:$0x1D080] =	vst v63  }
0x1b8: {  	s15 =	sadd.s32 $0x7080, s7  }
0x1b9: {  	[tilespmem:s15], [sflag:s3] =	stream.indirect_vreg.gather [hbm4b:s1+s4], $0x80, v8, vm0, $0xb8;
	[tilespmem:$0x1D080] =	vst v63  }
0x1ba: {  	s25 =	sadd.s32 $0x7880, s7  }
0x1bb: {  	[tilespmem:s25], [sflag:s3] =	stream.indirect_vreg.gather [hbm4b:s9+s4], $0x80, v8, vm0, $0xb8;
	[tilespmem:$0x1D080] =	vst v63  }
0x1bc: {  	s26 =	sadd.s32 $0x8080, s7  }
0x1bd: {  	[tilespmem:s26], [sflag:s3] =	stream.indirect_vreg.gather [hbm4b:s10+s4], $0x80, v8, vm0, $0xb8;
	[tilespmem:$0x1D080] =	vst v63  }
0x1be: {  	s30 =	sadd.s32 $0x8880, s7  }
0x1bf: {  	[tilespmem:s30], [sflag:s3] =	stream.indirect_vreg.gather [hbm4b:s11+s4], $0x80, v8, vm0, $0xb8;
	[tilespmem:$0x1D080] =	vst v63  }
.LBB2_18:
0x1c0: {  	p0 =	sge.u32 s24, s22  }
.Ltmp12:
0x1c1: {  	_ = 	snop;
	(pc) =	sbr.rel @p0 .LBB2_27-.Ltmp12, $2  }
0x1c2: {  	_ =	sdelay $0x2  }
0x1c3: {  	s13 =	sshll.u32 s24, $0x4  }
0x1c4: {  	s3 =	smul.u32 $0xCD, s24;
	_ =	sdelay $0x1  }
0x1c5: {  	s3 =	sshrl.u32 s3, $0xA  }
0x1c6: {  	s3 =	sand.u32 $0x3F, s3  }
0x1c7: {  	s3 =	smul.u32 $0x5, s3  }
0x1c8: {  	s26 =	ssub.s32 s23, s13  }
0x1c9: {  	p0 =	sgt.s32 s26, $0xF;
	s3 =	ssub.s32 s24, s3  }
.Ltmp13:
0x1ca: {  	s25 =	sand.u32 $0xFF, s3;
	(pc) =	sbr.rel @p0 .LBB2_26-.Ltmp13, $4  }
0x1cb: {  	s3 =	sadd.s32 $0x1, s25  }
0x1cc: {  	s5 =	sshll.u32 s25, $0x10;
	_ =	swait.ge [sflag:s3], $0x4000  }
0x1cd: {  	s5 =	sshrl.u32 s5, $0x2;
	[sflag:s3] =	ssyncset.done $0x0  }
0x1ce: {  	s15 =	sadd.s32 $0x5080, s5;
	[sflag:s3] =	ssyncadd.s32 $0xFFFFC000  }
.Ltmp14:
0x1cf: {  	(pc) =	sbr.rel .LBB2_21-.Ltmp14, $2  }
0x1d0: {  	_ =	sdelay $0x2  }
0x1d1: {  	s3 =	simm.s32 $0x0  }
.LBB2_24:
0x1d2: {  	[tilespmem:s5+$0x0] =	vst v7  }
.LBB2_25:
0x1d3: {  	s3 =	sadd.s32 $0x1, s3  }
0x1d4: {  	p0 =	sne.s32 s3, $0x10  }
.Ltmp15:
0x1d5: {  	_ = 	snop;
	(pc) =	sbr.rel @!p0 .LBB2_26-.Ltmp15, $1  }
0x1d6: {  	_ =	sdelay $0x3  }
.LBB2_21:
0x1d7: {  	p0 =	slt.s32 s3, s26  }
.Ltmp16:
0x1d8: {  	_ = 	snop;
	(pc) =	sbr.rel @p0 .LBB2_25-.Ltmp16, $1  }
0x1d9: {  	_ =	sdelay $0x3  }
0x1da: {  	s5 =	sshll.u32 s3, $0xA  }
0x1db: {  	s7 =	sshll.u32 s3, $0x7;
	s5 =	sand.u32 $0x2000, s5  }
0x1dc: {  	s8 =	sand.u32 $0x380, s7;
	s7 =	simm.s32 $0x0;
	s5 =	sadd.s32 s5, s15  }
0x1dd: {  	s12 =	sand.u32 $0x1C00, s7;
	s8 =	sadd.s32 s8, s5  }
0x1de: {  	s30 =	sand.u32 $0x70, s7;
	s5 =	sadd.s32 s12, s8  }
0x1df: {  	s12 =	simm.s32 $0x10;
	s5 =	sadd.s32 s30, s5  }
.LBB2_23:
0x1e0: {  	p0 =	sne.s32 s12, $0x3F0  }
0x1e1: {  	[tilespmem:s5+$0x0] =	vst v7;
	s7 =	sadd.s32 $0x80, s7;
	s5 =	smov.u32 s12;
	s12 =	sadd.s32 $0x10, s12  }
.Ltmp17:
0x1e2: {  	(pc) =	sbr.rel @p0 .LBB2_23-.Ltmp17, $4  }
0x1e3: {  	_ = 	snop  }
0x1e4: {  	s30 =	sand.u32 $0x1C00, s7  }
0x1e5: {  	s5 =	sand.u32 $0x70, s5;
	s30 =	sadd.s32 s30, s8  }
0x1e6: {  	s5 =	sadd.s32 s5, s30  }
.Ltmp18:
0x1e7: {  	_ = 	snop;
	(pc) =	sbr.rel .LBB2_24-.Ltmp18, $1  }
0x1e8: {  	_ =	sdelay $0x3  }
.LBB2_26:
.Ltmp19:
0x1e9: {  	(pc) =	sbr.rel .LBB2_28-.Ltmp19, $4  }
0x1ea: {  	s3 =	sadd.s32 s6, s13  }
0x1eb: {  	s3 =	sshll.u32 s3, $0x7  }
0x1ec: {  	s5 =	sadd.s32 $0x6, s25;
	s3 =	sadd.s32 s2, s3  }
0x1ed: {  	[hbm4b:s3+s4] =	stream.linear.scatter [tilespmem:s15], [sflag:s5], $0x4000, $0x38;
	[tilespmem:$0x1D080] =	vst v63  }
.LBB2_29:
0x1ee: {  	p0 =	sgt.s32 s21, $0x50  }
0x1ef: {  	p1 =	sne.s32 @!p0 s22, $0x0  }
0x1f0: {  	p1 =	por p0, !p1  }
0x1f1: {  	p2 =	sne.s32 @p1 s22, $0x0  }
0x1f2: {  	p2 =	por !p1, !p2  }
.Ltmp20:
0x1f3: {  	_ = 	snop;
	(pc) =	sbr.rel @!p2 .LBB2_31-.Ltmp20, $2  }
0x1f4: {  	_ =	sdelay $0x2  }
0x1f5: {  	s7 =	simm.s32 $0x6;
	s8 =	simm.s32 $0x9  }
0x1f6: {  	s3 =	simm.s32 $0x6  }
0x1f7: {  	s3 =	simm.s32 @p1 $0xB  }
0x1f8: {  	_ =	swait.ge [sflag:s3], $0x4000  }
0x1f9: {  	[sflag:s3] =	ssyncset.done $0x0  }
0x1fa: {  	[sflag:s3] =	ssyncadd.s32 $0xFFFFC000  }
.LBB2_31:
0x1fb: {  	s3 =	sadd.s32 $0xFFFFFFEF, s21  }
0x1fc: {  	p1 =	sgt.u32 s3, $0x4F  }
.Ltmp21:
0x1fd: {  	_ = 	snop;
	(pc) =	sbr.rel @p1 .LBB2_47-.Ltmp21, $1  }
0x1fe: {  	_ =	sdelay $0x3  }
.Ltmp22:
0x1ff: {  	(pc) =	sbr.rel .LBB2_33-.Ltmp22, $4  }
0x200: {  	_ = 	snop  }
0x201: {  	_ =	swait.ge [sflag:s31], $0x4000  }
0x202: {  	[sflag:s31] =	ssyncset.done $0x0  }
0x203: {  	[sflag:s31] =	ssyncadd.s32 $0xFFFFC000  }
.LBB2_47:
0x204: {  	p1 =	sgt.s32 s21, $0x10  }
.Ltmp23:
0x205: {  	_ = 	snop;
	(pc) =	sbr.rel @p1 .LBB2_33-.Ltmp23, $1  }
0x206: {  	_ =	sdelay $0x3  }
.Ltmp24:
0x207: {  	(pc) =	sbr.rel .LBB2_50-.Ltmp24, $4  }
0x208: {  	_ = 	snop  }
0x209: {  	_ =	swait.ge [sflag:s29], $0x4000  }
0x20a: {  	[sflag:s29] =	ssyncset.done $0x0  }
0x20b: {  	p2 =	por $0x1, $0x1;
	[sflag:s29] =	ssyncadd.s32 $0xFFFFC000  }
.LBB2_33:
0x20c: {  	s3 =	sadd.s32 $0xFFFFFFDF, s21  }
0x20d: {  	p1 =	sgt.u32 s3, $0x4F  }
.Ltmp25:
0x20e: {  	_ = 	snop;
	(pc) =	sbr.rel @p1 .LBB2_49-.Ltmp25, $2  }
0x20f: {  	_ =	sdelay $0x2  }
0x210: {  	p2 =	slt.u32 s21, $0x71  }
.Ltmp26:
0x211: {  	(pc) =	sbr.rel .LBB2_35-.Ltmp26, $4  }
0x212: {  	_ = 	snop  }
0x213: {  	_ =	swait.ge [sflag:s0], $0x4000  }
0x214: {  	[sflag:s0] =	ssyncset.done $0x0  }
0x215: {  	[sflag:s0] =	ssyncadd.s32 $0xFFFFC000  }
.LBB2_49:
0x216: {  	p1 =	sgt.u32 s21, $0x20  }
.Ltmp27:
0x217: {  	_ = 	snop;
	(pc) =	sbr.rel @p1 .LBB2_35-.Ltmp27, $1  }
0x218: {  	_ =	sdelay $0x3  }
.LBB2_50:
.Ltmp28:
0x219: {  	(pc) =	sbr.rel .LBB2_52-.Ltmp28, $4  }
0x21a: {  	_ = 	snop  }
0x21b: {  	_ =	swait.ge [sflag:s29], $0x4000  }
0x21c: {  	[sflag:s29] =	ssyncset.done $0x0  }
0x21d: {  	p5 =	por $0x1, $0x1;
	[sflag:s29] =	ssyncadd.s32 $0xFFFFC000  }
.LBB2_35:
0x21e: {  	s3 =	sadd.s32 $0xFFFFFFCF, s21  }
0x21f: {  	p1 =	sgt.u32 s3, $0x4F  }
.Ltmp29:
0x220: {  	_ = 	snop;
	(pc) =	sbr.rel @p1 .LBB2_51-.Ltmp29, $2  }
0x221: {  	_ =	sdelay $0x2  }
0x222: {  	p5 =	slt.u32 s21, $0x81  }
.Ltmp30:
0x223: {  	(pc) =	sbr.rel .LBB2_37-.Ltmp30, $4  }
0x224: {  	_ = 	snop  }
0x225: {  	_ =	swait.ge [sflag:s8], $0x4000  }
0x226: {  	[sflag:s8] =	ssyncset.done $0x0  }
0x227: {  	[sflag:s8] =	ssyncadd.s32 $0xFFFFC000  }
.LBB2_51:
0x228: {  	p1 =	sgt.u32 s21, $0x30  }
.Ltmp31:
0x229: {  	_ = 	snop;
	(pc) =	sbr.rel @p1 .LBB2_37-.Ltmp31, $1  }
0x22a: {  	_ =	sdelay $0x3  }
.LBB2_52:
0x22b: {  	_ =	swait.ge [sflag:s29], $0x4000  }
0x22c: {  	[sflag:s29] =	ssyncset.done $0x0  }
0x22d: {  	p4 =	por $0x1, $0x1;
	[sflag:s29] =	ssyncadd.s32 $0xFFFFC000  }
.LBB2_54:
0x22e: {  	_ =	swait.ge [sflag:s29], $0x4000  }
0x22f: {  	[sflag:s29] =	ssyncset.done $0x0  }
0x230: {  	p1 =	por $0x1, $0x1;
	[sflag:s29] =	ssyncadd.s32 $0xFFFFC000  }
.LBB2_56:
0x231: {  	_ =	swait.ge [sflag:s29], $0x4000  }
.Ltmp32:
0x232: {  	[sflag:s29] =	ssyncset.done $0x0;
	(pc) =	sbr.rel @!p2 .LBB2_60-.Ltmp32, $4  }
0x233: {  	[sflag:s29] =	ssyncadd.s32 $0xFFFFC000  }
0x234: {  	_ =	swait.ge [sflag:s29], $0x4000  }
0x235: {  	[sflag:s29] =	ssyncset.done $0x0  }
0x236: {  	p0 =	por $0x1, $0x1;
	[sflag:s29] =	ssyncadd.s32 $0xFFFFC000  }
0x237: {  	p2 =	por $0x1, $0x1  }
.LBB2_66:
.Ltmp33:
0x238: {  	(pc) =	sbr.rel @p5 .LBB2_75-.Ltmp33, $4  }
0x239: {  	_ = 	snop  }
0x23a: {  	_ =	swait.ge [sflag:s29], $0x4000  }
0x23b: {  	[sflag:s29] =	ssyncset.done $0x0  }
0x23c: {  	p3 =	por $0x1, $0x1;
	[sflag:s29] =	ssyncadd.s32 $0xFFFFC000  }
.Ltmp34:
0x23d: {  	(pc) =	sbr.rel @!p4 .LBB2_69-.Ltmp34, $2  }
0x23e: {  	_ =	sdelay $0x2  }
0x23f: {  	p3 =	por $0x1, $0x1  }
.Ltmp35:
0x240: {  	(pc) =	sbr.rel .LBB2_79-.Ltmp35, $2  }
0x241: {  	_ =	sdelay $0x2  }
0x242: {  	p5 =	por $0x1, $0x1  }
.LBB2_37:
0x243: {  	s3 =	sadd.s32 $0xFFFFFFBF, s21  }
0x244: {  	p1 =	sgt.u32 s3, $0x4F  }
.Ltmp36:
0x245: {  	_ = 	snop;
	(pc) =	sbr.rel @p1 .LBB2_53-.Ltmp36, $2  }
0x246: {  	_ =	sdelay $0x2  }
0x247: {  	p4 =	slt.u32 s21, $0x91  }
.Ltmp37:
0x248: {  	(pc) =	sbr.rel .LBB2_39-.Ltmp37, $4  }
0x249: {  	_ = 	snop  }
0x24a: {  	_ =	swait.ge [sflag:s28], $0x4000  }
0x24b: {  	[sflag:s28] =	ssyncset.done $0x0  }
0x24c: {  	[sflag:s28] =	ssyncadd.s32 $0xFFFFC000  }
.LBB2_60:
.Ltmp38:
0x24d: {  	(pc) =	sbr.rel @!p5 .LBB2_62-.Ltmp38, $2  }
0x24e: {  	_ =	sdelay $0x2  }
0x24f: {  	p0 =	por $0x1, $0x1  }
0x250: {  	p2 =	por $0x1, $0x1;
	p3 =	por $0x1, $0x1  }
.LBB2_75:
0x251: {  	_ =	swait.ge [sflag:s29], $0x4000  }
0x252: {  	[sflag:s29] =	ssyncset.done $0x0  }
0x253: {  	[sflag:s29] =	ssyncadd.s32 $0xFFFFC000  }
.LBB2_76:
0x254: {  	s3 =	sadd.s32 $0xFFFFFF6F, s21  }
0x255: {  	p6 =	sgt.u32 s3, $0x4F  }
.Ltmp39:
0x256: {  	_ = 	snop;
	(pc) =	sbr.rel @p6 .LBB2_78-.Ltmp39, $2  }
0x257: {  	_ =	sdelay $0x2  }
0x258: {  	p5 =	slt.s32 s21, $0xE1  }
.Ltmp40:
0x259: {  	(pc) =	sbr.rel @p4 .LBB2_79-.Ltmp40, $4  }
.Ltmp41:
0x25a: {  	(pc) =	sbr.rel @!p4 .LBB2_80-.Ltmp41, $4  }
0x25b: {  	_ =	swait.ge [sflag:s28], $0x4000  }
0x25c: {  	[sflag:s28] =	ssyncset.done $0x0  }
0x25d: {  	[sflag:s28] =	ssyncadd.s32 $0xFFFFC000  }
0x25e: {  	_ = 	snop  }
.LBB2_78:
.Ltmp42:
0x25f: {  	(pc) =	sbr.rel @!p4 .LBB2_80-.Ltmp42, $4  }
.Ltmp43:
0x260: {  	(pc) =	sbr.rel @p4 .LBB2_79-.Ltmp43, $4  }
0x261: {  	_ = 	snop  }
0x262: {  	_ = 	snop  }
0x263: {  	_ = 	snop  }
0x264: {  	_ = 	snop  }
.LBB2_53:
0x265: {  	p1 =	sgt.u32 s21, $0x40  }
.Ltmp44:
0x266: {  	_ = 	snop;
	(pc) =	sbr.rel @!p1 .LBB2_54-.Ltmp44, $1  }
0x267: {  	_ =	sdelay $0x3  }
.LBB2_39:
0x268: {  	s3 =	sadd.s32 $0xFFFFFFAF, s21  }
0x269: {  	p3 =	sgt.u32 s3, $0x4F  }
.Ltmp45:
0x26a: {  	_ = 	snop;
	(pc) =	sbr.rel @p3 .LBB2_55-.Ltmp45, $2  }
0x26b: {  	_ =	sdelay $0x2  }
0x26c: {  	p1 =	slt.u32 s21, $0xA1  }
.Ltmp46:
0x26d: {  	(pc) =	sbr.rel .LBB2_41-.Ltmp46, $4  }
0x26e: {  	_ = 	snop  }
0x26f: {  	_ =	swait.ge [sflag:s7], $0x4000  }
0x270: {  	[sflag:s7] =	ssyncset.done $0x0  }
0x271: {  	[sflag:s7] =	ssyncadd.s32 $0xFFFFC000  }
.LBB2_62:
.Ltmp47:
0x272: {  	(pc) =	sbr.rel @!p4 .LBB2_64-.Ltmp47, $2  }
0x273: {  	_ =	sdelay $0x2  }
0x274: {  	p0 =	por $0x1, $0x1  }
0x275: {  	p2 =	por $0x1, $0x1;
	p3 =	por $0x1, $0x1;
	p5 =	por $0x1, $0x1  }
.LBB2_79:
0x276: {  	_ =	swait.ge [sflag:s29], $0x4000  }
0x277: {  	[sflag:s29] =	ssyncset.done $0x0  }
0x278: {  	[sflag:s29] =	ssyncadd.s32 $0xFFFFC000  }
.LBB2_80:
0x279: {  	s3 =	sadd.s32 $0xFFFFFF5F, s21  }
0x27a: {  	p6 =	sgt.u32 s3, $0x4F  }
.Ltmp48:
0x27b: {  	_ = 	snop;
	(pc) =	sbr.rel @p6 .LBB2_82-.Ltmp48, $2  }
0x27c: {  	_ =	sdelay $0x2  }
0x27d: {  	p4 =	slt.s32 s21, $0xF1  }
.Ltmp49:
0x27e: {  	(pc) =	sbr.rel @p1 .LBB2_83-.Ltmp49, $4  }
.Ltmp50:
0x27f: {  	(pc) =	sbr.rel @!p1 .LBB2_84-.Ltmp50, $4  }
0x280: {  	_ =	swait.ge [sflag:s7], $0x4000  }
0x281: {  	[sflag:s7] =	ssyncset.done $0x0  }
0x282: {  	[sflag:s7] =	ssyncadd.s32 $0xFFFFC000  }
0x283: {  	_ = 	snop  }
.LBB2_82:
.Ltmp51:
0x284: {  	(pc) =	sbr.rel @!p1 .LBB2_84-.Ltmp51, $4  }
.Ltmp52:
0x285: {  	(pc) =	sbr.rel @p1 .LBB2_83-.Ltmp52, $4  }
0x286: {  	_ = 	snop  }
0x287: {  	_ = 	snop  }
0x288: {  	_ = 	snop  }
0x289: {  	_ = 	snop  }
.LBB2_55:
.Ltmp53:
0x28a: {  	(pc) =	sbr.rel @!p0 .LBB2_56-.Ltmp53, $1  }
0x28b: {  	_ =	sdelay $0x3  }
.LBB2_41:
0x28c: {  	s3 =	sadd.s32 $0xFFFFFF9F, s21  }
0x28d: {  	p2 =	sgt.u32 s3, $0x4F  }
.Ltmp54:
0x28e: {  	_ = 	snop;
	(pc) =	sbr.rel @p2 .LBB2_58-.Ltmp54, $2  }
0x28f: {  	_ =	sdelay $0x2  }
0x290: {  	p0 =	slt.u32 s21, $0xB1  }
.Ltmp55:
0x291: {  	(pc) =	sbr.rel .LBB2_43-.Ltmp55, $4  }
0x292: {  	_ = 	snop  }
0x293: {  	_ =	swait.ge [sflag:s31], $0x4000  }
0x294: {  	[sflag:s31] =	ssyncset.done $0x0  }
0x295: {  	[sflag:s31] =	ssyncadd.s32 $0xFFFFC000  }
.LBB2_69:
.Ltmp56:
0x296: {  	(pc) =	sbr.rel @!p1 .LBB2_71-.Ltmp56, $2  }
0x297: {  	_ =	sdelay $0x2  }
0x298: {  	p3 =	por $0x1, $0x1  }
.Ltmp57:
0x299: {  	(pc) =	sbr.rel .LBB2_83-.Ltmp57, $2  }
0x29a: {  	_ =	sdelay $0x2  }
0x29b: {  	p5 =	por $0x1, $0x1;
	p4 =	por $0x1, $0x1  }
.LBB2_58:
0x29c: {  	p2 =	sgt.s32 s21, $0x60  }
.Ltmp58:
0x29d: {  	_ = 	snop;
	(pc) =	sbr.rel @p2 .LBB2_43-.Ltmp58, $1  }
0x29e: {  	_ =	sdelay $0x3  }
.Ltmp59:
0x29f: {  	(pc) =	sbr.rel .LBB2_66-.Ltmp59, $4  }
0x2a0: {  	_ = 	snop  }
0x2a1: {  	_ =	swait.ge [sflag:s29], $0x4000  }
0x2a2: {  	[sflag:s29] =	ssyncset.done $0x0  }
0x2a3: {  	p2 =	por $0x1, $0x1;
	[sflag:s29] =	ssyncadd.s32 $0xFFFFC000  }
.LBB2_43:
0x2a4: {  	s3 =	sadd.s32 $0xFFFFFF8F, s21  }
0x2a5: {  	p2 =	sgt.u32 s3, $0x4F  }
.Ltmp60:
0x2a6: {  	_ = 	snop;
	(pc) =	sbr.rel @p2 .LBB2_65-.Ltmp60, $1  }
0x2a7: {  	_ =	sdelay $0x3  }
.Ltmp61:
0x2a8: {  	(pc) =	sbr.rel .LBB2_45-.Ltmp61, $4  }
0x2a9: {  	_ = 	snop  }
0x2aa: {  	_ =	swait.ge [sflag:s0], $0x4000  }
0x2ab: {  	[sflag:s0] =	ssyncset.done $0x0  }
0x2ac: {  	p2 =	por $0x1, $0x1;
	[sflag:s0] =	ssyncadd.s32 $0xFFFFC000  }
.LBB2_64:
.Ltmp62:
0x2ad: {  	(pc) =	sbr.rel @!p1 .LBB2_87-.Ltmp62, $3  }
0x2ae: {  	_ =	sdelay $0x1  }
0x2af: {  	p0 =	por $0x1, $0x1;
	p2 =	por $0x1, $0x1;
	p3 =	por $0x1, $0x1  }
0x2b0: {  	p5 =	por $0x1, $0x1;
	p4 =	por $0x1, $0x1;
	p6 =	por $0x1, $0x1  }
.LBB2_83:
0x2b1: {  	_ =	swait.ge [sflag:s29], $0x4000  }
0x2b2: {  	[sflag:s29] =	ssyncset.done $0x0  }
0x2b3: {  	[sflag:s29] =	ssyncadd.s32 $0xFFFFC000  }
.LBB2_84:
0x2b4: {  	s3 =	sadd.s32 $0xFFFFFF4F, s21  }
0x2b5: {  	p1 =	sgt.u32 s3, $0x4F  }
.Ltmp63:
0x2b6: {  	_ = 	snop;
	(pc) =	sbr.rel @p1 .LBB2_86-.Ltmp63, $2  }
0x2b7: {  	_ =	sdelay $0x2  }
0x2b8: {  	p6 =	slt.s32 s21, $0x101  }
.Ltmp64:
0x2b9: {  	(pc) =	sbr.rel @p0 .LBB2_87-.Ltmp64, $4  }
.Ltmp65:
0x2ba: {  	(pc) =	sbr.rel @!p0 .LBB2_88-.Ltmp65, $4  }
0x2bb: {  	_ =	swait.ge [sflag:s31], $0x4000  }
0x2bc: {  	[sflag:s31] =	ssyncset.done $0x0  }
0x2bd: {  	[sflag:s31] =	ssyncadd.s32 $0xFFFFC000  }
0x2be: {  	_ = 	snop  }
.LBB2_86:
.Ltmp66:
0x2bf: {  	(pc) =	sbr.rel @!p0 .LBB2_88-.Ltmp66, $1  }
0x2c0: {  	_ =	sdelay $0x3  }
.LBB2_87:
0x2c1: {  	_ =	swait.ge [sflag:s29], $0x4000  }
0x2c2: {  	[sflag:s29] =	ssyncset.done $0x0  }
0x2c3: {  	[sflag:s29] =	ssyncadd.s32 $0xFFFFC000  }
.LBB2_88:
0x2c4: {  	s3 =	sadd.s32 $0xFFFFFF3F, s21  }
0x2c5: {  	p1 =	sgt.u32 s3, $0x4F  }
.Ltmp67:
0x2c6: {  	_ = 	snop;
	(pc) =	sbr.rel @p1 .LBB2_90-.Ltmp67, $2  }
0x2c7: {  	_ =	sdelay $0x2  }
0x2c8: {  	p0 =	slt.s32 s21, $0x111  }
.Ltmp68:
0x2c9: {  	(pc) =	sbr.rel @p2 .LBB2_91-.Ltmp68, $4  }
.Ltmp69:
0x2ca: {  	(pc) =	sbr.rel @!p2 .LBB2_92-.Ltmp69, $4  }
0x2cb: {  	_ =	swait.ge [sflag:s0], $0x4000  }
0x2cc: {  	[sflag:s0] =	ssyncset.done $0x0  }
0x2cd: {  	[sflag:s0] =	ssyncadd.s32 $0xFFFFC000  }
0x2ce: {  	_ = 	snop  }
.LBB2_90:
.Ltmp70:
0x2cf: {  	(pc) =	sbr.rel @!p2 .LBB2_92-.Ltmp70, $1  }
0x2d0: {  	_ =	sdelay $0x3  }
.LBB2_91:
0x2d1: {  	_ =	swait.ge [sflag:s29], $0x4000  }
0x2d2: {  	[sflag:s29] =	ssyncset.done $0x0  }
0x2d3: {  	[sflag:s29] =	ssyncadd.s32 $0xFFFFC000  }
.LBB2_92:
0x2d4: {  	s3 =	sadd.s32 $0xFFFFFF2F, s21  }
0x2d5: {  	p2 =	sgt.u32 s3, $0x4F  }
.Ltmp71:
0x2d6: {  	_ = 	snop;
	(pc) =	sbr.rel @p2 .LBB2_94-.Ltmp71, $2  }
0x2d7: {  	_ =	sdelay $0x2  }
0x2d8: {  	p1 =	slt.s32 s21, $0x121  }
.Ltmp72:
0x2d9: {  	(pc) =	sbr.rel @p3 .LBB2_95-.Ltmp72, $4  }
.Ltmp73:
0x2da: {  	(pc) =	sbr.rel @!p3 .LBB2_96-.Ltmp73, $4  }
0x2db: {  	_ =	swait.ge [sflag:s8], $0x4000  }
0x2dc: {  	[sflag:s8] =	ssyncset.done $0x0  }
0x2dd: {  	[sflag:s8] =	ssyncadd.s32 $0xFFFFC000  }
0x2de: {  	_ = 	snop  }
.LBB2_94:
.Ltmp74:
0x2df: {  	(pc) =	sbr.rel @!p3 .LBB2_96-.Ltmp74, $1  }
0x2e0: {  	_ =	sdelay $0x3  }
.LBB2_95:
0x2e1: {  	_ =	swait.ge [sflag:s29], $0x4000  }
0x2e2: {  	[sflag:s29] =	ssyncset.done $0x0  }
0x2e3: {  	[sflag:s29] =	ssyncadd.s32 $0xFFFFC000  }
.LBB2_96:
0x2e4: {  	s3 =	sadd.s32 $0xFFFFFF1F, s21  }
0x2e5: {  	p2 =	sgt.u32 s3, $0x4F  }
.Ltmp75:
0x2e6: {  	_ = 	snop;
	(pc) =	sbr.rel @p2 .LBB2_98-.Ltmp75, $1  }
0x2e7: {  	_ =	sdelay $0x3  }
.Ltmp76:
0x2e8: {  	(pc) =	sbr.rel @p5 .LBB2_99-.Ltmp76, $4  }
.Ltmp77:
0x2e9: {  	(pc) =	sbr.rel @!p5 .LBB2_100-.Ltmp77, $4  }
0x2ea: {  	_ =	swait.ge [sflag:s28], $0x4000  }
0x2eb: {  	[sflag:s28] =	ssyncset.done $0x0  }
0x2ec: {  	[sflag:s28] =	ssyncadd.s32 $0xFFFFC000  }
0x2ed: {  	_ = 	snop  }
.LBB2_98:
.Ltmp78:
0x2ee: {  	(pc) =	sbr.rel @!p5 .LBB2_100-.Ltmp78, $1  }
0x2ef: {  	_ =	sdelay $0x3  }
.LBB2_99:
0x2f0: {  	_ =	swait.ge [sflag:s29], $0x4000  }
0x2f1: {  	[sflag:s29] =	ssyncset.done $0x0  }
0x2f2: {  	[sflag:s29] =	ssyncadd.s32 $0xFFFFC000  }
.LBB2_100:
0x2f3: {  	s3 =	sadd.s32 $0xFFFFFF0F, s21  }
0x2f4: {  	p2 =	sgt.u32 s3, $0x4F  }
0x2f5: {  	s3 =	simm.s32 @!p2 $0x6  }
0x2f6: {  	_ =	swait.ge @!p2 [sflag:s3], $0x4000  }
0x2f7: {  	[sflag:s3] =	ssyncset.done @!p2 $0x0  }
0x2f8: {  	[sflag:s3] =	ssyncadd.s32 @!p2 $0xFFFFC000;
	s3 =	simm.s32 @p4 $0xB  }
0x2f9: {  	s5 =	sadd.s32 $0xFFFFFEFF, s21;
	_ =	swait.ge @p4 [sflag:s3], $0x4000  }
0x2fa: {  	p2 =	sgt.u32 s5, $0x4F;
	[sflag:s3] =	ssyncset.done @p4 $0x0  }
0x2fb: {  	[sflag:s3] =	ssyncadd.s32 @p4 $0xFFFFC000;
	s3 =	simm.s32 @!p2 $0x7  }
0x2fc: {  	_ =	swait.ge @!p2 [sflag:s3], $0x4000  }
0x2fd: {  	[sflag:s3] =	ssyncset.done @!p2 $0x0  }
0x2fe: {  	[sflag:s3] =	ssyncadd.s32 @!p2 $0xFFFFC000;
	s3 =	simm.s32 @p6 $0xB  }
0x2ff: {  	s25 =	sadd.s32 $0xFFFFFEEF, s21;
	_ =	swait.ge @p6 [sflag:s3], $0x4000  }
0x300: {  	p2 =	sgt.u32 s25, $0x4F;
	[sflag:s3] =	ssyncset.done @p6 $0x0  }
0x301: {  	[sflag:s3] =	ssyncadd.s32 @p6 $0xFFFFC000;
	s3 =	simm.s32 @!p2 $0x8  }
0x302: {  	_ =	swait.ge @!p2 [sflag:s3], $0x4000  }
0x303: {  	[sflag:s3] =	ssyncset.done @!p2 $0x0  }
0x304: {  	[sflag:s3] =	ssyncadd.s32 @!p2 $0xFFFFC000;
	s3 =	simm.s32 @p0 $0xB  }
0x305: {  	s26 =	sadd.s32 $0xFFFFFEDF, s21;
	_ =	swait.ge @p0 [sflag:s3], $0x4000  }
0x306: {  	p2 =	sgt.u32 s26, $0x4F;
	[sflag:s3] =	ssyncset.done @p0 $0x0  }
0x307: {  	s30 =	sadd.s32 $0xFFFFFECF, s21;
	[sflag:s3] =	ssyncadd.s32 @p0 $0xFFFFC000;
	s3 =	simm.s32 @!p2 $0x9  }
0x308: {  	p0 =	sgt.u32 s30, $0x4F;
	_ =	swait.ge @!p2 [sflag:s3], $0x4000  }
.Ltmp79:
0x309: {  	[sflag:s3] =	ssyncset.done @!p2 $0x0;
	(pc) =	sbr.rel @p0 .LBB2_114-.Ltmp79, $4  }
0x30a: {  	[sflag:s3] =	ssyncadd.s32 @!p2 $0xFFFFC000;
	s3 =	simm.s32 @p1 $0xB  }
0x30b: {  	_ =	swait.ge @p1 [sflag:s3], $0x4000  }
0x30c: {  	[sflag:s3] =	ssyncset.done @p1 $0x0  }
0x30d: {  	[sflag:s3] =	ssyncadd.s32 @p1 $0xFFFFC000  }
.Ltmp80:
0x30e: {  	(pc) =	sbr.rel .LBB2_102-.Ltmp80, $4  }
0x30f: {  	_ = 	snop  }
0x310: {  	_ =	swait.ge [sflag:s28], $0x4000  }
0x311: {  	[sflag:s28] =	ssyncset.done $0x0  }
0x312: {  	[sflag:s28] =	ssyncadd.s32 $0xFFFFC000  }
.LBB2_114:
0x313: {  	p0 =	sgt.s32 s21, $0x130  }
.Ltmp81:
0x314: {  	_ = 	snop;
	(pc) =	sbr.rel @p0 .LBB2_102-.Ltmp81, $1  }
0x315: {  	_ =	sdelay $0x3  }
.Ltmp82:
0x316: {  	(pc) =	sbr.rel .LBB2_117-.Ltmp82, $4  }
0x317: {  	_ = 	snop  }
0x318: {  	_ =	swait.ge [sflag:s29], $0x4000  }
0x319: {  	[sflag:s29] =	ssyncset.done $0x0  }
0x31a: {  	p4 =	por $0x1, $0x1;
	[sflag:s29] =	ssyncadd.s32 $0xFFFFC000  }
.LBB2_102:
0x31b: {  	s3 =	sadd.s32 $0xFFFFFEBF, s21  }
0x31c: {  	p0 =	sgt.u32 s3, $0x4F  }
.Ltmp83:
0x31d: {  	_ = 	snop;
	(pc) =	sbr.rel @p0 .LBB2_116-.Ltmp83, $2  }
0x31e: {  	_ =	sdelay $0x2  }
0x31f: {  	p4 =	slt.u32 s21, $0x191  }
.Ltmp84:
0x320: {  	(pc) =	sbr.rel .LBB2_104-.Ltmp84, $4  }
0x321: {  	_ = 	snop  }
0x322: {  	_ =	swait.ge [sflag:s7], $0x4000  }
0x323: {  	[sflag:s7] =	ssyncset.done $0x0  }
0x324: {  	[sflag:s7] =	ssyncadd.s32 $0xFFFFC000  }
.LBB2_116:
0x325: {  	p0 =	sgt.s32 s21, $0x140  }
.Ltmp85:
0x326: {  	_ = 	snop;
	(pc) =	sbr.rel @p0 .LBB2_104-.Ltmp85, $1  }
0x327: {  	_ =	sdelay $0x3  }
.LBB2_117:
.Ltmp86:
0x328: {  	(pc) =	sbr.rel .LBB2_119-.Ltmp86, $4  }
0x329: {  	_ = 	snop  }
0x32a: {  	_ =	swait.ge [sflag:s29], $0x4000  }
0x32b: {  	[sflag:s29] =	ssyncset.done $0x0  }
0x32c: {  	p3 =	por $0x1, $0x1;
	[sflag:s29] =	ssyncadd.s32 $0xFFFFC000  }
.LBB2_104:
0x32d: {  	s3 =	sadd.s32 $0xFFFFFEAF, s21  }
0x32e: {  	p0 =	sgt.u32 s3, $0x4F  }
.Ltmp87:
0x32f: {  	_ = 	snop;
	(pc) =	sbr.rel @p0 .LBB2_118-.Ltmp87, $2  }
0x330: {  	_ =	sdelay $0x2  }
0x331: {  	p3 =	slt.u32 s21, $0x1A1  }
.Ltmp88:
0x332: {  	(pc) =	sbr.rel .LBB2_106-.Ltmp88, $4  }
0x333: {  	_ = 	snop  }
0x334: {  	_ =	swait.ge [sflag:s31], $0x4000  }
0x335: {  	[sflag:s31] =	ssyncset.done $0x0  }
0x336: {  	[sflag:s31] =	ssyncadd.s32 $0xFFFFC000  }
.LBB2_118:
0x337: {  	p0 =	sgt.s32 s21, $0x150  }
.Ltmp89:
0x338: {  	_ = 	snop;
	(pc) =	sbr.rel @p0 .LBB2_106-.Ltmp89, $1  }
0x339: {  	_ =	sdelay $0x3  }
.LBB2_119:
0x33a: {  	_ =	swait.ge [sflag:s29], $0x4000  }
0x33b: {  	[sflag:s29] =	ssyncset.done $0x0  }
0x33c: {  	p2 =	por $0x1, $0x1;
	[sflag:s29] =	ssyncadd.s32 $0xFFFFC000  }
.LBB2_121:
0x33d: {  	_ =	swait.ge [sflag:s29], $0x4000  }
0x33e: {  	[sflag:s29] =	ssyncset.done $0x0  }
0x33f: {  	p0 =	por $0x1, $0x1;
	[sflag:s29] =	ssyncadd.s32 $0xFFFFC000  }
.LBB2_123:
0x340: {  	s3 =	simm.s32 $0xB  }
0x341: {  	_ =	swait.ge [sflag:s3], $0x4000  }
.Ltmp90:
0x342: {  	[sflag:s3] =	ssyncset.done $0x0;
	(pc) =	sbr.rel @!p4 .LBB2_130-.Ltmp90, $4  }
0x343: {  	[sflag:s3] =	ssyncadd.s32 $0xFFFFC000  }
0x344: {  	_ =	swait.ge [sflag:s3], $0x4000  }
0x345: {  	[sflag:s3] =	ssyncset.done $0x0  }
0x346: {  	p1 =	por $0x1, $0x1;
	[sflag:s3] =	ssyncadd.s32 $0xFFFFC000  }
0x347: {  	p4 =	por $0x1, $0x1  }
.LBB2_127:
0x348: {  	_ =	swait.ge [sflag:s3], $0x4000  }
0x349: {  	[sflag:s3] =	ssyncset.done $0x0  }
0x34a: {  	[sflag:s3] =	ssyncadd.s32 $0xFFFFC000  }
.LBB2_128:
0x34b: {  	s3 =	sadd.s32 $0xFFFFFE5F, s21  }
0x34c: {  	p6 =	sgt.u32 s3, $0x4F  }
.Ltmp91:
0x34d: {  	_ = 	snop;
	(pc) =	sbr.rel @p6 .LBB2_135-.Ltmp91, $2  }
0x34e: {  	_ =	sdelay $0x2  }
0x34f: {  	p5 =	slt.s32 s21, $0x1F1  }
.Ltmp92:
0x350: {  	(pc) =	sbr.rel @p3 .LBB2_136-.Ltmp92, $4  }
.Ltmp93:
0x351: {  	(pc) =	sbr.rel @!p3 .LBB2_137-.Ltmp93, $4  }
0x352: {  	_ =	swait.ge [sflag:s31], $0x4000  }
0x353: {  	[sflag:s31] =	ssyncset.done $0x0  }
0x354: {  	[sflag:s31] =	ssyncadd.s32 $0xFFFFC000  }
0x355: {  	_ = 	snop  }
.LBB2_106:
0x356: {  	s3 =	sadd.s32 $0xFFFFFE9F, s21  }
0x357: {  	p0 =	sgt.u32 s3, $0x4F  }
.Ltmp94:
0x358: {  	_ = 	snop;
	(pc) =	sbr.rel @p0 .LBB2_120-.Ltmp94, $2  }
0x359: {  	_ =	sdelay $0x2  }
0x35a: {  	p2 =	slt.u32 s21, $0x1B1  }
.Ltmp95:
0x35b: {  	(pc) =	sbr.rel .LBB2_108-.Ltmp95, $4  }
0x35c: {  	_ = 	snop  }
0x35d: {  	_ =	swait.ge [sflag:s0], $0x4000  }
0x35e: {  	[sflag:s0] =	ssyncset.done $0x0  }
0x35f: {  	[sflag:s0] =	ssyncadd.s32 $0xFFFFC000  }
.LBB2_130:
.Ltmp96:
0x360: {  	(pc) =	sbr.rel @!p3 .LBB2_132-.Ltmp96, $2  }
0x361: {  	_ =	sdelay $0x2  }
0x362: {  	p1 =	por $0x1, $0x1  }
.Ltmp97:
0x363: {  	(pc) =	sbr.rel .LBB2_136-.Ltmp97, $2  }
0x364: {  	_ =	sdelay $0x2  }
0x365: {  	p4 =	por $0x1, $0x1;
	p5 =	por $0x1, $0x1  }
.LBB2_135:
.Ltmp98:
0x366: {  	(pc) =	sbr.rel @!p3 .LBB2_137-.Ltmp98, $1  }
0x367: {  	_ =	sdelay $0x3  }
.LBB2_136:
0x368: {  	_ =	swait.ge [sflag:s29], $0x4000  }
0x369: {  	[sflag:s29] =	ssyncset.done $0x0  }
0x36a: {  	[sflag:s29] =	ssyncadd.s32 $0xFFFFC000  }
.LBB2_137:
0x36b: {  	s3 =	sadd.s32 $0xFFFFFE4F, s21  }
0x36c: {  	p6 =	sgt.u32 s3, $0x4F  }
.Ltmp99:
0x36d: {  	_ = 	snop;
	(pc) =	sbr.rel @p6 .LBB2_139-.Ltmp99, $2  }
0x36e: {  	_ =	sdelay $0x2  }
0x36f: {  	p3 =	slt.s32 s21, $0x201  }
.Ltmp100:
0x370: {  	(pc) =	sbr.rel @p2 .LBB2_140-.Ltmp100, $4  }
.Ltmp101:
0x371: {  	(pc) =	sbr.rel @!p2 .LBB2_141-.Ltmp101, $4  }
0x372: {  	_ =	swait.ge [sflag:s0], $0x4000  }
0x373: {  	[sflag:s0] =	ssyncset.done $0x0  }
0x374: {  	[sflag:s0] =	ssyncadd.s32 $0xFFFFC000  }
0x375: {  	_ = 	snop  }
.LBB2_139:
.Ltmp102:
0x376: {  	(pc) =	sbr.rel @!p2 .LBB2_141-.Ltmp102, $4  }
.Ltmp103:
0x377: {  	(pc) =	sbr.rel @p2 .LBB2_140-.Ltmp103, $4  }
0x378: {  	_ = 	snop  }
0x379: {  	_ = 	snop  }
0x37a: {  	_ = 	snop  }
0x37b: {  	_ = 	snop  }
.LBB2_120:
0x37c: {  	p0 =	sgt.s32 s21, $0x160  }
.Ltmp104:
0x37d: {  	_ = 	snop;
	(pc) =	sbr.rel @!p0 .LBB2_121-.Ltmp104, $1  }
0x37e: {  	_ =	sdelay $0x3  }
.LBB2_108:
0x37f: {  	s3 =	sadd.s32 $0xFFFFFE8F, s21  }
0x380: {  	p1 =	sgt.u32 s3, $0x4F  }
.Ltmp105:
0x381: {  	_ = 	snop;
	(pc) =	sbr.rel @p1 .LBB2_122-.Ltmp105, $2  }
0x382: {  	_ =	sdelay $0x2  }
0x383: {  	p0 =	slt.u32 s21, $0x1C1  }
.Ltmp106:
0x384: {  	(pc) =	sbr.rel .LBB2_110-.Ltmp106, $4  }
0x385: {  	_ = 	snop  }
0x386: {  	_ =	swait.ge [sflag:s8], $0x4000  }
0x387: {  	[sflag:s8] =	ssyncset.done $0x0  }
0x388: {  	[sflag:s8] =	ssyncadd.s32 $0xFFFFC000  }
.LBB2_132:
.Ltmp107:
0x389: {  	(pc) =	sbr.rel @!p2 .LBB2_134-.Ltmp107, $2  }
0x38a: {  	_ =	sdelay $0x2  }
0x38b: {  	p1 =	por $0x1, $0x1  }
0x38c: {  	p4 =	por $0x1, $0x1;
	p5 =	por $0x1, $0x1;
	p3 =	por $0x1, $0x1  }
.LBB2_140:
0x38d: {  	_ =	swait.ge [sflag:s29], $0x4000  }
0x38e: {  	[sflag:s29] =	ssyncset.done $0x0  }
0x38f: {  	[sflag:s29] =	ssyncadd.s32 $0xFFFFC000  }
.LBB2_141:
0x390: {  	s3 =	sadd.s32 $0xFFFFFE3F, s21  }
0x391: {  	p6 =	sgt.u32 s3, $0x4F  }
.Ltmp108:
0x392: {  	_ = 	snop;
	(pc) =	sbr.rel @p6 .LBB2_143-.Ltmp108, $2  }
0x393: {  	_ =	sdelay $0x2  }
0x394: {  	p2 =	slt.s32 s21, $0x211  }
.Ltmp109:
0x395: {  	(pc) =	sbr.rel @p0 .LBB2_144-.Ltmp109, $4  }
.Ltmp110:
0x396: {  	(pc) =	sbr.rel @!p0 .LBB2_145-.Ltmp110, $4  }
0x397: {  	_ =	swait.ge [sflag:s8], $0x4000  }
0x398: {  	[sflag:s8] =	ssyncset.done $0x0  }
0x399: {  	[sflag:s8] =	ssyncadd.s32 $0xFFFFC000  }
0x39a: {  	_ = 	snop  }
.LBB2_143:
.Ltmp111:
0x39b: {  	(pc) =	sbr.rel @!p0 .LBB2_145-.Ltmp111, $1  }
0x39c: {  	_ =	sdelay $0x3  }
.LBB2_144:
0x39d: {  	_ =	swait.ge [sflag:s29], $0x4000  }
0x39e: {  	[sflag:s29] =	ssyncset.done $0x0  }
0x39f: {  	[sflag:s29] =	ssyncadd.s32 $0xFFFFC000  }
.LBB2_145:
0x3a0: {  	s3 =	sadd.s32 $0xFFFFFE2F, s21  }
0x3a1: {  	p0 =	sgt.u32 s3, $0x4F  }
.Ltmp112:
0x3a2: {  	_ = 	snop;
	(pc) =	sbr.rel @p0 .LBB2_147-.Ltmp112, $2  }
0x3a3: {  	_ =	sdelay $0x2  }
0x3a4: {  	p6 =	slt.s32 s21, $0x221  }
.Ltmp113:
0x3a5: {  	(pc) =	sbr.rel @p1 .LBB2_148-.Ltmp113, $4  }
.Ltmp114:
0x3a6: {  	(pc) =	sbr.rel @!p1 .LBB2_149-.Ltmp114, $4  }
0x3a7: {  	_ =	swait.ge [sflag:s28], $0x4000  }
0x3a8: {  	[sflag:s28] =	ssyncset.done $0x0  }
0x3a9: {  	[sflag:s28] =	ssyncadd.s32 $0xFFFFC000  }
0x3aa: {  	_ = 	snop  }
.LBB2_147:
.Ltmp115:
0x3ab: {  	(pc) =	sbr.rel @!p1 .LBB2_149-.Ltmp115, $1  }
0x3ac: {  	_ =	sdelay $0x3  }
.LBB2_148:
0x3ad: {  	_ =	swait.ge [sflag:s29], $0x4000  }
0x3ae: {  	[sflag:s29] =	ssyncset.done $0x0  }
0x3af: {  	[sflag:s29] =	ssyncadd.s32 $0xFFFFC000  }
.LBB2_149:
0x3b0: {  	s3 =	sadd.s32 $0xFFFFFE1F, s21  }
0x3b1: {  	p0 =	sgt.u32 s3, $0x4F  }
.Ltmp116:
0x3b2: {  	_ = 	snop;
	(pc) =	sbr.rel @p0 .LBB2_151-.Ltmp116, $1  }
0x3b3: {  	_ =	sdelay $0x3  }
.Ltmp117:
0x3b4: {  	(pc) =	sbr.rel @p4 .LBB2_152-.Ltmp117, $4  }
.Ltmp118:
0x3b5: {  	(pc) =	sbr.rel @!p4 .LBB2_153-.Ltmp118, $4  }
0x3b6: {  	_ =	swait.ge [sflag:s7], $0x4000  }
0x3b7: {  	[sflag:s7] =	ssyncset.done $0x0  }
0x3b8: {  	[sflag:s7] =	ssyncadd.s32 $0xFFFFC000  }
0x3b9: {  	_ = 	snop  }
.LBB2_151:
.Ltmp119:
0x3ba: {  	(pc) =	sbr.rel @!p4 .LBB2_153-.Ltmp119, $1  }
0x3bb: {  	_ =	sdelay $0x3  }
.LBB2_152:
0x3bc: {  	_ =	swait.ge [sflag:s29], $0x4000  }
0x3bd: {  	[sflag:s29] =	ssyncset.done $0x0  }
0x3be: {  	[sflag:s29] =	ssyncadd.s32 $0xFFFFC000  }
.LBB2_153:
0x3bf: {  	s3 =	sadd.s32 $0xFFFFFE0F, s21  }
0x3c0: {  	p0 =	sgt.u32 s3, $0x4F  }
.Ltmp120:
0x3c1: {  	_ = 	snop;
	(pc) =	sbr.rel @p0 .LBB2_155-.Ltmp120, $1  }
0x3c2: {  	_ =	sdelay $0x3  }
.Ltmp121:
0x3c3: {  	(pc) =	sbr.rel @p5 .LBB2_156-.Ltmp121, $4  }
.Ltmp122:
0x3c4: {  	(pc) =	sbr.rel @!p5 .LBB2_157-.Ltmp122, $4  }
0x3c5: {  	_ =	swait.ge [sflag:s31], $0x4000  }
0x3c6: {  	[sflag:s31] =	ssyncset.done $0x0  }
0x3c7: {  	[sflag:s31] =	ssyncadd.s32 $0xFFFFC000  }
0x3c8: {  	_ = 	snop  }
.LBB2_155:
.Ltmp123:
0x3c9: {  	(pc) =	sbr.rel @!p5 .LBB2_157-.Ltmp123, $1  }
0x3ca: {  	_ =	sdelay $0x3  }
.LBB2_156:
0x3cb: {  	_ =	swait.ge [sflag:s29], $0x4000  }
0x3cc: {  	[sflag:s29] =	ssyncset.done $0x0  }
0x3cd: {  	[sflag:s29] =	ssyncadd.s32 $0xFFFFC000  }
.LBB2_157:
0x3ce: {  	s3 =	sadd.s32 $0xFFFFFDFF, s21  }
0x3cf: {  	p0 =	sgt.u32 s3, $0x4F  }
0x3d0: {  	s3 =	simm.s32 @!p0 $0x8  }
0x3d1: {  	_ =	swait.ge @!p0 [sflag:s3], $0x4000  }
0x3d2: {  	[sflag:s3] =	ssyncset.done @!p0 $0x0  }
0x3d3: {  	[sflag:s3] =	ssyncadd.s32 @!p0 $0xFFFFC000;
	s3 =	simm.s32 @p3 $0xB  }
0x3d4: {  	s5 =	sadd.s32 $0xFFFFFDEF, s21;
	_ =	swait.ge @p3 [sflag:s3], $0x4000  }
0x3d5: {  	p0 =	sgt.u32 s5, $0x4F;
	[sflag:s3] =	ssyncset.done @p3 $0x0  }
0x3d6: {  	[sflag:s3] =	ssyncadd.s32 @p3 $0xFFFFC000;
	s3 =	simm.s32 @!p0 $0x9  }
0x3d7: {  	_ =	swait.ge @!p0 [sflag:s3], $0x4000  }
0x3d8: {  	[sflag:s3] =	ssyncset.done @!p0 $0x0  }
0x3d9: {  	[sflag:s3] =	ssyncadd.s32 @!p0 $0xFFFFC000;
	s3 =	simm.s32 @p2 $0xB  }
0x3da: {  	s25 =	sadd.s32 $0xFFFFFDDF, s21;
	_ =	swait.ge @p2 [sflag:s3], $0x4000  }
0x3db: {  	p0 =	sgt.u32 s25, $0x4F;
	[sflag:s3] =	ssyncset.done @p2 $0x0  }
0x3dc: {  	[sflag:s3] =	ssyncadd.s32 @p2 $0xFFFFC000;
	s3 =	simm.s32 @!p0 $0xA  }
0x3dd: {  	_ =	swait.ge @!p0 [sflag:s3], $0x4000  }
0x3de: {  	[sflag:s3] =	ssyncset.done @!p0 $0x0  }
0x3df: {  	[sflag:s3] =	ssyncadd.s32 @!p0 $0xFFFFC000;
	s3 =	simm.s32 @p6 $0xB  }
0x3e0: {  	s26 =	sadd.s32 $0xFFFFFDCF, s21;
	_ =	swait.ge @p6 [sflag:s3], $0x4000  }
0x3e1: {  	p0 =	sgt.u32 s26, $0x4F;
	[sflag:s3] =	ssyncset.done @p6 $0x0  }
0x3e2: {  	[sflag:s3] =	ssyncadd.s32 @p6 $0xFFFFC000;
	s3 =	simm.s32 @!p0 $0x6  }
0x3e3: {  	_ =	swait.ge @!p0 [sflag:s3], $0x4000  }
0x3e4: {  	s30 =	sadd.s32 $0xFFFFFDBF, s21;
	[sflag:s3] =	ssyncset.done @!p0 $0x0  }
0x3e5: {  	[sflag:s3] =	ssyncadd.s32 @!p0 $0xFFFFC000;
	p0 =	sgt.u32 s30, $0x4F  }
.Ltmp124:
0x3e6: {  	p1 =	sgt.s32 s21, $0x230;
	(pc) =	sbr.rel @p0 .LBB2_173-.Ltmp124, $4  }
0x3e7: {  	s3 =	simm.s32 @!p1 $0xB  }
0x3e8: {  	_ =	swait.ge @!p1 [sflag:s3], $0x4000  }
0x3e9: {  	[sflag:s3] =	ssyncset.done @!p1 $0x0  }
0x3ea: {  	[sflag:s3] =	ssyncadd.s32 @!p1 $0xFFFFC000  }
.Ltmp125:
0x3eb: {  	(pc) =	sbr.rel .LBB2_159-.Ltmp125, $4  }
0x3ec: {  	_ = 	snop  }
0x3ed: {  	_ =	swait.ge [sflag:s31], $0x4000  }
0x3ee: {  	[sflag:s31] =	ssyncset.done $0x0  }
0x3ef: {  	[sflag:s31] =	ssyncadd.s32 $0xFFFFC000  }
.LBB2_173:
0x3f0: {  	p0 =	sgt.s32 s21, $0x240  }
.Ltmp126:
0x3f1: {  	_ = 	snop;
	(pc) =	sbr.rel @p0 .LBB2_159-.Ltmp126, $1  }
0x3f2: {  	_ =	sdelay $0x3  }
.Ltmp127:
0x3f3: {  	(pc) =	sbr.rel .LBB2_176-.Ltmp127, $4  }
0x3f4: {  	_ = 	snop  }
0x3f5: {  	_ =	swait.ge [sflag:s29], $0x4000  }
0x3f6: {  	[sflag:s29] =	ssyncset.done $0x0  }
0x3f7: {  	[sflag:s29] =	ssyncadd.s32 $0xFFFFC000  }
.LBB2_159:
0x3f8: {  	s3 =	sadd.s32 $0xFFFFFDAF, s21  }
0x3f9: {  	p0 =	sgt.u32 s3, $0x4F  }
.Ltmp128:
0x3fa: {  	_ = 	snop;
	(pc) =	sbr.rel @p0 .LBB2_175-.Ltmp128, $1  }
0x3fb: {  	_ =	sdelay $0x3  }
.Ltmp129:
0x3fc: {  	(pc) =	sbr.rel .LBB2_161-.Ltmp129, $4  }
0x3fd: {  	_ = 	snop  }
0x3fe: {  	_ =	swait.ge [sflag:s0], $0x4000  }
0x3ff: {  	[sflag:s0] =	ssyncset.done $0x0  }
0x400: {  	[sflag:s0] =	ssyncadd.s32 $0xFFFFC000  }
.LBB2_175:
0x401: {  	p0 =	sgt.s32 s21, $0x250  }
.Ltmp130:
0x402: {  	_ = 	snop;
	(pc) =	sbr.rel @p0 .LBB2_161-.Ltmp130, $1  }
0x403: {  	_ =	sdelay $0x3  }
.LBB2_176:
.Ltmp131:
0x404: {  	(pc) =	sbr.rel .LBB2_178-.Ltmp131, $4  }
0x405: {  	_ = 	snop  }
0x406: {  	_ =	swait.ge [sflag:s29], $0x4000  }
0x407: {  	[sflag:s29] =	ssyncset.done $0x0  }
0x408: {  	p4 =	por $0x1, $0x1;
	[sflag:s29] =	ssyncadd.s32 $0xFFFFC000  }
.LBB2_161:
0x409: {  	s3 =	sadd.s32 $0xFFFFFD9F, s21  }
0x40a: {  	p0 =	sgt.u32 s3, $0x4F  }
.Ltmp132:
0x40b: {  	_ = 	snop;
	(pc) =	sbr.rel @p0 .LBB2_177-.Ltmp132, $2  }
0x40c: {  	_ =	sdelay $0x2  }
0x40d: {  	p4 =	slt.u32 s21, $0x2B1  }
.Ltmp133:
0x40e: {  	(pc) =	sbr.rel .LBB2_163-.Ltmp133, $4  }
0x40f: {  	_ = 	snop  }
0x410: {  	_ =	swait.ge [sflag:s8], $0x4000  }
0x411: {  	[sflag:s8] =	ssyncset.done $0x0  }
0x412: {  	[sflag:s8] =	ssyncadd.s32 $0xFFFFC000  }
.LBB2_177:
0x413: {  	p0 =	sgt.s32 s21, $0x260  }
.Ltmp134:
0x414: {  	_ = 	snop;
	(pc) =	sbr.rel @p0 .LBB2_163-.Ltmp134, $1  }
0x415: {  	_ =	sdelay $0x3  }
.LBB2_178:
0x416: {  	_ =	swait.ge [sflag:s29], $0x4000  }
0x417: {  	[sflag:s29] =	ssyncset.done $0x0  }
0x418: {  	p3 =	por $0x1, $0x1;
	[sflag:s29] =	ssyncadd.s32 $0xFFFFC000  }
.LBB2_180:
0x419: {  	_ =	swait.ge [sflag:s29], $0x4000  }
0x41a: {  	[sflag:s29] =	ssyncset.done $0x0  }
0x41b: {  	p2 =	por $0x1, $0x1;
	[sflag:s29] =	ssyncadd.s32 $0xFFFFC000  }
.LBB2_182:
0x41c: {  	_ =	swait.ge [sflag:s29], $0x4000  }
0x41d: {  	[sflag:s29] =	ssyncset.done $0x0  }
0x41e: {  	p0 =	por $0x1, $0x1;
	[sflag:s29] =	ssyncadd.s32 $0xFFFFC000  }
.LBB2_184:
0x41f: {  	s3 =	simm.s32 $0xB  }
0x420: {  	_ =	swait.ge [sflag:s3], $0x4000  }
.Ltmp135:
0x421: {  	[sflag:s3] =	ssyncset.done $0x0;
	(pc) =	sbr.rel @!p4 .LBB2_191-.Ltmp135, $4  }
0x422: {  	[sflag:s3] =	ssyncadd.s32 $0xFFFFC000  }
0x423: {  	_ =	swait.ge [sflag:s3], $0x4000  }
0x424: {  	[sflag:s3] =	ssyncset.done $0x0  }
0x425: {  	p1 =	por $0x1, $0x1;
	[sflag:s3] =	ssyncadd.s32 $0xFFFFC000  }
0x426: {  	p4 =	por $0x1, $0x1  }
.LBB2_188:
0x427: {  	_ =	swait.ge [sflag:s3], $0x4000  }
0x428: {  	[sflag:s3] =	ssyncset.done $0x0  }
0x429: {  	[sflag:s3] =	ssyncadd.s32 $0xFFFFC000  }
.LBB2_189:
0x42a: {  	s3 =	sadd.s32 $0xFFFFFD3F, s21  }
0x42b: {  	p6 =	sgt.u32 s3, $0x4F  }
.Ltmp136:
0x42c: {  	_ = 	snop;
	(pc) =	sbr.rel @p6 .LBB2_196-.Ltmp136, $2  }
0x42d: {  	_ =	sdelay $0x2  }
0x42e: {  	p5 =	slt.s32 s21, $0x311  }
.Ltmp137:
0x42f: {  	(pc) =	sbr.rel @p3 .LBB2_197-.Ltmp137, $4  }
.Ltmp138:
0x430: {  	(pc) =	sbr.rel @!p3 .LBB2_198-.Ltmp138, $4  }
0x431: {  	_ =	swait.ge [sflag:s28], $0x4000  }
0x432: {  	[sflag:s28] =	ssyncset.done $0x0  }
0x433: {  	[sflag:s28] =	ssyncadd.s32 $0xFFFFC000  }
0x434: {  	_ = 	snop  }
.LBB2_163:
0x435: {  	s3 =	sadd.s32 $0xFFFFFD8F, s21  }
0x436: {  	p0 =	sgt.u32 s3, $0x4F  }
.Ltmp139:
0x437: {  	_ = 	snop;
	(pc) =	sbr.rel @p0 .LBB2_179-.Ltmp139, $2  }
0x438: {  	_ =	sdelay $0x2  }
0x439: {  	p3 =	slt.u32 s21, $0x2C1  }
.Ltmp140:
0x43a: {  	(pc) =	sbr.rel .LBB2_165-.Ltmp140, $4  }
0x43b: {  	_ = 	snop  }
0x43c: {  	_ =	swait.ge [sflag:s28], $0x4000  }
0x43d: {  	[sflag:s28] =	ssyncset.done $0x0  }
0x43e: {  	[sflag:s28] =	ssyncadd.s32 $0xFFFFC000  }
.LBB2_191:
.Ltmp141:
0x43f: {  	(pc) =	sbr.rel @!p3 .LBB2_193-.Ltmp141, $2  }
0x440: {  	_ =	sdelay $0x2  }
0x441: {  	p1 =	por $0x1, $0x1  }
.Ltmp142:
0x442: {  	(pc) =	sbr.rel .LBB2_197-.Ltmp142, $2  }
0x443: {  	_ =	sdelay $0x2  }
0x444: {  	p4 =	por $0x1, $0x1;
	p5 =	por $0x1, $0x1  }
.LBB2_196:
.Ltmp143:
0x445: {  	(pc) =	sbr.rel @!p3 .LBB2_198-.Ltmp143, $1  }
0x446: {  	_ =	sdelay $0x3  }
.LBB2_197:
0x447: {  	_ =	swait.ge [sflag:s29], $0x4000  }
0x448: {  	[sflag:s29] =	ssyncset.done $0x0  }
0x449: {  	[sflag:s29] =	ssyncadd.s32 $0xFFFFC000  }
.LBB2_198:
0x44a: {  	s3 =	sadd.s32 $0xFFFFFD2F, s21  }
0x44b: {  	p6 =	sgt.u32 s3, $0x4F  }
.Ltmp144:
0x44c: {  	_ = 	snop;
	(pc) =	sbr.rel @p6 .LBB2_200-.Ltmp144, $2  }
0x44d: {  	_ =	sdelay $0x2  }
0x44e: {  	p3 =	slt.s32 s21, $0x321  }
.Ltmp145:
0x44f: {  	(pc) =	sbr.rel @p2 .LBB2_201-.Ltmp145, $4  }
.Ltmp146:
0x450: {  	(pc) =	sbr.rel @!p2 .LBB2_202-.Ltmp146, $4  }
0x451: {  	_ =	swait.ge [sflag:s7], $0x4000  }
0x452: {  	[sflag:s7] =	ssyncset.done $0x0  }
0x453: {  	[sflag:s7] =	ssyncadd.s32 $0xFFFFC000  }
0x454: {  	_ = 	snop  }
.LBB2_200:
.Ltmp147:
0x455: {  	(pc) =	sbr.rel @!p2 .LBB2_202-.Ltmp147, $4  }
.Ltmp148:
0x456: {  	(pc) =	sbr.rel @p2 .LBB2_201-.Ltmp148, $4  }
0x457: {  	_ = 	snop  }
0x458: {  	_ = 	snop  }
0x459: {  	_ = 	snop  }
0x45a: {  	_ = 	snop  }
.LBB2_179:
0x45b: {  	p0 =	sgt.s32 s21, $0x270  }
.Ltmp149:
0x45c: {  	_ = 	snop;
	(pc) =	sbr.rel @!p0 .LBB2_180-.Ltmp149, $1  }
0x45d: {  	_ =	sdelay $0x3  }
.LBB2_165:
0x45e: {  	s3 =	sadd.s32 $0xFFFFFD7F, s21  }
0x45f: {  	p0 =	sgt.u32 s3, $0x4F  }
.Ltmp150:
0x460: {  	_ = 	snop;
	(pc) =	sbr.rel @p0 .LBB2_181-.Ltmp150, $2  }
0x461: {  	_ =	sdelay $0x2  }
0x462: {  	p2 =	slt.u32 s21, $0x2D1  }
.Ltmp151:
0x463: {  	(pc) =	sbr.rel .LBB2_167-.Ltmp151, $4  }
0x464: {  	_ = 	snop  }
0x465: {  	_ =	swait.ge [sflag:s7], $0x4000  }
0x466: {  	[sflag:s7] =	ssyncset.done $0x0  }
0x467: {  	[sflag:s7] =	ssyncadd.s32 $0xFFFFC000  }
.LBB2_193:
.Ltmp152:
0x468: {  	(pc) =	sbr.rel @!p2 .LBB2_195-.Ltmp152, $2  }
0x469: {  	_ =	sdelay $0x2  }
0x46a: {  	p1 =	por $0x1, $0x1  }
0x46b: {  	p4 =	por $0x1, $0x1;
	p5 =	por $0x1, $0x1;
	p3 =	por $0x1, $0x1  }
.LBB2_201:
0x46c: {  	_ =	swait.ge [sflag:s29], $0x4000  }
0x46d: {  	[sflag:s29] =	ssyncset.done $0x0  }
0x46e: {  	[sflag:s29] =	ssyncadd.s32 $0xFFFFC000  }
.LBB2_202:
0x46f: {  	s3 =	sadd.s32 $0xFFFFFD1F, s21  }
0x470: {  	p6 =	sgt.u32 s3, $0x4F  }
.Ltmp153:
0x471: {  	_ = 	snop;
	(pc) =	sbr.rel @p6 .LBB2_204-.Ltmp153, $2  }
0x472: {  	_ =	sdelay $0x2  }
0x473: {  	p2 =	slt.s32 s21, $0x331  }
.Ltmp154:
0x474: {  	(pc) =	sbr.rel @p0 .LBB2_205-.Ltmp154, $4  }
.Ltmp155:
0x475: {  	(pc) =	sbr.rel @!p0 .LBB2_206-.Ltmp155, $4  }
0x476: {  	_ =	swait.ge [sflag:s31], $0x4000  }
0x477: {  	[sflag:s31] =	ssyncset.done $0x0  }
0x478: {  	[sflag:s31] =	ssyncadd.s32 $0xFFFFC000  }
0x479: {  	_ = 	snop  }
.LBB2_204:
.Ltmp156:
0x47a: {  	(pc) =	sbr.rel @!p0 .LBB2_206-.Ltmp156, $1  }
0x47b: {  	_ =	sdelay $0x3  }
.LBB2_205:
0x47c: {  	_ =	swait.ge [sflag:s29], $0x4000  }
0x47d: {  	[sflag:s29] =	ssyncset.done $0x0  }
0x47e: {  	[sflag:s29] =	ssyncadd.s32 $0xFFFFC000  }
.LBB2_206:
0x47f: {  	s3 =	sadd.s32 $0xFFFFFD0F, s21  }
0x480: {  	p0 =	sgt.u32 s3, $0x4F  }
.Ltmp157:
0x481: {  	_ = 	snop;
	(pc) =	sbr.rel @p0 .LBB2_208-.Ltmp157, $2  }
0x482: {  	_ =	sdelay $0x2  }
0x483: {  	p6 =	slt.s32 s21, $0x341  }
.Ltmp158:
0x484: {  	(pc) =	sbr.rel @p1 .LBB2_209-.Ltmp158, $4  }
.Ltmp159:
0x485: {  	(pc) =	sbr.rel @!p1 .LBB2_210-.Ltmp159, $4  }
0x486: {  	_ =	swait.ge [sflag:s0], $0x4000  }
0x487: {  	[sflag:s0] =	ssyncset.done $0x0  }
0x488: {  	[sflag:s0] =	ssyncadd.s32 $0xFFFFC000  }
0x489: {  	_ = 	snop  }
.LBB2_208:
.Ltmp160:
0x48a: {  	(pc) =	sbr.rel @!p1 .LBB2_210-.Ltmp160, $1  }
0x48b: {  	_ =	sdelay $0x3  }
.LBB2_209:
0x48c: {  	_ =	swait.ge [sflag:s29], $0x4000  }
0x48d: {  	[sflag:s29] =	ssyncset.done $0x0  }
0x48e: {  	[sflag:s29] =	ssyncadd.s32 $0xFFFFC000  }
.LBB2_210:
0x48f: {  	s3 =	sadd.s32 $0xFFFFFCFF, s21  }
0x490: {  	p0 =	sgt.u32 s3, $0x4F  }
.Ltmp161:
0x491: {  	_ = 	snop;
	(pc) =	sbr.rel @p0 .LBB2_212-.Ltmp161, $1  }
0x492: {  	_ =	sdelay $0x3  }
.Ltmp162:
0x493: {  	(pc) =	sbr.rel @p4 .LBB2_213-.Ltmp162, $4  }
.Ltmp163:
0x494: {  	(pc) =	sbr.rel @!p4 .LBB2_214-.Ltmp163, $4  }
0x495: {  	_ =	swait.ge [sflag:s8], $0x4000  }
0x496: {  	[sflag:s8] =	ssyncset.done $0x0  }
0x497: {  	[sflag:s8] =	ssyncadd.s32 $0xFFFFC000  }
0x498: {  	_ = 	snop  }
.LBB2_212:
.Ltmp164:
0x499: {  	(pc) =	sbr.rel @!p4 .LBB2_214-.Ltmp164, $1  }
0x49a: {  	_ =	sdelay $0x3  }
.LBB2_213:
0x49b: {  	_ =	swait.ge [sflag:s29], $0x4000  }
0x49c: {  	[sflag:s29] =	ssyncset.done $0x0  }
0x49d: {  	[sflag:s29] =	ssyncadd.s32 $0xFFFFC000  }
.LBB2_214:
0x49e: {  	s3 =	sadd.s32 $0xFFFFFCEF, s21  }
0x49f: {  	p0 =	sgt.u32 s3, $0x4F  }
.Ltmp165:
0x4a0: {  	_ = 	snop;
	(pc) =	sbr.rel @p0 .LBB2_216-.Ltmp165, $1  }
0x4a1: {  	_ =	sdelay $0x3  }
.Ltmp166:
0x4a2: {  	(pc) =	sbr.rel @p5 .LBB2_217-.Ltmp166, $4  }
.Ltmp167:
0x4a3: {  	(pc) =	sbr.rel @!p5 .LBB2_218-.Ltmp167, $4  }
0x4a4: {  	_ =	swait.ge [sflag:s28], $0x4000  }
0x4a5: {  	[sflag:s28] =	ssyncset.done $0x0  }
0x4a6: {  	[sflag:s28] =	ssyncadd.s32 $0xFFFFC000  }
0x4a7: {  	_ = 	snop  }
.LBB2_216:
.Ltmp168:
0x4a8: {  	(pc) =	sbr.rel @!p5 .LBB2_218-.Ltmp168, $1  }
0x4a9: {  	_ =	sdelay $0x3  }
.LBB2_217:
0x4aa: {  	_ =	swait.ge [sflag:s29], $0x4000  }
0x4ab: {  	[sflag:s29] =	ssyncset.done $0x0  }
0x4ac: {  	[sflag:s29] =	ssyncadd.s32 $0xFFFFC000  }
.LBB2_218:
0x4ad: {  	s3 =	sadd.s32 $0xFFFFFCDF, s21  }
0x4ae: {  	p0 =	sgt.u32 s3, $0x4F  }
0x4af: {  	s3 =	simm.s32 @!p0 $0x6  }
0x4b0: {  	_ =	swait.ge @!p0 [sflag:s3], $0x4000  }
0x4b1: {  	[sflag:s3] =	ssyncset.done @!p0 $0x0  }
0x4b2: {  	[sflag:s3] =	ssyncadd.s32 @!p0 $0xFFFFC000;
	s3 =	simm.s32 @p3 $0xB  }
0x4b3: {  	s5 =	sadd.s32 $0xFFFFFCCF, s21;
	_ =	swait.ge @p3 [sflag:s3], $0x4000  }
0x4b4: {  	p0 =	sgt.u32 s5, $0x4F;
	[sflag:s3] =	ssyncset.done @p3 $0x0  }
0x4b5: {  	[sflag:s3] =	ssyncadd.s32 @p3 $0xFFFFC000;
	s3 =	simm.s32 @!p0 $0x7  }
0x4b6: {  	_ =	swait.ge @!p0 [sflag:s3], $0x4000  }
0x4b7: {  	[sflag:s3] =	ssyncset.done @!p0 $0x0  }
0x4b8: {  	[sflag:s3] =	ssyncadd.s32 @!p0 $0xFFFFC000;
	s3 =	simm.s32 @p2 $0xB  }
0x4b9: {  	s25 =	sadd.s32 $0xFFFFFCBF, s21;
	_ =	swait.ge @p2 [sflag:s3], $0x4000  }
0x4ba: {  	p0 =	sgt.u32 s25, $0x4F;
	[sflag:s3] =	ssyncset.done @p2 $0x0  }
0x4bb: {  	[sflag:s3] =	ssyncadd.s32 @p2 $0xFFFFC000;
	s3 =	simm.s32 @!p0 $0x8  }
0x4bc: {  	_ =	swait.ge @!p0 [sflag:s3], $0x4000  }
0x4bd: {  	[sflag:s3] =	ssyncset.done @!p0 $0x0  }
0x4be: {  	[sflag:s3] =	ssyncadd.s32 @!p0 $0xFFFFC000;
	s3 =	simm.s32 @p6 $0xB  }
0x4bf: {  	s26 =	sadd.s32 $0xFFFFFCAF, s21;
	_ =	swait.ge @p6 [sflag:s3], $0x4000  }
0x4c0: {  	p0 =	sgt.u32 s26, $0x4F;
	[sflag:s3] =	ssyncset.done @p6 $0x0  }
0x4c1: {  	[sflag:s3] =	ssyncadd.s32 @p6 $0xFFFFC000;
	s3 =	simm.s32 @!p0 $0x9  }
0x4c2: {  	_ =	swait.ge @!p0 [sflag:s3], $0x4000  }
0x4c3: {  	s30 =	sadd.s32 $0xFFFFFC9F, s21;
	[sflag:s3] =	ssyncset.done @!p0 $0x0  }
0x4c4: {  	[sflag:s3] =	ssyncadd.s32 @!p0 $0xFFFFC000;
	p0 =	sgt.u32 s30, $0x4F  }
.Ltmp169:
0x4c5: {  	p1 =	sgt.s32 s21, $0x350;
	(pc) =	sbr.rel @p0 .LBB2_231-.Ltmp169, $4  }
0x4c6: {  	s3 =	simm.s32 @!p1 $0xB  }
0x4c7: {  	_ =	swait.ge @!p1 [sflag:s3], $0x4000  }
0x4c8: {  	[sflag:s3] =	ssyncset.done @!p1 $0x0  }
0x4c9: {  	[sflag:s3] =	ssyncadd.s32 @!p1 $0xFFFFC000  }
.Ltmp170:
0x4ca: {  	(pc) =	sbr.rel .LBB2_220-.Ltmp170, $4  }
0x4cb: {  	_ = 	snop  }
0x4cc: {  	_ =	swait.ge [sflag:s28], $0x4000  }
0x4cd: {  	[sflag:s28] =	ssyncset.done $0x0  }
0x4ce: {  	[sflag:s28] =	ssyncadd.s32 $0xFFFFC000  }
.LBB2_231:
0x4cf: {  	p0 =	sgt.s32 s21, $0x360  }
.Ltmp171:
0x4d0: {  	_ = 	snop;
	(pc) =	sbr.rel @p0 .LBB2_220-.Ltmp171, $1  }
0x4d1: {  	_ =	sdelay $0x3  }
.Ltmp172:
0x4d2: {  	(pc) =	sbr.rel .LBB2_234-.Ltmp172, $4  }
0x4d3: {  	_ = 	snop  }
0x4d4: {  	_ =	swait.ge [sflag:s29], $0x4000  }
0x4d5: {  	[sflag:s29] =	ssyncset.done $0x0  }
0x4d6: {  	[sflag:s29] =	ssyncadd.s32 $0xFFFFC000  }
.LBB2_220:
0x4d7: {  	s3 =	sadd.s32 $0xFFFFFC8F, s21  }
0x4d8: {  	p0 =	sgt.u32 s3, $0x4F  }
.Ltmp173:
0x4d9: {  	_ = 	snop;
	(pc) =	sbr.rel @p0 .LBB2_233-.Ltmp173, $1  }
0x4da: {  	_ =	sdelay $0x3  }
.Ltmp174:
0x4db: {  	(pc) =	sbr.rel .LBB2_222-.Ltmp174, $4  }
0x4dc: {  	_ = 	snop  }
0x4dd: {  	_ =	swait.ge [sflag:s7], $0x4000  }
0x4de: {  	[sflag:s7] =	ssyncset.done $0x0  }
0x4df: {  	[sflag:s7] =	ssyncadd.s32 $0xFFFFC000  }
.LBB2_233:
0x4e0: {  	p0 =	sgt.s32 s21, $0x370  }
.Ltmp175:
0x4e1: {  	_ = 	snop;
	(pc) =	sbr.rel @p0 .LBB2_222-.Ltmp175, $1  }
0x4e2: {  	_ =	sdelay $0x3  }
.LBB2_234:
.Ltmp176:
0x4e3: {  	(pc) =	sbr.rel .LBB2_236-.Ltmp176, $4  }
0x4e4: {  	_ = 	snop  }
0x4e5: {  	_ =	swait.ge [sflag:s29], $0x4000  }
0x4e6: {  	[sflag:s29] =	ssyncset.done $0x0  }
0x4e7: {  	p1 =	por $0x1, $0x1;
	[sflag:s29] =	ssyncadd.s32 $0xFFFFC000  }
.LBB2_222:
0x4e8: {  	s3 =	sadd.s32 $0xFFFFFC7F, s21  }
0x4e9: {  	p0 =	sgt.u32 s3, $0x4F  }
.Ltmp177:
0x4ea: {  	_ = 	snop;
	(pc) =	sbr.rel @p0 .LBB2_235-.Ltmp177, $2  }
0x4eb: {  	_ =	sdelay $0x2  }
0x4ec: {  	p1 =	slt.u32 s21, $0x3D1  }
.Ltmp178:
0x4ed: {  	(pc) =	sbr.rel .LBB2_224-.Ltmp178, $4  }
0x4ee: {  	_ = 	snop  }
0x4ef: {  	_ =	swait.ge [sflag:s31], $0x4000  }
0x4f0: {  	[sflag:s31] =	ssyncset.done $0x0  }
0x4f1: {  	[sflag:s31] =	ssyncadd.s32 $0xFFFFC000  }
.LBB2_235:
0x4f2: {  	p0 =	sgt.s32 s21, $0x380  }
.Ltmp179:
0x4f3: {  	_ = 	snop;
	(pc) =	sbr.rel @p0 .LBB2_224-.Ltmp179, $1  }
0x4f4: {  	_ =	sdelay $0x3  }
.LBB2_236:
0x4f5: {  	_ =	swait.ge [sflag:s29], $0x4000  }
0x4f6: {  	[sflag:s29] =	ssyncset.done $0x0  }
0x4f7: {  	p0 =	por $0x1, $0x1;
	[sflag:s29] =	ssyncadd.s32 $0xFFFFC000  }
.LBB2_238:
0x4f8: {  	_ =	swait.ge [sflag:s29], $0x4000  }
0x4f9: {  	[sflag:s29] =	ssyncset.done $0x0  }
0x4fa: {  	p2 =	por $0x1, $0x1;
	[sflag:s29] =	ssyncadd.s32 $0xFFFFC000  }
.LBB2_240:
0x4fb: {  	_ =	swait.ge [sflag:s29], $0x4000  }
0x4fc: {  	[sflag:s29] =	ssyncset.done $0x0  }
0x4fd: {  	[sflag:s29] =	ssyncadd.s32 $0xFFFFC000  }
.LBB2_241:
0x4fe: {  	_ =	swait.ge [sflag:s29], $0x4000  }
.Ltmp180:
0x4ff: {  	[sflag:s29] =	ssyncset.done $0x0;
	(pc) =	sbr.rel @!p1 .LBB2_242-.Ltmp180, $4  }
0x500: {  	[sflag:s29] =	ssyncadd.s32 $0xFFFFC000  }
0x501: {  	_ =	swait.ge [sflag:s29], $0x4000  }
0x502: {  	[sflag:s29] =	ssyncset.done $0x0  }
0x503: {  	[sflag:s29] =	ssyncadd.s32 $0xFFFFC000  }
.LBB2_245:
.Ltmp181:
0x504: {  	(pc) =	sbr.rel @p0 .LBB2_247-.Ltmp181, $4  }
.Ltmp182:
0x505: {  	(pc) =	sbr.rel @!p0 .LBB2_243-.Ltmp182, $4  }
0x506: {  	_ =	swait.ge [sflag:s29], $0x4000  }
0x507: {  	[sflag:s29] =	ssyncset.done $0x0  }
0x508: {  	[sflag:s29] =	ssyncadd.s32 $0xFFFFC000  }
0x509: {  	_ = 	snop  }
.LBB2_242:
.Ltmp183:
0x50a: {  	(pc) =	sbr.rel @!p0 .LBB2_243-.Ltmp183, $1  }
0x50b: {  	_ =	sdelay $0x3  }
.LBB2_247:
.Ltmp184:
0x50c: {  	(pc) =	sbr.rel @p2 .LBB2_249-.Ltmp184, $4  }
.Ltmp185:
0x50d: {  	(pc) =	sbr.rel @!p2 .LBB2_251-.Ltmp185, $4  }
0x50e: {  	_ =	swait.ge [sflag:s29], $0x4000  }
0x50f: {  	[sflag:s29] =	ssyncset.done $0x0  }
0x510: {  	[sflag:s29] =	ssyncadd.s32 $0xFFFFC000  }
0x511: {  	_ = 	snop  }
.LBB2_243:
.Ltmp186:
0x512: {  	(pc) =	sbr.rel @p2 .LBB2_249-.Ltmp186, $4  }
.Ltmp187:
0x513: {  	(pc) =	sbr.rel @!p2 .LBB2_251-.Ltmp187, $4  }
0x514: {  	_ = 	snop  }
0x515: {  	_ = 	snop  }
0x516: {  	_ = 	snop  }
0x517: {  	_ = 	snop  }
.LBB2_224:
0x518: {  	s3 =	sadd.s32 $0xFFFFFC6F, s21  }
0x519: {  	p2 =	sgt.u32 s3, $0x4F  }
.Ltmp188:
0x51a: {  	_ = 	snop;
	(pc) =	sbr.rel @p2 .LBB2_237-.Ltmp188, $2  }
0x51b: {  	_ =	sdelay $0x2  }
0x51c: {  	p0 =	slt.u32 s21, $0x3E1  }
.Ltmp189:
0x51d: {  	(pc) =	sbr.rel .LBB2_226-.Ltmp189, $4  }
0x51e: {  	_ = 	snop  }
0x51f: {  	_ =	swait.ge [sflag:s0], $0x4000  }
0x520: {  	[sflag:s0] =	ssyncset.done $0x0  }
0x521: {  	[sflag:s0] =	ssyncadd.s32 $0xFFFFC000  }
.LBB2_237:
0x522: {  	p2 =	sgt.s32 s21, $0x390  }
.Ltmp190:
0x523: {  	_ = 	snop;
	(pc) =	sbr.rel @!p2 .LBB2_238-.Ltmp190, $1  }
0x524: {  	_ =	sdelay $0x3  }
.LBB2_226:
0x525: {  	s3 =	sadd.s32 $0xFFFFFC5F, s21  }
0x526: {  	p3 =	sgt.u32 s3, $0x4F  }
.Ltmp191:
0x527: {  	_ = 	snop;
	(pc) =	sbr.rel @p3 .LBB2_239-.Ltmp191, $2  }
0x528: {  	_ =	sdelay $0x2  }
0x529: {  	p2 =	slt.u32 s21, $0x3F1  }
.Ltmp192:
0x52a: {  	(pc) =	sbr.rel .LBB2_228-.Ltmp192, $4  }
0x52b: {  	_ = 	snop  }
0x52c: {  	_ =	swait.ge [sflag:s8], $0x4000  }
0x52d: {  	[sflag:s8] =	ssyncset.done $0x0  }
0x52e: {  	[sflag:s8] =	ssyncadd.s32 $0xFFFFC000  }
.LBB2_122:
0x52f: {  	p1 =	sgt.s32 s21, $0x170  }
.Ltmp193:
0x530: {  	_ = 	snop;
	(pc) =	sbr.rel @!p1 .LBB2_123-.Ltmp193, $1  }
0x531: {  	_ =	sdelay $0x3  }
.LBB2_110:
0x532: {  	s3 =	sadd.s32 $0xFFFFFE7F, s21  }
0x533: {  	p4 =	sgt.u32 s3, $0x4F  }
.Ltmp194:
0x534: {  	_ = 	snop;
	(pc) =	sbr.rel @p4 .LBB2_125-.Ltmp194, $2  }
0x535: {  	_ =	sdelay $0x2  }
0x536: {  	p1 =	slt.u32 s21, $0x1D1  }
.Ltmp195:
0x537: {  	(pc) =	sbr.rel .LBB2_112-.Ltmp195, $4  }
0x538: {  	_ = 	snop  }
0x539: {  	_ =	swait.ge [sflag:s28], $0x4000  }
0x53a: {  	[sflag:s28] =	ssyncset.done $0x0  }
0x53b: {  	[sflag:s28] =	ssyncadd.s32 $0xFFFFC000  }
.LBB2_181:
0x53c: {  	p0 =	sgt.s32 s21, $0x280  }
.Ltmp196:
0x53d: {  	_ = 	snop;
	(pc) =	sbr.rel @!p0 .LBB2_182-.Ltmp196, $1  }
0x53e: {  	_ =	sdelay $0x3  }
.LBB2_167:
0x53f: {  	s3 =	sadd.s32 $0xFFFFFD6F, s21  }
0x540: {  	p1 =	sgt.u32 s3, $0x4F  }
.Ltmp197:
0x541: {  	_ = 	snop;
	(pc) =	sbr.rel @p1 .LBB2_183-.Ltmp197, $2  }
0x542: {  	_ =	sdelay $0x2  }
0x543: {  	p0 =	slt.u32 s21, $0x2E1  }
.Ltmp198:
0x544: {  	(pc) =	sbr.rel .LBB2_169-.Ltmp198, $4  }
0x545: {  	_ = 	snop  }
0x546: {  	_ =	swait.ge [sflag:s31], $0x4000  }
0x547: {  	[sflag:s31] =	ssyncset.done $0x0  }
0x548: {  	[sflag:s31] =	ssyncadd.s32 $0xFFFFC000  }
.LBB2_239:
0x549: {  	p3 =	sgt.s32 s21, $0x3A0  }
.Ltmp199:
0x54a: {  	_ = 	snop;
	(pc) =	sbr.rel @!p3 .LBB2_240-.Ltmp199, $1  }
0x54b: {  	_ =	sdelay $0x3  }
.LBB2_228:
0x54c: {  	p3 =	sgt.u32 s21, $0x3B0  }
.Ltmp200:
0x54d: {  	_ = 	snop;
	(pc) =	sbr.rel @!p3 .LBB2_241-.Ltmp200, $1  }
0x54e: {  	_ =	sdelay $0x3  }
0x54f: {  	p1 =	sgt.u32 s21, $0x3C0  }
.Ltmp201:
0x550: {  	_ = 	snop;
	(pc) =	sbr.rel @!p1 .LBB2_230-.Ltmp201, $4  }
0x551: {  	_ = 	snop  }
0x552: {  	_ =	swait.ge [sflag:s28], $0x4000  }
0x553: {  	[sflag:s28] =	ssyncset.done $0x0  }
0x554: {  	[sflag:s28] =	ssyncadd.s32 $0xFFFFC000  }
0x555: {  	p1 =	sgt.u32 s21, $0x3D0  }
.Ltmp202:
0x556: {  	_ = 	snop;
	(pc) =	sbr.rel @!p1 .LBB2_245-.Ltmp202, $4  }
0x557: {  	_ = 	snop  }
0x558: {  	_ =	swait.ge [sflag:s7], $0x4000  }
0x559: {  	[sflag:s7] =	ssyncset.done $0x0  }
0x55a: {  	[sflag:s7] =	ssyncadd.s32 $0xFFFFC000  }
0x55b: {  	p0 =	sgt.u32 s21, $0x3E0  }
.Ltmp203:
0x55c: {  	_ = 	snop;
	(pc) =	sbr.rel @!p0 .LBB2_247-.Ltmp203, $4  }
0x55d: {  	_ = 	snop  }
0x55e: {  	_ =	swait.ge [sflag:s31], $0x4000  }
0x55f: {  	[sflag:s31] =	ssyncset.done $0x0  }
0x560: {  	[sflag:s31] =	ssyncadd.s32 $0xFFFFC000  }
0x561: {  	p0 =	sgt.u32 s21, $0x3F0  }
.Ltmp204:
0x562: {  	_ = 	snop;
	(pc) =	sbr.rel @p0 .LBB2_250-.Ltmp204, $4  }
.Ltmp205:
0x563: {  	_ = 	snop;
	(pc) =	sbr.rel @!p0 .LBB2_249-.Ltmp205, $4  }
0x564: {  	_ =	swait.ge [sflag:s0], $0x4000  }
0x565: {  	[sflag:s0] =	ssyncset.done $0x0  }
0x566: {  	s3 =	simm.s32 $0x9;
	[sflag:s0] =	ssyncadd.s32 $0xFFFFC000  }
0x567: {  	_ = 	snop  }
.LBB2_125:
0x568: {  	p4 =	sgt.s32 s21, $0x180  }
.Ltmp206:
0x569: {  	_ = 	snop;
	(pc) =	sbr.rel @p4 .LBB2_112-.Ltmp206, $1  }
0x56a: {  	_ =	sdelay $0x3  }
.Ltmp207:
0x56b: {  	(pc) =	sbr.rel .LBB2_127-.Ltmp207, $4  }
0x56c: {  	s3 =	simm.s32 $0xB  }
0x56d: {  	_ =	swait.ge [sflag:s3], $0x4000  }
0x56e: {  	[sflag:s3] =	ssyncset.done $0x0  }
0x56f: {  	p4 =	por $0x1, $0x1;
	[sflag:s3] =	ssyncadd.s32 $0xFFFFC000  }
.LBB2_112:
0x570: {  	s3 =	sadd.s32 $0xFFFFFE6F, s21  }
0x571: {  	p5 =	slt.u32 s3, $0x50  }
0x572: {  	p4 =	sgt.u32 @!p5 s21, $0x190  }
0x573: {  	p6 =	por p5, !p4  }
.Ltmp208:
0x574: {  	_ = 	snop;
	(pc) =	sbr.rel @!p6 .LBB2_128-.Ltmp208, $2  }
0x575: {  	_ =	sdelay $0x2  }
0x576: {  	p4 =	slt.u32 @!p5 s21, $0x1E1  }
.Ltmp209:
0x577: {  	(pc) =	sbr.rel .LBB2_127-.Ltmp209, $4  }
0x578: {  	_ = 	snop  }
0x579: {  	s3 =	simm.s32 @!p5 $0xB;
	p3 =	por @!p5 p3, p3;
	p6 =	por $0x1, $0x1  }
0x57a: {  	p2 =	por @!p5 p2, p2;
	p0 =	por @!p5 p0, p0;
	p6 =	por @!p5 p4, p4  }
0x57b: {  	p1 =	por @!p5 p1, p1;
	s3 =	simm.s32 @p5 $0x6;
	p4 =	por p6, p6  }
.LBB2_183:
0x57c: {  	p1 =	sgt.s32 s21, $0x290  }
.Ltmp210:
0x57d: {  	_ = 	snop;
	(pc) =	sbr.rel @!p1 .LBB2_184-.Ltmp210, $1  }
0x57e: {  	_ =	sdelay $0x3  }
.LBB2_169:
0x57f: {  	s3 =	sadd.s32 $0xFFFFFD5F, s21  }
0x580: {  	p4 =	sgt.u32 s3, $0x4F  }
.Ltmp211:
0x581: {  	_ = 	snop;
	(pc) =	sbr.rel @p4 .LBB2_186-.Ltmp211, $2  }
0x582: {  	_ =	sdelay $0x2  }
0x583: {  	p1 =	slt.u32 s21, $0x2F1  }
.Ltmp212:
0x584: {  	(pc) =	sbr.rel .LBB2_171-.Ltmp212, $4  }
0x585: {  	_ = 	snop  }
0x586: {  	_ =	swait.ge [sflag:s0], $0x4000  }
0x587: {  	[sflag:s0] =	ssyncset.done $0x0  }
0x588: {  	[sflag:s0] =	ssyncadd.s32 $0xFFFFC000  }
.LBB2_195:
.Ltmp213:
0x589: {  	(pc) =	sbr.rel @p0 .LBB2_205-.Ltmp213, $4  }
.Ltmp214:
0x58a: {  	(pc) =	sbr.rel @!p0 .LBB2_209-.Ltmp214, $4  }
0x58b: {  	_ = 	snop  }
0x58c: {  	p1 =	por $0x1, $0x1;
	p4 =	por $0x1, $0x1;
	p5 =	por $0x1, $0x1  }
0x58d: {  	p3 =	por $0x1, $0x1;
	p2 =	por $0x1, $0x1;
	p6 =	por $0x1, $0x1  }
0x58e: {  	_ = 	snop  }
.LBB2_134:
.Ltmp215:
0x58f: {  	(pc) =	sbr.rel @p0 .LBB2_144-.Ltmp215, $4  }
.Ltmp216:
0x590: {  	(pc) =	sbr.rel @!p0 .LBB2_148-.Ltmp216, $4  }
0x591: {  	_ = 	snop  }
0x592: {  	p1 =	por $0x1, $0x1;
	p4 =	por $0x1, $0x1;
	p5 =	por $0x1, $0x1  }
0x593: {  	p3 =	por $0x1, $0x1;
	p2 =	por $0x1, $0x1;
	p6 =	por $0x1, $0x1  }
0x594: {  	_ = 	snop  }
.LBB2_65:
0x595: {  	p3 =	sgt.u32 s21, $0x70  }
.Ltmp217:
0x596: {  	_ = 	snop;
	(pc) =	sbr.rel @!p3 .LBB2_66-.Ltmp217, $2  }
0x597: {  	_ =	sdelay $0x2  }
0x598: {  	p2 =	slt.u32 s21, $0xC1  }
.LBB2_45:
0x599: {  	s3 =	sadd.s32 $0xFFFFFF7F, s21  }
0x59a: {  	p5 =	sgt.u32 s3, $0x4F  }
.Ltmp218:
0x59b: {  	_ = 	snop;
	(pc) =	sbr.rel @p5 .LBB2_74-.Ltmp218, $2  }
0x59c: {  	_ =	sdelay $0x2  }
0x59d: {  	p3 =	slt.u32 s21, $0xD1  }
0x59e: {  	p5 =	slt.u32 s21, $0x81  }
.Ltmp219:
0x59f: {  	_ = 	snop;
	(pc) =	sbr.rel @p5 .LBB2_75-.Ltmp219, $4  }
.Ltmp220:
0x5a0: {  	_ = 	snop;
	(pc) =	sbr.rel @!p5 .LBB2_76-.Ltmp220, $4  }
0x5a1: {  	_ =	swait.ge [sflag:s8], $0x4000  }
0x5a2: {  	[sflag:s8] =	ssyncset.done $0x0  }
0x5a3: {  	[sflag:s8] =	ssyncadd.s32 $0xFFFFC000  }
0x5a4: {  	_ = 	snop  }
.LBB2_186:
0x5a5: {  	p4 =	sgt.u32 s21, $0x2A0  }
.Ltmp221:
0x5a6: {  	_ = 	snop;
	(pc) =	sbr.rel @p4 .LBB2_171-.Ltmp221, $1  }
0x5a7: {  	_ =	sdelay $0x3  }
.Ltmp222:
0x5a8: {  	(pc) =	sbr.rel .LBB2_188-.Ltmp222, $4  }
0x5a9: {  	s3 =	simm.s32 $0xB  }
0x5aa: {  	_ =	swait.ge [sflag:s3], $0x4000  }
0x5ab: {  	[sflag:s3] =	ssyncset.done $0x0  }
0x5ac: {  	p4 =	por $0x1, $0x1;
	[sflag:s3] =	ssyncadd.s32 $0xFFFFC000  }
.LBB2_171:
0x5ad: {  	s3 =	sadd.s32 $0xFFFFFD4F, s21  }
0x5ae: {  	p5 =	slt.u32 s3, $0x50  }
0x5af: {  	p4 =	sgt.u32 @!p5 s21, $0x2B0  }
0x5b0: {  	p6 =	por p5, !p4  }
.Ltmp223:
0x5b1: {  	_ = 	snop;
	(pc) =	sbr.rel @!p6 .LBB2_189-.Ltmp223, $2  }
0x5b2: {  	_ =	sdelay $0x2  }
0x5b3: {  	p4 =	slt.u32 @!p5 s21, $0x301  }
.Ltmp224:
0x5b4: {  	(pc) =	sbr.rel .LBB2_188-.Ltmp224, $4  }
0x5b5: {  	_ = 	snop  }
0x5b6: {  	s3 =	simm.s32 @!p5 $0xB;
	p3 =	por @!p5 p3, p3;
	p6 =	por $0x1, $0x1  }
0x5b7: {  	p2 =	por @!p5 p2, p2;
	p0 =	por @!p5 p0, p0;
	p6 =	por @!p5 p4, p4  }
0x5b8: {  	p1 =	por @!p5 p1, p1;
	s3 =	simm.s32 @p5 $0x9;
	p4 =	por p6, p6  }
.LBB2_74:
0x5b9: {  	p5 =	sgt.u32 s21, $0x80  }
.Ltmp225:
0x5ba: {  	_ = 	snop;
	(pc) =	sbr.rel @p5 .LBB2_76-.Ltmp225, $4  }
.Ltmp226:
0x5bb: {  	_ = 	snop;
	(pc) =	sbr.rel @!p5 .LBB2_75-.Ltmp226, $4  }
0x5bc: {  	_ = 	snop  }
0x5bd: {  	_ = 	snop  }
0x5be: {  	_ = 	snop  }
0x5bf: {  	_ = 	snop  }
.LBB2_71:
.Ltmp227:
0x5c0: {  	(pc) =	sbr.rel @!p0 .LBB2_73-.Ltmp227, $2  }
0x5c1: {  	_ =	sdelay $0x2  }
0x5c2: {  	p3 =	por $0x1, $0x1  }
.Ltmp228:
0x5c3: {  	(pc) =	sbr.rel .LBB2_87-.Ltmp228, $2  }
0x5c4: {  	_ =	sdelay $0x2  }
0x5c5: {  	p5 =	por $0x1, $0x1;
	p4 =	por $0x1, $0x1;
	p6 =	por $0x1, $0x1  }
.LBB2_73:
.Ltmp229:
0x5c6: {  	(pc) =	sbr.rel @p2 .LBB2_91-.Ltmp229, $4  }
.Ltmp230:
0x5c7: {  	(pc) =	sbr.rel @!p2 .LBB2_95-.Ltmp230, $4  }
0x5c8: {  	_ = 	snop  }
0x5c9: {  	p3 =	por $0x1, $0x1;
	p5 =	por $0x1, $0x1;
	p4 =	por $0x1, $0x1  }
0x5ca: {  	p6 =	por $0x1, $0x1;
	p0 =	por $0x1, $0x1;
	p1 =	por $0x1, $0x1  }
0x5cb: {  	_ = 	snop  }
.LBB2_252:
0x5cc: {  	_ =	sfence.sel $0x180000  }
0x5cd: {  	[bflag:$0x0] =	sbarrier.arrive $0xFFFF  }
0x5ce: {  	_ =	strace $0x90000047  }
0x5cf: {  	s0 =	stileid.u32;
	[bflag:$0x2] =	sbarrier.arrive $0xFFFF  }
0x5d0: {  	p0 =	sne.s32 s0, $0x0;
	s0 =	rddreg [dreg:$0x4]  }
0x5d1: {  	s0 =	sadd.s32 @!p0 $0x100000, s0  }
0x5d2: {  	[sflag:s0] =	ssyncadd.tile.s32 @!p0 $0x1;
	_ =	shalt  }
.Lfunc_end2:
_tile_overlayer_lowered:
.L_overlay_start_2:
0x5d3: {  	(tag) =	ssettag $0x2  }
0x5d4: {  	s0 =	rddreg [dreg:$0x0];
	s2 =	stileid.u32  }
0x5d5: {  	s1 =	rddreg [dreg:$0x1];
	p0 =	sne.s32 s2, $0x0  }
0x5d6: {  	s3 =	rddreg [dreg:$0x2];
	[bflag:$0x3] =	sbarrier.arrive $0xFFFF;
	s2 =	simm.s32 @!p0 $0x1C0C  }
0x5d7: {  	[timem:s3], [sflag:s2] =	dma.local @!p0 [hbm:s0], s1  }
0x5d8: {  	s0 =	simm.s32 @!p0 $0xC  }
0x5d9: {  	_ =	swait.ge @!p0 [sflag:s0], s1  }
0x5da: {  	s1 =	ssub.s32 @!p0 $0x0, s1;
	[sflag:s0] =	ssyncset.done @!p0 $0x0  }
0x5db: {  	[sflag:s0] =	ssyncadd.s32 @!p0 s1  }
0x5dc: {  	[bflag:$0x3] =	sbarrier.arrive $0xFFFF  }
0x5dd: {  	_ =	shalt  }

</sc_bundles>
